<compile_context>
chip_gen: v7x
topology: tpu7x:2x2x1
jax: 0.10.2.dev20260603
libtpu: 0.0.44.dev20260713+nightly
codegen_flags: <defaults>
</compile_context>

<pallas_src>
import dataclasses
import functools

import jax
import jax.numpy as jnp
from jax import lax
from jax.experimental import pallas as pl
from jax.experimental.pallas import tpu as pltpu
from jax.experimental.pallas import tpu_sc as plsc

B = 16384
D = 64
NC = 2
NS = 16
NW = NC * NS
BPW = B // NW
CH = 256
L = 16


def _rec_mf_body(users_hbm, items_hbm, ut_hbm, it_hbm, out_hbm,
                 uidx, iidx, urows, irows, outv, sem):
    wid = lax.axis_index("s") * NC + lax.axis_index("c")
    base = wid * BPW

    pltpu.sync_copy(users_hbm.at[pl.ds(base, BPW)], uidx)
    pltpu.sync_copy(items_hbm.at[pl.ds(base, BPW)], iidx)

    lane_iota = lax.broadcasted_iota(jnp.int32, (L,), 0)

    for ch in range(BPW // CH):
        off = ch * CH

        @pl.loop(0, CH, step=L)
        def _(g):
            uvec = uidx[pl.ds(off + g, L)]
            ivec = iidx[pl.ds(off + g, L)]
            for k in range(L):
                pltpu.async_copy(ut_hbm.at[pl.ds(uvec[k], 1)],
                                 urows.at[pl.ds(g + k, 1)], sem)
                pltpu.async_copy(it_hbm.at[pl.ds(ivec[k], 1)],
                                 irows.at[pl.ds(g + k, 1)], sem)

        pltpu.make_async_copy(ut_hbm.at[pl.ds(0, CH)], urows, sem).wait()
        pltpu.make_async_copy(it_hbm.at[pl.ds(0, CH)], irows, sem).wait()

        @pl.loop(0, CH, step=L)
        def _(g):
            resv = jnp.zeros((L,), jnp.float32)
            for k in range(L):
                r = g + k
                acc = urows[r, pl.ds(0, L)] * irows[r, pl.ds(0, L)]
                for c in range(1, D // L):
                    acc = acc + (urows[r, pl.ds(c * L, L)]
                                 * irows[r, pl.ds(c * L, L)])
                resv = jnp.where(lane_iota == k, jnp.sum(acc), resv)
            outv[pl.ds(off + g, L)] = 1.0 / (1.0 + jnp.exp(-resv))

    pltpu.sync_copy(outv, out_hbm.at[pl.ds(base, BPW)])


@jax.jit
def kernel(users, items, user_table, item_table):
    mesh = plsc.VectorSubcoreMesh(core_axis_name="c", subcore_axis_name="s")
    cp = pltpu.CompilerParams()
    if "needs_layout_passes" in pltpu.CompilerParams.__dataclass_fields__:
        cp = dataclasses.replace(cp, needs_layout_passes=False)
    k = pl.kernel(
        _rec_mf_body,
        out_type=jax.ShapeDtypeStruct((B,), jnp.float32),
        mesh=mesh,
        compiler_params=cp,
        scratch_types=[
            pltpu.VMEM((BPW,), jnp.int32),
            pltpu.VMEM((BPW,), jnp.int32),
            pltpu.VMEM((CH, D), jnp.float32),
            pltpu.VMEM((CH, D), jnp.float32),
            pltpu.VMEM((BPW,), jnp.float32),
            pltpu.SemaphoreType.DMA,
        ],
    )
    return k(users.astype(jnp.int32), items.astype(jnp.int32),
             user_table, item_table)

# --- scband reference (transcript-rebuilt; emitter-appended) ---
"""Pipeline reference for scband-rec-mf-833223655946 (READ-ONLY COPY).

The authoritative reference and input builder live on the scoring server;
editing this copy changes nothing except your own understanding.
"""

import jax, jax.numpy as jnp
import numpy as np

NUM_USERS = 1000000
NUM_ITEMS = 1000000
LATENT_DIM = 64
BATCH = 16384


def setup_inputs(seed: int = 0) -> dict:
    key = jax.random.key(seed)
    k1, k2, k3, k4 = jax.random.split(key, 4)
    users = jax.random.randint(k1, (BATCH,), 0, NUM_USERS, dtype=jnp.int64 if jax.config.jax_enable_x64 else jnp.int32)
    items = jax.random.randint(k2, (BATCH,), 0, NUM_ITEMS, dtype=jnp.int64 if jax.config.jax_enable_x64 else jnp.int32)
    # embedding tables: N(0,1) scaled by 0.1, per RecMF __init__
    user_table = jax.random.normal(k3, (NUM_USERS, LATENT_DIM), dtype=jnp.float32) * 0.1
    item_table = jax.random.normal(k4, (NUM_ITEMS, LATENT_DIM), dtype=jnp.float32) * 0.1
    return {"users": users, "items": items, "user_table": user_table, "item_table": item_table}


def reference(users, items, user_table, item_table):
    # users_emb = embedding_user(users); items_emb = embedding_item(items)
    users_emb = jnp.take(user_table, users, axis=0)
    items_emb = jnp.take(item_table, items, axis=0)
    inner_pro = users_emb * items_emb
    rating = jax.nn.sigmoid(jnp.sum(inner_pro, axis=1))
    return rating

if __name__ == "__main__":
    import jax
    _d = setup_inputs()
    print(jax.jit(kernel)(*tuple(_d.values())))

</pallas_src>

<mosaic_0001>
#map = affine_map<(d0, d1) -> (0)>
#map1 = affine_map<(d0, d1) -> (0, 0)>
module attributes {stable_mosaic.version = 14 : i64} {
  func.func @_rec_mf_body(%arg0: i32, %arg1: i32, %arg2: memref<16384xi32, #tpu.memory_space<hbm>>, %arg3: memref<16384xi32, #tpu.memory_space<hbm>>, %arg4: memref<1000000x64xf32, #tpu.memory_space<hbm>>, %arg5: memref<1000000x64xf32, #tpu.memory_space<hbm>>, %arg6: memref<16384xf32, #tpu.memory_space<hbm>>, %arg7: memref<512xi32, #tpu.memory_space<vmem>>, %arg8: memref<512xi32, #tpu.memory_space<vmem>>, %arg9: memref<256x64xf32, #tpu.memory_space<vmem>>, %arg10: memref<256x64xf32, #tpu.memory_space<vmem>>, %arg11: memref<512xf32, #tpu.memory_space<vmem>>, %arg12: memref<!tpu.dma_semaphore, #tpu.memory_space<semaphore_mem>>) attributes {dimension_semantics = [#tpu.dimension_semantics<core_parallel>, #tpu.dimension_semantics<subcore_parallel>], iteration_bounds = array<i64: 2, 16>, scalar_prefetch = 0 : i64, scratch_operands = 6 : i64, tpu.core_type = #tpu.core_type<sc_vector_subcore>, window_params = [{transform_indices = #map}, {transform_indices = #map}, {transform_indices = #map1}, {transform_indices = #map1}, {transform_indices = #map}]} {
    %mul3A = arith.constant 2 : i32
    %mul3A_0 = arith.muli %arg1, %mul3A : i32
    %add3A = arith.addi %mul3A_0, %arg0 : i32
    %mul3A_1 = arith.constant 512 : i32
    %mul3A_2 = arith.muli %add3A, %mul3A_1 : i32
    "tpu.region"() ({
      %run_scoped3A = tpu.sem_alloc : memref<!tpu.dma_semaphore, #tpu.memory_space<semaphore_mem>>
      %dma_start3A = tpu.memref_slice %arg2[%mul3A_2] : memref<16384xi32, #tpu.memory_space<hbm>> -> memref<512xi32, #tpu.memory_space<hbm>>
      %dma_start3A_45 = tpu.memref_slice %arg2[%mul3A_2] : memref<16384xi32, #tpu.memory_space<hbm>> -> memref<512xi32, #tpu.memory_space<hbm>>
      tpu.enqueue_dma source(%dma_start3A_45 : memref<512xi32, #tpu.memory_space<hbm>>) target(%arg7 : memref<512xi32, #tpu.memory_space<vmem>>) target_semaphore(%run_scoped3A : memref<!tpu.dma_semaphore, #tpu.memory_space<semaphore_mem>>)
      %dma_wait3A_46 = tpu.memref_slice %arg2[%mul3A_2] : memref<16384xi32, #tpu.memory_space<hbm>> -> memref<512xi32, #tpu.memory_space<hbm>>
      %dma_wait3A_47 = tpu.memref_slice %arg2[%mul3A_2] : memref<16384xi32, #tpu.memory_space<hbm>> -> memref<512xi32, #tpu.memory_space<hbm>>
      tpu.wait_dma2 semaphore(%run_scoped3A : memref<!tpu.dma_semaphore, #tpu.memory_space<semaphore_mem>>) src(%dma_wait3A_47 : memref<512xi32, #tpu.memory_space<hbm>>) dst(%arg7 : memref<512xi32, #tpu.memory_space<vmem>>)
      tpu.yield
    }) : () -> ()
    "tpu.region"() ({
      %run_scoped3A = tpu.sem_alloc : memref<!tpu.dma_semaphore, #tpu.memory_space<semaphore_mem>>
      %dma_start3A = tpu.memref_slice %arg3[%mul3A_2] : memref<16384xi32, #tpu.memory_space<hbm>> -> memref<512xi32, #tpu.memory_space<hbm>>
      %dma_start3A_45 = tpu.memref_slice %arg3[%mul3A_2] : memref<16384xi32, #tpu.memory_space<hbm>> -> memref<512xi32, #tpu.memory_space<hbm>>
      tpu.enqueue_dma source(%dma_start3A_45 : memref<512xi32, #tpu.memory_space<hbm>>) target(%arg8 : memref<512xi32, #tpu.memory_space<vmem>>) target_semaphore(%run_scoped3A : memref<!tpu.dma_semaphore, #tpu.memory_space<semaphore_mem>>)
      %dma_wait3A_46 = tpu.memref_slice %arg3[%mul3A_2] : memref<16384xi32, #tpu.memory_space<hbm>> -> memref<512xi32, #tpu.memory_space<hbm>>
      %dma_wait3A_47 = tpu.memref_slice %arg3[%mul3A_2] : memref<16384xi32, #tpu.memory_space<hbm>> -> memref<512xi32, #tpu.memory_space<hbm>>
      tpu.wait_dma2 semaphore(%run_scoped3A : memref<!tpu.dma_semaphore, #tpu.memory_space<semaphore_mem>>) src(%dma_wait3A_47 : memref<512xi32, #tpu.memory_space<hbm>>) dst(%arg8 : memref<512xi32, #tpu.memory_space<vmem>>)
      tpu.yield
    }) : () -> ()
    %iota3A = tpu.iota {dimensions = array<i32: 0>} : vector<16xi32>
    %scan3A = arith.constant 0 : i32
    %scan3A_3 = arith.constant 16 : i32
    %scan3A_4 = arith.addi %scan3A, %scan3A_3 : i32
    %scan3A_5 = arith.constant 1 : i32
    scf.for %scan3A_45 = %scan3A to %scan3A_4 step %scan3A_5  : i32 {
      %mul3A_46 = arith.constant 16 : i32
      %mul3A_47 = arith.muli %scan3A_45, %mul3A_46 : i32
      %add3A_48 = arith.constant 0 : i32
      %add3A_49 = arith.addi %add3A_48, %mul3A_47 : i32
      %add3A_50 = arith.constant 0 : i32
      %add3A_51 = arith.addi %add3A_50, %add3A_49 : i32
      %get3A = arith.index_cast %add3A_51 : i32 to index
      %get3A_52 = tpu.vector_load %arg7[%get3A] {strides = array<i32>} : memref<512xi32, #tpu.memory_space<vmem>>, vector<16xi32>,
      %add3A_53 = arith.constant 0 : i32
      %add3A_54 = arith.addi %add3A_53, %add3A_49 : i32
      %get3A_55 = arith.index_cast %add3A_54 : i32 to index
      %get3A_56 = tpu.vector_load %arg8[%get3A_55] {strides = array<i32>} : memref<512xi32, #tpu.memory_space<vmem>>, vector<16xi32>,
      %slice3A = vector.extract_strided_slice %get3A_52 {offsets = [0], sizes = [1], strides = [1]} : vector<16xi32> to vector<1xi32>
      %squeeze3A = vector.extract %slice3A[0] : i32 from vector<1xi32>
      %add3A_57 = arith.constant 0 : i32
      %add3A_58 = arith.addi %add3A_49, %add3A_57 : i32
      %dma_start3A = arith.constant 0 : i32
      %dma_start3A_59 = tpu.memref_slice %arg9[%add3A_58, %dma_start3A] : memref<256x64xf32, #tpu.memory_space<vmem>> -> memref<1x64xf32, #tpu.memory_space<vmem>>
      %dma_start3A_60 = arith.constant 0 : i32
      %dma_start3A_61 = tpu.memref_slice %arg4[%squeeze3A, %dma_start3A_60] : memref<1000000x64xf32, #tpu.memory_space<hbm>> -> memref<1x64xf32, #tpu.memory_space<hbm>>
      %dma_start3A_62 = arith.constant 0 : i32
      %dma_start3A_63 = tpu.memref_slice %arg9[%add3A_58, %dma_start3A_62] : memref<256x64xf32, #tpu.memory_space<vmem>> -> memref<1x64xf32, #tpu.memory_space<vmem>>
      %dma_start3A_64 = arith.constant 0 : i32
      %dma_start3A_65 = tpu.memref_slice %arg4[%squeeze3A, %dma_start3A_64] : memref<1000000x64xf32, #tpu.memory_space<hbm>> -> memref<1x64xf32, #tpu.memory_space<hbm>>
      tpu.enqueue_dma source(%dma_start3A_65 : memref<1x64xf32, #tpu.memory_space<hbm>>) target(%dma_start3A_63 : memref<1x64xf32, #tpu.memory_space<vmem>>) target_semaphore(%arg12 : memref<!tpu.dma_semaphore, #tpu.memory_space<semaphore_mem>>)
      %slice3A_66 = vector.extract_strided_slice %get3A_56 {offsets = [0], sizes = [1], strides = [1]} : vector<16xi32> to vector<1xi32>
      %squeeze3A_67 = vector.extract %slice3A_66[0] : i32 from vector<1xi32>
      %add3A_68 = arith.constant 0 : i32
      %add3A_69 = arith.addi %add3A_49, %add3A_68 : i32
      %dma_start3A_70 = arith.constant 0 : i32
      %dma_start3A_71 = tpu.memref_slice %arg10[%add3A_69, %dma_start3A_70] : memref<256x64xf32, #tpu.memory_space<vmem>> -> memref<1x64xf32, #tpu.memory_space<vmem>>
      %dma_start3A_72 = arith.constant 0 : i32
      %dma_start3A_73 = tpu.memref_slice %arg5[%squeeze3A_67, %dma_start3A_72] : memref<1000000x64xf32, #tpu.memory_space<hbm>> -> memref<1x64xf32, #tpu.memory_space<hbm>>
      %dma_start3A_74 = arith.constant 0 : i32
      %dma_start3A_75 = tpu.memref_slice %arg10[%add3A_69, %dma_start3A_74] : memref<256x64xf32, #tpu.memory_space<vmem>> -> memref<1x64xf32, #tpu.memory_space<vmem>>
      %dma_start3A_76 = arith.constant 0 : i32
      %dma_start3A_77 = tpu.memref_slice %arg5[%squeeze3A_67, %dma_start3A_76] : memref<1000000x64xf32, #tpu.memory_space<hbm>> -> memref<1x64xf32, #tpu.memory_space<hbm>>
      tpu.enqueue_dma source(%dma_start3A_77 : memref<1x64xf32, #tpu.memory_space<hbm>>) target(%dma_start3A_75 : memref<1x64xf32, #tpu.memory_space<vmem>>) target_semaphore(%arg12 : memref<!tpu.dma_semaphore, #tpu.memory_space<semaphore_mem>>)
      %slice3A_78 = vector.extract_strided_slice %get3A_52 {offsets = [1], sizes = [1], strides = [1]} : vector<16xi32> to vector<1xi32>
      %squeeze3A_79 = vector.extract %slice3A_78[0] : i32 from vector<1xi32>
      %add3A_80 = arith.constant 1 : i32
      %add3A_81 = arith.addi %add3A_49, %add3A_80 : i32
      %dma_start3A_82 = arith.constant 0 : i32
      %dma_start3A_83 = tpu.memref_slice %arg9[%add3A_81, %dma_start3A_82] : memref<256x64xf32, #tpu.memory_space<vmem>> -> memref<1x64xf32, #tpu.memory_space<vmem>>
      %dma_start3A_84 = arith.constant 0 : i32
      %dma_start3A_85 = tpu.memref_slice %arg4[%squeeze3A_79, %dma_start3A_84] : memref<1000000x64xf32, #tpu.memory_space<hbm>> -> memref<1x64xf32, #tpu.memory_space<hbm>>
      %dma_start3A_86 = arith.constant 0 : i32
      %dma_start3A_87 = tpu.memref_slice %arg9[%add3A_81, %dma_start3A_86] : memref<256x64xf32, #tpu.memory_space<vmem>> -> memref<1x64xf32, #tpu.memory_space<vmem>>
      %dma_start3A_88 = arith.constant 0 : i32
      %dma_start3A_89 = tpu.memref_slice %arg4[%squeeze3A_79, %dma_start3A_88] : memref<1000000x64xf32, #tpu.memory_space<hbm>> -> memref<1x64xf32, #tpu.memory_space<hbm>>
      tpu.enqueue_dma source(%dma_start3A_89 : memref<1x64xf32, #tpu.memory_space<hbm>>) target(%dma_start3A_87 : memref<1x64xf32, #tpu.memory_space<vmem>>) target_semaphore(%arg12 : memref<!tpu.dma_semaphore, #tpu.memory_space<semaphore_mem>>)
      %slice3A_90 = vector.extract_strided_slice %get3A_56 {offsets = [1], sizes = [1], strides = [1]} : vector<16xi32> to vector<1xi32>
      %squeeze3A_91 = vector.extract %slice3A_90[0] : i32 from vector<1xi32>
      %add3A_92 = arith.constant 1 : i32
      %add3A_93 = arith.addi %add3A_49, %add3A_92 : i32
      %dma_start3A_94 = arith.constant 0 : i32
      %dma_start3A_95 = tpu.memref_slice %arg10[%add3A_93, %dma_start3A_94] : memref<256x64xf32, #tpu.memory_space<vmem>> -> memref<1x64xf32, #tpu.memory_space<vmem>>
      %dma_start3A_96 = arith.constant 0 : i32
      %dma_start3A_97 = tpu.memref_slice %arg5[%squeeze3A_91, %dma_start3A_96] : memref<1000000x64xf32, #tpu.memory_space<hbm>> -> memref<1x64xf32, #tpu.memory_space<hbm>>
      %dma_start3A_98 = arith.constant 0 : i32
      %dma_start3A_99 = tpu.memref_slice %arg10[%add3A_93, %dma_start3A_98] : memref<256x64xf32, #tpu.memory_space<vmem>> -> memref<1x64xf32, #tpu.memory_space<vmem>>
      %dma_start3A_100 = arith.constant 0 : i32
      %dma_start3A_101 = tpu.memref_slice %arg5[%squeeze3A_91, %dma_start3A_100] : memref<1000000x64xf32, #tpu.memory_space<hbm>> -> memref<1x64xf32, #tpu.memory_space<hbm>>
      tpu.enqueue_dma source(%dma_start3A_101 : memref<1x64xf32, #tpu.memory_space<hbm>>) target(%dma_start3A_99 : memref<1x64xf32, #tpu.memory_space<vmem>>) target_semaphore(%arg12 : memref<!tpu.dma_semaphore, #tpu.memory_space<semaphore_mem>>)
      %slice3A_102 = vector.extract_strided_slice %get3A_52 {offsets = [2], sizes = [1], strides = [1]} : vector<16xi32> to vector<1xi32>
      %squeeze3A_103 = vector.extract %slice3A_102[0] : i32 from vector<1xi32>
      %add3A_104 = arith.constant 2 : i32
      %add3A_105 = arith.addi %add3A_49, %add3A_104 : i32
      %dma_start3A_106 = arith.constant 0 : i32
      %dma_start3A_107 = tpu.memref_slice %arg9[%add3A_105, %dma_start3A_106] : memref<256x64xf32, #tpu.memory_space<vmem>> -> memref<1x64xf32, #tpu.memory_space<vmem>>
      %dma_start3A_108 = arith.constant 0 : i32
      %dma_start3A_109 = tpu.memref_slice %arg4[%squeeze3A_103, %dma_start3A_108] : memref<1000000x64xf32, #tpu.memory_space<hbm>> -> memref<1x64xf32, #tpu.memory_space<hbm>>
      %dma_start3A_110 = arith.constant 0 : i32
      %dma_start3A_111 = tpu.memref_slice %arg9[%add3A_105, %dma_start3A_110] : memref<256x64xf32, #tpu.memory_space<vmem>> -> memref<1x64xf32, #tpu.memory_space<vmem>>
      %dma_start3A_112 = arith.constant 0 : i32
      %dma_start3A_113 = tpu.memref_slice %arg4[%squeeze3A_103, %dma_start3A_112] : memref<1000000x64xf32, #tpu.memory_space<hbm>> -> memref<1x64xf32, #tpu.memory_space<hbm>>
      tpu.enqueue_dma source(%dma_start3A_113 : memref<1x64xf32, #tpu.memory_space<hbm>>) target(%dma_start3A_111 : memref<1x64xf32, #tpu.memory_space<vmem>>) target_semaphore(%arg12 : memref<!tpu.dma_semaphore, #tpu.memory_space<semaphore_mem>>)
      %slice3A_114 = vector.extract_strided_slice %get3A_56 {offsets = [2], sizes = [1], strides = [1]} : vector<16xi32> to vector<1xi32>
      %squeeze3A_115 = vector.extract %slice3A_114[0] : i32 from vector<1xi32>
      %add3A_116 = arith.constant 2 : i32
      %add3A_117 = arith.addi %add3A_49, %add3A_116 : i32
      %dma_start3A_118 = arith.constant 0 : i32
      %dma_start3A_119 = tpu.memref_slice %arg10[%add3A_117, %dma_start3A_118] : memref<256x64xf32, #tpu.memory_space<vmem>> -> memref<1x64xf32, #tpu.memory_space<vmem>>
      %dma_start3A_120 = arith.constant 0 : i32
      %dma_start3A_121 = tpu.memref_slice %arg5[%squeeze3A_115, %dma_start3A_120] : memref<1000000x64xf32, #tpu.memory_space<hbm>> -> memref<1x64xf32, #tpu.memory_space<hbm>>
      %dma_start3A_122 = arith.constant 0 : i32
      %dma_start3A_123 = tpu.memref_slice %arg10[%add3A_117, %dma_start3A_122] : memref<256x64xf32, #tpu.memory_space<vmem>> -> memref<1x64xf32, #tpu.memory_space<vmem>>
      %dma_start3A_124 = arith.constant 0 : i32
      %dma_start3A_125 = tpu.memref_slice %arg5[%squeeze3A_115, %dma_start3A_124] : memref<1000000x64xf32, #tpu.memory_space<hbm>> -> memref<1x64xf32, #tpu.memory_space<hbm>>
      tpu.enqueue_dma source(%dma_start3A_125 : memref<1x64xf32, #tpu.memory_space<hbm>>) target(%dma_start3A_123 : memref<1x64xf32, #tpu.memory_space<vmem>>) target_semaphore(%arg12 : memref<!tpu.dma_semaphore, #tpu.memory_space<semaphore_mem>>)
      %slice3A_126 = vector.extract_strided_slice %get3A_52 {offsets = [3], sizes = [1], strides = [1]} : vector<16xi32> to vector<1xi32>
      %squeeze3A_127 = vector.extract %slice3A_126[0] : i32 from vector<1xi32>
      %add3A_128 = arith.constant 3 : i32
      %add3A_129 = arith.addi %add3A_49, %add3A_128 : i32
      %dma_start3A_130 = arith.constant 0 : i32
      %dma_start3A_131 = tpu.memref_slice %arg9[%add3A_129, %dma_start3A_130] : memref<256x64xf32, #tpu.memory_space<vmem>> -> memref<1x64xf32, #tpu.memory_space<vmem>>
      %dma_start3A_132 = arith.constant 0 : i32
      %dma_start3A_133 = tpu.memref_slice %arg4[%squeeze3A_127, %dma_start3A_132] : memref<1000000x64xf32, #tpu.memory_space<hbm>> -> memref<1x64xf32, #tpu.memory_space<hbm>>
      %dma_start3A_134 = arith.constant 0 : i32
      %dma_start3A_135 = tpu.memref_slice %arg9[%add3A_129, %dma_start3A_134] : memref<256x64xf32, #tpu.memory_space<vmem>> -> memref<1x64xf32, #tpu.memory_space<vmem>>
      %dma_start3A_136 = arith.constant 0 : i32
      %dma_start3A_137 = tpu.memref_slice %arg4[%squeeze3A_127, %dma_start3A_136] : memref<1000000x64xf32, #tpu.memory_space<hbm>> -> memref<1x64xf32, #tpu.memory_space<hbm>>
      tpu.enqueue_dma source(%dma_start3A_137 : memref<1x64xf32, #tpu.memory_space<hbm>>) target(%dma_start3A_135 : memref<1x64xf32, #tpu.memory_space<vmem>>) target_semaphore(%arg12 : memref<!tpu.dma_semaphore, #tpu.memory_space<semaphore_mem>>)
      %slice3A_138 = vector.extract_strided_slice %get3A_56 {offsets = [3], sizes = [1], strides = [1]} : vector<16xi32> to vector<1xi32>
      %squeeze3A_139 = vector.extract %slice3A_138[0] : i32 from vector<1xi32>
      %add3A_140 = arith.constant 3 : i32
      %add3A_141 = arith.addi %add3A_49, %add3A_140 : i32
      %dma_start3A_142 = arith.constant 0 : i32
      %dma_start3A_143 = tpu.memref_slice %arg10[%add3A_141, %dma_start3A_142] : memref<256x64xf32, #tpu.memory_space<vmem>> -> memref<1x64xf32, #tpu.memory_space<vmem>>
      %dma_start3A_144 = arith.constant 0 : i32
      %dma_start3A_145 = tpu.memref_slice %arg5[%squeeze3A_139, %dma_start3A_144] : memref<1000000x64xf32, #tpu.memory_space<hbm>> -> memref<1x64xf32, #tpu.memory_space<hbm>>
      %dma_start3A_146 = arith.constant 0 : i32
      %dma_start3A_147 = tpu.memref_slice %arg10[%add3A_141, %dma_start3A_146] : memref<256x64xf32, #tpu.memory_space<vmem>> -> memref<1x64xf32, #tpu.memory_space<vmem>>
      %dma_start3A_148 = arith.constant 0 : i32
      %dma_start3A_149 = tpu.memref_slice %arg5[%squeeze3A_139, %dma_start3A_148] : memref<1000000x64xf32, #tpu.memory_space<hbm>> -> memref<1x64xf32, #tpu.memory_space<hbm>>
      tpu.enqueue_dma source(%dma_start3A_149 : memref<1x64xf32, #tpu.memory_space<hbm>>) target(%dma_start3A_147 : memref<1x64xf32, #tpu.memory_space<vmem>>) target_semaphore(%arg12 : memref<!tpu.dma_semaphore, #tpu.memory_space<semaphore_mem>>)
      %slice3A_150 = vector.extract_strided_slice %get3A_52 {offsets = [4], sizes = [1], strides = [1]} : vector<16xi32> to vector<1xi32>
      %squeeze3A_151 = vector.extract %slice3A_150[0] : i32 from vector<1xi32>
      %add3A_152 = arith.constant 4 : i32
      %add3A_153 = arith.addi %add3A_49, %add3A_152 : i32
      %dma_start3A_154 = arith.constant 0 : i32
      %dma_start3A_155 = tpu.memref_slice %arg9[%add3A_153, %dma_start3A_154] : memref<256x64xf32, #tpu.memory_space<vmem>> -> memref<1x64xf32, #tpu.memory_space<vmem>>
      %dma_start3A_156 = arith.constant 0 : i32
      %dma_start3A_157 = tpu.memref_slice %arg4[%squeeze3A_151, %dma_start3A_156] : memref<1000000x64xf32, #tpu.memory_space<hbm>> -> memref<1x64xf32, #tpu.memory_space<hbm>>
      %dma_start3A_158 = arith.constant 0 : i32
      %dma_start3A_159 = tpu.memref_slice %arg9[%add3A_153, %dma_start3A_158] : memref<256x64xf32, #tpu.memory_space<vmem>> -> memref<1x64xf32, #tpu.memory_space<vmem>>
      %dma_start3A_160 = arith.constant 0 : i32
      %dma_start3A_161 = tpu.memref_slice %arg4[%squeeze3A_151, %dma_start3A_160] : memref<1000000x64xf32, #tpu.memory_space<hbm>> -> memref<1x64xf32, #tpu.memory_space<hbm>>
      tpu.enqueue_dma source(%dma_start3A_161 : memref<1x64xf32, #tpu.memory_space<hbm>>) target(%dma_start3A_159 : memref<1x64xf32, #tpu.memory_space<vmem>>) target_semaphore(%arg12 : memref<!tpu.dma_semaphore, #tpu.memory_space<semaphore_mem>>)
      %slice3A_162 = vector.extract_strided_slice %get3A_56 {offsets = [4], sizes = [1], strides = [1]} : vector<16xi32> to vector<1xi32>
      %squeeze3A_163 = vector.extract %slice3A_162[0] : i32 from vector<1xi32>
      %add3A_164 = arith.constant 4 : i32
      %add3A_165 = arith.addi %add3A_49, %add3A_164 : i32
      %dma_start3A_166 = arith.constant 0 : i32
      %dma_start3A_167 = tpu.memref_slice %arg10[%add3A_165, %dma_start3A_166] : memref<256x64xf32, #tpu.memory_space<vmem>> -> memref<1x64xf32, #tpu.memory_space<vmem>>
      %dma_start3A_168 = arith.constant 0 : i32
      %dma_start3A_169 = tpu.memref_slice %arg5[%squeeze3A_163, %dma_start3A_168] : memref<1000000x64xf32, #tpu.memory_space<hbm>> -> memref<1x64xf32, #tpu.memory_space<hbm>>
      %dma_start3A_170 = arith.constant 0 : i32
      %dma_start3A_171 = tpu.memref_slice %arg10[%add3A_165, %dma_start3A_170] : memref<256x64xf32, #tpu.memory_space<vmem>> -> memref<1x64xf32, #tpu.memory_space<vmem>>
      %dma_start3A_172 = arith.constant 0 : i32
      %dma_start3A_173 = tpu.memref_slice %arg5[%squeeze3A_163, %dma_start3A_172] : memref<1000000x64xf32, #tpu.memory_space<hbm>> -> memref<1x64xf32, #tpu.memory_space<hbm>>
      tpu.enqueue_dma source(%dma_start3A_173 : memref<1x64xf32, #tpu.memory_space<hbm>>) target(%dma_start3A_171 : memref<1x64xf32, #tpu.memory_space<vmem>>) target_semaphore(%arg12 : memref<!tpu.dma_semaphore, #tpu.memory_space<semaphore_mem>>)
      %slice3A_174 = vector.extract_strided_slice %get3A_52 {offsets = [5], sizes = [1], strides = [1]} : vector<16xi32> to vector<1xi32>
      %squeeze3A_175 = vector.extract %slice3A_174[0] : i32 from vector<1xi32>
      %add3A_176 = arith.constant 5 : i32
      %add3A_177 = arith.addi %add3A_49, %add3A_176 : i32
      %dma_start3A_178 = arith.constant 0 : i32
      %dma_start3A_179 = tpu.memref_slice %arg9[%add3A_177, %dma_start3A_178] : memref<256x64xf32, #tpu.memory_space<vmem>> -> memref<1x64xf32, #tpu.memory_space<vmem>>
      %dma_start3A_180 = arith.constant 0 : i32
      %dma_start3A_181 = tpu.memref_slice %arg4[%squeeze3A_175, %dma_start3A_180] : memref<1000000x64xf32, #tpu.memory_space<hbm>> -> memref<1x64xf32, #tpu.memory_space<hbm>>
      %dma_start3A_182 = arith.constant 0 : i32
      %dma_start3A_183 = tpu.memref_slice %arg9[%add3A_177, %dma_start3A_182] : memref<256x64xf32, #tpu.memory_space<vmem>> -> memref<1x64xf32, #tpu.memory_space<vmem>>
      %dma_start3A_184 = arith.constant 0 : i32
      %dma_start3A_185 = tpu.memref_slice %arg4[%squeeze3A_175, %dma_start3A_184] : memref<1000000x64xf32, #tpu.memory_space<hbm>> -> memref<1x64xf32, #tpu.memory_space<hbm>>
      tpu.enqueue_dma source(%dma_start3A_185 : memref<1x64xf32, #tpu.memory_space<hbm>>) target(%dma_start3A_183 : memref<1x64xf32, #tpu.memory_space<vmem>>) target_semaphore(%arg12 : memref<!tpu.dma_semaphore, #tpu.memory_space<semaphore_mem>>)
      %slice3A_186 = vector.extract_strided_slice %get3A_56 {offsets = [5], sizes = [1], strides = [1]} : vector<16xi32> to vector<1xi32>
      %squeeze3A_187 = vector.extract %slice3A_186[0] : i32 from vector<1xi32>
      %add3A_188 = arith.constant 5 : i32
      %add3A_189 = arith.addi %add3A_49, %add3A_188 : i32
      %dma_start3A_190 = arith.constant 0 : i32
      %dma_start3A_191 = tpu.memref_slice %arg10[%add3A_189, %dma_start3A_190] : memref<256x64xf32, #tpu.memory_space<vmem>> -> memref<1x64xf32, #tpu.memory_space<vmem>>
      %dma_start3A_192 = arith.constant 0 : i32
      %dma_start3A_193 = tpu.memref_slice %arg5[%squeeze3A_187, %dma_start3A_192] : memref<1000000x64xf32, #tpu.memory_space<hbm>> -> memref<1x64xf32, #tpu.memory_space<hbm>>
      %dma_start3A_194 = arith.constant 0 : i32
      %dma_start3A_195 = tpu.memref_slice %arg10[%add3A_189, %dma_start3A_194] : memref<256x64xf32, #tpu.memory_space<vmem>> -> memref<1x64xf32, #tpu.memory_space<vmem>>
      %dma_start3A_196 = arith.constant 0 : i32
      %dma_start3A_197 = tpu.memref_slice %arg5[%squeeze3A_187, %dma_start3A_196] : memref<1000000x64xf32, #tpu.memory_space<hbm>> -> memref<1x64xf32, #tpu.memory_space<hbm>>
      tpu.enqueue_dma source(%dma_start3A_197 : memref<1x64xf32, #tpu.memory_space<hbm>>) target(%dma_start3A_195 : memref<1x64xf32, #tpu.memory_space<vmem>>) target_semaphore(%arg12 : memref<!tpu.dma_semaphore, #tpu.memory_space<semaphore_mem>>)
      %slice3A_198 = vector.extract_strided_slice %get3A_52 {offsets = [6], sizes = [1], strides = [1]} : vector<16xi32> to vector<1xi32>
      %squeeze3A_199 = vector.extract %slice3A_198[0] : i32 from vector<1xi32>
      %add3A_200 = arith.constant 6 : i32
      %add3A_201 = arith.addi %add3A_49, %add3A_200 : i32
      %dma_start3A_202 = arith.constant 0 : i32
      %dma_start3A_203 = tpu.memref_slice %arg9[%add3A_201, %dma_start3A_202] : memref<256x64xf32, #tpu.memory_space<vmem>> -> memref<1x64xf32, #tpu.memory_space<vmem>>
      %dma_start3A_204 = arith.constant 0 : i32
      %dma_start3A_205 = tpu.memref_slice %arg4[%squeeze3A_199, %dma_start3A_204] : memref<1000000x64xf32, #tpu.memory_space<hbm>> -> memref<1x64xf32, #tpu.memory_space<hbm>>
      %dma_start3A_206 = arith.constant 0 : i32
      %dma_start3A_207 = tpu.memref_slice %arg9[%add3A_201, %dma_start3A_206] : memref<256x64xf32, #tpu.memory_space<vmem>> -> memref<1x64xf32, #tpu.memory_space<vmem>>
      %dma_start3A_208 = arith.constant 0 : i32
      %dma_start3A_209 = tpu.memref_slice %arg4[%squeeze3A_199, %dma_start3A_208] : memref<1000000x64xf32, #tpu.memory_space<hbm>> -> memref<1x64xf32, #tpu.memory_space<hbm>>
      tpu.enqueue_dma source(%dma_start3A_209 : memref<1x64xf32, #tpu.memory_space<hbm>>) target(%dma_start3A_207 : memref<1x64xf32, #tpu.memory_space<vmem>>) target_semaphore(%arg12 : memref<!tpu.dma_semaphore, #tpu.memory_space<semaphore_mem>>)
      %slice3A_210 = vector.extract_strided_slice %get3A_56 {offsets = [6], sizes = [1], strides = [1]} : vector<16xi32> to vector<1xi32>
      %squeeze3A_211 = vector.extract %slice3A_210[0] : i32 from vector<1xi32>
      %add3A_212 = arith.constant 6 : i32
      %add3A_213 = arith.addi %add3A_49, %add3A_212 : i32
      %dma_start3A_214 = arith.constant 0 : i32
      %dma_start3A_215 = tpu.memref_slice %arg10[%add3A_213, %dma_start3A_214] : memref<256x64xf32, #tpu.memory_space<vmem>> -> memref<1x64xf32, #tpu.memory_space<vmem>>
      %dma_start3A_216 = arith.constant 0 : i32
      %dma_start3A_217 = tpu.memref_slice %arg5[%squeeze3A_211, %dma_start3A_216] : memref<1000000x64xf32, #tpu.memory_space<hbm>> -> memref<1x64xf32, #tpu.memory_space<hbm>>
      %dma_start3A_218 = arith.constant 0 : i32
      %dma_start3A_219 = tpu.memref_slice %arg10[%add3A_213, %dma_start3A_218] : memref<256x64xf32, #tpu.memory_space<vmem>> -> memref<1x64xf32, #tpu.memory_space<vmem>>
      %dma_start3A_220 = arith.constant 0 : i32
      %dma_start3A_221 = tpu.memref_slice %arg5[%squeeze3A_211, %dma_start3A_220] : memref<1000000x64xf32, #tpu.memory_space<hbm>> -> memref<1x64xf32, #tpu.memory_space<hbm>>
      tpu.enqueue_dma source(%dma_start3A_221 : memref<1x64xf32, #tpu.memory_space<hbm>>) target(%dma_start3A_219 : memref<1x64xf32, #tpu.memory_space<vmem>>) target_semaphore(%arg12 : memref<!tpu.dma_semaphore, #tpu.memory_space<semaphore_mem>>)
      %slice3A_222 = vector.extract_strided_slice %get3A_52 {offsets = [7], sizes = [1], strides = [1]} : vector<16xi32> to vector<1xi32>
      %squeeze3A_223 = vector.extract %slice3A_222[0] : i32 from vector<1xi32>
      %add3A_224 = arith.constant 7 : i32
      %add3A_225 = arith.addi %add3A_49, %add3A_224 : i32
      %dma_start3A_226 = arith.constant 0 : i32
      %dma_start3A_227 = tpu.memref_slice %arg9[%add3A_225, %dma_start3A_226] : memref<256x64xf32, #tpu.memory_space<vmem>> -> memref<1x64xf32, #tpu.memory_space<vmem>>
      %dma_start3A_228 = arith.constant 0 : i32
      %dma_start3A_229 = tpu.memref_slice %arg4[%squeeze3A_223, %dma_start3A_228] : memref<1000000x64xf32, #tpu.memory_space<hbm>> -> memref<1x64xf32, #tpu.memory_space<hbm>>
      %dma_start3A_230 = arith.constant 0 : i32
      %dma_start3A_231 = tpu.memref_slice %arg9[%add3A_225, %dma_start3A_230] : memref<256x64xf32, #tpu.memory_space<vmem>> -> memref<1x64xf32, #tpu.memory_space<vmem>>
      %dma_start3A_232 = arith.constant 0 : i32
      %dma_start3A_233 = tpu.memref_slice %arg4[%squeeze3A_223, %dma_start3A_232] : memref<1000000x64xf32, #tpu.memory_space<hbm>> -> memref<1x64xf32, #tpu.memory_space<hbm>>
      tpu.enqueue_dma source(%dma_start3A_233 : memref<1x64xf32, #tpu.memory_space<hbm>>) target(%dma_start3A_231 : memref<1x64xf32, #tpu.memory_space<vmem>>) target_semaphore(%arg12 : memref<!tpu.dma_semaphore, #tpu.memory_space<semaphore_mem>>)
      %slice3A_234 = vector.extract_strided_slice %get3A_56 {offsets = [7], sizes = [1], strides = [1]} : vector<16xi32> to vector<1xi32>
      %squeeze3A_235 = vector.extract %slice3A_234[0] : i32 from vector<1xi32>
      %add3A_236 = arith.constant 7 : i32
      %add3A_237 = arith.addi %add3A_49, %add3A_236 : i32
      %dma_start3A_238 = arith.constant 0 : i32
      %dma_start3A_239 = tpu.memref_slice %arg10[%add3A_237, %dma_start3A_238] : memref<256x64xf32, #tpu.memory_space<vmem>> -> memref<1x64xf32, #tpu.memory_space<vmem>>
      %dma_start3A_240 = arith.constant 0 : i32
      %dma_start3A_241 = tpu.memref_slice %arg5[%squeeze3A_235, %dma_start3A_240] : memref<1000000x64xf32, #tpu.memory_space<hbm>> -> memref<1x64xf32, #tpu.memory_space<hbm>>
      %dma_start3A_242 = arith.constant 0 : i32
      %dma_start3A_243 = tpu.memref_slice %arg10[%add3A_237, %dma_start3A_242] : memref<256x64xf32, #tpu.memory_space<vmem>> -> memref<1x64xf32, #tpu.memory_space<vmem>>
      %dma_start3A_244 = arith.constant 0 : i32
      %dma_start3A_245 = tpu.memref_slice %arg5[%squeeze3A_235, %dma_start3A_244] : memref<1000000x64xf32, #tpu.memory_space<hbm>> -> memref<1x64xf32, #tpu.memory_space<hbm>>
      tpu.enqueue_dma source(%dma_start3A_245 : memref<1x64xf32, #tpu.memory_space<hbm>>) target(%dma_start3A_243 : memref<1x64xf32, #tpu.memory_space<vmem>>) target_semaphore(%arg12 : memref<!tpu.dma_semaphore, #tpu.memory_space<semaphore_mem>>)
      %slice3A_246 = vector.extract_strided_slice %get3A_52 {offsets = [8], sizes = [1], strides = [1]} : vector<16xi32> to vector<1xi32>
      %squeeze3A_247 = vector.extract %slice3A_246[0] : i32 from vector<1xi32>
      %add3A_248 = arith.constant 8 : i32
      %add3A_249 = arith.addi %add3A_49, %add3A_248 : i32
      %dma_start3A_250 = arith.constant 0 : i32
      %dma_start3A_251 = tpu.memref_slice %arg9[%add3A_249, %dma_start3A_250] : memref<256x64xf32, #tpu.memory_space<vmem>> -> memref<1x64xf32, #tpu.memory_space<vmem>>
      %dma_start3A_252 = arith.constant 0 : i32
      %dma_start3A_253 = tpu.memref_slice %arg4[%squeeze3A_247, %dma_start3A_252] : memref<1000000x64xf32, #tpu.memory_space<hbm>> -> memref<1x64xf32, #tpu.memory_space<hbm>>
      %dma_start3A_254 = arith.constant 0 : i32
      %dma_start3A_255 = tpu.memref_slice %arg9[%add3A_249, %dma_start3A_254] : memref<256x64xf32, #tpu.memory_space<vmem>> -> memref<1x64xf32, #tpu.memory_space<vmem>>
      %dma_start3A_256 = arith.constant 0 : i32
      %dma_start3A_257 = tpu.memref_slice %arg4[%squeeze3A_247, %dma_start3A_256] : memref<1000000x64xf32, #tpu.memory_space<hbm>> -> memref<1x64xf32, #tpu.memory_space<hbm>>
      tpu.enqueue_dma source(%dma_start3A_257 : memref<1x64xf32, #tpu.memory_space<hbm>>) target(%dma_start3A_255 : memref<1x64xf32, #tpu.memory_space<vmem>>) target_semaphore(%arg12 : memref<!tpu.dma_semaphore, #tpu.memory_space<semaphore_mem>>)
      %slice3A_258 = vector.extract_strided_slice %get3A_56 {offsets = [8], sizes = [1], strides = [1]} : vector<16xi32> to vector<1xi32>
      %squeeze3A_259 = vector.extract %slice3A_258[0] : i32 from vector<1xi32>
      %add3A_260 = arith.constant 8 : i32
      %add3A_261 = arith.addi %add3A_49, %add3A_260 : i32
      %dma_start3A_262 = arith.constant 0 : i32
      %dma_start3A_263 = tpu.memref_slice %arg10[%add3A_261, %dma_start3A_262] : memref<256x64xf32, #tpu.memory_space<vmem>> -> memref<1x64xf32, #tpu.memory_space<vmem>>
      %dma_start3A_264 = arith.constant 0 : i32
      %dma_start3A_265 = tpu.memref_slice %arg5[%squeeze3A_259, %dma_start3A_264] : memref<1000000x64xf32, #tpu.memory_space<hbm>> -> memref<1x64xf32, #tpu.memory_space<hbm>>
      %dma_start3A_266 = arith.constant 0 : i32
      %dma_start3A_267 = tpu.memref_slice %arg10[%add3A_261, %dma_start3A_266] : memref<256x64xf32, #tpu.memory_space<vmem>> -> memref<1x64xf32, #tpu.memory_space<vmem>>
      %dma_start3A_268 = arith.constant 0 : i32
      %dma_start3A_269 = tpu.memref_slice %arg5[%squeeze3A_259, %dma_start3A_268] : memref<1000000x64xf32, #tpu.memory_space<hbm>> -> memref<1x64xf32, #tpu.memory_space<hbm>>
      tpu.enqueue_dma source(%dma_start3A_269 : memref<1x64xf32, #tpu.memory_space<hbm>>) target(%dma_start3A_267 : memref<1x64xf32, #tpu.memory_space<vmem>>) target_semaphore(%arg12 : memref<!tpu.dma_semaphore, #tpu.memory_space<semaphore_mem>>)
      %slice3A_270 = vector.extract_strided_slice %get3A_52 {offsets = [9], sizes = [1], strides = [1]} : vector<16xi32> to vector<1xi32>
      %squeeze3A_271 = vector.extract %slice3A_270[0] : i32 from vector<1xi32>
      %add3A_272 = arith.constant 9 : i32
      %add3A_273 = arith.addi %add3A_49, %add3A_272 : i32
      %dma_start3A_274 = arith.constant 0 : i32
      %dma_start3A_275 = tpu.memref_slice %arg9[%add3A_273, %dma_start3A_274] : memref<256x64xf32, #tpu.memory_space<vmem>> -> memref<1x64xf32, #tpu.memory_space<vmem>>
      %dma_start3A_276 = arith.constant 0 : i32
      %dma_start3A_277 = tpu.memref_slice %arg4[%squeeze3A_271, %dma_start3A_276] : memref<1000000x64xf32, #tpu.memory_space<hbm>> -> memref<1x64xf32, #tpu.memory_space<hbm>>
      %dma_start3A_278 = arith.constant 0 : i32
      %dma_start3A_279 = tpu.memref_slice %arg9[%add3A_273, %dma_start3A_278] : memref<256x64xf32, #tpu.memory_space<vmem>> -> memref<1x64xf32, #tpu.memory_space<vmem>>
      %dma_start3A_280 = arith.constant 0 : i32
      %dma_start3A_281 = tpu.memref_slice %arg4[%squeeze3A_271, %dma_start3A_280] : memref<1000000x64xf32, #tpu.memory_space<hbm>> -> memref<1x64xf32, #tpu.memory_space<hbm>>
      tpu.enqueue_dma source(%dma_start3A_281 : memref<1x64xf32, #tpu.memory_space<hbm>>) target(%dma_start3A_279 : memref<1x64xf32, #tpu.memory_space<vmem>>) target_semaphore(%arg12 : memref<!tpu.dma_semaphore, #tpu.memory_space<semaphore_mem>>)
      %slice3A_282 = vector.extract_strided_slice %get3A_56 {offsets = [9], sizes = [1], strides = [1]} : vector<16xi32> to vector<1xi32>
      %squeeze3A_283 = vector.extract %slice3A_282[0] : i32 from vector<1xi32>
      %add3A_284 = arith.constant 9 : i32
      %add3A_285 = arith.addi %add3A_49, %add3A_284 : i32
      %dma_start3A_286 = arith.constant 0 : i32
      %dma_start3A_287 = tpu.memref_slice %arg10[%add3A_285, %dma_start3A_286] : memref<256x64xf32, #tpu.memory_space<vmem>> -> memref<1x64xf32, #tpu.memory_space<vmem>>
      %dma_start3A_288 = arith.constant 0 : i32
      %dma_start3A_289 = tpu.memref_slice %arg5[%squeeze3A_283, %dma_start3A_288] : memref<1000000x64xf32, #tpu.memory_space<hbm>> -> memref<1x64xf32, #tpu.memory_space<hbm>>
      %dma_start3A_290 = arith.constant 0 : i32
      %dma_start3A_291 = tpu.memref_slice %arg10[%add3A_285, %dma_start3A_290] : memref<256x64xf32, #tpu.memory_space<vmem>> -> memref<1x64xf32, #tpu.memory_space<vmem>>
      %dma_start3A_292 = arith.constant 0 : i32
      %dma_start3A_293 = tpu.memref_slice %arg5[%squeeze3A_283, %dma_start3A_292] : memref<1000000x64xf32, #tpu.memory_space<hbm>> -> memref<1x64xf32, #tpu.memory_space<hbm>>
      tpu.enqueue_dma source(%dma_start3A_293 : memref<1x64xf32, #tpu.memory_space<hbm>>) target(%dma_start3A_291 : memref<1x64xf32, #tpu.memory_space<vmem>>) target_semaphore(%arg12 : memref<!tpu.dma_semaphore, #tpu.memory_space<semaphore_mem>>)
      %slice3A_294 = vector.extract_strided_slice %get3A_52 {offsets = [10], sizes = [1], strides = [1]} : vector<16xi32> to vector<1xi32>
      %squeeze3A_295 = vector.extract %slice3A_294[0] : i32 from vector<1xi32>
      %add3A_296 = arith.constant 10 : i32
      %add3A_297 = arith.addi %add3A_49, %add3A_296 : i32
      %dma_start3A_298 = arith.constant 0 : i32
      %dma_start3A_299 = tpu.memref_slice %arg9[%add3A_297, %dma_start3A_298] : memref<256x64xf32, #tpu.memory_space<vmem>> -> memref<1x64xf32, #tpu.memory_space<vmem>>
      %dma_start3A_300 = arith.constant 0 : i32
      %dma_start3A_301 = tpu.memref_slice %arg4[%squeeze3A_295, %dma_start3A_300] : memref<1000000x64xf32, #tpu.memory_space<hbm>> -> memref<1x64xf32, #tpu.memory_space<hbm>>
      %dma_start3A_302 = arith.constant 0 : i32
      %dma_start3A_303 = tpu.memref_slice %arg9[%add3A_297, %dma_start3A_302] : memref<256x64xf32, #tpu.memory_space<vmem>> -> memref<1x64xf32, #tpu.memory_space<vmem>>
      %dma_start3A_304 = arith.constant 0 : i32
      %dma_start3A_305 = tpu.memref_slice %arg4[%squeeze3A_295, %dma_start3A_304] : memref<1000000x64xf32, #tpu.memory_space<hbm>> -> memref<1x64xf32, #tpu.memory_space<hbm>>
      tpu.enqueue_dma source(%dma_start3A_305 : memref<1x64xf32, #tpu.memory_space<hbm>>) target(%dma_start3A_303 : memref<1x64xf32, #tpu.memory_space<vmem>>) target_semaphore(%arg12 : memref<!tpu.dma_semaphore, #tpu.memory_space<semaphore_mem>>)
      %slice3A_306 = vector.extract_strided_slice %get3A_56 {offsets = [10], sizes = [1], strides = [1]} : vector<16xi32> to vector<1xi32>
      %squeeze3A_307 = vector.extract %slice3A_306[0] : i32 from vector<1xi32>
      %add3A_308 = arith.constant 10 : i32
      %add3A_309 = arith.addi %add3A_49, %add3A_308 : i32
      %dma_start3A_310 = arith.constant 0 : i32
      %dma_start3A_311 = tpu.memref_slice %arg10[%add3A_309, %dma_start3A_310] : memref<256x64xf32, #tpu.memory_space<vmem>> -> memref<1x64xf32, #tpu.memory_space<vmem>>
      %dma_start3A_312 = arith.constant 0 : i32
      %dma_start3A_313 = tpu.memref_slice %arg5[%squeeze3A_307, %dma_start3A_312] : memref<1000000x64xf32, #tpu.memory_space<hbm>> -> memref<1x64xf32, #tpu.memory_space<hbm>>
      %dma_start3A_314 = arith.constant 0 : i32
      %dma_start3A_315 = tpu.memref_slice %arg10[%add3A_309, %dma_start3A_314] : memref<256x64xf32, #tpu.memory_space<vmem>> -> memref<1x64xf32, #tpu.memory_space<vmem>>
      %dma_start3A_316 = arith.constant 0 : i32
      %dma_start3A_317 = tpu.memref_slice %arg5[%squeeze3A_307, %dma_start3A_316] : memref<1000000x64xf32, #tpu.memory_space<hbm>> -> memref<1x64xf32, #tpu.memory_space<hbm>>
      tpu.enqueue_dma source(%dma_start3A_317 : memref<1x64xf32, #tpu.memory_space<hbm>>) target(%dma_start3A_315 : memref<1x64xf32, #tpu.memory_space<vmem>>) target_semaphore(%arg12 : memref<!tpu.dma_semaphore, #tpu.memory_space<semaphore_mem>>)
      %slice3A_318 = vector.extract_strided_slice %get3A_52 {offsets = [11], sizes = [1], strides = [1]} : vector<16xi32> to vector<1xi32>
      %squeeze3A_319 = vector.extract %slice3A_318[0] : i32 from vector<1xi32>
      %add3A_320 = arith.constant 11 : i32
      %add3A_321 = arith.addi %add3A_49, %add3A_320 : i32
      %dma_start3A_322 = arith.constant 0 : i32
      %dma_start3A_323 = tpu.memref_slice %arg9[%add3A_321, %dma_start3A_322] : memref<256x64xf32, #tpu.memory_space<vmem>> -> memref<1x64xf32, #tpu.memory_space<vmem>>
      %dma_start3A_324 = arith.constant 0 : i32
      %dma_start3A_325 = tpu.memref_slice %arg4[%squeeze3A_319, %dma_start3A_324] : memref<1000000x64xf32, #tpu.memory_space<hbm>> -> memref<1x64xf32, #tpu.memory_space<hbm>>
      %dma_start3A_326 = arith.constant 0 : i32
      %dma_start3A_327 = tpu.memref_slice %arg9[%add3A_321, %dma_start3A_326] : memref<256x64xf32, #tpu.memory_space<vmem>> -> memref<1x64xf32, #tpu.memory_space<vmem>>
      %dma_start3A_328 = arith.constant 0 : i32
      %dma_start3A_329 = tpu.memref_slice %arg4[%squeeze3A_319, %dma_start3A_328] : memref<1000000x64xf32, #tpu.memory_space<hbm>> -> memref<1x64xf32, #tpu.memory_space<hbm>>
      tpu.enqueue_dma source(%dma_start3A_329 : memref<1x64xf32, #tpu.memory_space<hbm>>) target(%dma_start3A_327 : memref<1x64xf32, #tpu.memory_space<vmem>>) target_semaphore(%arg12 : memref<!tpu.dma_semaphore, #tpu.memory_space<semaphore_mem>>)
      %slice3A_330 = vector.extract_strided_slice %get3A_56 {offsets = [11], sizes = [1], strides = [1]} : vector<16xi32> to vector<1xi32>
      %squeeze3A_331 = vector.extract %slice3A_330[0] : i32 from vector<1xi32>
      %add3A_332 = arith.constant 11 : i32
      %add3A_333 = arith.addi %add3A_49, %add3A_332 : i32
      %dma_start3A_334 = arith.constant 0 : i32
      %dma_start3A_335 = tpu.memref_slice %arg10[%add3A_333, %dma_start3A_334] : memref<256x64xf32, #tpu.memory_space<vmem>> -> memref<1x64xf32, #tpu.memory_space<vmem>>
      %dma_start3A_336 = arith.constant 0 : i32
      %dma_start3A_337 = tpu.memref_slice %arg5[%squeeze3A_331, %dma_start3A_336] : memref<1000000x64xf32, #tpu.memory_space<hbm>> -> memref<1x64xf32, #tpu.memory_space<hbm>>
      %dma_start3A_338 = arith.constant 0 : i32
      %dma_start3A_339 = tpu.memref_slice %arg10[%add3A_333, %dma_start3A_338] : memref<256x64xf32, #tpu.memory_space<vmem>> -> memref<1x64xf32, #tpu.memory_space<vmem>>
      %dma_start3A_340 = arith.constant 0 : i32
      %dma_start3A_341 = tpu.memref_slice %arg5[%squeeze3A_331, %dma_start3A_340] : memref<1000000x64xf32, #tpu.memory_space<hbm>> -> memref<1x64xf32, #tpu.memory_space<hbm>>
      tpu.enqueue_dma source(%dma_start3A_341 : memref<1x64xf32, #tpu.memory_space<hbm>>) target(%dma_start3A_339 : memref<1x64xf32, #tpu.memory_space<vmem>>) target_semaphore(%arg12 : memref<!tpu.dma_semaphore, #tpu.memory_space<semaphore_mem>>)
      %slice3A_342 = vector.extract_strided_slice %get3A_52 {offsets = [12], sizes = [1], strides = [1]} : vector<16xi32> to vector<1xi32>
      %squeeze3A_343 = vector.extract %slice3A_342[0] : i32 from vector<1xi32>
      %add3A_344 = arith.constant 12 : i32
      %add3A_345 = arith.addi %add3A_49, %add3A_344 : i32
      %dma_start3A_346 = arith.constant 0 : i32
      %dma_start3A_347 = tpu.memref_slice %arg9[%add3A_345, %dma_start3A_346] : memref<256x64xf32, #tpu.memory_space<vmem>> -> memref<1x64xf32, #tpu.memory_space<vmem>>
      %dma_start3A_348 = arith.constant 0 : i32
      %dma_start3A_349 = tpu.memref_slice %arg4[%squeeze3A_343, %dma_start3A_348] : memref<1000000x64xf32, #tpu.memory_space<hbm>> -> memref<1x64xf32, #tpu.memory_space<hbm>>
      %dma_start3A_350 = arith.constant 0 : i32
      %dma_start3A_351 = tpu.memref_slice %arg9[%add3A_345, %dma_start3A_350] : memref<256x64xf32, #tpu.memory_space<vmem>> -> memref<1x64xf32, #tpu.memory_space<vmem>>
      %dma_start3A_352 = arith.constant 0 : i32
      %dma_start3A_353 = tpu.memref_slice %arg4[%squeeze3A_343, %dma_start3A_352] : memref<1000000x64xf32, #tpu.memory_space<hbm>> -> memref<1x64xf32, #tpu.memory_space<hbm>>
      tpu.enqueue_dma source(%dma_start3A_353 : memref<1x64xf32, #tpu.memory_space<hbm>>) target(%dma_start3A_351 : memref<1x64xf32, #tpu.memory_space<vmem>>) target_semaphore(%arg12 : memref<!tpu.dma_semaphore, #tpu.memory_space<semaphore_mem>>)
      %slice3A_354 = vector.extract_strided_slice %get3A_56 {offsets = [12], sizes = [1], strides = [1]} : vector<16xi32> to vector<1xi32>
      %squeeze3A_355 = vector.extract %slice3A_354[0] : i32 from vector<1xi32>
      %add3A_356 = arith.constant 12 : i32
      %add3A_357 = arith.addi %add3A_49, %add3A_356 : i32
      %dma_start3A_358 = arith.constant 0 : i32
      %dma_start3A_359 = tpu.memref_slice %arg10[%add3A_357, %dma_start3A_358] : memref<256x64xf32, #tpu.memory_space<vmem>> -> memref<1x64xf32, #tpu.memory_space<vmem>>
      %dma_start3A_360 = arith.constant 0 : i32
      %dma_start3A_361 = tpu.memref_slice %arg5[%squeeze3A_355, %dma_start3A_360] : memref<1000000x64xf32, #tpu.memory_space<hbm>> -> memref<1x64xf32, #tpu.memory_space<hbm>>
      %dma_start3A_362 = arith.constant 0 : i32
      %dma_start3A_363 = tpu.memref_slice %arg10[%add3A_357, %dma_start3A_362] : memref<256x64xf32, #tpu.memory_space<vmem>> -> memref<1x64xf32, #tpu.memory_space<vmem>>
      %dma_start3A_364 = arith.constant 0 : i32
      %dma_start3A_365 = tpu.memref_slice %arg5[%squeeze3A_355, %dma_start3A_364] : memref<1000000x64xf32, #tpu.memory_space<hbm>> -> memref<1x64xf32, #tpu.memory_space<hbm>>
      tpu.enqueue_dma source(%dma_start3A_365 : memref<1x64xf32, #tpu.memory_space<hbm>>) target(%dma_start3A_363 : memref<1x64xf32, #tpu.memory_space<vmem>>) target_semaphore(%arg12 : memref<!tpu.dma_semaphore, #tpu.memory_space<semaphore_mem>>)
      %slice3A_366 = vector.extract_strided_slice %get3A_52 {offsets = [13], sizes = [1], strides = [1]} : vector<16xi32> to vector<1xi32>
      %squeeze3A_367 = vector.extract %slice3A_366[0] : i32 from vector<1xi32>
      %add3A_368 = arith.constant 13 : i32
      %add3A_369 = arith.addi %add3A_49, %add3A_368 : i32
      %dma_start3A_370 = arith.constant 0 : i32
      %dma_start3A_371 = tpu.memref_slice %arg9[%add3A_369, %dma_start3A_370] : memref<256x64xf32, #tpu.memory_space<vmem>> -> memref<1x64xf32, #tpu.memory_space<vmem>>
      %dma_start3A_372 = arith.constant 0 : i32
      %dma_start3A_373 = tpu.memref_slice %arg4[%squeeze3A_367, %dma_start3A_372] : memref<1000000x64xf32, #tpu.memory_space<hbm>> -> memref<1x64xf32, #tpu.memory_space<hbm>>
      %dma_start3A_374 = arith.constant 0 : i32
      %dma_start3A_375 = tpu.memref_slice %arg9[%add3A_369, %dma_start3A_374] : memref<256x64xf32, #tpu.memory_space<vmem>> -> memref<1x64xf32, #tpu.memory_space<vmem>>
      %dma_start3A_376 = arith.constant 0 : i32
      %dma_start3A_377 = tpu.memref_slice %arg4[%squeeze3A_367, %dma_start3A_376] : memref<1000000x64xf32, #tpu.memory_space<hbm>> -> memref<1x64xf32, #tpu.memory_space<hbm>>
      tpu.enqueue_dma source(%dma_start3A_377 : memref<1x64xf32, #tpu.memory_space<hbm>>) target(%dma_start3A_375 : memref<1x64xf32, #tpu.memory_space<vmem>>) target_semaphore(%arg12 : memref<!tpu.dma_semaphore, #tpu.memory_space<semaphore_mem>>)
      %slice3A_378 = vector.extract_strided_slice %get3A_56 {offsets = [13], sizes = [1], strides = [1]} : vector<16xi32> to vector<1xi32>
      %squeeze3A_379 = vector.extract %slice3A_378[0] : i32 from vector<1xi32>
      %add3A_380 = arith.constant 13 : i32
      %add3A_381 = arith.addi %add3A_49, %add3A_380 : i32
      %dma_start3A_382 = arith.constant 0 : i32
      %dma_start3A_383 = tpu.memref_slice %arg10[%add3A_381, %dma_start3A_382] : memref<256x64xf32, #tpu.memory_space<vmem>> -> memref<1x64xf32, #tpu.memory_space<vmem>>
      %dma_start3A_384 = arith.constant 0 : i32
      %dma_start3A_385 = tpu.memref_slice %arg5[%squeeze3A_379, %dma_start3A_384] : memref<1000000x64xf32, #tpu.memory_space<hbm>> -> memref<1x64xf32, #tpu.memory_space<hbm>>
      %dma_start3A_386 = arith.constant 0 : i32
      %dma_start3A_387 = tpu.memref_slice %arg10[%add3A_381, %dma_start3A_386] : memref<256x64xf32, #tpu.memory_space<vmem>> -> memref<1x64xf32, #tpu.memory_space<vmem>>
      %dma_start3A_388 = arith.constant 0 : i32
      %dma_start3A_389 = tpu.memref_slice %arg5[%squeeze3A_379, %dma_start3A_388] : memref<1000000x64xf32, #tpu.memory_space<hbm>> -> memref<1x64xf32, #tpu.memory_space<hbm>>
      tpu.enqueue_dma source(%dma_start3A_389 : memref<1x64xf32, #tpu.memory_space<hbm>>) target(%dma_start3A_387 : memref<1x64xf32, #tpu.memory_space<vmem>>) target_semaphore(%arg12 : memref<!tpu.dma_semaphore, #tpu.memory_space<semaphore_mem>>)
      %slice3A_390 = vector.extract_strided_slice %get3A_52 {offsets = [14], sizes = [1], strides = [1]} : vector<16xi32> to vector<1xi32>
      %squeeze3A_391 = vector.extract %slice3A_390[0] : i32 from vector<1xi32>
      %add3A_392 = arith.constant 14 : i32
      %add3A_393 = arith.addi %add3A_49, %add3A_392 : i32
      %dma_start3A_394 = arith.constant 0 : i32
      %dma_start3A_395 = tpu.memref_slice %arg9[%add3A_393, %dma_start3A_394] : memref<256x64xf32, #tpu.memory_space<vmem>> -> memref<1x64xf32, #tpu.memory_space<vmem>>
      %dma_start3A_396 = arith.constant 0 : i32
      %dma_start3A_397 = tpu.memref_slice %arg4[%squeeze3A_391, %dma_start3A_396] : memref<1000000x64xf32, #tpu.memory_space<hbm>> -> memref<1x64xf32, #tpu.memory_space<hbm>>
      %dma_start3A_398 = arith.constant 0 : i32
      %dma_start3A_399 = tpu.memref_slice %arg9[%add3A_393, %dma_start3A_398] : memref<256x64xf32, #tpu.memory_space<vmem>> -> memref<1x64xf32, #tpu.memory_space<vmem>>
      %dma_start3A_400 = arith.constant 0 : i32
      %dma_start3A_401 = tpu.memref_slice %arg4[%squeeze3A_391, %dma_start3A_400] : memref<1000000x64xf32, #tpu.memory_space<hbm>> -> memref<1x64xf32, #tpu.memory_space<hbm>>
      tpu.enqueue_dma source(%dma_start3A_401 : memref<1x64xf32, #tpu.memory_space<hbm>>) target(%dma_start3A_399 : memref<1x64xf32, #tpu.memory_space<vmem>>) target_semaphore(%arg12 : memref<!tpu.dma_semaphore, #tpu.memory_space<semaphore_mem>>)
      %slice3A_402 = vector.extract_strided_slice %get3A_56 {offsets = [14], sizes = [1], strides = [1]} : vector<16xi32> to vector<1xi32>
      %squeeze3A_403 = vector.extract %slice3A_402[0] : i32 from vector<1xi32>
      %add3A_404 = arith.constant 14 : i32
      %add3A_405 = arith.addi %add3A_49, %add3A_404 : i32
      %dma_start3A_406 = arith.constant 0 : i32
      %dma_start3A_407 = tpu.memref_slice %arg10[%add3A_405, %dma_start3A_406] : memref<256x64xf32, #tpu.memory_space<vmem>> -> memref<1x64xf32, #tpu.memory_space<vmem>>
      %dma_start3A_408 = arith.constant 0 : i32
      %dma_start3A_409 = tpu.memref_slice %arg5[%squeeze3A_403, %dma_start3A_408] : memref<1000000x64xf32, #tpu.memory_space<hbm>> -> memref<1x64xf32, #tpu.memory_space<hbm>>
      %dma_start3A_410 = arith.constant 0 : i32
      %dma_start3A_411 = tpu.memref_slice %arg10[%add3A_405, %dma_start3A_410] : memref<256x64xf32, #tpu.memory_space<vmem>> -> memref<1x64xf32, #tpu.memory_space<vmem>>
      %dma_start3A_412 = arith.constant 0 : i32
      %dma_start3A_413 = tpu.memref_slice %arg5[%squeeze3A_403, %dma_start3A_412] : memref<1000000x64xf32, #tpu.memory_space<hbm>> -> memref<1x64xf32, #tpu.memory_space<hbm>>
      tpu.enqueue_dma source(%dma_start3A_413 : memref<1x64xf32, #tpu.memory_space<hbm>>) target(%dma_start3A_411 : memref<1x64xf32, #tpu.memory_space<vmem>>) target_semaphore(%arg12 : memref<!tpu.dma_semaphore, #tpu.memory_space<semaphore_mem>>)
      %slice3A_414 = vector.extract_strided_slice %get3A_52 {offsets = [15], sizes = [1], strides = [1]} : vector<16xi32> to vector<1xi32>
      %squeeze3A_415 = vector.extract %slice3A_414[0] : i32 from vector<1xi32>
      %add3A_416 = arith.constant 15 : i32
      %add3A_417 = arith.addi %add3A_49, %add3A_416 : i32
      %dma_start3A_418 = arith.constant 0 : i32
      %dma_start3A_419 = tpu.memref_slice %arg9[%add3A_417, %dma_start3A_418] : memref<256x64xf32, #tpu.memory_space<vmem>> -> memref<1x64xf32, #tpu.memory_space<vmem>>
      %dma_start3A_420 = arith.constant 0 : i32
      %dma_start3A_421 = tpu.memref_slice %arg4[%squeeze3A_415, %dma_start3A_420] : memref<1000000x64xf32, #tpu.memory_space<hbm>> -> memref<1x64xf32, #tpu.memory_space<hbm>>
      %dma_start3A_422 = arith.constant 0 : i32
      %dma_start3A_423 = tpu.memref_slice %arg9[%add3A_417, %dma_start3A_422] : memref<256x64xf32, #tpu.memory_space<vmem>> -> memref<1x64xf32, #tpu.memory_space<vmem>>
      %dma_start3A_424 = arith.constant 0 : i32
      %dma_start3A_425 = tpu.memref_slice %arg4[%squeeze3A_415, %dma_start3A_424] : memref<1000000x64xf32, #tpu.memory_space<hbm>> -> memref<1x64xf32, #tpu.memory_space<hbm>>
      tpu.enqueue_dma source(%dma_start3A_425 : memref<1x64xf32, #tpu.memory_space<hbm>>) target(%dma_start3A_423 : memref<1x64xf32, #tpu.memory_space<vmem>>) target_semaphore(%arg12 : memref<!tpu.dma_semaphore, #tpu.memory_space<semaphore_mem>>)
      %slice3A_426 = vector.extract_strided_slice %get3A_56 {offsets = [15], sizes = [1], strides = [1]} : vector<16xi32> to vector<1xi32>
      %squeeze3A_427 = vector.extract %slice3A_426[0] : i32 from vector<1xi32>
      %add3A_428 = arith.constant 15 : i32
      %add3A_429 = arith.addi %add3A_49, %add3A_428 : i32
      %dma_start3A_430 = arith.constant 0 : i32
      %dma_start3A_431 = tpu.memref_slice %arg10[%add3A_429, %dma_start3A_430] : memref<256x64xf32, #tpu.memory_space<vmem>> -> memref<1x64xf32, #tpu.memory_space<vmem>>
      %dma_start3A_432 = arith.constant 0 : i32
      %dma_start3A_433 = tpu.memref_slice %arg5[%squeeze3A_427, %dma_start3A_432] : memref<1000000x64xf32, #tpu.memory_space<hbm>> -> memref<1x64xf32, #tpu.memory_space<hbm>>
      %dma_start3A_434 = arith.constant 0 : i32
      %dma_start3A_435 = tpu.memref_slice %arg10[%add3A_429, %dma_start3A_434] : memref<256x64xf32, #tpu.memory_space<vmem>> -> memref<1x64xf32, #tpu.memory_space<vmem>>
      %dma_start3A_436 = arith.constant 0 : i32
      %dma_start3A_437 = tpu.memref_slice %arg5[%squeeze3A_427, %dma_start3A_436] : memref<1000000x64xf32, #tpu.memory_space<hbm>> -> memref<1x64xf32, #tpu.memory_space<hbm>>
      tpu.enqueue_dma source(%dma_start3A_437 : memref<1x64xf32, #tpu.memory_space<hbm>>) target(%dma_start3A_435 : memref<1x64xf32, #tpu.memory_space<vmem>>) target_semaphore(%arg12 : memref<!tpu.dma_semaphore, #tpu.memory_space<semaphore_mem>>)
    }
    %scan3A_6 = arith.constant 16 : i32
    %dma_wait3A = arith.constant 0 : i32
    %dma_wait3A_7 = arith.constant 0 : i32
    %dma_wait3A_8 = tpu.memref_slice %arg4[%dma_wait3A, %dma_wait3A_7] : memref<1000000x64xf32, #tpu.memory_space<hbm>> -> memref<256x64xf32, #tpu.memory_space<hbm>>
    %dma_wait3A_9 = arith.constant 0 : i32
    %dma_wait3A_10 = arith.constant 0 : i32
    %dma_wait3A_11 = tpu.memref_slice %arg4[%dma_wait3A_9, %dma_wait3A_10] : memref<1000000x64xf32, #tpu.memory_space<hbm>> -> memref<256x64xf32, #tpu.memory_space<hbm>>
    tpu.wait_dma2 semaphore(%arg12 : memref<!tpu.dma_semaphore, #tpu.memory_space<semaphore_mem>>) src(%dma_wait3A_11 : memref<256x64xf32, #tpu.memory_space<hbm>>) dst(%arg9 : memref<256x64xf32, #tpu.memory_space<vmem>>)
    %dma_wait3A_12 = arith.constant 0 : i32
    %dma_wait3A_13 = arith.constant 0 : i32
    %dma_wait3A_14 = tpu.memref_slice %arg5[%dma_wait3A_12, %dma_wait3A_13] : memref<1000000x64xf32, #tpu.memory_space<hbm>> -> memref<256x64xf32, #tpu.memory_space<hbm>>
    %dma_wait3A_15 = arith.constant 0 : i32
    %dma_wait3A_16 = arith.constant 0 : i32
    %dma_wait3A_17 = tpu.memref_slice %arg5[%dma_wait3A_15, %dma_wait3A_16] : memref<1000000x64xf32, #tpu.memory_space<hbm>> -> memref<256x64xf32, #tpu.memory_space<hbm>>
    tpu.wait_dma2 semaphore(%arg12 : memref<!tpu.dma_semaphore, #tpu.memory_space<semaphore_mem>>) src(%dma_wait3A_17 : memref<256x64xf32, #tpu.memory_space<hbm>>) dst(%arg10 : memref<256x64xf32, #tpu.memory_space<vmem>>)
    %scan3A_18 = arith.constant 0 : i32
    %scan3A_19 = arith.constant 16 : i32
    %scan3A_20 = arith.addi %scan3A_18, %scan3A_19 : i32
    %scan3A_21 = arith.constant 1 : i32
    scf.for %scan3A_45 = %scan3A_18 to %scan3A_20 step %scan3A_21  : i32 {
      %mul3A_46 = arith.constant 16 : i32
      %mul3A_47 = arith.muli %scan3A_45, %mul3A_46 : i32
      %add3A_48 = arith.constant 0 : i32
      %add3A_49 = arith.addi %add3A_48, %mul3A_47 : i32
      %broadcast_in_dim3A = arith.constant 0.000000e+00 : f32
      %broadcast_in_dim3A_50 = vector.broadcast %broadcast_in_dim3A : f32 to vector<16xf32>
      %add3A_51 = arith.constant 0 : i32
      %add3A_52 = arith.addi %add3A_49, %add3A_51 : i32
      %get3A = arith.index_cast %add3A_52 : i32 to index
      %get3A_53 = arith.constant 0 : index
      %get3A_54 = tpu.vector_load %arg9[%get3A, %get3A_53] {strides = array<i32>} : memref<256x64xf32, #tpu.memory_space<vmem>>, vector<16xf32>,
      %get3A_55 = arith.index_cast %add3A_52 : i32 to index
      %get3A_56 = arith.constant 0 : index
      %get3A_57 = tpu.vector_load %arg10[%get3A_55, %get3A_56] {strides = array<i32>} : memref<256x64xf32, #tpu.memory_space<vmem>>, vector<16xf32>,
      %mul3A_58 = arith.mulf %get3A_54, %get3A_57 : vector<16xf32>
      %get3A_59 = arith.index_cast %add3A_52 : i32 to index
      %get3A_60 = arith.constant 16 : index
      %get3A_61 = tpu.vector_load %arg9[%get3A_59, %get3A_60] {strides = array<i32>} : memref<256x64xf32, #tpu.memory_space<vmem>>, vector<16xf32>,
      %get3A_62 = arith.index_cast %add3A_52 : i32 to index
      %get3A_63 = arith.constant 16 : index
      %get3A_64 = tpu.vector_load %arg10[%get3A_62, %get3A_63] {strides = array<i32>} : memref<256x64xf32, #tpu.memory_space<vmem>>, vector<16xf32>,
      %mul3A_65 = arith.mulf %get3A_61, %get3A_64 : vector<16xf32>
      %add3A_66 = arith.addf %mul3A_58, %mul3A_65 : vector<16xf32>
      %get3A_67 = arith.index_cast %add3A_52 : i32 to index
      %get3A_68 = arith.constant 32 : index
      %get3A_69 = tpu.vector_load %arg9[%get3A_67, %get3A_68] {strides = array<i32>} : memref<256x64xf32, #tpu.memory_space<vmem>>, vector<16xf32>,
      %get3A_70 = arith.index_cast %add3A_52 : i32 to index
      %get3A_71 = arith.constant 32 : index
      %get3A_72 = tpu.vector_load %arg10[%get3A_70, %get3A_71] {strides = array<i32>} : memref<256x64xf32, #tpu.memory_space<vmem>>, vector<16xf32>,
      %mul3A_73 = arith.mulf %get3A_69, %get3A_72 : vector<16xf32>
      %add3A_74 = arith.addf %add3A_66, %mul3A_73 : vector<16xf32>
      %get3A_75 = arith.index_cast %add3A_52 : i32 to index
      %get3A_76 = arith.constant 48 : index
      %get3A_77 = tpu.vector_load %arg9[%get3A_75, %get3A_76] {strides = array<i32>} : memref<256x64xf32, #tpu.memory_space<vmem>>, vector<16xf32>,
      %get3A_78 = arith.index_cast %add3A_52 : i32 to index
      %get3A_79 = arith.constant 48 : index
      %get3A_80 = tpu.vector_load %arg10[%get3A_78, %get3A_79] {strides = array<i32>} : memref<256x64xf32, #tpu.memory_space<vmem>>, vector<16xf32>,
      %mul3A_81 = arith.mulf %get3A_77, %get3A_80 : vector<16xf32>
      %add3A_82 = arith.addf %add3A_74, %mul3A_81 : vector<16xf32>
      %eq3A = arith.constant 0 : i32
      %eq3A_83 = vector.broadcast %eq3A : i32 to vector<16xi32>
      %eq3A_84 = arith.cmpi eq, %iota3A, %eq3A_83 : vector<16xi32>
      %reduce_sum3A = arith.constant true
      %reduce_sum3A_85 = vector.broadcast %reduce_sum3A : i1 to vector<16xi1>
      %reduce_sum3A_86 = tpu.scan <sum>, %add3A_82 masked %reduce_sum3A_85 : vector<16xf32>, vector<16xi1> -> vector<16xf32>
      %reduce_sum3A_87 = vector.extract %reduce_sum3A_86[15] : f32 from vector<16xf32>
      %broadcast_in_dim3A_88 = vector.broadcast %reduce_sum3A_87 : f32 to vector<16xf32>
      %select_n3A = arith.select %eq3A_84, %broadcast_in_dim3A_88, %broadcast_in_dim3A_50 : vector<16xi1>, vector<16xf32>
      %add3A_89 = arith.constant 1 : i32
      %add3A_90 = arith.addi %add3A_49, %add3A_89 : i32
      %get3A_91 = arith.index_cast %add3A_90 : i32 to index
      %get3A_92 = arith.constant 0 : index
      %get3A_93 = tpu.vector_load %arg9[%get3A_91, %get3A_92] {strides = array<i32>} : memref<256x64xf32, #tpu.memory_space<vmem>>, vector<16xf32>,
      %get3A_94 = arith.index_cast %add3A_90 : i32 to index
      %get3A_95 = arith.constant 0 : index
      %get3A_96 = tpu.vector_load %arg10[%get3A_94, %get3A_95] {strides = array<i32>} : memref<256x64xf32, #tpu.memory_space<vmem>>, vector<16xf32>,
      %mul3A_97 = arith.mulf %get3A_93, %get3A_96 : vector<16xf32>
      %get3A_98 = arith.index_cast %add3A_90 : i32 to index
      %get3A_99 = arith.constant 16 : index
      %get3A_100 = tpu.vector_load %arg9[%get3A_98, %get3A_99] {strides = array<i32>} : memref<256x64xf32, #tpu.memory_space<vmem>>, vector<16xf32>,
      %get3A_101 = arith.index_cast %add3A_90 : i32 to index
      %get3A_102 = arith.constant 16 : index
      %get3A_103 = tpu.vector_load %arg10[%get3A_101, %get3A_102] {strides = array<i32>} : memref<256x64xf32, #tpu.memory_space<vmem>>, vector<16xf32>,
      %mul3A_104 = arith.mulf %get3A_100, %get3A_103 : vector<16xf32>
      %add3A_105 = arith.addf %mul3A_97, %mul3A_104 : vector<16xf32>
      %get3A_106 = arith.index_cast %add3A_90 : i32 to index
      %get3A_107 = arith.constant 32 : index
      %get3A_108 = tpu.vector_load %arg9[%get3A_106, %get3A_107] {strides = array<i32>} : memref<256x64xf32, #tpu.memory_space<vmem>>, vector<16xf32>,
      %get3A_109 = arith.index_cast %add3A_90 : i32 to index
      %get3A_110 = arith.constant 32 : index
      %get3A_111 = tpu.vector_load %arg10[%get3A_109, %get3A_110] {strides = array<i32>} : memref<256x64xf32, #tpu.memory_space<vmem>>, vector<16xf32>,
      %mul3A_112 = arith.mulf %get3A_108, %get3A_111 : vector<16xf32>
      %add3A_113 = arith.addf %add3A_105, %mul3A_112 : vector<16xf32>
      %get3A_114 = arith.index_cast %add3A_90 : i32 to index
      %get3A_115 = arith.constant 48 : index
      %get3A_116 = tpu.vector_load %arg9[%get3A_114, %get3A_115] {strides = array<i32>} : memref<256x64xf32, #tpu.memory_space<vmem>>, vector<16xf32>,
      %get3A_117 = arith.index_cast %add3A_90 : i32 to index
      %get3A_118 = arith.constant 48 : index
      %get3A_119 = tpu.vector_load %arg10[%get3A_117, %get3A_118] {strides = array<i32>} : memref<256x64xf32, #tpu.memory_space<vmem>>, vector<16xf32>,
      %mul3A_120 = arith.mulf %get3A_116, %get3A_119 : vector<16xf32>
      %add3A_121 = arith.addf %add3A_113, %mul3A_120 : vector<16xf32>
      %eq3A_122 = arith.constant 1 : i32
      %eq3A_123 = vector.broadcast %eq3A_122 : i32 to vector<16xi32>
      %eq3A_124 = arith.cmpi eq, %iota3A, %eq3A_123 : vector<16xi32>
      %reduce_sum3A_125 = arith.constant true
      %reduce_sum3A_126 = vector.broadcast %reduce_sum3A_125 : i1 to vector<16xi1>
      %reduce_sum3A_127 = tpu.scan <sum>, %add3A_121 masked %reduce_sum3A_126 : vector<16xf32>, vector<16xi1> -> vector<16xf32>
      %reduce_sum3A_128 = vector.extract %reduce_sum3A_127[15] : f32 from vector<16xf32>
      %broadcast_in_dim3A_129 = vector.broadcast %reduce_sum3A_128 : f32 to vector<16xf32>
      %select_n3A_130 = arith.select %eq3A_124, %broadcast_in_dim3A_129, %select_n3A : vector<16xi1>, vector<16xf32>
      %add3A_131 = arith.constant 2 : i32
      %add3A_132 = arith.addi %add3A_49, %add3A_131 : i32
      %get3A_133 = arith.index_cast %add3A_132 : i32 to index
      %get3A_134 = arith.constant 0 : index
      %get3A_135 = tpu.vector_load %arg9[%get3A_133, %get3A_134] {strides = array<i32>} : memref<256x64xf32, #tpu.memory_space<vmem>>, vector<16xf32>,
      %get3A_136 = arith.index_cast %add3A_132 : i32 to index
      %get3A_137 = arith.constant 0 : index
      %get3A_138 = tpu.vector_load %arg10[%get3A_136, %get3A_137] {strides = array<i32>} : memref<256x64xf32, #tpu.memory_space<vmem>>, vector<16xf32>,
      %mul3A_139 = arith.mulf %get3A_135, %get3A_138 : vector<16xf32>
      %get3A_140 = arith.index_cast %add3A_132 : i32 to index
      %get3A_141 = arith.constant 16 : index
      %get3A_142 = tpu.vector_load %arg9[%get3A_140, %get3A_141] {strides = array<i32>} : memref<256x64xf32, #tpu.memory_space<vmem>>, vector<16xf32>,
      %get3A_143 = arith.index_cast %add3A_132 : i32 to index
      %get3A_144 = arith.constant 16 : index
      %get3A_145 = tpu.vector_load %arg10[%get3A_143, %get3A_144] {strides = array<i32>} : memref<256x64xf32, #tpu.memory_space<vmem>>, vector<16xf32>,
      %mul3A_146 = arith.mulf %get3A_142, %get3A_145 : vector<16xf32>
      %add3A_147 = arith.addf %mul3A_139, %mul3A_146 : vector<16xf32>
      %get3A_148 = arith.index_cast %add3A_132 : i32 to index
      %get3A_149 = arith.constant 32 : index
      %get3A_150 = tpu.vector_load %arg9[%get3A_148, %get3A_149] {strides = array<i32>} : memref<256x64xf32, #tpu.memory_space<vmem>>, vector<16xf32>,
      %get3A_151 = arith.index_cast %add3A_132 : i32 to index
      %get3A_152 = arith.constant 32 : index
      %get3A_153 = tpu.vector_load %arg10[%get3A_151, %get3A_152] {strides = array<i32>} : memref<256x64xf32, #tpu.memory_space<vmem>>, vector<16xf32>,
      %mul3A_154 = arith.mulf %get3A_150, %get3A_153 : vector<16xf32>
      %add3A_155 = arith.addf %add3A_147, %mul3A_154 : vector<16xf32>
      %get3A_156 = arith.index_cast %add3A_132 : i32 to index
      %get3A_157 = arith.constant 48 : index
      %get3A_158 = tpu.vector_load %arg9[%get3A_156, %get3A_157] {strides = array<i32>} : memref<256x64xf32, #tpu.memory_space<vmem>>, vector<16xf32>,
      %get3A_159 = arith.index_cast %add3A_132 : i32 to index
      %get3A_160 = arith.constant 48 : index
      %get3A_161 = tpu.vector_load %arg10[%get3A_159, %get3A_160] {strides = array<i32>} : memref<256x64xf32, #tpu.memory_space<vmem>>, vector<16xf32>,
      %mul3A_162 = arith.mulf %get3A_158, %get3A_161 : vector<16xf32>
      %add3A_163 = arith.addf %add3A_155, %mul3A_162 : vector<16xf32>
      %eq3A_164 = arith.constant 2 : i32
      %eq3A_165 = vector.broadcast %eq3A_164 : i32 to vector<16xi32>
      %eq3A_166 = arith.cmpi eq, %iota3A, %eq3A_165 : vector<16xi32>
      %reduce_sum3A_167 = arith.constant true
      %reduce_sum3A_168 = vector.broadcast %reduce_sum3A_167 : i1 to vector<16xi1>
      %reduce_sum3A_169 = tpu.scan <sum>, %add3A_163 masked %reduce_sum3A_168 : vector<16xf32>, vector<16xi1> -> vector<16xf32>
      %reduce_sum3A_170 = vector.extract %reduce_sum3A_169[15] : f32 from vector<16xf32>
      %broadcast_in_dim3A_171 = vector.broadcast %reduce_sum3A_170 : f32 to vector<16xf32>
      %select_n3A_172 = arith.select %eq3A_166, %broadcast_in_dim3A_171, %select_n3A_130 : vector<16xi1>, vector<16xf32>
      %add3A_173 = arith.constant 3 : i32
      %add3A_174 = arith.addi %add3A_49, %add3A_173 : i32
      %get3A_175 = arith.index_cast %add3A_174 : i32 to index
      %get3A_176 = arith.constant 0 : index
      %get3A_177 = tpu.vector_load %arg9[%get3A_175, %get3A_176] {strides = array<i32>} : memref<256x64xf32, #tpu.memory_space<vmem>>, vector<16xf32>,
      %get3A_178 = arith.index_cast %add3A_174 : i32 to index
      %get3A_179 = arith.constant 0 : index
      %get3A_180 = tpu.vector_load %arg10[%get3A_178, %get3A_179] {strides = array<i32>} : memref<256x64xf32, #tpu.memory_space<vmem>>, vector<16xf32>,
      %mul3A_181 = arith.mulf %get3A_177, %get3A_180 : vector<16xf32>
      %get3A_182 = arith.index_cast %add3A_174 : i32 to index
      %get3A_183 = arith.constant 16 : index
      %get3A_184 = tpu.vector_load %arg9[%get3A_182, %get3A_183] {strides = array<i32>} : memref<256x64xf32, #tpu.memory_space<vmem>>, vector<16xf32>,
      %get3A_185 = arith.index_cast %add3A_174 : i32 to index
      %get3A_186 = arith.constant 16 : index
      %get3A_187 = tpu.vector_load %arg10[%get3A_185, %get3A_186] {strides = array<i32>} : memref<256x64xf32, #tpu.memory_space<vmem>>, vector<16xf32>,
      %mul3A_188 = arith.mulf %get3A_184, %get3A_187 : vector<16xf32>
      %add3A_189 = arith.addf %mul3A_181, %mul3A_188 : vector<16xf32>
      %get3A_190 = arith.index_cast %add3A_174 : i32 to index
      %get3A_191 = arith.constant 32 : index
      %get3A_192 = tpu.vector_load %arg9[%get3A_190, %get3A_191] {strides = array<i32>} : memref<256x64xf32, #tpu.memory_space<vmem>>, vector<16xf32>,
      %get3A_193 = arith.index_cast %add3A_174 : i32 to index
      %get3A_194 = arith.constant 32 : index
      %get3A_195 = tpu.vector_load %arg10[%get3A_193, %get3A_194] {strides = array<i32>} : memref<256x64xf32, #tpu.memory_space<vmem>>, vector<16xf32>,
      %mul3A_196 = arith.mulf %get3A_192, %get3A_195 : vector<16xf32>
      %add3A_197 = arith.addf %add3A_189, %mul3A_196 : vector<16xf32>
      %get3A_198 = arith.index_cast %add3A_174 : i32 to index
      %get3A_199 = arith.constant 48 : index
      %get3A_200 = tpu.vector_load %arg9[%get3A_198, %get3A_199] {strides = array<i32>} : memref<256x64xf32, #tpu.memory_space<vmem>>, vector<16xf32>,
      %get3A_201 = arith.index_cast %add3A_174 : i32 to index
      %get3A_202 = arith.constant 48 : index
      %get3A_203 = tpu.vector_load %arg10[%get3A_201, %get3A_202] {strides = array<i32>} : memref<256x64xf32, #tpu.memory_space<vmem>>, vector<16xf32>,
      %mul3A_204 = arith.mulf %get3A_200, %get3A_203 : vector<16xf32>
      %add3A_205 = arith.addf %add3A_197, %mul3A_204 : vector<16xf32>
      %eq3A_206 = arith.constant 3 : i32
      %eq3A_207 = vector.broadcast %eq3A_206 : i32 to vector<16xi32>
      %eq3A_208 = arith.cmpi eq, %iota3A, %eq3A_207 : vector<16xi32>
      %reduce_sum3A_209 = arith.constant true
      %reduce_sum3A_210 = vector.broadcast %reduce_sum3A_209 : i1 to vector<16xi1>
      %reduce_sum3A_211 = tpu.scan <sum>, %add3A_205 masked %reduce_sum3A_210 : vector<16xf32>, vector<16xi1> -> vector<16xf32>
      %reduce_sum3A_212 = vector.extract %reduce_sum3A_211[15] : f32 from vector<16xf32>
      %broadcast_in_dim3A_213 = vector.broadcast %reduce_sum3A_212 : f32 to vector<16xf32>
      %select_n3A_214 = arith.select %eq3A_208, %broadcast_in_dim3A_213, %select_n3A_172 : vector<16xi1>, vector<16xf32>
      %add3A_215 = arith.constant 4 : i32
      %add3A_216 = arith.addi %add3A_49, %add3A_215 : i32
      %get3A_217 = arith.index_cast %add3A_216 : i32 to index
      %get3A_218 = arith.constant 0 : index
      %get3A_219 = tpu.vector_load %arg9[%get3A_217, %get3A_218] {strides = array<i32>} : memref<256x64xf32, #tpu.memory_space<vmem>>, vector<16xf32>,
      %get3A_220 = arith.index_cast %add3A_216 : i32 to index
      %get3A_221 = arith.constant 0 : index
      %get3A_222 = tpu.vector_load %arg10[%get3A_220, %get3A_221] {strides = array<i32>} : memref<256x64xf32, #tpu.memory_space<vmem>>, vector<16xf32>,
      %mul3A_223 = arith.mulf %get3A_219, %get3A_222 : vector<16xf32>
      %get3A_224 = arith.index_cast %add3A_216 : i32 to index
      %get3A_225 = arith.constant 16 : index
      %get3A_226 = tpu.vector_load %arg9[%get3A_224, %get3A_225] {strides = array<i32>} : memref<256x64xf32, #tpu.memory_space<vmem>>, vector<16xf32>,
      %get3A_227 = arith.index_cast %add3A_216 : i32 to index
      %get3A_228 = arith.constant 16 : index
      %get3A_229 = tpu.vector_load %arg10[%get3A_227, %get3A_228] {strides = array<i32>} : memref<256x64xf32, #tpu.memory_space<vmem>>, vector<16xf32>,
      %mul3A_230 = arith.mulf %get3A_226, %get3A_229 : vector<16xf32>
      %add3A_231 = arith.addf %mul3A_223, %mul3A_230 : vector<16xf32>
      %get3A_232 = arith.index_cast %add3A_216 : i32 to index
      %get3A_233 = arith.constant 32 : index
      %get3A_234 = tpu.vector_load %arg9[%get3A_232, %get3A_233] {strides = array<i32>} : memref<256x64xf32, #tpu.memory_space<vmem>>, vector<16xf32>,
      %get3A_235 = arith.index_cast %add3A_216 : i32 to index
      %get3A_236 = arith.constant 32 : index
      %get3A_237 = tpu.vector_load %arg10[%get3A_235, %get3A_236] {strides = array<i32>} : memref<256x64xf32, #tpu.memory_space<vmem>>, vector<16xf32>,
      %mul3A_238 = arith.mulf %get3A_234, %get3A_237 : vector<16xf32>
      %add3A_239 = arith.addf %add3A_231, %mul3A_238 : vector<16xf32>
      %get3A_240 = arith.index_cast %add3A_216 : i32 to index
      %get3A_241 = arith.constant 48 : index
      %get3A_242 = tpu.vector_load %arg9[%get3A_240, %get3A_241] {strides = array<i32>} : memref<256x64xf32, #tpu.memory_space<vmem>>, vector<16xf32>,
      %get3A_243 = arith.index_cast %add3A_216 : i32 to index
      %get3A_244 = arith.constant 48 : index
      %get3A_245 = tpu.vector_load %arg10[%get3A_243, %get3A_244] {strides = array<i32>} : memref<256x64xf32, #tpu.memory_space<vmem>>, vector<16xf32>,
      %mul3A_246 = arith.mulf %get3A_242, %get3A_245 : vector<16xf32>
      %add3A_247 = arith.addf %add3A_239, %mul3A_246 : vector<16xf32>
      %eq3A_248 = arith.constant 4 : i32
      %eq3A_249 = vector.broadcast %eq3A_248 : i32 to vector<16xi32>
      %eq3A_250 = arith.cmpi eq, %iota3A, %eq3A_249 : vector<16xi32>
      %reduce_sum3A_251 = arith.constant true
      %reduce_sum3A_252 = vector.broadcast %reduce_sum3A_251 : i1 to vector<16xi1>
      %reduce_sum3A_253 = tpu.scan <sum>, %add3A_247 masked %reduce_sum3A_252 : vector<16xf32>, vector<16xi1> -> vector<16xf32>
      %reduce_sum3A_254 = vector.extract %reduce_sum3A_253[15] : f32 from vector<16xf32>
      %broadcast_in_dim3A_255 = vector.broadcast %reduce_sum3A_254 : f32 to vector<16xf32>
      %select_n3A_256 = arith.select %eq3A_250, %broadcast_in_dim3A_255, %select_n3A_214 : vector<16xi1>, vector<16xf32>
      %add3A_257 = arith.constant 5 : i32
      %add3A_258 = arith.addi %add3A_49, %add3A_257 : i32
      %get3A_259 = arith.index_cast %add3A_258 : i32 to index
      %get3A_260 = arith.constant 0 : index
      %get3A_261 = tpu.vector_load %arg9[%get3A_259, %get3A_260] {strides = array<i32>} : memref<256x64xf32, #tpu.memory_space<vmem>>, vector<16xf32>,
      %get3A_262 = arith.index_cast %add3A_258 : i32 to index
      %get3A_263 = arith.constant 0 : index
      %get3A_264 = tpu.vector_load %arg10[%get3A_262, %get3A_263] {strides = array<i32>} : memref<256x64xf32, #tpu.memory_space<vmem>>, vector<16xf32>,
      %mul3A_265 = arith.mulf %get3A_261, %get3A_264 : vector<16xf32>
      %get3A_266 = arith.index_cast %add3A_258 : i32 to index
      %get3A_267 = arith.constant 16 : index
      %get3A_268 = tpu.vector_load %arg9[%get3A_266, %get3A_267] {strides = array<i32>} : memref<256x64xf32, #tpu.memory_space<vmem>>, vector<16xf32>,
      %get3A_269 = arith.index_cast %add3A_258 : i32 to index
      %get3A_270 = arith.constant 16 : index
      %get3A_271 = tpu.vector_load %arg10[%get3A_269, %get3A_270] {strides = array<i32>} : memref<256x64xf32, #tpu.memory_space<vmem>>, vector<16xf32>,
      %mul3A_272 = arith.mulf %get3A_268, %get3A_271 : vector<16xf32>
      %add3A_273 = arith.addf %mul3A_265, %mul3A_272 : vector<16xf32>
      %get3A_274 = arith.index_cast %add3A_258 : i32 to index
      %get3A_275 = arith.constant 32 : index
      %get3A_276 = tpu.vector_load %arg9[%get3A_274, %get3A_275] {strides = array<i32>} : memref<256x64xf32, #tpu.memory_space<vmem>>, vector<16xf32>,
      %get3A_277 = arith.index_cast %add3A_258 : i32 to index
      %get3A_278 = arith.constant 32 : index
      %get3A_279 = tpu.vector_load %arg10[%get3A_277, %get3A_278] {strides = array<i32>} : memref<256x64xf32, #tpu.memory_space<vmem>>, vector<16xf32>,
      %mul3A_280 = arith.mulf %get3A_276, %get3A_279 : vector<16xf32>
      %add3A_281 = arith.addf %add3A_273, %mul3A_280 : vector<16xf32>
      %get3A_282 = arith.index_cast %add3A_258 : i32 to index
      %get3A_283 = arith.constant 48 : index
      %get3A_284 = tpu.vector_load %arg9[%get3A_282, %get3A_283] {strides = array<i32>} : memref<256x64xf32, #tpu.memory_space<vmem>>, vector<16xf32>,
      %get3A_285 = arith.index_cast %add3A_258 : i32 to index
      %get3A_286 = arith.constant 48 : index
      %get3A_287 = tpu.vector_load %arg10[%get3A_285, %get3A_286] {strides = array<i32>} : memref<256x64xf32, #tpu.memory_space<vmem>>, vector<16xf32>,
      %mul3A_288 = arith.mulf %get3A_284, %get3A_287 : vector<16xf32>
      %add3A_289 = arith.addf %add3A_281, %mul3A_288 : vector<16xf32>
      %eq3A_290 = arith.constant 5 : i32
      %eq3A_291 = vector.broadcast %eq3A_290 : i32 to vector<16xi32>
      %eq3A_292 = arith.cmpi eq, %iota3A, %eq3A_291 : vector<16xi32>
      %reduce_sum3A_293 = arith.constant true
      %reduce_sum3A_294 = vector.broadcast %reduce_sum3A_293 : i1 to vector<16xi1>
      %reduce_sum3A_295 = tpu.scan <sum>, %add3A_289 masked %reduce_sum3A_294 : vector<16xf32>, vector<16xi1> -> vector<16xf32>
      %reduce_sum3A_296 = vector.extract %reduce_sum3A_295[15] : f32 from vector<16xf32>
      %broadcast_in_dim3A_297 = vector.broadcast %reduce_sum3A_296 : f32 to vector<16xf32>
      %select_n3A_298 = arith.select %eq3A_292, %broadcast_in_dim3A_297, %select_n3A_256 : vector<16xi1>, vector<16xf32>
      %add3A_299 = arith.constant 6 : i32
      %add3A_300 = arith.addi %add3A_49, %add3A_299 : i32
      %get3A_301 = arith.index_cast %add3A_300 : i32 to index
      %get3A_302 = arith.constant 0 : index
      %get3A_303 = tpu.vector_load %arg9[%get3A_301, %get3A_302] {strides = array<i32>} : memref<256x64xf32, #tpu.memory_space<vmem>>, vector<16xf32>,
      %get3A_304 = arith.index_cast %add3A_300 : i32 to index
      %get3A_305 = arith.constant 0 : index
      %get3A_306 = tpu.vector_load %arg10[%get3A_304, %get3A_305] {strides = array<i32>} : memref<256x64xf32, #tpu.memory_space<vmem>>, vector<16xf32>,
      %mul3A_307 = arith.mulf %get3A_303, %get3A_306 : vector<16xf32>
      %get3A_308 = arith.index_cast %add3A_300 : i32 to index
      %get3A_309 = arith.constant 16 : index
      %get3A_310 = tpu.vector_load %arg9[%get3A_308, %get3A_309] {strides = array<i32>} : memref<256x64xf32, #tpu.memory_space<vmem>>, vector<16xf32>,
      %get3A_311 = arith.index_cast %add3A_300 : i32 to index
      %get3A_312 = arith.constant 16 : index
      %get3A_313 = tpu.vector_load %arg10[%get3A_311, %get3A_312] {strides = array<i32>} : memref<256x64xf32, #tpu.memory_space<vmem>>, vector<16xf32>,
      %mul3A_314 = arith.mulf %get3A_310, %get3A_313 : vector<16xf32>
      %add3A_315 = arith.addf %mul3A_307, %mul3A_314 : vector<16xf32>
      %get3A_316 = arith.index_cast %add3A_300 : i32 to index
      %get3A_317 = arith.constant 32 : index
      %get3A_318 = tpu.vector_load %arg9[%get3A_316, %get3A_317] {strides = array<i32>} : memref<256x64xf32, #tpu.memory_space<vmem>>, vector<16xf32>,
      %get3A_319 = arith.index_cast %add3A_300 : i32 to index
      %get3A_320 = arith.constant 32 : index
      %get3A_321 = tpu.vector_load %arg10[%get3A_319, %get3A_320] {strides = array<i32>} : memref<256x64xf32, #tpu.memory_space<vmem>>, vector<16xf32>,
      %mul3A_322 = arith.mulf %get3A_318, %get3A_321 : vector<16xf32>
      %add3A_323 = arith.addf %add3A_315, %mul3A_322 : vector<16xf32>
      %get3A_324 = arith.index_cast %add3A_300 : i32 to index
      %get3A_325 = arith.constant 48 : index
      %get3A_326 = tpu.vector_load %arg9[%get3A_324, %get3A_325] {strides = array<i32>} : memref<256x64xf32, #tpu.memory_space<vmem>>, vector<16xf32>,
      %get3A_327 = arith.index_cast %add3A_300 : i32 to index
      %get3A_328 = arith.constant 48 : index
      %get3A_329 = tpu.vector_load %arg10[%get3A_327, %get3A_328] {strides = array<i32>} : memref<256x64xf32, #tpu.memory_space<vmem>>, vector<16xf32>,
      %mul3A_330 = arith.mulf %get3A_326, %get3A_329 : vector<16xf32>
      %add3A_331 = arith.addf %add3A_323, %mul3A_330 : vector<16xf32>
      %eq3A_332 = arith.constant 6 : i32
      %eq3A_333 = vector.broadcast %eq3A_332 : i32 to vector<16xi32>
      %eq3A_334 = arith.cmpi eq, %iota3A, %eq3A_333 : vector<16xi32>
      %reduce_sum3A_335 = arith.constant true
      %reduce_sum3A_336 = vector.broadcast %reduce_sum3A_335 : i1 to vector<16xi1>
      %reduce_sum3A_337 = tpu.scan <sum>, %add3A_331 masked %reduce_sum3A_336 : vector<16xf32>, vector<16xi1> -> vector<16xf32>
      %reduce_sum3A_338 = vector.extract %reduce_sum3A_337[15] : f32 from vector<16xf32>
      %broadcast_in_dim3A_339 = vector.broadcast %reduce_sum3A_338 : f32 to vector<16xf32>
      %select_n3A_340 = arith.select %eq3A_334, %broadcast_in_dim3A_339, %select_n3A_298 : vector<16xi1>, vector<16xf32>
      %add3A_341 = arith.constant 7 : i32
      %add3A_342 = arith.addi %add3A_49, %add3A_341 : i32
      %get3A_343 = arith.index_cast %add3A_342 : i32 to index
      %get3A_344 = arith.constant 0 : index
      %get3A_345 = tpu.vector_load %arg9[%get3A_343, %get3A_344] {strides = array<i32>} : memref<256x64xf32, #tpu.memory_space<vmem>>, vector<16xf32>,
      %get3A_346 = arith.index_cast %add3A_342 : i32 to index
      %get3A_347 = arith.constant 0 : index
      %get3A_348 = tpu.vector_load %arg10[%get3A_346, %get3A_347] {strides = array<i32>} : memref<256x64xf32, #tpu.memory_space<vmem>>, vector<16xf32>,
      %mul3A_349 = arith.mulf %get3A_345, %get3A_348 : vector<16xf32>
      %get3A_350 = arith.index_cast %add3A_342 : i32 to index
      %get3A_351 = arith.constant 16 : index
      %get3A_352 = tpu.vector_load %arg9[%get3A_350, %get3A_351] {strides = array<i32>} : memref<256x64xf32, #tpu.memory_space<vmem>>, vector<16xf32>,
      %get3A_353 = arith.index_cast %add3A_342 : i32 to index
      %get3A_354 = arith.constant 16 : index
      %get3A_355 = tpu.vector_load %arg10[%get3A_353, %get3A_354] {strides = array<i32>} : memref<256x64xf32, #tpu.memory_space<vmem>>, vector<16xf32>,
      %mul3A_356 = arith.mulf %get3A_352, %get3A_355 : vector<16xf32>
      %add3A_357 = arith.addf %mul3A_349, %mul3A_356 : vector<16xf32>
      %get3A_358 = arith.index_cast %add3A_342 : i32 to index
      %get3A_359 = arith.constant 32 : index
      %get3A_360 = tpu.vector_load %arg9[%get3A_358, %get3A_359] {strides = array<i32>} : memref<256x64xf32, #tpu.memory_space<vmem>>, vector<16xf32>,
      %get3A_361 = arith.index_cast %add3A_342 : i32 to index
      %get3A_362 = arith.constant 32 : index
      %get3A_363 = tpu.vector_load %arg10[%get3A_361, %get3A_362] {strides = array<i32>} : memref<256x64xf32, #tpu.memory_space<vmem>>, vector<16xf32>,
      %mul3A_364 = arith.mulf %get3A_360, %get3A_363 : vector<16xf32>
      %add3A_365 = arith.addf %add3A_357, %mul3A_364 : vector<16xf32>
      %get3A_366 = arith.index_cast %add3A_342 : i32 to index
      %get3A_367 = arith.constant 48 : index
      %get3A_368 = tpu.vector_load %arg9[%get3A_366, %get3A_367] {strides = array<i32>} : memref<256x64xf32, #tpu.memory_space<vmem>>, vector<16xf32>,
      %get3A_369 = arith.index_cast %add3A_342 : i32 to index
      %get3A_370 = arith.constant 48 : index
      %get3A_371 = tpu.vector_load %arg10[%get3A_369, %get3A_370] {strides = array<i32>} : memref<256x64xf32, #tpu.memory_space<vmem>>, vector<16xf32>,
      %mul3A_372 = arith.mulf %get3A_368, %get3A_371 : vector<16xf32>
      %add3A_373 = arith.addf %add3A_365, %mul3A_372 : vector<16xf32>
      %eq3A_374 = arith.constant 7 : i32
      %eq3A_375 = vector.broadcast %eq3A_374 : i32 to vector<16xi32>
      %eq3A_376 = arith.cmpi eq, %iota3A, %eq3A_375 : vector<16xi32>
      %reduce_sum3A_377 = arith.constant true
      %reduce_sum3A_378 = vector.broadcast %reduce_sum3A_377 : i1 to vector<16xi1>
      %reduce_sum3A_379 = tpu.scan <sum>, %add3A_373 masked %reduce_sum3A_378 : vector<16xf32>, vector<16xi1> -> vector<16xf32>
      %reduce_sum3A_380 = vector.extract %reduce_sum3A_379[15] : f32 from vector<16xf32>
      %broadcast_in_dim3A_381 = vector.broadcast %reduce_sum3A_380 : f32 to vector<16xf32>
      %select_n3A_382 = arith.select %eq3A_376, %broadcast_in_dim3A_381, %select_n3A_340 : vector<16xi1>, vector<16xf32>
      %add3A_383 = arith.constant 8 : i32
      %add3A_384 = arith.addi %add3A_49, %add3A_383 : i32
      %get3A_385 = arith.index_cast %add3A_384 : i32 to index
      %get3A_386 = arith.constant 0 : index
      %get3A_387 = tpu.vector_load %arg9[%get3A_385, %get3A_386] {strides = array<i32>} : memref<256x64xf32, #tpu.memory_space<vmem>>, vector<16xf32>,
      %get3A_388 = arith.index_cast %add3A_384 : i32 to index
      %get3A_389 = arith.constant 0 : index
      %get3A_390 = tpu.vector_load %arg10[%get3A_388, %get3A_389] {strides = array<i32>} : memref<256x64xf32, #tpu.memory_space<vmem>>, vector<16xf32>,
      %mul3A_391 = arith.mulf %get3A_387, %get3A_390 : vector<16xf32>
      %get3A_392 = arith.index_cast %add3A_384 : i32 to index
      %get3A_393 = arith.constant 16 : index
      %get3A_394 = tpu.vector_load %arg9[%get3A_392, %get3A_393] {strides = array<i32>} : memref<256x64xf32, #tpu.memory_space<vmem>>, vector<16xf32>,
      %get3A_395 = arith.index_cast %add3A_384 : i32 to index
      %get3A_396 = arith.constant 16 : index
      %get3A_397 = tpu.vector_load %arg10[%get3A_395, %get3A_396] {strides = array<i32>} : memref<256x64xf32, #tpu.memory_space<vmem>>, vector<16xf32>,
      %mul3A_398 = arith.mulf %get3A_394, %get3A_397 : vector<16xf32>
      %add3A_399 = arith.addf %mul3A_391, %mul3A_398 : vector<16xf32>
      %get3A_400 = arith.index_cast %add3A_384 : i32 to index
      %get3A_401 = arith.constant 32 : index
      %get3A_402 = tpu.vector_load %arg9[%get3A_400, %get3A_401] {strides = array<i32>} : memref<256x64xf32, #tpu.memory_space<vmem>>, vector<16xf32>,
      %get3A_403 = arith.index_cast %add3A_384 : i32 to index
      %get3A_404 = arith.constant 32 : index
      %get3A_405 = tpu.vector_load %arg10[%get3A_403, %get3A_404] {strides = array<i32>} : memref<256x64xf32, #tpu.memory_space<vmem>>, vector<16xf32>,
      %mul3A_406 = arith.mulf %get3A_402, %get3A_405 : vector<16xf32>
      %add3A_407 = arith.addf %add3A_399, %mul3A_406 : vector<16xf32>
      %get3A_408 = arith.index_cast %add3A_384 : i32 to index
      %get3A_409 = arith.constant 48 : index
      %get3A_410 = tpu.vector_load %arg9[%get3A_408, %get3A_409] {strides = array<i32>} : memref<256x64xf32, #tpu.memory_space<vmem>>, vector<16xf32>,
      %get3A_411 = arith.index_cast %add3A_384 : i32 to index
      %get3A_412 = arith.constant 48 : index
      %get3A_413 = tpu.vector_load %arg10[%get3A_411, %get3A_412] {strides = array<i32>} : memref<256x64xf32, #tpu.memory_space<vmem>>, vector<16xf32>,
      %mul3A_414 = arith.mulf %get3A_410, %get3A_413 : vector<16xf32>
      %add3A_415 = arith.addf %add3A_407, %mul3A_414 : vector<16xf32>
      %eq3A_416 = arith.constant 8 : i32
      %eq3A_417 = vector.broadcast %eq3A_416 : i32 to vector<16xi32>
      %eq3A_418 = arith.cmpi eq, %iota3A, %eq3A_417 : vector<16xi32>
      %reduce_sum3A_419 = arith.constant true
      %reduce_sum3A_420 = vector.broadcast %reduce_sum3A_419 : i1 to vector<16xi1>
      %reduce_sum3A_421 = tpu.scan <sum>, %add3A_415 masked %reduce_sum3A_420 : vector<16xf32>, vector<16xi1> -> vector<16xf32>
      %reduce_sum3A_422 = vector.extract %reduce_sum3A_421[15] : f32 from vector<16xf32>
      %broadcast_in_dim3A_423 = vector.broadcast %reduce_sum3A_422 : f32 to vector<16xf32>
      %select_n3A_424 = arith.select %eq3A_418, %broadcast_in_dim3A_423, %select_n3A_382 : vector<16xi1>, vector<16xf32>
      %add3A_425 = arith.constant 9 : i32
      %add3A_426 = arith.addi %add3A_49, %add3A_425 : i32
      %get3A_427 = arith.index_cast %add3A_426 : i32 to index
      %get3A_428 = arith.constant 0 : index
      %get3A_429 = tpu.vector_load %arg9[%get3A_427, %get3A_428] {strides = array<i32>} : memref<256x64xf32, #tpu.memory_space<vmem>>, vector<16xf32>,
      %get3A_430 = arith.index_cast %add3A_426 : i32 to index
      %get3A_431 = arith.constant 0 : index
      %get3A_432 = tpu.vector_load %arg10[%get3A_430, %get3A_431] {strides = array<i32>} : memref<256x64xf32, #tpu.memory_space<vmem>>, vector<16xf32>,
      %mul3A_433 = arith.mulf %get3A_429, %get3A_432 : vector<16xf32>
      %get3A_434 = arith.index_cast %add3A_426 : i32 to index
      %get3A_435 = arith.constant 16 : index
      %get3A_436 = tpu.vector_load %arg9[%get3A_434, %get3A_435] {strides = array<i32>} : memref<256x64xf32, #tpu.memory_space<vmem>>, vector<16xf32>,
      %get3A_437 = arith.index_cast %add3A_426 : i32 to index
      %get3A_438 = arith.constant 16 : index
      %get3A_439 = tpu.vector_load %arg10[%get3A_437, %get3A_438] {strides = array<i32>} : memref<256x64xf32, #tpu.memory_space<vmem>>, vector<16xf32>,
      %mul3A_440 = arith.mulf %get3A_436, %get3A_439 : vector<16xf32>
      %add3A_441 = arith.addf %mul3A_433, %mul3A_440 : vector<16xf32>
      %get3A_442 = arith.index_cast %add3A_426 : i32 to index
      %get3A_443 = arith.constant 32 : index
      %get3A_444 = tpu.vector_load %arg9[%get3A_442, %get3A_443] {strides = array<i32>} : memref<256x64xf32, #tpu.memory_space<vmem>>, vector<16xf32>,
      %get3A_445 = arith.index_cast %add3A_426 : i32 to index
      %get3A_446 = arith.constant 32 : index
      %get3A_447 = tpu.vector_load %arg10[%get3A_445, %get3A_446] {strides = array<i32>} : memref<256x64xf32, #tpu.memory_space<vmem>>, vector<16xf32>,
      %mul3A_448 = arith.mulf %get3A_444, %get3A_447 : vector<16xf32>
      %add3A_449 = arith.addf %add3A_441, %mul3A_448 : vector<16xf32>
      %get3A_450 = arith.index_cast %add3A_426 : i32 to index
      %get3A_451 = arith.constant 48 : index
      %get3A_452 = tpu.vector_load %arg9[%get3A_450, %get3A_451] {strides = array<i32>} : memref<256x64xf32, #tpu.memory_space<vmem>>, vector<16xf32>,
      %get3A_453 = arith.index_cast %add3A_426 : i32 to index
      %get3A_454 = arith.constant 48 : index
      %get3A_455 = tpu.vector_load %arg10[%get3A_453, %get3A_454] {strides = array<i32>} : memref<256x64xf32, #tpu.memory_space<vmem>>, vector<16xf32>,
      %mul3A_456 = arith.mulf %get3A_452, %get3A_455 : vector<16xf32>
      %add3A_457 = arith.addf %add3A_449, %mul3A_456 : vector<16xf32>
      %eq3A_458 = arith.constant 9 : i32
      %eq3A_459 = vector.broadcast %eq3A_458 : i32 to vector<16xi32>
      %eq3A_460 = arith.cmpi eq, %iota3A, %eq3A_459 : vector<16xi32>
      %reduce_sum3A_461 = arith.constant true
      %reduce_sum3A_462 = vector.broadcast %reduce_sum3A_461 : i1 to vector<16xi1>
      %reduce_sum3A_463 = tpu.scan <sum>, %add3A_457 masked %reduce_sum3A_462 : vector<16xf32>, vector<16xi1> -> vector<16xf32>
      %reduce_sum3A_464 = vector.extract %reduce_sum3A_463[15] : f32 from vector<16xf32>
      %broadcast_in_dim3A_465 = vector.broadcast %reduce_sum3A_464 : f32 to vector<16xf32>
      %select_n3A_466 = arith.select %eq3A_460, %broadcast_in_dim3A_465, %select_n3A_424 : vector<16xi1>, vector<16xf32>
      %add3A_467 = arith.constant 10 : i32
      %add3A_468 = arith.addi %add3A_49, %add3A_467 : i32
      %get3A_469 = arith.index_cast %add3A_468 : i32 to index
      %get3A_470 = arith.constant 0 : index
      %get3A_471 = tpu.vector_load %arg9[%get3A_469, %get3A_470] {strides = array<i32>} : memref<256x64xf32, #tpu.memory_space<vmem>>, vector<16xf32>,
      %get3A_472 = arith.index_cast %add3A_468 : i32 to index
      %get3A_473 = arith.constant 0 : index
      %get3A_474 = tpu.vector_load %arg10[%get3A_472, %get3A_473] {strides = array<i32>} : memref<256x64xf32, #tpu.memory_space<vmem>>, vector<16xf32>,
      %mul3A_475 = arith.mulf %get3A_471, %get3A_474 : vector<16xf32>
      %get3A_476 = arith.index_cast %add3A_468 : i32 to index
      %get3A_477 = arith.constant 16 : index
      %get3A_478 = tpu.vector_load %arg9[%get3A_476, %get3A_477] {strides = array<i32>} : memref<256x64xf32, #tpu.memory_space<vmem>>, vector<16xf32>,
      %get3A_479 = arith.index_cast %add3A_468 : i32 to index
      %get3A_480 = arith.constant 16 : index
      %get3A_481 = tpu.vector_load %arg10[%get3A_479, %get3A_480] {strides = array<i32>} : memref<256x64xf32, #tpu.memory_space<vmem>>, vector<16xf32>,
      %mul3A_482 = arith.mulf %get3A_478, %get3A_481 : vector<16xf32>
      %add3A_483 = arith.addf %mul3A_475, %mul3A_482 : vector<16xf32>
      %get3A_484 = arith.index_cast %add3A_468 : i32 to index
      %get3A_485 = arith.constant 32 : index
      %get3A_486 = tpu.vector_load %arg9[%get3A_484, %get3A_485] {strides = array<i32>} : memref<256x64xf32, #tpu.memory_space<vmem>>, vector<16xf32>,
      %get3A_487 = arith.index_cast %add3A_468 : i32 to index
      %get3A_488 = arith.constant 32 : index
      %get3A_489 = tpu.vector_load %arg10[%get3A_487, %get3A_488] {strides = array<i32>} : memref<256x64xf32, #tpu.memory_space<vmem>>, vector<16xf32>,
      %mul3A_490 = arith.mulf %get3A_486, %get3A_489 : vector<16xf32>
      %add3A_491 = arith.addf %add3A_483, %mul3A_490 : vector<16xf32>
      %get3A_492 = arith.index_cast %add3A_468 : i32 to index
      %get3A_493 = arith.constant 48 : index
      %get3A_494 = tpu.vector_load %arg9[%get3A_492, %get3A_493] {strides = array<i32>} : memref<256x64xf32, #tpu.memory_space<vmem>>, vector<16xf32>,
      %get3A_495 = arith.index_cast %add3A_468 : i32 to index
      %get3A_496 = arith.constant 48 : index
      %get3A_497 = tpu.vector_load %arg10[%get3A_495, %get3A_496] {strides = array<i32>} : memref<256x64xf32, #tpu.memory_space<vmem>>, vector<16xf32>,
      %mul3A_498 = arith.mulf %get3A_494, %get3A_497 : vector<16xf32>
      %add3A_499 = arith.addf %add3A_491, %mul3A_498 : vector<16xf32>
      %eq3A_500 = arith.constant 10 : i32
      %eq3A_501 = vector.broadcast %eq3A_500 : i32 to vector<16xi32>
      %eq3A_502 = arith.cmpi eq, %iota3A, %eq3A_501 : vector<16xi32>
      %reduce_sum3A_503 = arith.constant true
      %reduce_sum3A_504 = vector.broadcast %reduce_sum3A_503 : i1 to vector<16xi1>
      %reduce_sum3A_505 = tpu.scan <sum>, %add3A_499 masked %reduce_sum3A_504 : vector<16xf32>, vector<16xi1> -> vector<16xf32>
      %reduce_sum3A_506 = vector.extract %reduce_sum3A_505[15] : f32 from vector<16xf32>
      %broadcast_in_dim3A_507 = vector.broadcast %reduce_sum3A_506 : f32 to vector<16xf32>
      %select_n3A_508 = arith.select %eq3A_502, %broadcast_in_dim3A_507, %select_n3A_466 : vector<16xi1>, vector<16xf32>
      %add3A_509 = arith.constant 11 : i32
      %add3A_510 = arith.addi %add3A_49, %add3A_509 : i32
      %get3A_511 = arith.index_cast %add3A_510 : i32 to index
      %get3A_512 = arith.constant 0 : index
      %get3A_513 = tpu.vector_load %arg9[%get3A_511, %get3A_512] {strides = array<i32>} : memref<256x64xf32, #tpu.memory_space<vmem>>, vector<16xf32>,
      %get3A_514 = arith.index_cast %add3A_510 : i32 to index
      %get3A_515 = arith.constant 0 : index
      %get3A_516 = tpu.vector_load %arg10[%get3A_514, %get3A_515] {strides = array<i32>} : memref<256x64xf32, #tpu.memory_space<vmem>>, vector<16xf32>,
      %mul3A_517 = arith.mulf %get3A_513, %get3A_516 : vector<16xf32>
      %get3A_518 = arith.index_cast %add3A_510 : i32 to index
      %get3A_519 = arith.constant 16 : index
      %get3A_520 = tpu.vector_load %arg9[%get3A_518, %get3A_519] {strides = array<i32>} : memref<256x64xf32, #tpu.memory_space<vmem>>, vector<16xf32>,
      %get3A_521 = arith.index_cast %add3A_510 : i32 to index
      %get3A_522 = arith.constant 16 : index
      %get3A_523 = tpu.vector_load %arg10[%get3A_521, %get3A_522] {strides = array<i32>} : memref<256x64xf32, #tpu.memory_space<vmem>>, vector<16xf32>,
      %mul3A_524 = arith.mulf %get3A_520, %get3A_523 : vector<16xf32>
      %add3A_525 = arith.addf %mul3A_517, %mul3A_524 : vector<16xf32>
      %get3A_526 = arith.index_cast %add3A_510 : i32 to index
      %get3A_527 = arith.constant 32 : index
      %get3A_528 = tpu.vector_load %arg9[%get3A_526, %get3A_527] {strides = array<i32>} : memref<256x64xf32, #tpu.memory_space<vmem>>, vector<16xf32>,
      %get3A_529 = arith.index_cast %add3A_510 : i32 to index
      %get3A_530 = arith.constant 32 : index
      %get3A_531 = tpu.vector_load %arg10[%get3A_529, %get3A_530] {strides = array<i32>} : memref<256x64xf32, #tpu.memory_space<vmem>>, vector<16xf32>,
      %mul3A_532 = arith.mulf %get3A_528, %get3A_531 : vector<16xf32>
      %add3A_533 = arith.addf %add3A_525, %mul3A_532 : vector<16xf32>
      %get3A_534 = arith.index_cast %add3A_510 : i32 to index
      %get3A_535 = arith.constant 48 : index
      %get3A_536 = tpu.vector_load %arg9[%get3A_534, %get3A_535] {strides = array<i32>} : memref<256x64xf32, #tpu.memory_space<vmem>>, vector<16xf32>,
      %get3A_537 = arith.index_cast %add3A_510 : i32 to index
      %get3A_538 = arith.constant 48 : index
      %get3A_539 = tpu.vector_load %arg10[%get3A_537, %get3A_538] {strides = array<i32>} : memref<256x64xf32, #tpu.memory_space<vmem>>, vector<16xf32>,
      %mul3A_540 = arith.mulf %get3A_536, %get3A_539 : vector<16xf32>
      %add3A_541 = arith.addf %add3A_533, %mul3A_540 : vector<16xf32>
      %eq3A_542 = arith.constant 11 : i32
      %eq3A_543 = vector.broadcast %eq3A_542 : i32 to vector<16xi32>
      %eq3A_544 = arith.cmpi eq, %iota3A, %eq3A_543 : vector<16xi32>
      %reduce_sum3A_545 = arith.constant true
      %reduce_sum3A_546 = vector.broadcast %reduce_sum3A_545 : i1 to vector<16xi1>
      %reduce_sum3A_547 = tpu.scan <sum>, %add3A_541 masked %reduce_sum3A_546 : vector<16xf32>, vector<16xi1> -> vector<16xf32>
      %reduce_sum3A_548 = vector.extract %reduce_sum3A_547[15] : f32 from vector<16xf32>
      %broadcast_in_dim3A_549 = vector.broadcast %reduce_sum3A_548 : f32 to vector<16xf32>
      %select_n3A_550 = arith.select %eq3A_544, %broadcast_in_dim3A_549, %select_n3A_508 : vector<16xi1>, vector<16xf32>
      %add3A_551 = arith.constant 12 : i32
      %add3A_552 = arith.addi %add3A_49, %add3A_551 : i32
      %get3A_553 = arith.index_cast %add3A_552 : i32 to index
      %get3A_554 = arith.constant 0 : index
      %get3A_555 = tpu.vector_load %arg9[%get3A_553, %get3A_554] {strides = array<i32>} : memref<256x64xf32, #tpu.memory_space<vmem>>, vector<16xf32>,
      %get3A_556 = arith.index_cast %add3A_552 : i32 to index
      %get3A_557 = arith.constant 0 : index
      %get3A_558 = tpu.vector_load %arg10[%get3A_556, %get3A_557] {strides = array<i32>} : memref<256x64xf32, #tpu.memory_space<vmem>>, vector<16xf32>,
      %mul3A_559 = arith.mulf %get3A_555, %get3A_558 : vector<16xf32>
      %get3A_560 = arith.index_cast %add3A_552 : i32 to index
      %get3A_561 = arith.constant 16 : index
      %get3A_562 = tpu.vector_load %arg9[%get3A_560, %get3A_561] {strides = array<i32>} : memref<256x64xf32, #tpu.memory_space<vmem>>, vector<16xf32>,
      %get3A_563 = arith.index_cast %add3A_552 : i32 to index
      %get3A_564 = arith.constant 16 : index
      %get3A_565 = tpu.vector_load %arg10[%get3A_563, %get3A_564] {strides = array<i32>} : memref<256x64xf32, #tpu.memory_space<vmem>>, vector<16xf32>,
      %mul3A_566 = arith.mulf %get3A_562, %get3A_565 : vector<16xf32>
      %add3A_567 = arith.addf %mul3A_559, %mul3A_566 : vector<16xf32>
      %get3A_568 = arith.index_cast %add3A_552 : i32 to index
      %get3A_569 = arith.constant 32 : index
      %get3A_570 = tpu.vector_load %arg9[%get3A_568, %get3A_569] {strides = array<i32>} : memref<256x64xf32, #tpu.memory_space<vmem>>, vector<16xf32>,
      %get3A_571 = arith.index_cast %add3A_552 : i32 to index
      %get3A_572 = arith.constant 32 : index
      %get3A_573 = tpu.vector_load %arg10[%get3A_571, %get3A_572] {strides = array<i32>} : memref<256x64xf32, #tpu.memory_space<vmem>>, vector<16xf32>,
      %mul3A_574 = arith.mulf %get3A_570, %get3A_573 : vector<16xf32>
      %add3A_575 = arith.addf %add3A_567, %mul3A_574 : vector<16xf32>
      %get3A_576 = arith.index_cast %add3A_552 : i32 to index
      %get3A_577 = arith.constant 48 : index
      %get3A_578 = tpu.vector_load %arg9[%get3A_576, %get3A_577] {strides = array<i32>} : memref<256x64xf32, #tpu.memory_space<vmem>>, vector<16xf32>,
      %get3A_579 = arith.index_cast %add3A_552 : i32 to index
      %get3A_580 = arith.constant 48 : index
      %get3A_581 = tpu.vector_load %arg10[%get3A_579, %get3A_580] {strides = array<i32>} : memref<256x64xf32, #tpu.memory_space<vmem>>, vector<16xf32>,
      %mul3A_582 = arith.mulf %get3A_578, %get3A_581 : vector<16xf32>
      %add3A_583 = arith.addf %add3A_575, %mul3A_582 : vector<16xf32>
      %eq3A_584 = arith.constant 12 : i32
      %eq3A_585 = vector.broadcast %eq3A_584 : i32 to vector<16xi32>
      %eq3A_586 = arith.cmpi eq, %iota3A, %eq3A_585 : vector<16xi32>
      %reduce_sum3A_587 = arith.constant true
      %reduce_sum3A_588 = vector.broadcast %reduce_sum3A_587 : i1 to vector<16xi1>
      %reduce_sum3A_589 = tpu.scan <sum>, %add3A_583 masked %reduce_sum3A_588 : vector<16xf32>, vector<16xi1> -> vector<16xf32>
      %reduce_sum3A_590 = vector.extract %reduce_sum3A_589[15] : f32 from vector<16xf32>
      %broadcast_in_dim3A_591 = vector.broadcast %reduce_sum3A_590 : f32 to vector<16xf32>
      %select_n3A_592 = arith.select %eq3A_586, %broadcast_in_dim3A_591, %select_n3A_550 : vector<16xi1>, vector<16xf32>
      %add3A_593 = arith.constant 13 : i32
      %add3A_594 = arith.addi %add3A_49, %add3A_593 : i32
      %get3A_595 = arith.index_cast %add3A_594 : i32 to index
      %get3A_596 = arith.constant 0 : index
      %get3A_597 = tpu.vector_load %arg9[%get3A_595, %get3A_596] {strides = array<i32>} : memref<256x64xf32, #tpu.memory_space<vmem>>, vector<16xf32>,
      %get3A_598 = arith.index_cast %add3A_594 : i32 to index
      %get3A_599 = arith.constant 0 : index
      %get3A_600 = tpu.vector_load %arg10[%get3A_598, %get3A_599] {strides = array<i32>} : memref<256x64xf32, #tpu.memory_space<vmem>>, vector<16xf32>,
      %mul3A_601 = arith.mulf %get3A_597, %get3A_600 : vector<16xf32>
      %get3A_602 = arith.index_cast %add3A_594 : i32 to index
      %get3A_603 = arith.constant 16 : index
      %get3A_604 = tpu.vector_load %arg9[%get3A_602, %get3A_603] {strides = array<i32>} : memref<256x64xf32, #tpu.memory_space<vmem>>, vector<16xf32>,
      %get3A_605 = arith.index_cast %add3A_594 : i32 to index
      %get3A_606 = arith.constant 16 : index
      %get3A_607 = tpu.vector_load %arg10[%get3A_605, %get3A_606] {strides = array<i32>} : memref<256x64xf32, #tpu.memory_space<vmem>>, vector<16xf32>,
      %mul3A_608 = arith.mulf %get3A_604, %get3A_607 : vector<16xf32>
      %add3A_609 = arith.addf %mul3A_601, %mul3A_608 : vector<16xf32>
      %get3A_610 = arith.index_cast %add3A_594 : i32 to index
      %get3A_611 = arith.constant 32 : index
      %get3A_612 = tpu.vector_load %arg9[%get3A_610, %get3A_611] {strides = array<i32>} : memref<256x64xf32, #tpu.memory_space<vmem>>, vector<16xf32>,
      %get3A_613 = arith.index_cast %add3A_594 : i32 to index
      %get3A_614 = arith.constant 32 : index
      %get3A_615 = tpu.vector_load %arg10[%get3A_613, %get3A_614] {strides = array<i32>} : memref<256x64xf32, #tpu.memory_space<vmem>>, vector<16xf32>,
      %mul3A_616 = arith.mulf %get3A_612, %get3A_615 : vector<16xf32>
      %add3A_617 = arith.addf %add3A_609, %mul3A_616 : vector<16xf32>
      %get3A_618 = arith.index_cast %add3A_594 : i32 to index
      %get3A_619 = arith.constant 48 : index
      %get3A_620 = tpu.vector_load %arg9[%get3A_618, %get3A_619] {strides = array<i32>} : memref<256x64xf32, #tpu.memory_space<vmem>>, vector<16xf32>,
      %get3A_621 = arith.index_cast %add3A_594 : i32 to index
      %get3A_622 = arith.constant 48 : index
      %get3A_623 = tpu.vector_load %arg10[%get3A_621, %get3A_622] {strides = array<i32>} : memref<256x64xf32, #tpu.memory_space<vmem>>, vector<16xf32>,
      %mul3A_624 = arith.mulf %get3A_620, %get3A_623 : vector<16xf32>
      %add3A_625 = arith.addf %add3A_617, %mul3A_624 : vector<16xf32>
      %eq3A_626 = arith.constant 13 : i32
      %eq3A_627 = vector.broadcast %eq3A_626 : i32 to vector<16xi32>
      %eq3A_628 = arith.cmpi eq, %iota3A, %eq3A_627 : vector<16xi32>
      %reduce_sum3A_629 = arith.constant true
      %reduce_sum3A_630 = vector.broadcast %reduce_sum3A_629 : i1 to vector<16xi1>
      %reduce_sum3A_631 = tpu.scan <sum>, %add3A_625 masked %reduce_sum3A_630 : vector<16xf32>, vector<16xi1> -> vector<16xf32>
      %reduce_sum3A_632 = vector.extract %reduce_sum3A_631[15] : f32 from vector<16xf32>
      %broadcast_in_dim3A_633 = vector.broadcast %reduce_sum3A_632 : f32 to vector<16xf32>
      %select_n3A_634 = arith.select %eq3A_628, %broadcast_in_dim3A_633, %select_n3A_592 : vector<16xi1>, vector<16xf32>
      %add3A_635 = arith.constant 14 : i32
      %add3A_636 = arith.addi %add3A_49, %add3A_635 : i32
      %get3A_637 = arith.index_cast %add3A_636 : i32 to index
      %get3A_638 = arith.constant 0 : index
      %get3A_639 = tpu.vector_load %arg9[%get3A_637, %get3A_638] {strides = array<i32>} : memref<256x64xf32, #tpu.memory_space<vmem>>, vector<16xf32>,
      %get3A_640 = arith.index_cast %add3A_636 : i32 to index
      %get3A_641 = arith.constant 0 : index
      %get3A_642 = tpu.vector_load %arg10[%get3A_640, %get3A_641] {strides = array<i32>} : memref<256x64xf32, #tpu.memory_space<vmem>>, vector<16xf32>,
      %mul3A_643 = arith.mulf %get3A_639, %get3A_642 : vector<16xf32>
      %get3A_644 = arith.index_cast %add3A_636 : i32 to index
      %get3A_645 = arith.constant 16 : index
      %get3A_646 = tpu.vector_load %arg9[%get3A_644, %get3A_645] {strides = array<i32>} : memref<256x64xf32, #tpu.memory_space<vmem>>, vector<16xf32>,
      %get3A_647 = arith.index_cast %add3A_636 : i32 to index
      %get3A_648 = arith.constant 16 : index
      %get3A_649 = tpu.vector_load %arg10[%get3A_647, %get3A_648] {strides = array<i32>} : memref<256x64xf32, #tpu.memory_space<vmem>>, vector<16xf32>,
      %mul3A_650 = arith.mulf %get3A_646, %get3A_649 : vector<16xf32>
      %add3A_651 = arith.addf %mul3A_643, %mul3A_650 : vector<16xf32>
      %get3A_652 = arith.index_cast %add3A_636 : i32 to index
      %get3A_653 = arith.constant 32 : index
      %get3A_654 = tpu.vector_load %arg9[%get3A_652, %get3A_653] {strides = array<i32>} : memref<256x64xf32, #tpu.memory_space<vmem>>, vector<16xf32>,
      %get3A_655 = arith.index_cast %add3A_636 : i32 to index
      %get3A_656 = arith.constant 32 : index
      %get3A_657 = tpu.vector_load %arg10[%get3A_655, %get3A_656] {strides = array<i32>} : memref<256x64xf32, #tpu.memory_space<vmem>>, vector<16xf32>,
      %mul3A_658 = arith.mulf %get3A_654, %get3A_657 : vector<16xf32>
      %add3A_659 = arith.addf %add3A_651, %mul3A_658 : vector<16xf32>
      %get3A_660 = arith.index_cast %add3A_636 : i32 to index
      %get3A_661 = arith.constant 48 : index
      %get3A_662 = tpu.vector_load %arg9[%get3A_660, %get3A_661] {strides = array<i32>} : memref<256x64xf32, #tpu.memory_space<vmem>>, vector<16xf32>,
      %get3A_663 = arith.index_cast %add3A_636 : i32 to index
      %get3A_664 = arith.constant 48 : index
      %get3A_665 = tpu.vector_load %arg10[%get3A_663, %get3A_664] {strides = array<i32>} : memref<256x64xf32, #tpu.memory_space<vmem>>, vector<16xf32>,
      %mul3A_666 = arith.mulf %get3A_662, %get3A_665 : vector<16xf32>
      %add3A_667 = arith.addf %add3A_659, %mul3A_666 : vector<16xf32>
      %eq3A_668 = arith.constant 14 : i32
      %eq3A_669 = vector.broadcast %eq3A_668 : i32 to vector<16xi32>
      %eq3A_670 = arith.cmpi eq, %iota3A, %eq3A_669 : vector<16xi32>
      %reduce_sum3A_671 = arith.constant true
      %reduce_sum3A_672 = vector.broadcast %reduce_sum3A_671 : i1 to vector<16xi1>
      %reduce_sum3A_673 = tpu.scan <sum>, %add3A_667 masked %reduce_sum3A_672 : vector<16xf32>, vector<16xi1> -> vector<16xf32>
      %reduce_sum3A_674 = vector.extract %reduce_sum3A_673[15] : f32 from vector<16xf32>
      %broadcast_in_dim3A_675 = vector.broadcast %reduce_sum3A_674 : f32 to vector<16xf32>
      %select_n3A_676 = arith.select %eq3A_670, %broadcast_in_dim3A_675, %select_n3A_634 : vector<16xi1>, vector<16xf32>
      %add3A_677 = arith.constant 15 : i32
      %add3A_678 = arith.addi %add3A_49, %add3A_677 : i32
      %get3A_679 = arith.index_cast %add3A_678 : i32 to index
      %get3A_680 = arith.constant 0 : index
      %get3A_681 = tpu.vector_load %arg9[%get3A_679, %get3A_680] {strides = array<i32>} : memref<256x64xf32, #tpu.memory_space<vmem>>, vector<16xf32>,
      %get3A_682 = arith.index_cast %add3A_678 : i32 to index
      %get3A_683 = arith.constant 0 : index
      %get3A_684 = tpu.vector_load %arg10[%get3A_682, %get3A_683] {strides = array<i32>} : memref<256x64xf32, #tpu.memory_space<vmem>>, vector<16xf32>,
      %mul3A_685 = arith.mulf %get3A_681, %get3A_684 : vector<16xf32>
      %get3A_686 = arith.index_cast %add3A_678 : i32 to index
      %get3A_687 = arith.constant 16 : index
      %get3A_688 = tpu.vector_load %arg9[%get3A_686, %get3A_687] {strides = array<i32>} : memref<256x64xf32, #tpu.memory_space<vmem>>, vector<16xf32>,
      %get3A_689 = arith.index_cast %add3A_678 : i32 to index
      %get3A_690 = arith.constant 16 : index
      %get3A_691 = tpu.vector_load %arg10[%get3A_689, %get3A_690] {strides = array<i32>} : memref<256x64xf32, #tpu.memory_space<vmem>>, vector<16xf32>,
      %mul3A_692 = arith.mulf %get3A_688, %get3A_691 : vector<16xf32>
      %add3A_693 = arith.addf %mul3A_685, %mul3A_692 : vector<16xf32>
      %get3A_694 = arith.index_cast %add3A_678 : i32 to index
      %get3A_695 = arith.constant 32 : index
      %get3A_696 = tpu.vector_load %arg9[%get3A_694, %get3A_695] {strides = array<i32>} : memref<256x64xf32, #tpu.memory_space<vmem>>, vector<16xf32>,
      %get3A_697 = arith.index_cast %add3A_678 : i32 to index
      %get3A_698 = arith.constant 32 : index
      %get3A_699 = tpu.vector_load %arg10[%get3A_697, %get3A_698] {strides = array<i32>} : memref<256x64xf32, #tpu.memory_space<vmem>>, vector<16xf32>,
      %mul3A_700 = arith.mulf %get3A_696, %get3A_699 : vector<16xf32>
      %add3A_701 = arith.addf %add3A_693, %mul3A_700 : vector<16xf32>
      %get3A_702 = arith.index_cast %add3A_678 : i32 to index
      %get3A_703 = arith.constant 48 : index
      %get3A_704 = tpu.vector_load %arg9[%get3A_702, %get3A_703] {strides = array<i32>} : memref<256x64xf32, #tpu.memory_space<vmem>>, vector<16xf32>,
      %get3A_705 = arith.index_cast %add3A_678 : i32 to index
      %get3A_706 = arith.constant 48 : index
      %get3A_707 = tpu.vector_load %arg10[%get3A_705, %get3A_706] {strides = array<i32>} : memref<256x64xf32, #tpu.memory_space<vmem>>, vector<16xf32>,
      %mul3A_708 = arith.mulf %get3A_704, %get3A_707 : vector<16xf32>
      %add3A_709 = arith.addf %add3A_701, %mul3A_708 : vector<16xf32>
      %eq3A_710 = arith.constant 15 : i32
      %eq3A_711 = vector.broadcast %eq3A_710 : i32 to vector<16xi32>
      %eq3A_712 = arith.cmpi eq, %iota3A, %eq3A_711 : vector<16xi32>
      %reduce_sum3A_713 = arith.constant true
      %reduce_sum3A_714 = vector.broadcast %reduce_sum3A_713 : i1 to vector<16xi1>
      %reduce_sum3A_715 = tpu.scan <sum>, %add3A_709 masked %reduce_sum3A_714 : vector<16xf32>, vector<16xi1> -> vector<16xf32>
      %reduce_sum3A_716 = vector.extract %reduce_sum3A_715[15] : f32 from vector<16xf32>
      %broadcast_in_dim3A_717 = vector.broadcast %reduce_sum3A_716 : f32 to vector<16xf32>
      %select_n3A_718 = arith.select %eq3A_712, %broadcast_in_dim3A_717, %select_n3A_676 : vector<16xi1>, vector<16xf32>
      %neg3A = arith.constant 0.000000e+00 : f32
      %neg3A_719 = vector.broadcast %neg3A : f32 to vector<16xf32>
      %neg3A_720 = arith.subf %neg3A_719, %select_n3A_718 : vector<16xf32>
      %exp3A = math.exp %neg3A_720 : vector<16xf32>
      %add3A_721 = arith.constant 1.000000e+00 : f32
      %add3A_722 = vector.broadcast %add3A_721 : f32 to vector<16xf32>
      %add3A_723 = arith.addf %add3A_722, %exp3A : vector<16xf32>
      %div3A = arith.constant 1.000000e+00 : f32
      %div3A_724 = vector.broadcast %div3A : f32 to vector<16xf32>
      %div3A_725 = arith.divf %div3A_724, %add3A_723 : vector<16xf32>
      %add3A_726 = arith.constant 0 : i32
      %add3A_727 = arith.addi %add3A_726, %add3A_49 : i32
      %swap3A = arith.index_cast %add3A_727 : i32 to index
      %swap3A_728 = tpu.vector_load %arg11[%swap3A] {strides = array<i32>} : memref<512xf32, #tpu.memory_space<vmem>>, vector<16xf32>,
      tpu.vector_store %arg11[%swap3A], %div3A_725 {strides = array<i32>} : memref<512xf32, #tpu.memory_space<vmem>>, vector<16xf32>,
    }
    %scan3A_22 = arith.constant 16 : i32
    %scan3A_23 = arith.constant 0 : i32
    %scan3A_24 = arith.constant 16 : i32
    %scan3A_25 = arith.addi %scan3A_23, %scan3A_24 : i32
    %scan3A_26 = arith.constant 1 : i32
    scf.for %scan3A_45 = %scan3A_23 to %scan3A_25 step %scan3A_26  : i32 {
      %mul3A_46 = arith.constant 16 : i32
      %mul3A_47 = arith.muli %scan3A_45, %mul3A_46 : i32
      %add3A_48 = arith.constant 0 : i32
      %add3A_49 = arith.addi %add3A_48, %mul3A_47 : i32
      %add3A_50 = arith.constant 256 : i32
      %add3A_51 = arith.addi %add3A_50, %add3A_49 : i32
      %get3A = arith.index_cast %add3A_51 : i32 to index
      %get3A_52 = tpu.vector_load %arg7[%get3A] {strides = array<i32>} : memref<512xi32, #tpu.memory_space<vmem>>, vector<16xi32>,
      %add3A_53 = arith.constant 256 : i32
      %add3A_54 = arith.addi %add3A_53, %add3A_49 : i32
      %get3A_55 = arith.index_cast %add3A_54 : i32 to index
      %get3A_56 = tpu.vector_load %arg8[%get3A_55] {strides = array<i32>} : memref<512xi32, #tpu.memory_space<vmem>>, vector<16xi32>,
      %slice3A = vector.extract_strided_slice %get3A_52 {offsets = [0], sizes = [1], strides = [1]} : vector<16xi32> to vector<1xi32>
      %squeeze3A = vector.extract %slice3A[0] : i32 from vector<1xi32>
      %add3A_57 = arith.constant 0 : i32
      %add3A_58 = arith.addi %add3A_49, %add3A_57 : i32
      %dma_start3A = arith.constant 0 : i32
      %dma_start3A_59 = tpu.memref_slice %arg9[%add3A_58, %dma_start3A] : memref<256x64xf32, #tpu.memory_space<vmem>> -> memref<1x64xf32, #tpu.memory_space<vmem>>
      %dma_start3A_60 = arith.constant 0 : i32
      %dma_start3A_61 = tpu.memref_slice %arg4[%squeeze3A, %dma_start3A_60] : memref<1000000x64xf32, #tpu.memory_space<hbm>> -> memref<1x64xf32, #tpu.memory_space<hbm>>
      %dma_start3A_62 = arith.constant 0 : i32
      %dma_start3A_63 = tpu.memref_slice %arg9[%add3A_58, %dma_start3A_62] : memref<256x64xf32, #tpu.memory_space<vmem>> -> memref<1x64xf32, #tpu.memory_space<vmem>>
      %dma_start3A_64 = arith.constant 0 : i32
      %dma_start3A_65 = tpu.memref_slice %arg4[%squeeze3A, %dma_start3A_64] : memref<1000000x64xf32, #tpu.memory_space<hbm>> -> memref<1x64xf32, #tpu.memory_space<hbm>>
      tpu.enqueue_dma source(%dma_start3A_65 : memref<1x64xf32, #tpu.memory_space<hbm>>) target(%dma_start3A_63 : memref<1x64xf32, #tpu.memory_space<vmem>>) target_semaphore(%arg12 : memref<!tpu.dma_semaphore, #tpu.memory_space<semaphore_mem>>)
      %slice3A_66 = vector.extract_strided_slice %get3A_56 {offsets = [0], sizes = [1], strides = [1]} : vector<16xi32> to vector<1xi32>
      %squeeze3A_67 = vector.extract %slice3A_66[0] : i32 from vector<1xi32>
      %add3A_68 = arith.constant 0 : i32
      %add3A_69 = arith.addi %add3A_49, %add3A_68 : i32
      %dma_start3A_70 = arith.constant 0 : i32
      %dma_start3A_71 = tpu.memref_slice %arg10[%add3A_69, %dma_start3A_70] : memref<256x64xf32, #tpu.memory_space<vmem>> -> memref<1x64xf32, #tpu.memory_space<vmem>>
      %dma_start3A_72 = arith.constant 0 : i32
      %dma_start3A_73 = tpu.memref_slice %arg5[%squeeze3A_67, %dma_start3A_72] : memref<1000000x64xf32, #tpu.memory_space<hbm>> -> memref<1x64xf32, #tpu.memory_space<hbm>>
      %dma_start3A_74 = arith.constant 0 : i32
      %dma_start3A_75 = tpu.memref_slice %arg10[%add3A_69, %dma_start3A_74] : memref<256x64xf32, #tpu.memory_space<vmem>> -> memref<1x64xf32, #tpu.memory_space<vmem>>
      %dma_start3A_76 = arith.constant 0 : i32
      %dma_start3A_77 = tpu.memref_slice %arg5[%squeeze3A_67, %dma_start3A_76] : memref<1000000x64xf32, #tpu.memory_space<hbm>> -> memref<1x64xf32, #tpu.memory_space<hbm>>
      tpu.enqueue_dma source(%dma_start3A_77 : memref<1x64xf32, #tpu.memory_space<hbm>>) target(%dma_start3A_75 : memref<1x64xf32, #tpu.memory_space<vmem>>) target_semaphore(%arg12 : memref<!tpu.dma_semaphore, #tpu.memory_space<semaphore_mem>>)
      %slice3A_78 = vector.extract_strided_slice %get3A_52 {offsets = [1], sizes = [1], strides = [1]} : vector<16xi32> to vector<1xi32>
      %squeeze3A_79 = vector.extract %slice3A_78[0] : i32 from vector<1xi32>
      %add3A_80 = arith.constant 1 : i32
      %add3A_81 = arith.addi %add3A_49, %add3A_80 : i32
      %dma_start3A_82 = arith.constant 0 : i32
      %dma_start3A_83 = tpu.memref_slice %arg9[%add3A_81, %dma_start3A_82] : memref<256x64xf32, #tpu.memory_space<vmem>> -> memref<1x64xf32, #tpu.memory_space<vmem>>
      %dma_start3A_84 = arith.constant 0 : i32
      %dma_start3A_85 = tpu.memref_slice %arg4[%squeeze3A_79, %dma_start3A_84] : memref<1000000x64xf32, #tpu.memory_space<hbm>> -> memref<1x64xf32, #tpu.memory_space<hbm>>
      %dma_start3A_86 = arith.constant 0 : i32
      %dma_start3A_87 = tpu.memref_slice %arg9[%add3A_81, %dma_start3A_86] : memref<256x64xf32, #tpu.memory_space<vmem>> -> memref<1x64xf32, #tpu.memory_space<vmem>>
      %dma_start3A_88 = arith.constant 0 : i32
      %dma_start3A_89 = tpu.memref_slice %arg4[%squeeze3A_79, %dma_start3A_88] : memref<1000000x64xf32, #tpu.memory_space<hbm>> -> memref<1x64xf32, #tpu.memory_space<hbm>>
      tpu.enqueue_dma source(%dma_start3A_89 : memref<1x64xf32, #tpu.memory_space<hbm>>) target(%dma_start3A_87 : memref<1x64xf32, #tpu.memory_space<vmem>>) target_semaphore(%arg12 : memref<!tpu.dma_semaphore, #tpu.memory_space<semaphore_mem>>)
      %slice3A_90 = vector.extract_strided_slice %get3A_56 {offsets = [1], sizes = [1], strides = [1]} : vector<16xi32> to vector<1xi32>
      %squeeze3A_91 = vector.extract %slice3A_90[0] : i32 from vector<1xi32>
      %add3A_92 = arith.constant 1 : i32
      %add3A_93 = arith.addi %add3A_49, %add3A_92 : i32
      %dma_start3A_94 = arith.constant 0 : i32
      %dma_start3A_95 = tpu.memref_slice %arg10[%add3A_93, %dma_start3A_94] : memref<256x64xf32, #tpu.memory_space<vmem>> -> memref<1x64xf32, #tpu.memory_space<vmem>>
      %dma_start3A_96 = arith.constant 0 : i32
      %dma_start3A_97 = tpu.memref_slice %arg5[%squeeze3A_91, %dma_start3A_96] : memref<1000000x64xf32, #tpu.memory_space<hbm>> -> memref<1x64xf32, #tpu.memory_space<hbm>>
      %dma_start3A_98 = arith.constant 0 : i32
      %dma_start3A_99 = tpu.memref_slice %arg10[%add3A_93, %dma_start3A_98] : memref<256x64xf32, #tpu.memory_space<vmem>> -> memref<1x64xf32, #tpu.memory_space<vmem>>
      %dma_start3A_100 = arith.constant 0 : i32
      %dma_start3A_101 = tpu.memref_slice %arg5[%squeeze3A_91, %dma_start3A_100] : memref<1000000x64xf32, #tpu.memory_space<hbm>> -> memref<1x64xf32, #tpu.memory_space<hbm>>
      tpu.enqueue_dma source(%dma_start3A_101 : memref<1x64xf32, #tpu.memory_space<hbm>>) target(%dma_start3A_99 : memref<1x64xf32, #tpu.memory_space<vmem>>) target_semaphore(%arg12 : memref<!tpu.dma_semaphore, #tpu.memory_space<semaphore_mem>>)
      %slice3A_102 = vector.extract_strided_slice %get3A_52 {offsets = [2], sizes = [1], strides = [1]} : vector<16xi32> to vector<1xi32>
      %squeeze3A_103 = vector.extract %slice3A_102[0] : i32 from vector<1xi32>
      %add3A_104 = arith.constant 2 : i32
      %add3A_105 = arith.addi %add3A_49, %add3A_104 : i32
      %dma_start3A_106 = arith.constant 0 : i32
      %dma_start3A_107 = tpu.memref_slice %arg9[%add3A_105, %dma_start3A_106] : memref<256x64xf32, #tpu.memory_space<vmem>> -> memref<1x64xf32, #tpu.memory_space<vmem>>
      %dma_start3A_108 = arith.constant 0 : i32
      %dma_start3A_109 = tpu.memref_slice %arg4[%squeeze3A_103, %dma_start3A_108] : memref<1000000x64xf32, #tpu.memory_space<hbm>> -> memref<1x64xf32, #tpu.memory_space<hbm>>
      %dma_start3A_110 = arith.constant 0 : i32
      %dma_start3A_111 = tpu.memref_slice %arg9[%add3A_105, %dma_start3A_110] : memref<256x64xf32, #tpu.memory_space<vmem>> -> memref<1x64xf32, #tpu.memory_space<vmem>>
      %dma_start3A_112 = arith.constant 0 : i32
      %dma_start3A_113 = tpu.memref_slice %arg4[%squeeze3A_103, %dma_start3A_112] : memref<1000000x64xf32, #tpu.memory_space<hbm>> -> memref<1x64xf32, #tpu.memory_space<hbm>>
      tpu.enqueue_dma source(%dma_start3A_113 : memref<1x64xf32, #tpu.memory_space<hbm>>) target(%dma_start3A_111 : memref<1x64xf32, #tpu.memory_space<vmem>>) target_semaphore(%arg12 : memref<!tpu.dma_semaphore, #tpu.memory_space<semaphore_mem>>)
      %slice3A_114 = vector.extract_strided_slice %get3A_56 {offsets = [2], sizes = [1], strides = [1]} : vector<16xi32> to vector<1xi32>
      %squeeze3A_115 = vector.extract %slice3A_114[0] : i32 from vector<1xi32>
      %add3A_116 = arith.constant 2 : i32
      %add3A_117 = arith.addi %add3A_49, %add3A_116 : i32
      %dma_start3A_118 = arith.constant 0 : i32
      %dma_start3A_119 = tpu.memref_slice %arg10[%add3A_117, %dma_start3A_118] : memref<256x64xf32, #tpu.memory_space<vmem>> -> memref<1x64xf32, #tpu.memory_space<vmem>>
      %dma_start3A_120 = arith.constant 0 : i32
      %dma_start3A_121 = tpu.memref_slice %arg5[%squeeze3A_115, %dma_start3A_120] : memref<1000000x64xf32, #tpu.memory_space<hbm>> -> memref<1x64xf32, #tpu.memory_space<hbm>>
      %dma_start3A_122 = arith.constant 0 : i32
      %dma_start3A_123 = tpu.memref_slice %arg10[%add3A_117, %dma_start3A_122] : memref<256x64xf32, #tpu.memory_space<vmem>> -> memref<1x64xf32, #tpu.memory_space<vmem>>
      %dma_start3A_124 = arith.constant 0 : i32
      %dma_start3A_125 = tpu.memref_slice %arg5[%squeeze3A_115, %dma_start3A_124] : memref<1000000x64xf32, #tpu.memory_space<hbm>> -> memref<1x64xf32, #tpu.memory_space<hbm>>
      tpu.enqueue_dma source(%dma_start3A_125 : memref<1x64xf32, #tpu.memory_space<hbm>>) target(%dma_start3A_123 : memref<1x64xf32, #tpu.memory_space<vmem>>) target_semaphore(%arg12 : memref<!tpu.dma_semaphore, #tpu.memory_space<semaphore_mem>>)
      %slice3A_126 = vector.extract_strided_slice %get3A_52 {offsets = [3], sizes = [1], strides = [1]} : vector<16xi32> to vector<1xi32>
      %squeeze3A_127 = vector.extract %slice3A_126[0] : i32 from vector<1xi32>
      %add3A_128 = arith.constant 3 : i32
      %add3A_129 = arith.addi %add3A_49, %add3A_128 : i32
      %dma_start3A_130 = arith.constant 0 : i32
      %dma_start3A_131 = tpu.memref_slice %arg9[%add3A_129, %dma_start3A_130] : memref<256x64xf32, #tpu.memory_space<vmem>> -> memref<1x64xf32, #tpu.memory_space<vmem>>
      %dma_start3A_132 = arith.constant 0 : i32
      %dma_start3A_133 = tpu.memref_slice %arg4[%squeeze3A_127, %dma_start3A_132] : memref<1000000x64xf32, #tpu.memory_space<hbm>> -> memref<1x64xf32, #tpu.memory_space<hbm>>
      %dma_start3A_134 = arith.constant 0 : i32
      %dma_start3A_135 = tpu.memref_slice %arg9[%add3A_129, %dma_start3A_134] : memref<256x64xf32, #tpu.memory_space<vmem>> -> memref<1x64xf32, #tpu.memory_space<vmem>>
      %dma_start3A_136 = arith.constant 0 : i32
      %dma_start3A_137 = tpu.memref_slice %arg4[%squeeze3A_127, %dma_start3A_136] : memref<1000000x64xf32, #tpu.memory_space<hbm>> -> memref<1x64xf32, #tpu.memory_space<hbm>>
      tpu.enqueue_dma source(%dma_start3A_137 : memref<1x64xf32, #tpu.memory_space<hbm>>) target(%dma_start3A_135 : memref<1x64xf32, #tpu.memory_space<vmem>>) target_semaphore(%arg12 : memref<!tpu.dma_semaphore, #tpu.memory_space<semaphore_mem>>)
      %slice3A_138 = vector.extract_strided_slice %get3A_56 {offsets = [3], sizes = [1], strides = [1]} : vector<16xi32> to vector<1xi32>
      %squeeze3A_139 = vector.extract %slice3A_138[0] : i32 from vector<1xi32>
      %add3A_140 = arith.constant 3 : i32
      %add3A_141 = arith.addi %add3A_49, %add3A_140 : i32
      %dma_start3A_142 = arith.constant 0 : i32
      %dma_start3A_143 = tpu.memref_slice %arg10[%add3A_141, %dma_start3A_142] : memref<256x64xf32, #tpu.memory_space<vmem>> -> memref<1x64xf32, #tpu.memory_space<vmem>>
      %dma_start3A_144 = arith.constant 0 : i32
      %dma_start3A_145 = tpu.memref_slice %arg5[%squeeze3A_139, %dma_start3A_144] : memref<1000000x64xf32, #tpu.memory_space<hbm>> -> memref<1x64xf32, #tpu.memory_space<hbm>>
      %dma_start3A_146 = arith.constant 0 : i32
      %dma_start3A_147 = tpu.memref_slice %arg10[%add3A_141, %dma_start3A_146] : memref<256x64xf32, #tpu.memory_space<vmem>> -> memref<1x64xf32, #tpu.memory_space<vmem>>
      %dma_start3A_148 = arith.constant 0 : i32
      %dma_start3A_149 = tpu.memref_slice %arg5[%squeeze3A_139, %dma_start3A_148] : memref<1000000x64xf32, #tpu.memory_space<hbm>> -> memref<1x64xf32, #tpu.memory_space<hbm>>
      tpu.enqueue_dma source(%dma_start3A_149 : memref<1x64xf32, #tpu.memory_space<hbm>>) target(%dma_start3A_147 : memref<1x64xf32, #tpu.memory_space<vmem>>) target_semaphore(%arg12 : memref<!tpu.dma_semaphore, #tpu.memory_space<semaphore_mem>>)
      %slice3A_150 = vector.extract_strided_slice %get3A_52 {offsets = [4], sizes = [1], strides = [1]} : vector<16xi32> to vector<1xi32>
      %squeeze3A_151 = vector.extract %slice3A_150[0] : i32 from vector<1xi32>
      %add3A_152 = arith.constant 4 : i32
      %add3A_153 = arith.addi %add3A_49, %add3A_152 : i32
      %dma_start3A_154 = arith.constant 0 : i32
      %dma_start3A_155 = tpu.memref_slice %arg9[%add3A_153, %dma_start3A_154] : memref<256x64xf32, #tpu.memory_space<vmem>> -> memref<1x64xf32, #tpu.memory_space<vmem>>
      %dma_start3A_156 = arith.constant 0 : i32
      %dma_start3A_157 = tpu.memref_slice %arg4[%squeeze3A_151, %dma_start3A_156] : memref<1000000x64xf32, #tpu.memory_space<hbm>> -> memref<1x64xf32, #tpu.memory_space<hbm>>
      %dma_start3A_158 = arith.constant 0 : i32
      %dma_start3A_159 = tpu.memref_slice %arg9[%add3A_153, %dma_start3A_158] : memref<256x64xf32, #tpu.memory_space<vmem>> -> memref<1x64xf32, #tpu.memory_space<vmem>>
      %dma_start3A_160 = arith.constant 0 : i32
      %dma_start3A_161 = tpu.memref_slice %arg4[%squeeze3A_151, %dma_start3A_160] : memref<1000000x64xf32, #tpu.memory_space<hbm>> -> memref<1x64xf32, #tpu.memory_space<hbm>>
      tpu.enqueue_dma source(%dma_start3A_161 : memref<1x64xf32, #tpu.memory_space<hbm>>) target(%dma_start3A_159 : memref<1x64xf32, #tpu.memory_space<vmem>>) target_semaphore(%arg12 : memref<!tpu.dma_semaphore, #tpu.memory_space<semaphore_mem>>)
      %slice3A_162 = vector.extract_strided_slice %get3A_56 {offsets = [4], sizes = [1], strides = [1]} : vector<16xi32> to vector<1xi32>
      %squeeze3A_163 = vector.extract %slice3A_162[0] : i32 from vector<1xi32>
      %add3A_164 = arith.constant 4 : i32
      %add3A_165 = arith.addi %add3A_49, %add3A_164 : i32
      %dma_start3A_166 = arith.constant 0 : i32
      %dma_start3A_167 = tpu.memref_slice %arg10[%add3A_165, %dma_start3A_166] : memref<256x64xf32, #tpu.memory_space<vmem>> -> memref<1x64xf32, #tpu.memory_space<vmem>>
      %dma_start3A_168 = arith.constant 0 : i32
      %dma_start3A_169 = tpu.memref_slice %arg5[%squeeze3A_163, %dma_start3A_168] : memref<1000000x64xf32, #tpu.memory_space<hbm>> -> memref<1x64xf32, #tpu.memory_space<hbm>>
      %dma_start3A_170 = arith.constant 0 : i32
      %dma_start3A_171 = tpu.memref_slice %arg10[%add3A_165, %dma_start3A_170] : memref<256x64xf32, #tpu.memory_space<vmem>> -> memref<1x64xf32, #tpu.memory_space<vmem>>
      %dma_start3A_172 = arith.constant 0 : i32
      %dma_start3A_173 = tpu.memref_slice %arg5[%squeeze3A_163, %dma_start3A_172] : memref<1000000x64xf32, #tpu.memory_space<hbm>> -> memref<1x64xf32, #tpu.memory_space<hbm>>
      tpu.enqueue_dma source(%dma_start3A_173 : memref<1x64xf32, #tpu.memory_space<hbm>>) target(%dma_start3A_171 : memref<1x64xf32, #tpu.memory_space<vmem>>) target_semaphore(%arg12 : memref<!tpu.dma_semaphore, #tpu.memory_space<semaphore_mem>>)
      %slice3A_174 = vector.extract_strided_slice %get3A_52 {offsets = [5], sizes = [1], strides = [1]} : vector<16xi32> to vector<1xi32>
      %squeeze3A_175 = vector.extract %slice3A_174[0] : i32 from vector<1xi32>
      %add3A_176 = arith.constant 5 : i32
      %add3A_177 = arith.addi %add3A_49, %add3A_176 : i32
      %dma_start3A_178 = arith.constant 0 : i32
      %dma_start3A_179 = tpu.memref_slice %arg9[%add3A_177, %dma_start3A_178] : memref<256x64xf32, #tpu.memory_space<vmem>> -> memref<1x64xf32, #tpu.memory_space<vmem>>
      %dma_start3A_180 = arith.constant 0 : i32
      %dma_start3A_181 = tpu.memref_slice %arg4[%squeeze3A_175, %dma_start3A_180] : memref<1000000x64xf32, #tpu.memory_space<hbm>> -> memref<1x64xf32, #tpu.memory_space<hbm>>
      %dma_start3A_182 = arith.constant 0 : i32
      %dma_start3A_183 = tpu.memref_slice %arg9[%add3A_177, %dma_start3A_182] : memref<256x64xf32, #tpu.memory_space<vmem>> -> memref<1x64xf32, #tpu.memory_space<vmem>>
      %dma_start3A_184 = arith.constant 0 : i32
      %dma_start3A_185 = tpu.memref_slice %arg4[%squeeze3A_175, %dma_start3A_184] : memref<1000000x64xf32, #tpu.memory_space<hbm>> -> memref<1x64xf32, #tpu.memory_space<hbm>>
      tpu.enqueue_dma source(%dma_start3A_185 : memref<1x64xf32, #tpu.memory_space<hbm>>) target(%dma_start3A_183 : memref<1x64xf32, #tpu.memory_space<vmem>>) target_semaphore(%arg12 : memref<!tpu.dma_semaphore, #tpu.memory_space<semaphore_mem>>)
      %slice3A_186 = vector.extract_strided_slice %get3A_56 {offsets = [5], sizes = [1], strides = [1]} : vector<16xi32> to vector<1xi32>
      %squeeze3A_187 = vector.extract %slice3A_186[0] : i32 from vector<1xi32>
      %add3A_188 = arith.constant 5 : i32
      %add3A_189 = arith.addi %add3A_49, %add3A_188 : i32
      %dma_start3A_190 = arith.constant 0 : i32
      %dma_start3A_191 = tpu.memref_slice %arg10[%add3A_189, %dma_start3A_190] : memref<256x64xf32, #tpu.memory_space<vmem>> -> memref<1x64xf32, #tpu.memory_space<vmem>>
      %dma_start3A_192 = arith.constant 0 : i32
      %dma_start3A_193 = tpu.memref_slice %arg5[%squeeze3A_187, %dma_start3A_192] : memref<1000000x64xf32, #tpu.memory_space<hbm>> -> memref<1x64xf32, #tpu.memory_space<hbm>>
      %dma_start3A_194 = arith.constant 0 : i32
      %dma_start3A_195 = tpu.memref_slice %arg10[%add3A_189, %dma_start3A_194] : memref<256x64xf32, #tpu.memory_space<vmem>> -> memref<1x64xf32, #tpu.memory_space<vmem>>
      %dma_start3A_196 = arith.constant 0 : i32
      %dma_start3A_197 = tpu.memref_slice %arg5[%squeeze3A_187, %dma_start3A_196] : memref<1000000x64xf32, #tpu.memory_space<hbm>> -> memref<1x64xf32, #tpu.memory_space<hbm>>
      tpu.enqueue_dma source(%dma_start3A_197 : memref<1x64xf32, #tpu.memory_space<hbm>>) target(%dma_start3A_195 : memref<1x64xf32, #tpu.memory_space<vmem>>) target_semaphore(%arg12 : memref<!tpu.dma_semaphore, #tpu.memory_space<semaphore_mem>>)
      %slice3A_198 = vector.extract_strided_slice %get3A_52 {offsets = [6], sizes = [1], strides = [1]} : vector<16xi32> to vector<1xi32>
      %squeeze3A_199 = vector.extract %slice3A_198[0] : i32 from vector<1xi32>
      %add3A_200 = arith.constant 6 : i32
      %add3A_201 = arith.addi %add3A_49, %add3A_200 : i32
      %dma_start3A_202 = arith.constant 0 : i32
      %dma_start3A_203 = tpu.memref_slice %arg9[%add3A_201, %dma_start3A_202] : memref<256x64xf32, #tpu.memory_space<vmem>> -> memref<1x64xf32, #tpu.memory_space<vmem>>
      %dma_start3A_204 = arith.constant 0 : i32
      %dma_start3A_205 = tpu.memref_slice %arg4[%squeeze3A_199, %dma_start3A_204] : memref<1000000x64xf32, #tpu.memory_space<hbm>> -> memref<1x64xf32, #tpu.memory_space<hbm>>
      %dma_start3A_206 = arith.constant 0 : i32
      %dma_start3A_207 = tpu.memref_slice %arg9[%add3A_201, %dma_start3A_206] : memref<256x64xf32, #tpu.memory_space<vmem>> -> memref<1x64xf32, #tpu.memory_space<vmem>>
      %dma_start3A_208 = arith.constant 0 : i32
      %dma_start3A_209 = tpu.memref_slice %arg4[%squeeze3A_199, %dma_start3A_208] : memref<1000000x64xf32, #tpu.memory_space<hbm>> -> memref<1x64xf32, #tpu.memory_space<hbm>>
      tpu.enqueue_dma source(%dma_start3A_209 : memref<1x64xf32, #tpu.memory_space<hbm>>) target(%dma_start3A_207 : memref<1x64xf32, #tpu.memory_space<vmem>>) target_semaphore(%arg12 : memref<!tpu.dma_semaphore, #tpu.memory_space<semaphore_mem>>)
      %slice3A_210 = vector.extract_strided_slice %get3A_56 {offsets = [6], sizes = [1], strides = [1]} : vector<16xi32> to vector<1xi32>
      %squeeze3A_211 = vector.extract %slice3A_210[0] : i32 from vector<1xi32>
      %add3A_212 = arith.constant 6 : i32
      %add3A_213 = arith.addi %add3A_49, %add3A_212 : i32
      %dma_start3A_214 = arith.constant 0 : i32
      %dma_start3A_215 = tpu.memref_slice %arg10[%add3A_213, %dma_start3A_214] : memref<256x64xf32, #tpu.memory_space<vmem>> -> memref<1x64xf32, #tpu.memory_space<vmem>>
      %dma_start3A_216 = arith.constant 0 : i32
      %dma_start3A_217 = tpu.memref_slice %arg5[%squeeze3A_211, %dma_start3A_216] : memref<1000000x64xf32, #tpu.memory_space<hbm>> -> memref<1x64xf32, #tpu.memory_space<hbm>>
      %dma_start3A_218 = arith.constant 0 : i32
      %dma_start3A_219 = tpu.memref_slice %arg10[%add3A_213, %dma_start3A_218] : memref<256x64xf32, #tpu.memory_space<vmem>> -> memref<1x64xf32, #tpu.memory_space<vmem>>
      %dma_start3A_220 = arith.constant 0 : i32
      %dma_start3A_221 = tpu.memref_slice %arg5[%squeeze3A_211, %dma_start3A_220] : memref<1000000x64xf32, #tpu.memory_space<hbm>> -> memref<1x64xf32, #tpu.memory_space<hbm>>
      tpu.enqueue_dma source(%dma_start3A_221 : memref<1x64xf32, #tpu.memory_space<hbm>>) target(%dma_start3A_219 : memref<1x64xf32, #tpu.memory_space<vmem>>) target_semaphore(%arg12 : memref<!tpu.dma_semaphore, #tpu.memory_space<semaphore_mem>>)
      %slice3A_222 = vector.extract_strided_slice %get3A_52 {offsets = [7], sizes = [1], strides = [1]} : vector<16xi32> to vector<1xi32>
      %squeeze3A_223 = vector.extract %slice3A_222[0] : i32 from vector<1xi32>
      %add3A_224 = arith.constant 7 : i32
      %add3A_225 = arith.addi %add3A_49, %add3A_224 : i32
      %dma_start3A_226 = arith.constant 0 : i32
      %dma_start3A_227 = tpu.memref_slice %arg9[%add3A_225, %dma_start3A_226] : memref<256x64xf32, #tpu.memory_space<vmem>> -> memref<1x64xf32, #tpu.memory_space<vmem>>
      %dma_start3A_228 = arith.constant 0 : i32
      %dma_start3A_229 = tpu.memref_slice %arg4[%squeeze3A_223, %dma_start3A_228] : memref<1000000x64xf32, #tpu.memory_space<hbm>> -> memref<1x64xf32, #tpu.memory_space<hbm>>
      %dma_start3A_230 = arith.constant 0 : i32
      %dma_start3A_231 = tpu.memref_slice %arg9[%add3A_225, %dma_start3A_230] : memref<256x64xf32, #tpu.memory_space<vmem>> -> memref<1x64xf32, #tpu.memory_space<vmem>>
      %dma_start3A_232 = arith.constant 0 : i32
      %dma_start3A_233 = tpu.memref_slice %arg4[%squeeze3A_223, %dma_start3A_232] : memref<1000000x64xf32, #tpu.memory_space<hbm>> -> memref<1x64xf32, #tpu.memory_space<hbm>>
      tpu.enqueue_dma source(%dma_start3A_233 : memref<1x64xf32, #tpu.memory_space<hbm>>) target(%dma_start3A_231 : memref<1x64xf32, #tpu.memory_space<vmem>>) target_semaphore(%arg12 : memref<!tpu.dma_semaphore, #tpu.memory_space<semaphore_mem>>)
      %slice3A_234 = vector.extract_strided_slice %get3A_56 {offsets = [7], sizes = [1], strides = [1]} : vector<16xi32> to vector<1xi32>
      %squeeze3A_235 = vector.extract %slice3A_234[0] : i32 from vector<1xi32>
      %add3A_236 = arith.constant 7 : i32
      %add3A_237 = arith.addi %add3A_49, %add3A_236 : i32
      %dma_start3A_238 = arith.constant 0 : i32
      %dma_start3A_239 = tpu.memref_slice %arg10[%add3A_237, %dma_start3A_238] : memref<256x64xf32, #tpu.memory_space<vmem>> -> memref<1x64xf32, #tpu.memory_space<vmem>>
      %dma_start3A_240 = arith.constant 0 : i32
      %dma_start3A_241 = tpu.memref_slice %arg5[%squeeze3A_235, %dma_start3A_240] : memref<1000000x64xf32, #tpu.memory_space<hbm>> -> memref<1x64xf32, #tpu.memory_space<hbm>>
      %dma_start3A_242 = arith.constant 0 : i32
      %dma_start3A_243 = tpu.memref_slice %arg10[%add3A_237, %dma_start3A_242] : memref<256x64xf32, #tpu.memory_space<vmem>> -> memref<1x64xf32, #tpu.memory_space<vmem>>
      %dma_start3A_244 = arith.constant 0 : i32
      %dma_start3A_245 = tpu.memref_slice %arg5[%squeeze3A_235, %dma_start3A_244] : memref<1000000x64xf32, #tpu.memory_space<hbm>> -> memref<1x64xf32, #tpu.memory_space<hbm>>
      tpu.enqueue_dma source(%dma_start3A_245 : memref<1x64xf32, #tpu.memory_space<hbm>>) target(%dma_start3A_243 : memref<1x64xf32, #tpu.memory_space<vmem>>) target_semaphore(%arg12 : memref<!tpu.dma_semaphore, #tpu.memory_space<semaphore_mem>>)
      %slice3A_246 = vector.extract_strided_slice %get3A_52 {offsets = [8], sizes = [1], strides = [1]} : vector<16xi32> to vector<1xi32>
      %squeeze3A_247 = vector.extract %slice3A_246[0] : i32 from vector<1xi32>
      %add3A_248 = arith.constant 8 : i32
      %add3A_249 = arith.addi %add3A_49, %add3A_248 : i32
      %dma_start3A_250 = arith.constant 0 : i32
      %dma_start3A_251 = tpu.memref_slice %arg9[%add3A_249, %dma_start3A_250] : memref<256x64xf32, #tpu.memory_space<vmem>> -> memref<1x64xf32, #tpu.memory_space<vmem>>
      %dma_start3A_252 = arith.constant 0 : i32
      %dma_start3A_253 = tpu.memref_slice %arg4[%squeeze3A_247, %dma_start3A_252] : memref<1000000x64xf32, #tpu.memory_space<hbm>> -> memref<1x64xf32, #tpu.memory_space<hbm>>
      %dma_start3A_254 = arith.constant 0 : i32
      %dma_start3A_255 = tpu.memref_slice %arg9[%add3A_249, %dma_start3A_254] : memref<256x64xf32, #tpu.memory_space<vmem>> -> memref<1x64xf32, #tpu.memory_space<vmem>>
      %dma_start3A_256 = arith.constant 0 : i32
      %dma_start3A_257 = tpu.memref_slice %arg4[%squeeze3A_247, %dma_start3A_256] : memref<1000000x64xf32, #tpu.memory_space<hbm>> -> memref<1x64xf32, #tpu.memory_space<hbm>>
      tpu.enqueue_dma source(%dma_start3A_257 : memref<1x64xf32, #tpu.memory_space<hbm>>) target(%dma_start3A_255 : memref<1x64xf32, #tpu.memory_space<vmem>>) target_semaphore(%arg12 : memref<!tpu.dma_semaphore, #tpu.memory_space<semaphore_mem>>)
      %slice3A_258 = vector.extract_strided_slice %get3A_56 {offsets = [8], sizes = [1], strides = [1]} : vector<16xi32> to vector<1xi32>
      %squeeze3A_259 = vector.extract %slice3A_258[0] : i32 from vector<1xi32>
      %add3A_260 = arith.constant 8 : i32
      %add3A_261 = arith.addi %add3A_49, %add3A_260 : i32
      %dma_start3A_262 = arith.constant 0 : i32
      %dma_start3A_263 = tpu.memref_slice %arg10[%add3A_261, %dma_start3A_262] : memref<256x64xf32, #tpu.memory_space<vmem>> -> memref<1x64xf32, #tpu.memory_space<vmem>>
      %dma_start3A_264 = arith.constant 0 : i32
      %dma_start3A_265 = tpu.memref_slice %arg5[%squeeze3A_259, %dma_start3A_264] : memref<1000000x64xf32, #tpu.memory_space<hbm>> -> memref<1x64xf32, #tpu.memory_space<hbm>>
      %dma_start3A_266 = arith.constant 0 : i32
      %dma_start3A_267 = tpu.memref_slice %arg10[%add3A_261, %dma_start3A_266] : memref<256x64xf32, #tpu.memory_space<vmem>> -> memref<1x64xf32, #tpu.memory_space<vmem>>
      %dma_start3A_268 = arith.constant 0 : i32
      %dma_start3A_269 = tpu.memref_slice %arg5[%squeeze3A_259, %dma_start3A_268] : memref<1000000x64xf32, #tpu.memory_space<hbm>> -> memref<1x64xf32, #tpu.memory_space<hbm>>
      tpu.enqueue_dma source(%dma_start3A_269 : memref<1x64xf32, #tpu.memory_space<hbm>>) target(%dma_start3A_267 : memref<1x64xf32, #tpu.memory_space<vmem>>) target_semaphore(%arg12 : memref<!tpu.dma_semaphore, #tpu.memory_space<semaphore_mem>>)
      %slice3A_270 = vector.extract_strided_slice %get3A_52 {offsets = [9], sizes = [1], strides = [1]} : vector<16xi32> to vector<1xi32>
      %squeeze3A_271 = vector.extract %slice3A_270[0] : i32 from vector<1xi32>
      %add3A_272 = arith.constant 9 : i32
      %add3A_273 = arith.addi %add3A_49, %add3A_272 : i32
      %dma_start3A_274 = arith.constant 0 : i32
      %dma_start3A_275 = tpu.memref_slice %arg9[%add3A_273, %dma_start3A_274] : memref<256x64xf32, #tpu.memory_space<vmem>> -> memref<1x64xf32, #tpu.memory_space<vmem>>
      %dma_start3A_276 = arith.constant 0 : i32
      %dma_start3A_277 = tpu.memref_slice %arg4[%squeeze3A_271, %dma_start3A_276] : memref<1000000x64xf32, #tpu.memory_space<hbm>> -> memref<1x64xf32, #tpu.memory_space<hbm>>
      %dma_start3A_278 = arith.constant 0 : i32
      %dma_start3A_279 = tpu.memref_slice %arg9[%add3A_273, %dma_start3A_278] : memref<256x64xf32, #tpu.memory_space<vmem>> -> memref<1x64xf32, #tpu.memory_space<vmem>>
      %dma_start3A_280 = arith.constant 0 : i32
      %dma_start3A_281 = tpu.memref_slice %arg4[%squeeze3A_271, %dma_start3A_280] : memref<1000000x64xf32, #tpu.memory_space<hbm>> -> memref<1x64xf32, #tpu.memory_space<hbm>>
      tpu.enqueue_dma source(%dma_start3A_281 : memref<1x64xf32, #tpu.memory_space<hbm>>) target(%dma_start3A_279 : memref<1x64xf32, #tpu.memory_space<vmem>>) target_semaphore(%arg12 : memref<!tpu.dma_semaphore, #tpu.memory_space<semaphore_mem>>)
      %slice3A_282 = vector.extract_strided_slice %get3A_56 {offsets = [9], sizes = [1], strides = [1]} : vector<16xi32> to vector<1xi32>
      %squeeze3A_283 = vector.extract %slice3A_282[0] : i32 from vector<1xi32>
      %add3A_284 = arith.constant 9 : i32
      %add3A_285 = arith.addi %add3A_49, %add3A_284 : i32
      %dma_start3A_286 = arith.constant 0 : i32
      %dma_start3A_287 = tpu.memref_slice %arg10[%add3A_285, %dma_start3A_286] : memref<256x64xf32, #tpu.memory_space<vmem>> -> memref<1x64xf32, #tpu.memory_space<vmem>>
      %dma_start3A_288 = arith.constant 0 : i32
      %dma_start3A_289 = tpu.memref_slice %arg5[%squeeze3A_283, %dma_start3A_288] : memref<1000000x64xf32, #tpu.memory_space<hbm>> -> memref<1x64xf32, #tpu.memory_space<hbm>>
      %dma_start3A_290 = arith.constant 0 : i32
      %dma_start3A_291 = tpu.memref_slice %arg10[%add3A_285, %dma_start3A_290] : memref<256x64xf32, #tpu.memory_space<vmem>> -> memref<1x64xf32, #tpu.memory_space<vmem>>
      %dma_start3A_292 = arith.constant 0 : i32
      %dma_start3A_293 = tpu.memref_slice %arg5[%squeeze3A_283, %dma_start3A_292] : memref<1000000x64xf32, #tpu.memory_space<hbm>> -> memref<1x64xf32, #tpu.memory_space<hbm>>
      tpu.enqueue_dma source(%dma_start3A_293 : memref<1x64xf32, #tpu.memory_space<hbm>>) target(%dma_start3A_291 : memref<1x64xf32, #tpu.memory_space<vmem>>) target_semaphore(%arg12 : memref<!tpu.dma_semaphore, #tpu.memory_space<semaphore_mem>>)
      %slice3A_294 = vector.extract_strided_slice %get3A_52 {offsets = [10], sizes = [1], strides = [1]} : vector<16xi32> to vector<1xi32>
      %squeeze3A_295 = vector.extract %slice3A_294[0] : i32 from vector<1xi32>
      %add3A_296 = arith.constant 10 : i32
      %add3A_297 = arith.addi %add3A_49, %add3A_296 : i32
      %dma_start3A_298 = arith.constant 0 : i32
      %dma_start3A_299 = tpu.memref_slice %arg9[%add3A_297, %dma_start3A_298] : memref<256x64xf32, #tpu.memory_space<vmem>> -> memref<1x64xf32, #tpu.memory_space<vmem>>
      %dma_start3A_300 = arith.constant 0 : i32
      %dma_start3A_301 = tpu.memref_slice %arg4[%squeeze3A_295, %dma_start3A_300] : memref<1000000x64xf32, #tpu.memory_space<hbm>> -> memref<1x64xf32, #tpu.memory_space<hbm>>
      %dma_start3A_302 = arith.constant 0 : i32
      %dma_start3A_303 = tpu.memref_slice %arg9[%add3A_297, %dma_start3A_302] : memref<256x64xf32, #tpu.memory_space<vmem>> -> memref<1x64xf32, #tpu.memory_space<vmem>>
      %dma_start3A_304 = arith.constant 0 : i32
      %dma_start3A_305 = tpu.memref_slice %arg4[%squeeze3A_295, %dma_start3A_304] : memref<1000000x64xf32, #tpu.memory_space<hbm>> -> memref<1x64xf32, #tpu.memory_space<hbm>>
      tpu.enqueue_dma source(%dma_start3A_305 : memref<1x64xf32, #tpu.memory_space<hbm>>) target(%dma_start3A_303 : memref<1x64xf32, #tpu.memory_space<vmem>>) target_semaphore(%arg12 : memref<!tpu.dma_semaphore, #tpu.memory_space<semaphore_mem>>)
      %slice3A_306 = vector.extract_strided_slice %get3A_56 {offsets = [10], sizes = [1], strides = [1]} : vector<16xi32> to vector<1xi32>
      %squeeze3A_307 = vector.extract %slice3A_306[0] : i32 from vector<1xi32>
      %add3A_308 = arith.constant 10 : i32
      %add3A_309 = arith.addi %add3A_49, %add3A_308 : i32
      %dma_start3A_310 = arith.constant 0 : i32
      %dma_start3A_311 = tpu.memref_slice %arg10[%add3A_309, %dma_start3A_310] : memref<256x64xf32, #tpu.memory_space<vmem>> -> memref<1x64xf32, #tpu.memory_space<vmem>>
      %dma_start3A_312 = arith.constant 0 : i32
      %dma_start3A_313 = tpu.memref_slice %arg5[%squeeze3A_307, %dma_start3A_312] : memref<1000000x64xf32, #tpu.memory_space<hbm>> -> memref<1x64xf32, #tpu.memory_space<hbm>>
      %dma_start3A_314 = arith.constant 0 : i32
      %dma_start3A_315 = tpu.memref_slice %arg10[%add3A_309, %dma_start3A_314] : memref<256x64xf32, #tpu.memory_space<vmem>> -> memref<1x64xf32, #tpu.memory_space<vmem>>
      %dma_start3A_316 = arith.constant 0 : i32
      %dma_start3A_317 = tpu.memref_slice %arg5[%squeeze3A_307, %dma_start3A_316] : memref<1000000x64xf32, #tpu.memory_space<hbm>> -> memref<1x64xf32, #tpu.memory_space<hbm>>
      tpu.enqueue_dma source(%dma_start3A_317 : memref<1x64xf32, #tpu.memory_space<hbm>>) target(%dma_start3A_315 : memref<1x64xf32, #tpu.memory_space<vmem>>) target_semaphore(%arg12 : memref<!tpu.dma_semaphore, #tpu.memory_space<semaphore_mem>>)
      %slice3A_318 = vector.extract_strided_slice %get3A_52 {offsets = [11], sizes = [1], strides = [1]} : vector<16xi32> to vector<1xi32>
      %squeeze3A_319 = vector.extract %slice3A_318[0] : i32 from vector<1xi32>
      %add3A_320 = arith.constant 11 : i32
      %add3A_321 = arith.addi %add3A_49, %add3A_320 : i32
      %dma_start3A_322 = arith.constant 0 : i32
      %dma_start3A_323 = tpu.memref_slice %arg9[%add3A_321, %dma_start3A_322] : memref<256x64xf32, #tpu.memory_space<vmem>> -> memref<1x64xf32, #tpu.memory_space<vmem>>
      %dma_start3A_324 = arith.constant 0 : i32
      %dma_start3A_325 = tpu.memref_slice %arg4[%squeeze3A_319, %dma_start3A_324] : memref<1000000x64xf32, #tpu.memory_space<hbm>> -> memref<1x64xf32, #tpu.memory_space<hbm>>
      %dma_start3A_326 = arith.constant 0 : i32
      %dma_start3A_327 = tpu.memref_slice %arg9[%add3A_321, %dma_start3A_326] : memref<256x64xf32, #tpu.memory_space<vmem>> -> memref<1x64xf32, #tpu.memory_space<vmem>>
      %dma_start3A_328 = arith.constant 0 : i32
      %dma_start3A_329 = tpu.memref_slice %arg4[%squeeze3A_319, %dma_start3A_328] : memref<1000000x64xf32, #tpu.memory_space<hbm>> -> memref<1x64xf32, #tpu.memory_space<hbm>>
      tpu.enqueue_dma source(%dma_start3A_329 : memref<1x64xf32, #tpu.memory_space<hbm>>) target(%dma_start3A_327 : memref<1x64xf32, #tpu.memory_space<vmem>>) target_semaphore(%arg12 : memref<!tpu.dma_semaphore, #tpu.memory_space<semaphore_mem>>)
      %slice3A_330 = vector.extract_strided_slice %get3A_56 {offsets = [11], sizes = [1], strides = [1]} : vector<16xi32> to vector<1xi32>
      %squeeze3A_331 = vector.extract %slice3A_330[0] : i32 from vector<1xi32>
      %add3A_332 = arith.constant 11 : i32
      %add3A_333 = arith.addi %add3A_49, %add3A_332 : i32
      %dma_start3A_334 = arith.constant 0 : i32
      %dma_start3A_335 = tpu.memref_slice %arg10[%add3A_333, %dma_start3A_334] : memref<256x64xf32, #tpu.memory_space<vmem>> -> memref<1x64xf32, #tpu.memory_space<vmem>>
      %dma_start3A_336 = arith.constant 0 : i32
      %dma_start3A_337 = tpu.memref_slice %arg5[%squeeze3A_331, %dma_start3A_336] : memref<1000000x64xf32, #tpu.memory_space<hbm>> -> memref<1x64xf32, #tpu.memory_space<hbm>>
      %dma_start3A_338 = arith.constant 0 : i32
      %dma_start3A_339 = tpu.memref_slice %arg10[%add3A_333, %dma_start3A_338] : memref<256x64xf32, #tpu.memory_space<vmem>> -> memref<1x64xf32, #tpu.memory_space<vmem>>
      %dma_start3A_340 = arith.constant 0 : i32
      %dma_start3A_341 = tpu.memref_slice %arg5[%squeeze3A_331, %dma_start3A_340] : memref<1000000x64xf32, #tpu.memory_space<hbm>> -> memref<1x64xf32, #tpu.memory_space<hbm>>
      tpu.enqueue_dma source(%dma_start3A_341 : memref<1x64xf32, #tpu.memory_space<hbm>>) target(%dma_start3A_339 : memref<1x64xf32, #tpu.memory_space<vmem>>) target_semaphore(%arg12 : memref<!tpu.dma_semaphore, #tpu.memory_space<semaphore_mem>>)
      %slice3A_342 = vector.extract_strided_slice %get3A_52 {offsets = [12], sizes = [1], strides = [1]} : vector<16xi32> to vector<1xi32>
      %squeeze3A_343 = vector.extract %slice3A_342[0] : i32 from vector<1xi32>
      %add3A_344 = arith.constant 12 : i32
      %add3A_345 = arith.addi %add3A_49, %add3A_344 : i32
      %dma_start3A_346 = arith.constant 0 : i32
      %dma_start3A_347 = tpu.memref_slice %arg9[%add3A_345, %dma_start3A_346] : memref<256x64xf32, #tpu.memory_space<vmem>> -> memref<1x64xf32, #tpu.memory_space<vmem>>
      %dma_start3A_348 = arith.constant 0 : i32
      %dma_start3A_349 = tpu.memref_slice %arg4[%squeeze3A_343, %dma_start3A_348] : memref<1000000x64xf32, #tpu.memory_space<hbm>> -> memref<1x64xf32, #tpu.memory_space<hbm>>
      %dma_start3A_350 = arith.constant 0 : i32
      %dma_start3A_351 = tpu.memref_slice %arg9[%add3A_345, %dma_start3A_350] : memref<256x64xf32, #tpu.memory_space<vmem>> -> memref<1x64xf32, #tpu.memory_space<vmem>>
      %dma_start3A_352 = arith.constant 0 : i32
      %dma_start3A_353 = tpu.memref_slice %arg4[%squeeze3A_343, %dma_start3A_352] : memref<1000000x64xf32, #tpu.memory_space<hbm>> -> memref<1x64xf32, #tpu.memory_space<hbm>>
      tpu.enqueue_dma source(%dma_start3A_353 : memref<1x64xf32, #tpu.memory_space<hbm>>) target(%dma_start3A_351 : memref<1x64xf32, #tpu.memory_space<vmem>>) target_semaphore(%arg12 : memref<!tpu.dma_semaphore, #tpu.memory_space<semaphore_mem>>)
      %slice3A_354 = vector.extract_strided_slice %get3A_56 {offsets = [12], sizes = [1], strides = [1]} : vector<16xi32> to vector<1xi32>
      %squeeze3A_355 = vector.extract %slice3A_354[0] : i32 from vector<1xi32>
      %add3A_356 = arith.constant 12 : i32
      %add3A_357 = arith.addi %add3A_49, %add3A_356 : i32
      %dma_start3A_358 = arith.constant 0 : i32
      %dma_start3A_359 = tpu.memref_slice %arg10[%add3A_357, %dma_start3A_358] : memref<256x64xf32, #tpu.memory_space<vmem>> -> memref<1x64xf32, #tpu.memory_space<vmem>>
      %dma_start3A_360 = arith.constant 0 : i32
      %dma_start3A_361 = tpu.memref_slice %arg5[%squeeze3A_355, %dma_start3A_360] : memref<1000000x64xf32, #tpu.memory_space<hbm>> -> memref<1x64xf32, #tpu.memory_space<hbm>>
      %dma_start3A_362 = arith.constant 0 : i32
      %dma_start3A_363 = tpu.memref_slice %arg10[%add3A_357, %dma_start3A_362] : memref<256x64xf32, #tpu.memory_space<vmem>> -> memref<1x64xf32, #tpu.memory_space<vmem>>
      %dma_start3A_364 = arith.constant 0 : i32
      %dma_start3A_365 = tpu.memref_slice %arg5[%squeeze3A_355, %dma_start3A_364] : memref<1000000x64xf32, #tpu.memory_space<hbm>> -> memref<1x64xf32, #tpu.memory_space<hbm>>
      tpu.enqueue_dma source(%dma_start3A_365 : memref<1x64xf32, #tpu.memory_space<hbm>>) target(%dma_start3A_363 : memref<1x64xf32, #tpu.memory_space<vmem>>) target_semaphore(%arg12 : memref<!tpu.dma_semaphore, #tpu.memory_space<semaphore_mem>>)
      %slice3A_366 = vector.extract_strided_slice %get3A_52 {offsets = [13], sizes = [1], strides = [1]} : vector<16xi32> to vector<1xi32>
      %squeeze3A_367 = vector.extract %slice3A_366[0] : i32 from vector<1xi32>
      %add3A_368 = arith.constant 13 : i32
      %add3A_369 = arith.addi %add3A_49, %add3A_368 : i32
      %dma_start3A_370 = arith.constant 0 : i32
      %dma_start3A_371 = tpu.memref_slice %arg9[%add3A_369, %dma_start3A_370] : memref<256x64xf32, #tpu.memory_space<vmem>> -> memref<1x64xf32, #tpu.memory_space<vmem>>
      %dma_start3A_372 = arith.constant 0 : i32
      %dma_start3A_373 = tpu.memref_slice %arg4[%squeeze3A_367, %dma_start3A_372] : memref<1000000x64xf32, #tpu.memory_space<hbm>> -> memref<1x64xf32, #tpu.memory_space<hbm>>
      %dma_start3A_374 = arith.constant 0 : i32
      %dma_start3A_375 = tpu.memref_slice %arg9[%add3A_369, %dma_start3A_374] : memref<256x64xf32, #tpu.memory_space<vmem>> -> memref<1x64xf32, #tpu.memory_space<vmem>>
      %dma_start3A_376 = arith.constant 0 : i32
      %dma_start3A_377 = tpu.memref_slice %arg4[%squeeze3A_367, %dma_start3A_376] : memref<1000000x64xf32, #tpu.memory_space<hbm>> -> memref<1x64xf32, #tpu.memory_space<hbm>>
      tpu.enqueue_dma source(%dma_start3A_377 : memref<1x64xf32, #tpu.memory_space<hbm>>) target(%dma_start3A_375 : memref<1x64xf32, #tpu.memory_space<vmem>>) target_semaphore(%arg12 : memref<!tpu.dma_semaphore, #tpu.memory_space<semaphore_mem>>)
      %slice3A_378 = vector.extract_strided_slice %get3A_56 {offsets = [13], sizes = [1], strides = [1]} : vector<16xi32> to vector<1xi32>
      %squeeze3A_379 = vector.extract %slice3A_378[0] : i32 from vector<1xi32>
      %add3A_380 = arith.constant 13 : i32
      %add3A_381 = arith.addi %add3A_49, %add3A_380 : i32
      %dma_start3A_382 = arith.constant 0 : i32
      %dma_start3A_383 = tpu.memref_slice %arg10[%add3A_381, %dma_start3A_382] : memref<256x64xf32, #tpu.memory_space<vmem>> -> memref<1x64xf32, #tpu.memory_space<vmem>>
      %dma_start3A_384 = arith.constant 0 : i32
      %dma_start3A_385 = tpu.memref_slice %arg5[%squeeze3A_379, %dma_start3A_384] : memref<1000000x64xf32, #tpu.memory_space<hbm>> -> memref<1x64xf32, #tpu.memory_space<hbm>>
      %dma_start3A_386 = arith.constant 0 : i32
      %dma_start3A_387 = tpu.memref_slice %arg10[%add3A_381, %dma_start3A_386] : memref<256x64xf32, #tpu.memory_space<vmem>> -> memref<1x64xf32, #tpu.memory_space<vmem>>
      %dma_start3A_388 = arith.constant 0 : i32
      %dma_start3A_389 = tpu.memref_slice %arg5[%squeeze3A_379, %dma_start3A_388] : memref<1000000x64xf32, #tpu.memory_space<hbm>> -> memref<1x64xf32, #tpu.memory_space<hbm>>
      tpu.enqueue_dma source(%dma_start3A_389 : memref<1x64xf32, #tpu.memory_space<hbm>>) target(%dma_start3A_387 : memref<1x64xf32, #tpu.memory_space<vmem>>) target_semaphore(%arg12 : memref<!tpu.dma_semaphore, #tpu.memory_space<semaphore_mem>>)
      %slice3A_390 = vector.extract_strided_slice %get3A_52 {offsets = [14], sizes = [1], strides = [1]} : vector<16xi32> to vector<1xi32>
      %squeeze3A_391 = vector.extract %slice3A_390[0] : i32 from vector<1xi32>
      %add3A_392 = arith.constant 14 : i32
      %add3A_393 = arith.addi %add3A_49, %add3A_392 : i32
      %dma_start3A_394 = arith.constant 0 : i32
      %dma_start3A_395 = tpu.memref_slice %arg9[%add3A_393, %dma_start3A_394] : memref<256x64xf32, #tpu.memory_space<vmem>> -> memref<1x64xf32, #tpu.memory_space<vmem>>
      %dma_start3A_396 = arith.constant 0 : i32
      %dma_start3A_397 = tpu.memref_slice %arg4[%squeeze3A_391, %dma_start3A_396] : memref<1000000x64xf32, #tpu.memory_space<hbm>> -> memref<1x64xf32, #tpu.memory_space<hbm>>
      %dma_start3A_398 = arith.constant 0 : i32
      %dma_start3A_399 = tpu.memref_slice %arg9[%add3A_393, %dma_start3A_398] : memref<256x64xf32, #tpu.memory_space<vmem>> -> memref<1x64xf32, #tpu.memory_space<vmem>>
      %dma_start3A_400 = arith.constant 0 : i32
      %dma_start3A_401 = tpu.memref_slice %arg4[%squeeze3A_391, %dma_start3A_400] : memref<1000000x64xf32, #tpu.memory_space<hbm>> -> memref<1x64xf32, #tpu.memory_space<hbm>>
      tpu.enqueue_dma source(%dma_start3A_401 : memref<1x64xf32, #tpu.memory_space<hbm>>) target(%dma_start3A_399 : memref<1x64xf32, #tpu.memory_space<vmem>>) target_semaphore(%arg12 : memref<!tpu.dma_semaphore, #tpu.memory_space<semaphore_mem>>)
      %slice3A_402 = vector.extract_strided_slice %get3A_56 {offsets = [14], sizes = [1], strides = [1]} : vector<16xi32> to vector<1xi32>
      %squeeze3A_403 = vector.extract %slice3A_402[0] : i32 from vector<1xi32>
      %add3A_404 = arith.constant 14 : i32
      %add3A_405 = arith.addi %add3A_49, %add3A_404 : i32
      %dma_start3A_406 = arith.constant 0 : i32
      %dma_start3A_407 = tpu.memref_slice %arg10[%add3A_405, %dma_start3A_406] : memref<256x64xf32, #tpu.memory_space<vmem>> -> memref<1x64xf32, #tpu.memory_space<vmem>>
      %dma_start3A_408 = arith.constant 0 : i32
      %dma_start3A_409 = tpu.memref_slice %arg5[%squeeze3A_403, %dma_start3A_408] : memref<1000000x64xf32, #tpu.memory_space<hbm>> -> memref<1x64xf32, #tpu.memory_space<hbm>>
      %dma_start3A_410 = arith.constant 0 : i32
      %dma_start3A_411 = tpu.memref_slice %arg10[%add3A_405, %dma_start3A_410] : memref<256x64xf32, #tpu.memory_space<vmem>> -> memref<1x64xf32, #tpu.memory_space<vmem>>
      %dma_start3A_412 = arith.constant 0 : i32
      %dma_start3A_413 = tpu.memref_slice %arg5[%squeeze3A_403, %dma_start3A_412] : memref<1000000x64xf32, #tpu.memory_space<hbm>> -> memref<1x64xf32, #tpu.memory_space<hbm>>
      tpu.enqueue_dma source(%dma_start3A_413 : memref<1x64xf32, #tpu.memory_space<hbm>>) target(%dma_start3A_411 : memref<1x64xf32, #tpu.memory_space<vmem>>) target_semaphore(%arg12 : memref<!tpu.dma_semaphore, #tpu.memory_space<semaphore_mem>>)
      %slice3A_414 = vector.extract_strided_slice %get3A_52 {offsets = [15], sizes = [1], strides = [1]} : vector<16xi32> to vector<1xi32>
      %squeeze3A_415 = vector.extract %slice3A_414[0] : i32 from vector<1xi32>
      %add3A_416 = arith.constant 15 : i32
      %add3A_417 = arith.addi %add3A_49, %add3A_416 : i32
      %dma_start3A_418 = arith.constant 0 : i32
      %dma_start3A_419 = tpu.memref_slice %arg9[%add3A_417, %dma_start3A_418] : memref<256x64xf32, #tpu.memory_space<vmem>> -> memref<1x64xf32, #tpu.memory_space<vmem>>
      %dma_start3A_420 = arith.constant 0 : i32
      %dma_start3A_421 = tpu.memref_slice %arg4[%squeeze3A_415, %dma_start3A_420] : memref<1000000x64xf32, #tpu.memory_space<hbm>> -> memref<1x64xf32, #tpu.memory_space<hbm>>
      %dma_start3A_422 = arith.constant 0 : i32
      %dma_start3A_423 = tpu.memref_slice %arg9[%add3A_417, %dma_start3A_422] : memref<256x64xf32, #tpu.memory_space<vmem>> -> memref<1x64xf32, #tpu.memory_space<vmem>>
      %dma_start3A_424 = arith.constant 0 : i32
      %dma_start3A_425 = tpu.memref_slice %arg4[%squeeze3A_415, %dma_start3A_424] : memref<1000000x64xf32, #tpu.memory_space<hbm>> -> memref<1x64xf32, #tpu.memory_space<hbm>>
      tpu.enqueue_dma source(%dma_start3A_425 : memref<1x64xf32, #tpu.memory_space<hbm>>) target(%dma_start3A_423 : memref<1x64xf32, #tpu.memory_space<vmem>>) target_semaphore(%arg12 : memref<!tpu.dma_semaphore, #tpu.memory_space<semaphore_mem>>)
      %slice3A_426 = vector.extract_strided_slice %get3A_56 {offsets = [15], sizes = [1], strides = [1]} : vector<16xi32> to vector<1xi32>
      %squeeze3A_427 = vector.extract %slice3A_426[0] : i32 from vector<1xi32>
      %add3A_428 = arith.constant 15 : i32
      %add3A_429 = arith.addi %add3A_49, %add3A_428 : i32
      %dma_start3A_430 = arith.constant 0 : i32
      %dma_start3A_431 = tpu.memref_slice %arg10[%add3A_429, %dma_start3A_430] : memref<256x64xf32, #tpu.memory_space<vmem>> -> memref<1x64xf32, #tpu.memory_space<vmem>>
      %dma_start3A_432 = arith.constant 0 : i32
      %dma_start3A_433 = tpu.memref_slice %arg5[%squeeze3A_427, %dma_start3A_432] : memref<1000000x64xf32, #tpu.memory_space<hbm>> -> memref<1x64xf32, #tpu.memory_space<hbm>>
      %dma_start3A_434 = arith.constant 0 : i32
      %dma_start3A_435 = tpu.memref_slice %arg10[%add3A_429, %dma_start3A_434] : memref<256x64xf32, #tpu.memory_space<vmem>> -> memref<1x64xf32, #tpu.memory_space<vmem>>
      %dma_start3A_436 = arith.constant 0 : i32
      %dma_start3A_437 = tpu.memref_slice %arg5[%squeeze3A_427, %dma_start3A_436] : memref<1000000x64xf32, #tpu.memory_space<hbm>> -> memref<1x64xf32, #tpu.memory_space<hbm>>
      tpu.enqueue_dma source(%dma_start3A_437 : memref<1x64xf32, #tpu.memory_space<hbm>>) target(%dma_start3A_435 : memref<1x64xf32, #tpu.memory_space<vmem>>) target_semaphore(%arg12 : memref<!tpu.dma_semaphore, #tpu.memory_space<semaphore_mem>>)
    }
    %scan3A_27 = arith.constant 16 : i32
    %dma_wait3A_28 = arith.constant 0 : i32
    %dma_wait3A_29 = arith.constant 0 : i32
    %dma_wait3A_30 = tpu.memref_slice %arg4[%dma_wait3A_28, %dma_wait3A_29] : memref<1000000x64xf32, #tpu.memory_space<hbm>> -> memref<256x64xf32, #tpu.memory_space<hbm>>
    %dma_wait3A_31 = arith.constant 0 : i32
    %dma_wait3A_32 = arith.constant 0 : i32
    %dma_wait3A_33 = tpu.memref_slice %arg4[%dma_wait3A_31, %dma_wait3A_32] : memref<1000000x64xf32, #tpu.memory_space<hbm>> -> memref<256x64xf32, #tpu.memory_space<hbm>>
    tpu.wait_dma2 semaphore(%arg12 : memref<!tpu.dma_semaphore, #tpu.memory_space<semaphore_mem>>) src(%dma_wait3A_33 : memref<256x64xf32, #tpu.memory_space<hbm>>) dst(%arg9 : memref<256x64xf32, #tpu.memory_space<vmem>>)
    %dma_wait3A_34 = arith.constant 0 : i32
    %dma_wait3A_35 = arith.constant 0 : i32
    %dma_wait3A_36 = tpu.memref_slice %arg5[%dma_wait3A_34, %dma_wait3A_35] : memref<1000000x64xf32, #tpu.memory_space<hbm>> -> memref<256x64xf32, #tpu.memory_space<hbm>>
    %dma_wait3A_37 = arith.constant 0 : i32
    %dma_wait3A_38 = arith.constant 0 : i32
    %dma_wait3A_39 = tpu.memref_slice %arg5[%dma_wait3A_37, %dma_wait3A_38] : memref<1000000x64xf32, #tpu.memory_space<hbm>> -> memref<256x64xf32, #tpu.memory_space<hbm>>
    tpu.wait_dma2 semaphore(%arg12 : memref<!tpu.dma_semaphore, #tpu.memory_space<semaphore_mem>>) src(%dma_wait3A_39 : memref<256x64xf32, #tpu.memory_space<hbm>>) dst(%arg10 : memref<256x64xf32, #tpu.memory_space<vmem>>)
    %scan3A_40 = arith.constant 0 : i32
    %scan3A_41 = arith.constant 16 : i32
    %scan3A_42 = arith.addi %scan3A_40, %scan3A_41 : i32
    %scan3A_43 = arith.constant 1 : i32
    scf.for %scan3A_45 = %scan3A_40 to %scan3A_42 step %scan3A_43  : i32 {
      %mul3A_46 = arith.constant 16 : i32
      %mul3A_47 = arith.muli %scan3A_45, %mul3A_46 : i32
      %add3A_48 = arith.constant 0 : i32
      %add3A_49 = arith.addi %add3A_48, %mul3A_47 : i32
      %broadcast_in_dim3A = arith.constant 0.000000e+00 : f32
      %broadcast_in_dim3A_50 = vector.broadcast %broadcast_in_dim3A : f32 to vector<16xf32>
      %add3A_51 = arith.constant 0 : i32
      %add3A_52 = arith.addi %add3A_49, %add3A_51 : i32
      %get3A = arith.index_cast %add3A_52 : i32 to index
      %get3A_53 = arith.constant 0 : index
      %get3A_54 = tpu.vector_load %arg9[%get3A, %get3A_53] {strides = array<i32>} : memref<256x64xf32, #tpu.memory_space<vmem>>, vector<16xf32>,
      %get3A_55 = arith.index_cast %add3A_52 : i32 to index
      %get3A_56 = arith.constant 0 : index
      %get3A_57 = tpu.vector_load %arg10[%get3A_55, %get3A_56] {strides = array<i32>} : memref<256x64xf32, #tpu.memory_space<vmem>>, vector<16xf32>,
      %mul3A_58 = arith.mulf %get3A_54, %get3A_57 : vector<16xf32>
      %get3A_59 = arith.index_cast %add3A_52 : i32 to index
      %get3A_60 = arith.constant 16 : index
      %get3A_61 = tpu.vector_load %arg9[%get3A_59, %get3A_60] {strides = array<i32>} : memref<256x64xf32, #tpu.memory_space<vmem>>, vector<16xf32>,
      %get3A_62 = arith.index_cast %add3A_52 : i32 to index
      %get3A_63 = arith.constant 16 : index
      %get3A_64 = tpu.vector_load %arg10[%get3A_62, %get3A_63] {strides = array<i32>} : memref<256x64xf32, #tpu.memory_space<vmem>>, vector<16xf32>,
      %mul3A_65 = arith.mulf %get3A_61, %get3A_64 : vector<16xf32>
      %add3A_66 = arith.addf %mul3A_58, %mul3A_65 : vector<16xf32>
      %get3A_67 = arith.index_cast %add3A_52 : i32 to index
      %get3A_68 = arith.constant 32 : index
      %get3A_69 = tpu.vector_load %arg9[%get3A_67, %get3A_68] {strides = array<i32>} : memref<256x64xf32, #tpu.memory_space<vmem>>, vector<16xf32>,
      %get3A_70 = arith.index_cast %add3A_52 : i32 to index
      %get3A_71 = arith.constant 32 : index
      %get3A_72 = tpu.vector_load %arg10[%get3A_70, %get3A_71] {strides = array<i32>} : memref<256x64xf32, #tpu.memory_space<vmem>>, vector<16xf32>,
      %mul3A_73 = arith.mulf %get3A_69, %get3A_72 : vector<16xf32>
      %add3A_74 = arith.addf %add3A_66, %mul3A_73 : vector<16xf32>
      %get3A_75 = arith.index_cast %add3A_52 : i32 to index
      %get3A_76 = arith.constant 48 : index
      %get3A_77 = tpu.vector_load %arg9[%get3A_75, %get3A_76] {strides = array<i32>} : memref<256x64xf32, #tpu.memory_space<vmem>>, vector<16xf32>,
      %get3A_78 = arith.index_cast %add3A_52 : i32 to index
      %get3A_79 = arith.constant 48 : index
      %get3A_80 = tpu.vector_load %arg10[%get3A_78, %get3A_79] {strides = array<i32>} : memref<256x64xf32, #tpu.memory_space<vmem>>, vector<16xf32>,
      %mul3A_81 = arith.mulf %get3A_77, %get3A_80 : vector<16xf32>
      %add3A_82 = arith.addf %add3A_74, %mul3A_81 : vector<16xf32>
      %eq3A = arith.constant 0 : i32
      %eq3A_83 = vector.broadcast %eq3A : i32 to vector<16xi32>
      %eq3A_84 = arith.cmpi eq, %iota3A, %eq3A_83 : vector<16xi32>
      %reduce_sum3A = arith.constant true
      %reduce_sum3A_85 = vector.broadcast %reduce_sum3A : i1 to vector<16xi1>
      %reduce_sum3A_86 = tpu.scan <sum>, %add3A_82 masked %reduce_sum3A_85 : vector<16xf32>, vector<16xi1> -> vector<16xf32>
      %reduce_sum3A_87 = vector.extract %reduce_sum3A_86[15] : f32 from vector<16xf32>
      %broadcast_in_dim3A_88 = vector.broadcast %reduce_sum3A_87 : f32 to vector<16xf32>
      %select_n3A = arith.select %eq3A_84, %broadcast_in_dim3A_88, %broadcast_in_dim3A_50 : vector<16xi1>, vector<16xf32>
      %add3A_89 = arith.constant 1 : i32
      %add3A_90 = arith.addi %add3A_49, %add3A_89 : i32
      %get3A_91 = arith.index_cast %add3A_90 : i32 to index
      %get3A_92 = arith.constant 0 : index
      %get3A_93 = tpu.vector_load %arg9[%get3A_91, %get3A_92] {strides = array<i32>} : memref<256x64xf32, #tpu.memory_space<vmem>>, vector<16xf32>,
      %get3A_94 = arith.index_cast %add3A_90 : i32 to index
      %get3A_95 = arith.constant 0 : index
      %get3A_96 = tpu.vector_load %arg10[%get3A_94, %get3A_95] {strides = array<i32>} : memref<256x64xf32, #tpu.memory_space<vmem>>, vector<16xf32>,
      %mul3A_97 = arith.mulf %get3A_93, %get3A_96 : vector<16xf32>
      %get3A_98 = arith.index_cast %add3A_90 : i32 to index
      %get3A_99 = arith.constant 16 : index
      %get3A_100 = tpu.vector_load %arg9[%get3A_98, %get3A_99] {strides = array<i32>} : memref<256x64xf32, #tpu.memory_space<vmem>>, vector<16xf32>,
      %get3A_101 = arith.index_cast %add3A_90 : i32 to index
      %get3A_102 = arith.constant 16 : index
      %get3A_103 = tpu.vector_load %arg10[%get3A_101, %get3A_102] {strides = array<i32>} : memref<256x64xf32, #tpu.memory_space<vmem>>, vector<16xf32>,
      %mul3A_104 = arith.mulf %get3A_100, %get3A_103 : vector<16xf32>
      %add3A_105 = arith.addf %mul3A_97, %mul3A_104 : vector<16xf32>
      %get3A_106 = arith.index_cast %add3A_90 : i32 to index
      %get3A_107 = arith.constant 32 : index
      %get3A_108 = tpu.vector_load %arg9[%get3A_106, %get3A_107] {strides = array<i32>} : memref<256x64xf32, #tpu.memory_space<vmem>>, vector<16xf32>,
      %get3A_109 = arith.index_cast %add3A_90 : i32 to index
      %get3A_110 = arith.constant 32 : index
      %get3A_111 = tpu.vector_load %arg10[%get3A_109, %get3A_110] {strides = array<i32>} : memref<256x64xf32, #tpu.memory_space<vmem>>, vector<16xf32>,
      %mul3A_112 = arith.mulf %get3A_108, %get3A_111 : vector<16xf32>
      %add3A_113 = arith.addf %add3A_105, %mul3A_112 : vector<16xf32>
      %get3A_114 = arith.index_cast %add3A_90 : i32 to index
      %get3A_115 = arith.constant 48 : index
      %get3A_116 = tpu.vector_load %arg9[%get3A_114, %get3A_115] {strides = array<i32>} : memref<256x64xf32, #tpu.memory_space<vmem>>, vector<16xf32>,
      %get3A_117 = arith.index_cast %add3A_90 : i32 to index
      %get3A_118 = arith.constant 48 : index
      %get3A_119 = tpu.vector_load %arg10[%get3A_117, %get3A_118] {strides = array<i32>} : memref<256x64xf32, #tpu.memory_space<vmem>>, vector<16xf32>,
      %mul3A_120 = arith.mulf %get3A_116, %get3A_119 : vector<16xf32>
      %add3A_121 = arith.addf %add3A_113, %mul3A_120 : vector<16xf32>
      %eq3A_122 = arith.constant 1 : i32
      %eq3A_123 = vector.broadcast %eq3A_122 : i32 to vector<16xi32>
      %eq3A_124 = arith.cmpi eq, %iota3A, %eq3A_123 : vector<16xi32>
      %reduce_sum3A_125 = arith.constant true
      %reduce_sum3A_126 = vector.broadcast %reduce_sum3A_125 : i1 to vector<16xi1>
      %reduce_sum3A_127 = tpu.scan <sum>, %add3A_121 masked %reduce_sum3A_126 : vector<16xf32>, vector<16xi1> -> vector<16xf32>
      %reduce_sum3A_128 = vector.extract %reduce_sum3A_127[15] : f32 from vector<16xf32>
      %broadcast_in_dim3A_129 = vector.broadcast %reduce_sum3A_128 : f32 to vector<16xf32>
      %select_n3A_130 = arith.select %eq3A_124, %broadcast_in_dim3A_129, %select_n3A : vector<16xi1>, vector<16xf32>
      %add3A_131 = arith.constant 2 : i32
      %add3A_132 = arith.addi %add3A_49, %add3A_131 : i32
      %get3A_133 = arith.index_cast %add3A_132 : i32 to index
      %get3A_134 = arith.constant 0 : index
      %get3A_135 = tpu.vector_load %arg9[%get3A_133, %get3A_134] {strides = array<i32>} : memref<256x64xf32, #tpu.memory_space<vmem>>, vector<16xf32>,
      %get3A_136 = arith.index_cast %add3A_132 : i32 to index
      %get3A_137 = arith.constant 0 : index
      %get3A_138 = tpu.vector_load %arg10[%get3A_136, %get3A_137] {strides = array<i32>} : memref<256x64xf32, #tpu.memory_space<vmem>>, vector<16xf32>,
      %mul3A_139 = arith.mulf %get3A_135, %get3A_138 : vector<16xf32>
      %get3A_140 = arith.index_cast %add3A_132 : i32 to index
      %get3A_141 = arith.constant 16 : index
      %get3A_142 = tpu.vector_load %arg9[%get3A_140, %get3A_141] {strides = array<i32>} : memref<256x64xf32, #tpu.memory_space<vmem>>, vector<16xf32>,
      %get3A_143 = arith.index_cast %add3A_132 : i32 to index
      %get3A_144 = arith.constant 16 : index
      %get3A_145 = tpu.vector_load %arg10[%get3A_143, %get3A_144] {strides = array<i32>} : memref<256x64xf32, #tpu.memory_space<vmem>>, vector<16xf32>,
      %mul3A_146 = arith.mulf %get3A_142, %get3A_145 : vector<16xf32>
      %add3A_147 = arith.addf %mul3A_139, %mul3A_146 : vector<16xf32>
      %get3A_148 = arith.index_cast %add3A_132 : i32 to index
      %get3A_149 = arith.constant 32 : index
      %get3A_150 = tpu.vector_load %arg9[%get3A_148, %get3A_149] {strides = array<i32>} : memref<256x64xf32, #tpu.memory_space<vmem>>, vector<16xf32>,
      %get3A_151 = arith.index_cast %add3A_132 : i32 to index
      %get3A_152 = arith.constant 32 : index
      %get3A_153 = tpu.vector_load %arg10[%get3A_151, %get3A_152] {strides = array<i32>} : memref<256x64xf32, #tpu.memory_space<vmem>>, vector<16xf32>,
      %mul3A_154 = arith.mulf %get3A_150, %get3A_153 : vector<16xf32>
      %add3A_155 = arith.addf %add3A_147, %mul3A_154 : vector<16xf32>
      %get3A_156 = arith.index_cast %add3A_132 : i32 to index
      %get3A_157 = arith.constant 48 : index
      %get3A_158 = tpu.vector_load %arg9[%get3A_156, %get3A_157] {strides = array<i32>} : memref<256x64xf32, #tpu.memory_space<vmem>>, vector<16xf32>,
      %get3A_159 = arith.index_cast %add3A_132 : i32 to index
      %get3A_160 = arith.constant 48 : index
      %get3A_161 = tpu.vector_load %arg10[%get3A_159, %get3A_160] {strides = array<i32>} : memref<256x64xf32, #tpu.memory_space<vmem>>, vector<16xf32>,
      %mul3A_162 = arith.mulf %get3A_158, %get3A_161 : vector<16xf32>
      %add3A_163 = arith.addf %add3A_155, %mul3A_162 : vector<16xf32>
      %eq3A_164 = arith.constant 2 : i32
      %eq3A_165 = vector.broadcast %eq3A_164 : i32 to vector<16xi32>
      %eq3A_166 = arith.cmpi eq, %iota3A, %eq3A_165 : vector<16xi32>
      %reduce_sum3A_167 = arith.constant true
      %reduce_sum3A_168 = vector.broadcast %reduce_sum3A_167 : i1 to vector<16xi1>
      %reduce_sum3A_169 = tpu.scan <sum>, %add3A_163 masked %reduce_sum3A_168 : vector<16xf32>, vector<16xi1> -> vector<16xf32>
      %reduce_sum3A_170 = vector.extract %reduce_sum3A_169[15] : f32 from vector<16xf32>
      %broadcast_in_dim3A_171 = vector.broadcast %reduce_sum3A_170 : f32 to vector<16xf32>
      %select_n3A_172 = arith.select %eq3A_166, %broadcast_in_dim3A_171, %select_n3A_130 : vector<16xi1>, vector<16xf32>
      %add3A_173 = arith.constant 3 : i32
      %add3A_174 = arith.addi %add3A_49, %add3A_173 : i32
      %get3A_175 = arith.index_cast %add3A_174 : i32 to index
      %get3A_176 = arith.constant 0 : index
      %get3A_177 = tpu.vector_load %arg9[%get3A_175, %get3A_176] {strides = array<i32>} : memref<256x64xf32, #tpu.memory_space<vmem>>, vector<16xf32>,
      %get3A_178 = arith.index_cast %add3A_174 : i32 to index
      %get3A_179 = arith.constant 0 : index
      %get3A_180 = tpu.vector_load %arg10[%get3A_178, %get3A_179] {strides = array<i32>} : memref<256x64xf32, #tpu.memory_space<vmem>>, vector<16xf32>,
      %mul3A_181 = arith.mulf %get3A_177, %get3A_180 : vector<16xf32>
      %get3A_182 = arith.index_cast %add3A_174 : i32 to index
      %get3A_183 = arith.constant 16 : index
      %get3A_184 = tpu.vector_load %arg9[%get3A_182, %get3A_183] {strides = array<i32>} : memref<256x64xf32, #tpu.memory_space<vmem>>, vector<16xf32>,
      %get3A_185 = arith.index_cast %add3A_174 : i32 to index
      %get3A_186 = arith.constant 16 : index
      %get3A_187 = tpu.vector_load %arg10[%get3A_185, %get3A_186] {strides = array<i32>} : memref<256x64xf32, #tpu.memory_space<vmem>>, vector<16xf32>,
      %mul3A_188 = arith.mulf %get3A_184, %get3A_187 : vector<16xf32>
      %add3A_189 = arith.addf %mul3A_181, %mul3A_188 : vector<16xf32>
      %get3A_190 = arith.index_cast %add3A_174 : i32 to index
      %get3A_191 = arith.constant 32 : index
      %get3A_192 = tpu.vector_load %arg9[%get3A_190, %get3A_191] {strides = array<i32>} : memref<256x64xf32, #tpu.memory_space<vmem>>, vector<16xf32>,
      %get3A_193 = arith.index_cast %add3A_174 : i32 to index
      %get3A_194 = arith.constant 32 : index
      %get3A_195 = tpu.vector_load %arg10[%get3A_193, %get3A_194] {strides = array<i32>} : memref<256x64xf32, #tpu.memory_space<vmem>>, vector<16xf32>,
      %mul3A_196 = arith.mulf %get3A_192, %get3A_195 : vector<16xf32>
      %add3A_197 = arith.addf %add3A_189, %mul3A_196 : vector<16xf32>
      %get3A_198 = arith.index_cast %add3A_174 : i32 to index
      %get3A_199 = arith.constant 48 : index
      %get3A_200 = tpu.vector_load %arg9[%get3A_198, %get3A_199] {strides = array<i32>} : memref<256x64xf32, #tpu.memory_space<vmem>>, vector<16xf32>,
      %get3A_201 = arith.index_cast %add3A_174 : i32 to index
      %get3A_202 = arith.constant 48 : index
      %get3A_203 = tpu.vector_load %arg10[%get3A_201, %get3A_202] {strides = array<i32>} : memref<256x64xf32, #tpu.memory_space<vmem>>, vector<16xf32>,
      %mul3A_204 = arith.mulf %get3A_200, %get3A_203 : vector<16xf32>
      %add3A_205 = arith.addf %add3A_197, %mul3A_204 : vector<16xf32>
      %eq3A_206 = arith.constant 3 : i32
      %eq3A_207 = vector.broadcast %eq3A_206 : i32 to vector<16xi32>
      %eq3A_208 = arith.cmpi eq, %iota3A, %eq3A_207 : vector<16xi32>
      %reduce_sum3A_209 = arith.constant true
      %reduce_sum3A_210 = vector.broadcast %reduce_sum3A_209 : i1 to vector<16xi1>
      %reduce_sum3A_211 = tpu.scan <sum>, %add3A_205 masked %reduce_sum3A_210 : vector<16xf32>, vector<16xi1> -> vector<16xf32>
      %reduce_sum3A_212 = vector.extract %reduce_sum3A_211[15] : f32 from vector<16xf32>
      %broadcast_in_dim3A_213 = vector.broadcast %reduce_sum3A_212 : f32 to vector<16xf32>
      %select_n3A_214 = arith.select %eq3A_208, %broadcast_in_dim3A_213, %select_n3A_172 : vector<16xi1>, vector<16xf32>
      %add3A_215 = arith.constant 4 : i32
      %add3A_216 = arith.addi %add3A_49, %add3A_215 : i32
      %get3A_217 = arith.index_cast %add3A_216 : i32 to index
      %get3A_218 = arith.constant 0 : index
      %get3A_219 = tpu.vector_load %arg9[%get3A_217, %get3A_218] {strides = array<i32>} : memref<256x64xf32, #tpu.memory_space<vmem>>, vector<16xf32>,
      %get3A_220 = arith.index_cast %add3A_216 : i32 to index
      %get3A_221 = arith.constant 0 : index
      %get3A_222 = tpu.vector_load %arg10[%get3A_220, %get3A_221] {strides = array<i32>} : memref<256x64xf32, #tpu.memory_space<vmem>>, vector<16xf32>,
      %mul3A_223 = arith.mulf %get3A_219, %get3A_222 : vector<16xf32>
      %get3A_224 = arith.index_cast %add3A_216 : i32 to index
      %get3A_225 = arith.constant 16 : index
      %get3A_226 = tpu.vector_load %arg9[%get3A_224, %get3A_225] {strides = array<i32>} : memref<256x64xf32, #tpu.memory_space<vmem>>, vector<16xf32>,
      %get3A_227 = arith.index_cast %add3A_216 : i32 to index
      %get3A_228 = arith.constant 16 : index
      %get3A_229 = tpu.vector_load %arg10[%get3A_227, %get3A_228] {strides = array<i32>} : memref<256x64xf32, #tpu.memory_space<vmem>>, vector<16xf32>,
      %mul3A_230 = arith.mulf %get3A_226, %get3A_229 : vector<16xf32>
      %add3A_231 = arith.addf %mul3A_223, %mul3A_230 : vector<16xf32>
      %get3A_232 = arith.index_cast %add3A_216 : i32 to index
      %get3A_233 = arith.constant 32 : index
      %get3A_234 = tpu.vector_load %arg9[%get3A_232, %get3A_233] {strides = array<i32>} : memref<256x64xf32, #tpu.memory_space<vmem>>, vector<16xf32>,
      %get3A_235 = arith.index_cast %add3A_216 : i32 to index
      %get3A_236 = arith.constant 32 : index
      %get3A_237 = tpu.vector_load %arg10[%get3A_235, %get3A_236] {strides = array<i32>} : memref<256x64xf32, #tpu.memory_space<vmem>>, vector<16xf32>,
      %mul3A_238 = arith.mulf %get3A_234, %get3A_237 : vector<16xf32>
      %add3A_239 = arith.addf %add3A_231, %mul3A_238 : vector<16xf32>
      %get3A_240 = arith.index_cast %add3A_216 : i32 to index
      %get3A_241 = arith.constant 48 : index
      %get3A_242 = tpu.vector_load %arg9[%get3A_240, %get3A_241] {strides = array<i32>} : memref<256x64xf32, #tpu.memory_space<vmem>>, vector<16xf32>,
      %get3A_243 = arith.index_cast %add3A_216 : i32 to index
      %get3A_244 = arith.constant 48 : index
      %get3A_245 = tpu.vector_load %arg10[%get3A_243, %get3A_244] {strides = array<i32>} : memref<256x64xf32, #tpu.memory_space<vmem>>, vector<16xf32>,
      %mul3A_246 = arith.mulf %get3A_242, %get3A_245 : vector<16xf32>
      %add3A_247 = arith.addf %add3A_239, %mul3A_246 : vector<16xf32>
      %eq3A_248 = arith.constant 4 : i32
      %eq3A_249 = vector.broadcast %eq3A_248 : i32 to vector<16xi32>
      %eq3A_250 = arith.cmpi eq, %iota3A, %eq3A_249 : vector<16xi32>
      %reduce_sum3A_251 = arith.constant true
      %reduce_sum3A_252 = vector.broadcast %reduce_sum3A_251 : i1 to vector<16xi1>
      %reduce_sum3A_253 = tpu.scan <sum>, %add3A_247 masked %reduce_sum3A_252 : vector<16xf32>, vector<16xi1> -> vector<16xf32>
      %reduce_sum3A_254 = vector.extract %reduce_sum3A_253[15] : f32 from vector<16xf32>
      %broadcast_in_dim3A_255 = vector.broadcast %reduce_sum3A_254 : f32 to vector<16xf32>
      %select_n3A_256 = arith.select %eq3A_250, %broadcast_in_dim3A_255, %select_n3A_214 : vector<16xi1>, vector<16xf32>
      %add3A_257 = arith.constant 5 : i32
      %add3A_258 = arith.addi %add3A_49, %add3A_257 : i32
      %get3A_259 = arith.index_cast %add3A_258 : i32 to index
      %get3A_260 = arith.constant 0 : index
      %get3A_261 = tpu.vector_load %arg9[%get3A_259, %get3A_260] {strides = array<i32>} : memref<256x64xf32, #tpu.memory_space<vmem>>, vector<16xf32>,
      %get3A_262 = arith.index_cast %add3A_258 : i32 to index
      %get3A_263 = arith.constant 0 : index
      %get3A_264 = tpu.vector_load %arg10[%get3A_262, %get3A_263] {strides = array<i32>} : memref<256x64xf32, #tpu.memory_space<vmem>>, vector<16xf32>,
      %mul3A_265 = arith.mulf %get3A_261, %get3A_264 : vector<16xf32>
      %get3A_266 = arith.index_cast %add3A_258 : i32 to index
      %get3A_267 = arith.constant 16 : index
      %get3A_268 = tpu.vector_load %arg9[%get3A_266, %get3A_267] {strides = array<i32>} : memref<256x64xf32, #tpu.memory_space<vmem>>, vector<16xf32>,
      %get3A_269 = arith.index_cast %add3A_258 : i32 to index
      %get3A_270 = arith.constant 16 : index
      %get3A_271 = tpu.vector_load %arg10[%get3A_269, %get3A_270] {strides = array<i32>} : memref<256x64xf32, #tpu.memory_space<vmem>>, vector<16xf32>,
      %mul3A_272 = arith.mulf %get3A_268, %get3A_271 : vector<16xf32>
      %add3A_273 = arith.addf %mul3A_265, %mul3A_272 : vector<16xf32>
      %get3A_274 = arith.index_cast %add3A_258 : i32 to index
      %get3A_275 = arith.constant 32 : index
      %get3A_276 = tpu.vector_load %arg9[%get3A_274, %get3A_275] {strides = array<i32>} : memref<256x64xf32, #tpu.memory_space<vmem>>, vector<16xf32>,
      %get3A_277 = arith.index_cast %add3A_258 : i32 to index
      %get3A_278 = arith.constant 32 : index
      %get3A_279 = tpu.vector_load %arg10[%get3A_277, %get3A_278] {strides = array<i32>} : memref<256x64xf32, #tpu.memory_space<vmem>>, vector<16xf32>,
      %mul3A_280 = arith.mulf %get3A_276, %get3A_279 : vector<16xf32>
      %add3A_281 = arith.addf %add3A_273, %mul3A_280 : vector<16xf32>
      %get3A_282 = arith.index_cast %add3A_258 : i32 to index
      %get3A_283 = arith.constant 48 : index
      %get3A_284 = tpu.vector_load %arg9[%get3A_282, %get3A_283] {strides = array<i32>} : memref<256x64xf32, #tpu.memory_space<vmem>>, vector<16xf32>,
      %get3A_285 = arith.index_cast %add3A_258 : i32 to index
      %get3A_286 = arith.constant 48 : index
      %get3A_287 = tpu.vector_load %arg10[%get3A_285, %get3A_286] {strides = array<i32>} : memref<256x64xf32, #tpu.memory_space<vmem>>, vector<16xf32>,
      %mul3A_288 = arith.mulf %get3A_284, %get3A_287 : vector<16xf32>
      %add3A_289 = arith.addf %add3A_281, %mul3A_288 : vector<16xf32>
      %eq3A_290 = arith.constant 5 : i32
      %eq3A_291 = vector.broadcast %eq3A_290 : i32 to vector<16xi32>
      %eq3A_292 = arith.cmpi eq, %iota3A, %eq3A_291 : vector<16xi32>
      %reduce_sum3A_293 = arith.constant true
      %reduce_sum3A_294 = vector.broadcast %reduce_sum3A_293 : i1 to vector<16xi1>
      %reduce_sum3A_295 = tpu.scan <sum>, %add3A_289 masked %reduce_sum3A_294 : vector<16xf32>, vector<16xi1> -> vector<16xf32>
      %reduce_sum3A_296 = vector.extract %reduce_sum3A_295[15] : f32 from vector<16xf32>
      %broadcast_in_dim3A_297 = vector.broadcast %reduce_sum3A_296 : f32 to vector<16xf32>
      %select_n3A_298 = arith.select %eq3A_292, %broadcast_in_dim3A_297, %select_n3A_256 : vector<16xi1>, vector<16xf32>
      %add3A_299 = arith.constant 6 : i32
      %add3A_300 = arith.addi %add3A_49, %add3A_299 : i32
      %get3A_301 = arith.index_cast %add3A_300 : i32 to index
      %get3A_302 = arith.constant 0 : index
      %get3A_303 = tpu.vector_load %arg9[%get3A_301, %get3A_302] {strides = array<i32>} : memref<256x64xf32, #tpu.memory_space<vmem>>, vector<16xf32>,
      %get3A_304 = arith.index_cast %add3A_300 : i32 to index
      %get3A_305 = arith.constant 0 : index
      %get3A_306 = tpu.vector_load %arg10[%get3A_304, %get3A_305] {strides = array<i32>} : memref<256x64xf32, #tpu.memory_space<vmem>>, vector<16xf32>,
      %mul3A_307 = arith.mulf %get3A_303, %get3A_306 : vector<16xf32>
      %get3A_308 = arith.index_cast %add3A_300 : i32 to index
      %get3A_309 = arith.constant 16 : index
      %get3A_310 = tpu.vector_load %arg9[%get3A_308, %get3A_309] {strides = array<i32>} : memref<256x64xf32, #tpu.memory_space<vmem>>, vector<16xf32>,
      %get3A_311 = arith.index_cast %add3A_300 : i32 to index
      %get3A_312 = arith.constant 16 : index
      %get3A_313 = tpu.vector_load %arg10[%get3A_311, %get3A_312] {strides = array<i32>} : memref<256x64xf32, #tpu.memory_space<vmem>>, vector<16xf32>,
      %mul3A_314 = arith.mulf %get3A_310, %get3A_313 : vector<16xf32>
      %add3A_315 = arith.addf %mul3A_307, %mul3A_314 : vector<16xf32>
      %get3A_316 = arith.index_cast %add3A_300 : i32 to index
      %get3A_317 = arith.constant 32 : index
      %get3A_318 = tpu.vector_load %arg9[%get3A_316, %get3A_317] {strides = array<i32>} : memref<256x64xf32, #tpu.memory_space<vmem>>, vector<16xf32>,
      %get3A_319 = arith.index_cast %add3A_300 : i32 to index
      %get3A_320 = arith.constant 32 : index
      %get3A_321 = tpu.vector_load %arg10[%get3A_319, %get3A_320] {strides = array<i32>} : memref<256x64xf32, #tpu.memory_space<vmem>>, vector<16xf32>,
      %mul3A_322 = arith.mulf %get3A_318, %get3A_321 : vector<16xf32>
      %add3A_323 = arith.addf %add3A_315, %mul3A_322 : vector<16xf32>
      %get3A_324 = arith.index_cast %add3A_300 : i32 to index
      %get3A_325 = arith.constant 48 : index
      %get3A_326 = tpu.vector_load %arg9[%get3A_324, %get3A_325] {strides = array<i32>} : memref<256x64xf32, #tpu.memory_space<vmem>>, vector<16xf32>,
      %get3A_327 = arith.index_cast %add3A_300 : i32 to index
      %get3A_328 = arith.constant 48 : index
      %get3A_329 = tpu.vector_load %arg10[%get3A_327, %get3A_328] {strides = array<i32>} : memref<256x64xf32, #tpu.memory_space<vmem>>, vector<16xf32>,
      %mul3A_330 = arith.mulf %get3A_326, %get3A_329 : vector<16xf32>
      %add3A_331 = arith.addf %add3A_323, %mul3A_330 : vector<16xf32>
      %eq3A_332 = arith.constant 6 : i32
      %eq3A_333 = vector.broadcast %eq3A_332 : i32 to vector<16xi32>
      %eq3A_334 = arith.cmpi eq, %iota3A, %eq3A_333 : vector<16xi32>
      %reduce_sum3A_335 = arith.constant true
      %reduce_sum3A_336 = vector.broadcast %reduce_sum3A_335 : i1 to vector<16xi1>
      %reduce_sum3A_337 = tpu.scan <sum>, %add3A_331 masked %reduce_sum3A_336 : vector<16xf32>, vector<16xi1> -> vector<16xf32>
      %reduce_sum3A_338 = vector.extract %reduce_sum3A_337[15] : f32 from vector<16xf32>
      %broadcast_in_dim3A_339 = vector.broadcast %reduce_sum3A_338 : f32 to vector<16xf32>
      %select_n3A_340 = arith.select %eq3A_334, %broadcast_in_dim3A_339, %select_n3A_298 : vector<16xi1>, vector<16xf32>
      %add3A_341 = arith.constant 7 : i32
      %add3A_342 = arith.addi %add3A_49, %add3A_341 : i32
      %get3A_343 = arith.index_cast %add3A_342 : i32 to index
      %get3A_344 = arith.constant 0 : index
      %get3A_345 = tpu.vector_load %arg9[%get3A_343, %get3A_344] {strides = array<i32>} : memref<256x64xf32, #tpu.memory_space<vmem>>, vector<16xf32>,
      %get3A_346 = arith.index_cast %add3A_342 : i32 to index
      %get3A_347 = arith.constant 0 : index
      %get3A_348 = tpu.vector_load %arg10[%get3A_346, %get3A_347] {strides = array<i32>} : memref<256x64xf32, #tpu.memory_space<vmem>>, vector<16xf32>,
      %mul3A_349 = arith.mulf %get3A_345, %get3A_348 : vector<16xf32>
      %get3A_350 = arith.index_cast %add3A_342 : i32 to index
      %get3A_351 = arith.constant 16 : index
      %get3A_352 = tpu.vector_load %arg9[%get3A_350, %get3A_351] {strides = array<i32>} : memref<256x64xf32, #tpu.memory_space<vmem>>, vector<16xf32>,
      %get3A_353 = arith.index_cast %add3A_342 : i32 to index
      %get3A_354 = arith.constant 16 : index
      %get3A_355 = tpu.vector_load %arg10[%get3A_353, %get3A_354] {strides = array<i32>} : memref<256x64xf32, #tpu.memory_space<vmem>>, vector<16xf32>,
      %mul3A_356 = arith.mulf %get3A_352, %get3A_355 : vector<16xf32>
      %add3A_357 = arith.addf %mul3A_349, %mul3A_356 : vector<16xf32>
      %get3A_358 = arith.index_cast %add3A_342 : i32 to index
      %get3A_359 = arith.constant 32 : index
      %get3A_360 = tpu.vector_load %arg9[%get3A_358, %get3A_359] {strides = array<i32>} : memref<256x64xf32, #tpu.memory_space<vmem>>, vector<16xf32>,
      %get3A_361 = arith.index_cast %add3A_342 : i32 to index
      %get3A_362 = arith.constant 32 : index
      %get3A_363 = tpu.vector_load %arg10[%get3A_361, %get3A_362] {strides = array<i32>} : memref<256x64xf32, #tpu.memory_space<vmem>>, vector<16xf32>,
      %mul3A_364 = arith.mulf %get3A_360, %get3A_363 : vector<16xf32>
      %add3A_365 = arith.addf %add3A_357, %mul3A_364 : vector<16xf32>
      %get3A_366 = arith.index_cast %add3A_342 : i32 to index
      %get3A_367 = arith.constant 48 : index
      %get3A_368 = tpu.vector_load %arg9[%get3A_366, %get3A_367] {strides = array<i32>} : memref<256x64xf32, #tpu.memory_space<vmem>>, vector<16xf32>,
      %get3A_369 = arith.index_cast %add3A_342 : i32 to index
      %get3A_370 = arith.constant 48 : index
      %get3A_371 = tpu.vector_load %arg10[%get3A_369, %get3A_370] {strides = array<i32>} : memref<256x64xf32, #tpu.memory_space<vmem>>, vector<16xf32>,
      %mul3A_372 = arith.mulf %get3A_368, %get3A_371 : vector<16xf32>
      %add3A_373 = arith.addf %add3A_365, %mul3A_372 : vector<16xf32>
      %eq3A_374 = arith.constant 7 : i32
      %eq3A_375 = vector.broadcast %eq3A_374 : i32 to vector<16xi32>
      %eq3A_376 = arith.cmpi eq, %iota3A, %eq3A_375 : vector<16xi32>
      %reduce_sum3A_377 = arith.constant true
      %reduce_sum3A_378 = vector.broadcast %reduce_sum3A_377 : i1 to vector<16xi1>
      %reduce_sum3A_379 = tpu.scan <sum>, %add3A_373 masked %reduce_sum3A_378 : vector<16xf32>, vector<16xi1> -> vector<16xf32>
      %reduce_sum3A_380 = vector.extract %reduce_sum3A_379[15] : f32 from vector<16xf32>
      %broadcast_in_dim3A_381 = vector.broadcast %reduce_sum3A_380 : f32 to vector<16xf32>
      %select_n3A_382 = arith.select %eq3A_376, %broadcast_in_dim3A_381, %select_n3A_340 : vector<16xi1>, vector<16xf32>
      %add3A_383 = arith.constant 8 : i32
      %add3A_384 = arith.addi %add3A_49, %add3A_383 : i32
      %get3A_385 = arith.index_cast %add3A_384 : i32 to index
      %get3A_386 = arith.constant 0 : index
      %get3A_387 = tpu.vector_load %arg9[%get3A_385, %get3A_386] {strides = array<i32>} : memref<256x64xf32, #tpu.memory_space<vmem>>, vector<16xf32>,
      %get3A_388 = arith.index_cast %add3A_384 : i32 to index
      %get3A_389 = arith.constant 0 : index
      %get3A_390 = tpu.vector_load %arg10[%get3A_388, %get3A_389] {strides = array<i32>} : memref<256x64xf32, #tpu.memory_space<vmem>>, vector<16xf32>,
      %mul3A_391 = arith.mulf %get3A_387, %get3A_390 : vector<16xf32>
      %get3A_392 = arith.index_cast %add3A_384 : i32 to index
      %get3A_393 = arith.constant 16 : index
      %get3A_394 = tpu.vector_load %arg9[%get3A_392, %get3A_393] {strides = array<i32>} : memref<256x64xf32, #tpu.memory_space<vmem>>, vector<16xf32>,
      %get3A_395 = arith.index_cast %add3A_384 : i32 to index
      %get3A_396 = arith.constant 16 : index
      %get3A_397 = tpu.vector_load %arg10[%get3A_395, %get3A_396] {strides = array<i32>} : memref<256x64xf32, #tpu.memory_space<vmem>>, vector<16xf32>,
      %mul3A_398 = arith.mulf %get3A_394, %get3A_397 : vector<16xf32>
      %add3A_399 = arith.addf %mul3A_391, %mul3A_398 : vector<16xf32>
      %get3A_400 = arith.index_cast %add3A_384 : i32 to index
      %get3A_401 = arith.constant 32 : index
      %get3A_402 = tpu.vector_load %arg9[%get3A_400, %get3A_401] {strides = array<i32>} : memref<256x64xf32, #tpu.memory_space<vmem>>, vector<16xf32>,
      %get3A_403 = arith.index_cast %add3A_384 : i32 to index
      %get3A_404 = arith.constant 32 : index
      %get3A_405 = tpu.vector_load %arg10[%get3A_403, %get3A_404] {strides = array<i32>} : memref<256x64xf32, #tpu.memory_space<vmem>>, vector<16xf32>,
      %mul3A_406 = arith.mulf %get3A_402, %get3A_405 : vector<16xf32>
      %add3A_407 = arith.addf %add3A_399, %mul3A_406 : vector<16xf32>
      %get3A_408 = arith.index_cast %add3A_384 : i32 to index
      %get3A_409 = arith.constant 48 : index
      %get3A_410 = tpu.vector_load %arg9[%get3A_408, %get3A_409] {strides = array<i32>} : memref<256x64xf32, #tpu.memory_space<vmem>>, vector<16xf32>,
      %get3A_411 = arith.index_cast %add3A_384 : i32 to index
      %get3A_412 = arith.constant 48 : index
      %get3A_413 = tpu.vector_load %arg10[%get3A_411, %get3A_412] {strides = array<i32>} : memref<256x64xf32, #tpu.memory_space<vmem>>, vector<16xf32>,
      %mul3A_414 = arith.mulf %get3A_410, %get3A_413 : vector<16xf32>
      %add3A_415 = arith.addf %add3A_407, %mul3A_414 : vector<16xf32>
      %eq3A_416 = arith.constant 8 : i32
      %eq3A_417 = vector.broadcast %eq3A_416 : i32 to vector<16xi32>
      %eq3A_418 = arith.cmpi eq, %iota3A, %eq3A_417 : vector<16xi32>
      %reduce_sum3A_419 = arith.constant true
      %reduce_sum3A_420 = vector.broadcast %reduce_sum3A_419 : i1 to vector<16xi1>
      %reduce_sum3A_421 = tpu.scan <sum>, %add3A_415 masked %reduce_sum3A_420 : vector<16xf32>, vector<16xi1> -> vector<16xf32>
      %reduce_sum3A_422 = vector.extract %reduce_sum3A_421[15] : f32 from vector<16xf32>
      %broadcast_in_dim3A_423 = vector.broadcast %reduce_sum3A_422 : f32 to vector<16xf32>
      %select_n3A_424 = arith.select %eq3A_418, %broadcast_in_dim3A_423, %select_n3A_382 : vector<16xi1>, vector<16xf32>
      %add3A_425 = arith.constant 9 : i32
      %add3A_426 = arith.addi %add3A_49, %add3A_425 : i32
      %get3A_427 = arith.index_cast %add3A_426 : i32 to index
      %get3A_428 = arith.constant 0 : index
      %get3A_429 = tpu.vector_load %arg9[%get3A_427, %get3A_428] {strides = array<i32>} : memref<256x64xf32, #tpu.memory_space<vmem>>, vector<16xf32>,
      %get3A_430 = arith.index_cast %add3A_426 : i32 to index
      %get3A_431 = arith.constant 0 : index
      %get3A_432 = tpu.vector_load %arg10[%get3A_430, %get3A_431] {strides = array<i32>} : memref<256x64xf32, #tpu.memory_space<vmem>>, vector<16xf32>,
      %mul3A_433 = arith.mulf %get3A_429, %get3A_432 : vector<16xf32>
      %get3A_434 = arith.index_cast %add3A_426 : i32 to index
      %get3A_435 = arith.constant 16 : index
      %get3A_436 = tpu.vector_load %arg9[%get3A_434, %get3A_435] {strides = array<i32>} : memref<256x64xf32, #tpu.memory_space<vmem>>, vector<16xf32>,
      %get3A_437 = arith.index_cast %add3A_426 : i32 to index
      %get3A_438 = arith.constant 16 : index
      %get3A_439 = tpu.vector_load %arg10[%get3A_437, %get3A_438] {strides = array<i32>} : memref<256x64xf32, #tpu.memory_space<vmem>>, vector<16xf32>,
      %mul3A_440 = arith.mulf %get3A_436, %get3A_439 : vector<16xf32>
      %add3A_441 = arith.addf %mul3A_433, %mul3A_440 : vector<16xf32>
      %get3A_442 = arith.index_cast %add3A_426 : i32 to index
      %get3A_443 = arith.constant 32 : index
      %get3A_444 = tpu.vector_load %arg9[%get3A_442, %get3A_443] {strides = array<i32>} : memref<256x64xf32, #tpu.memory_space<vmem>>, vector<16xf32>,
      %get3A_445 = arith.index_cast %add3A_426 : i32 to index
      %get3A_446 = arith.constant 32 : index
      %get3A_447 = tpu.vector_load %arg10[%get3A_445, %get3A_446] {strides = array<i32>} : memref<256x64xf32, #tpu.memory_space<vmem>>, vector<16xf32>,
      %mul3A_448 = arith.mulf %get3A_444, %get3A_447 : vector<16xf32>
      %add3A_449 = arith.addf %add3A_441, %mul3A_448 : vector<16xf32>
      %get3A_450 = arith.index_cast %add3A_426 : i32 to index
      %get3A_451 = arith.constant 48 : index
      %get3A_452 = tpu.vector_load %arg9[%get3A_450, %get3A_451] {strides = array<i32>} : memref<256x64xf32, #tpu.memory_space<vmem>>, vector<16xf32>,
      %get3A_453 = arith.index_cast %add3A_426 : i32 to index
      %get3A_454 = arith.constant 48 : index
      %get3A_455 = tpu.vector_load %arg10[%get3A_453, %get3A_454] {strides = array<i32>} : memref<256x64xf32, #tpu.memory_space<vmem>>, vector<16xf32>,
      %mul3A_456 = arith.mulf %get3A_452, %get3A_455 : vector<16xf32>
      %add3A_457 = arith.addf %add3A_449, %mul3A_456 : vector<16xf32>
      %eq3A_458 = arith.constant 9 : i32
      %eq3A_459 = vector.broadcast %eq3A_458 : i32 to vector<16xi32>
      %eq3A_460 = arith.cmpi eq, %iota3A, %eq3A_459 : vector<16xi32>
      %reduce_sum3A_461 = arith.constant true
      %reduce_sum3A_462 = vector.broadcast %reduce_sum3A_461 : i1 to vector<16xi1>
      %reduce_sum3A_463 = tpu.scan <sum>, %add3A_457 masked %reduce_sum3A_462 : vector<16xf32>, vector<16xi1> -> vector<16xf32>
      %reduce_sum3A_464 = vector.extract %reduce_sum3A_463[15] : f32 from vector<16xf32>
      %broadcast_in_dim3A_465 = vector.broadcast %reduce_sum3A_464 : f32 to vector<16xf32>
      %select_n3A_466 = arith.select %eq3A_460, %broadcast_in_dim3A_465, %select_n3A_424 : vector<16xi1>, vector<16xf32>
      %add3A_467 = arith.constant 10 : i32
      %add3A_468 = arith.addi %add3A_49, %add3A_467 : i32
      %get3A_469 = arith.index_cast %add3A_468 : i32 to index
      %get3A_470 = arith.constant 0 : index
      %get3A_471 = tpu.vector_load %arg9[%get3A_469, %get3A_470] {strides = array<i32>} : memref<256x64xf32, #tpu.memory_space<vmem>>, vector<16xf32>,
      %get3A_472 = arith.index_cast %add3A_468 : i32 to index
      %get3A_473 = arith.constant 0 : index
      %get3A_474 = tpu.vector_load %arg10[%get3A_472, %get3A_473] {strides = array<i32>} : memref<256x64xf32, #tpu.memory_space<vmem>>, vector<16xf32>,
      %mul3A_475 = arith.mulf %get3A_471, %get3A_474 : vector<16xf32>
      %get3A_476 = arith.index_cast %add3A_468 : i32 to index
      %get3A_477 = arith.constant 16 : index
      %get3A_478 = tpu.vector_load %arg9[%get3A_476, %get3A_477] {strides = array<i32>} : memref<256x64xf32, #tpu.memory_space<vmem>>, vector<16xf32>,
      %get3A_479 = arith.index_cast %add3A_468 : i32 to index
      %get3A_480 = arith.constant 16 : index
      %get3A_481 = tpu.vector_load %arg10[%get3A_479, %get3A_480] {strides = array<i32>} : memref<256x64xf32, #tpu.memory_space<vmem>>, vector<16xf32>,
      %mul3A_482 = arith.mulf %get3A_478, %get3A_481 : vector<16xf32>
      %add3A_483 = arith.addf %mul3A_475, %mul3A_482 : vector<16xf32>
      %get3A_484 = arith.index_cast %add3A_468 : i32 to index
      %get3A_485 = arith.constant 32 : index
      %get3A_486 = tpu.vector_load %arg9[%get3A_484, %get3A_485] {strides = array<i32>} : memref<256x64xf32, #tpu.memory_space<vmem>>, vector<16xf32>,
      %get3A_487 = arith.index_cast %add3A_468 : i32 to index
      %get3A_488 = arith.constant 32 : index
      %get3A_489 = tpu.vector_load %arg10[%get3A_487, %get3A_488] {strides = array<i32>} : memref<256x64xf32, #tpu.memory_space<vmem>>, vector<16xf32>,
      %mul3A_490 = arith.mulf %get3A_486, %get3A_489 : vector<16xf32>
      %add3A_491 = arith.addf %add3A_483, %mul3A_490 : vector<16xf32>
      %get3A_492 = arith.index_cast %add3A_468 : i32 to index
      %get3A_493 = arith.constant 48 : index
      %get3A_494 = tpu.vector_load %arg9[%get3A_492, %get3A_493] {strides = array<i32>} : memref<256x64xf32, #tpu.memory_space<vmem>>, vector<16xf32>,
      %get3A_495 = arith.index_cast %add3A_468 : i32 to index
      %get3A_496 = arith.constant 48 : index
      %get3A_497 = tpu.vector_load %arg10[%get3A_495, %get3A_496] {strides = array<i32>} : memref<256x64xf32, #tpu.memory_space<vmem>>, vector<16xf32>,
      %mul3A_498 = arith.mulf %get3A_494, %get3A_497 : vector<16xf32>
      %add3A_499 = arith.addf %add3A_491, %mul3A_498 : vector<16xf32>
      %eq3A_500 = arith.constant 10 : i32
      %eq3A_501 = vector.broadcast %eq3A_500 : i32 to vector<16xi32>
      %eq3A_502 = arith.cmpi eq, %iota3A, %eq3A_501 : vector<16xi32>
      %reduce_sum3A_503 = arith.constant true
      %reduce_sum3A_504 = vector.broadcast %reduce_sum3A_503 : i1 to vector<16xi1>
      %reduce_sum3A_505 = tpu.scan <sum>, %add3A_499 masked %reduce_sum3A_504 : vector<16xf32>, vector<16xi1> -> vector<16xf32>
      %reduce_sum3A_506 = vector.extract %reduce_sum3A_505[15] : f32 from vector<16xf32>
      %broadcast_in_dim3A_507 = vector.broadcast %reduce_sum3A_506 : f32 to vector<16xf32>
      %select_n3A_508 = arith.select %eq3A_502, %broadcast_in_dim3A_507, %select_n3A_466 : vector<16xi1>, vector<16xf32>
      %add3A_509 = arith.constant 11 : i32
      %add3A_510 = arith.addi %add3A_49, %add3A_509 : i32
      %get3A_511 = arith.index_cast %add3A_510 : i32 to index
      %get3A_512 = arith.constant 0 : index
      %get3A_513 = tpu.vector_load %arg9[%get3A_511, %get3A_512] {strides = array<i32>} : memref<256x64xf32, #tpu.memory_space<vmem>>, vector<16xf32>,
      %get3A_514 = arith.index_cast %add3A_510 : i32 to index
      %get3A_515 = arith.constant 0 : index
      %get3A_516 = tpu.vector_load %arg10[%get3A_514, %get3A_515] {strides = array<i32>} : memref<256x64xf32, #tpu.memory_space<vmem>>, vector<16xf32>,
      %mul3A_517 = arith.mulf %get3A_513, %get3A_516 : vector<16xf32>
      %get3A_518 = arith.index_cast %add3A_510 : i32 to index
      %get3A_519 = arith.constant 16 : index
      %get3A_520 = tpu.vector_load %arg9[%get3A_518, %get3A_519] {strides = array<i32>} : memref<256x64xf32, #tpu.memory_space<vmem>>, vector<16xf32>,
      %get3A_521 = arith.index_cast %add3A_510 : i32 to index
      %get3A_522 = arith.constant 16 : index
      %get3A_523 = tpu.vector_load %arg10[%get3A_521, %get3A_522] {strides = array<i32>} : memref<256x64xf32, #tpu.memory_space<vmem>>, vector<16xf32>,
      %mul3A_524 = arith.mulf %get3A_520, %get3A_523 : vector<16xf32>
      %add3A_525 = arith.addf %mul3A_517, %mul3A_524 : vector<16xf32>
      %get3A_526 = arith.index_cast %add3A_510 : i32 to index
      %get3A_527 = arith.constant 32 : index
      %get3A_528 = tpu.vector_load %arg9[%get3A_526, %get3A_527] {strides = array<i32>} : memref<256x64xf32, #tpu.memory_space<vmem>>, vector<16xf32>,
      %get3A_529 = arith.index_cast %add3A_510 : i32 to index
      %get3A_530 = arith.constant 32 : index
      %get3A_531 = tpu.vector_load %arg10[%get3A_529, %get3A_530] {strides = array<i32>} : memref<256x64xf32, #tpu.memory_space<vmem>>, vector<16xf32>,
      %mul3A_532 = arith.mulf %get3A_528, %get3A_531 : vector<16xf32>
      %add3A_533 = arith.addf %add3A_525, %mul3A_532 : vector<16xf32>
      %get3A_534 = arith.index_cast %add3A_510 : i32 to index
      %get3A_535 = arith.constant 48 : index
      %get3A_536 = tpu.vector_load %arg9[%get3A_534, %get3A_535] {strides = array<i32>} : memref<256x64xf32, #tpu.memory_space<vmem>>, vector<16xf32>,
      %get3A_537 = arith.index_cast %add3A_510 : i32 to index
      %get3A_538 = arith.constant 48 : index
      %get3A_539 = tpu.vector_load %arg10[%get3A_537, %get3A_538] {strides = array<i32>} : memref<256x64xf32, #tpu.memory_space<vmem>>, vector<16xf32>,
      %mul3A_540 = arith.mulf %get3A_536, %get3A_539 : vector<16xf32>
      %add3A_541 = arith.addf %add3A_533, %mul3A_540 : vector<16xf32>
      %eq3A_542 = arith.constant 11 : i32
      %eq3A_543 = vector.broadcast %eq3A_542 : i32 to vector<16xi32>
      %eq3A_544 = arith.cmpi eq, %iota3A, %eq3A_543 : vector<16xi32>
      %reduce_sum3A_545 = arith.constant true
      %reduce_sum3A_546 = vector.broadcast %reduce_sum3A_545 : i1 to vector<16xi1>
      %reduce_sum3A_547 = tpu.scan <sum>, %add3A_541 masked %reduce_sum3A_546 : vector<16xf32>, vector<16xi1> -> vector<16xf32>
      %reduce_sum3A_548 = vector.extract %reduce_sum3A_547[15] : f32 from vector<16xf32>
      %broadcast_in_dim3A_549 = vector.broadcast %reduce_sum3A_548 : f32 to vector<16xf32>
      %select_n3A_550 = arith.select %eq3A_544, %broadcast_in_dim3A_549, %select_n3A_508 : vector<16xi1>, vector<16xf32>
      %add3A_551 = arith.constant 12 : i32
      %add3A_552 = arith.addi %add3A_49, %add3A_551 : i32
      %get3A_553 = arith.index_cast %add3A_552 : i32 to index
      %get3A_554 = arith.constant 0 : index
      %get3A_555 = tpu.vector_load %arg9[%get3A_553, %get3A_554] {strides = array<i32>} : memref<256x64xf32, #tpu.memory_space<vmem>>, vector<16xf32>,
      %get3A_556 = arith.index_cast %add3A_552 : i32 to index
      %get3A_557 = arith.constant 0 : index
      %get3A_558 = tpu.vector_load %arg10[%get3A_556, %get3A_557] {strides = array<i32>} : memref<256x64xf32, #tpu.memory_space<vmem>>, vector<16xf32>,
      %mul3A_559 = arith.mulf %get3A_555, %get3A_558 : vector<16xf32>
      %get3A_560 = arith.index_cast %add3A_552 : i32 to index
      %get3A_561 = arith.constant 16 : index
      %get3A_562 = tpu.vector_load %arg9[%get3A_560, %get3A_561] {strides = array<i32>} : memref<256x64xf32, #tpu.memory_space<vmem>>, vector<16xf32>,
      %get3A_563 = arith.index_cast %add3A_552 : i32 to index
      %get3A_564 = arith.constant 16 : index
      %get3A_565 = tpu.vector_load %arg10[%get3A_563, %get3A_564] {strides = array<i32>} : memref<256x64xf32, #tpu.memory_space<vmem>>, vector<16xf32>,
      %mul3A_566 = arith.mulf %get3A_562, %get3A_565 : vector<16xf32>
      %add3A_567 = arith.addf %mul3A_559, %mul3A_566 : vector<16xf32>
      %get3A_568 = arith.index_cast %add3A_552 : i32 to index
      %get3A_569 = arith.constant 32 : index
      %get3A_570 = tpu.vector_load %arg9[%get3A_568, %get3A_569] {strides = array<i32>} : memref<256x64xf32, #tpu.memory_space<vmem>>, vector<16xf32>,
      %get3A_571 = arith.index_cast %add3A_552 : i32 to index
      %get3A_572 = arith.constant 32 : index
      %get3A_573 = tpu.vector_load %arg10[%get3A_571, %get3A_572] {strides = array<i32>} : memref<256x64xf32, #tpu.memory_space<vmem>>, vector<16xf32>,
      %mul3A_574 = arith.mulf %get3A_570, %get3A_573 : vector<16xf32>
      %add3A_575 = arith.addf %add3A_567, %mul3A_574 : vector<16xf32>
      %get3A_576 = arith.index_cast %add3A_552 : i32 to index
      %get3A_577 = arith.constant 48 : index
      %get3A_578 = tpu.vector_load %arg9[%get3A_576, %get3A_577] {strides = array<i32>} : memref<256x64xf32, #tpu.memory_space<vmem>>, vector<16xf32>,
      %get3A_579 = arith.index_cast %add3A_552 : i32 to index
      %get3A_580 = arith.constant 48 : index
      %get3A_581 = tpu.vector_load %arg10[%get3A_579, %get3A_580] {strides = array<i32>} : memref<256x64xf32, #tpu.memory_space<vmem>>, vector<16xf32>,
      %mul3A_582 = arith.mulf %get3A_578, %get3A_581 : vector<16xf32>
      %add3A_583 = arith.addf %add3A_575, %mul3A_582 : vector<16xf32>
      %eq3A_584 = arith.constant 12 : i32
      %eq3A_585 = vector.broadcast %eq3A_584 : i32 to vector<16xi32>
      %eq3A_586 = arith.cmpi eq, %iota3A, %eq3A_585 : vector<16xi32>
      %reduce_sum3A_587 = arith.constant true
      %reduce_sum3A_588 = vector.broadcast %reduce_sum3A_587 : i1 to vector<16xi1>
      %reduce_sum3A_589 = tpu.scan <sum>, %add3A_583 masked %reduce_sum3A_588 : vector<16xf32>, vector<16xi1> -> vector<16xf32>
      %reduce_sum3A_590 = vector.extract %reduce_sum3A_589[15] : f32 from vector<16xf32>
      %broadcast_in_dim3A_591 = vector.broadcast %reduce_sum3A_590 : f32 to vector<16xf32>
      %select_n3A_592 = arith.select %eq3A_586, %broadcast_in_dim3A_591, %select_n3A_550 : vector<16xi1>, vector<16xf32>
      %add3A_593 = arith.constant 13 : i32
      %add3A_594 = arith.addi %add3A_49, %add3A_593 : i32
      %get3A_595 = arith.index_cast %add3A_594 : i32 to index
      %get3A_596 = arith.constant 0 : index
      %get3A_597 = tpu.vector_load %arg9[%get3A_595, %get3A_596] {strides = array<i32>} : memref<256x64xf32, #tpu.memory_space<vmem>>, vector<16xf32>,
      %get3A_598 = arith.index_cast %add3A_594 : i32 to index
      %get3A_599 = arith.constant 0 : index
      %get3A_600 = tpu.vector_load %arg10[%get3A_598, %get3A_599] {strides = array<i32>} : memref<256x64xf32, #tpu.memory_space<vmem>>, vector<16xf32>,
      %mul3A_601 = arith.mulf %get3A_597, %get3A_600 : vector<16xf32>
      %get3A_602 = arith.index_cast %add3A_594 : i32 to index
      %get3A_603 = arith.constant 16 : index
      %get3A_604 = tpu.vector_load %arg9[%get3A_602, %get3A_603] {strides = array<i32>} : memref<256x64xf32, #tpu.memory_space<vmem>>, vector<16xf32>,
      %get3A_605 = arith.index_cast %add3A_594 : i32 to index
      %get3A_606 = arith.constant 16 : index
      %get3A_607 = tpu.vector_load %arg10[%get3A_605, %get3A_606] {strides = array<i32>} : memref<256x64xf32, #tpu.memory_space<vmem>>, vector<16xf32>,
      %mul3A_608 = arith.mulf %get3A_604, %get3A_607 : vector<16xf32>
      %add3A_609 = arith.addf %mul3A_601, %mul3A_608 : vector<16xf32>
      %get3A_610 = arith.index_cast %add3A_594 : i32 to index
      %get3A_611 = arith.constant 32 : index
      %get3A_612 = tpu.vector_load %arg9[%get3A_610, %get3A_611] {strides = array<i32>} : memref<256x64xf32, #tpu.memory_space<vmem>>, vector<16xf32>,
      %get3A_613 = arith.index_cast %add3A_594 : i32 to index
      %get3A_614 = arith.constant 32 : index
      %get3A_615 = tpu.vector_load %arg10[%get3A_613, %get3A_614] {strides = array<i32>} : memref<256x64xf32, #tpu.memory_space<vmem>>, vector<16xf32>,
      %mul3A_616 = arith.mulf %get3A_612, %get3A_615 : vector<16xf32>
      %add3A_617 = arith.addf %add3A_609, %mul3A_616 : vector<16xf32>
      %get3A_618 = arith.index_cast %add3A_594 : i32 to index
      %get3A_619 = arith.constant 48 : index
      %get3A_620 = tpu.vector_load %arg9[%get3A_618, %get3A_619] {strides = array<i32>} : memref<256x64xf32, #tpu.memory_space<vmem>>, vector<16xf32>,
      %get3A_621 = arith.index_cast %add3A_594 : i32 to index
      %get3A_622 = arith.constant 48 : index
      %get3A_623 = tpu.vector_load %arg10[%get3A_621, %get3A_622] {strides = array<i32>} : memref<256x64xf32, #tpu.memory_space<vmem>>, vector<16xf32>,
      %mul3A_624 = arith.mulf %get3A_620, %get3A_623 : vector<16xf32>
      %add3A_625 = arith.addf %add3A_617, %mul3A_624 : vector<16xf32>
      %eq3A_626 = arith.constant 13 : i32
      %eq3A_627 = vector.broadcast %eq3A_626 : i32 to vector<16xi32>
      %eq3A_628 = arith.cmpi eq, %iota3A, %eq3A_627 : vector<16xi32>
      %reduce_sum3A_629 = arith.constant true
      %reduce_sum3A_630 = vector.broadcast %reduce_sum3A_629 : i1 to vector<16xi1>
      %reduce_sum3A_631 = tpu.scan <sum>, %add3A_625 masked %reduce_sum3A_630 : vector<16xf32>, vector<16xi1> -> vector<16xf32>
      %reduce_sum3A_632 = vector.extract %reduce_sum3A_631[15] : f32 from vector<16xf32>
      %broadcast_in_dim3A_633 = vector.broadcast %reduce_sum3A_632 : f32 to vector<16xf32>
      %select_n3A_634 = arith.select %eq3A_628, %broadcast_in_dim3A_633, %select_n3A_592 : vector<16xi1>, vector<16xf32>
      %add3A_635 = arith.constant 14 : i32
      %add3A_636 = arith.addi %add3A_49, %add3A_635 : i32
      %get3A_637 = arith.index_cast %add3A_636 : i32 to index
      %get3A_638 = arith.constant 0 : index
      %get3A_639 = tpu.vector_load %arg9[%get3A_637, %get3A_638] {strides = array<i32>} : memref<256x64xf32, #tpu.memory_space<vmem>>, vector<16xf32>,
      %get3A_640 = arith.index_cast %add3A_636 : i32 to index
      %get3A_641 = arith.constant 0 : index
      %get3A_642 = tpu.vector_load %arg10[%get3A_640, %get3A_641] {strides = array<i32>} : memref<256x64xf32, #tpu.memory_space<vmem>>, vector<16xf32>,
      %mul3A_643 = arith.mulf %get3A_639, %get3A_642 : vector<16xf32>
      %get3A_644 = arith.index_cast %add3A_636 : i32 to index
      %get3A_645 = arith.constant 16 : index
      %get3A_646 = tpu.vector_load %arg9[%get3A_644, %get3A_645] {strides = array<i32>} : memref<256x64xf32, #tpu.memory_space<vmem>>, vector<16xf32>,
      %get3A_647 = arith.index_cast %add3A_636 : i32 to index
      %get3A_648 = arith.constant 16 : index
      %get3A_649 = tpu.vector_load %arg10[%get3A_647, %get3A_648] {strides = array<i32>} : memref<256x64xf32, #tpu.memory_space<vmem>>, vector<16xf32>,
      %mul3A_650 = arith.mulf %get3A_646, %get3A_649 : vector<16xf32>
      %add3A_651 = arith.addf %mul3A_643, %mul3A_650 : vector<16xf32>
      %get3A_652 = arith.index_cast %add3A_636 : i32 to index
      %get3A_653 = arith.constant 32 : index
      %get3A_654 = tpu.vector_load %arg9[%get3A_652, %get3A_653] {strides = array<i32>} : memref<256x64xf32, #tpu.memory_space<vmem>>, vector<16xf32>,
      %get3A_655 = arith.index_cast %add3A_636 : i32 to index
      %get3A_656 = arith.constant 32 : index
      %get3A_657 = tpu.vector_load %arg10[%get3A_655, %get3A_656] {strides = array<i32>} : memref<256x64xf32, #tpu.memory_space<vmem>>, vector<16xf32>,
      %mul3A_658 = arith.mulf %get3A_654, %get3A_657 : vector<16xf32>
      %add3A_659 = arith.addf %add3A_651, %mul3A_658 : vector<16xf32>
      %get3A_660 = arith.index_cast %add3A_636 : i32 to index
      %get3A_661 = arith.constant 48 : index
      %get3A_662 = tpu.vector_load %arg9[%get3A_660, %get3A_661] {strides = array<i32>} : memref<256x64xf32, #tpu.memory_space<vmem>>, vector<16xf32>,
      %get3A_663 = arith.index_cast %add3A_636 : i32 to index
      %get3A_664 = arith.constant 48 : index
      %get3A_665 = tpu.vector_load %arg10[%get3A_663, %get3A_664] {strides = array<i32>} : memref<256x64xf32, #tpu.memory_space<vmem>>, vector<16xf32>,
      %mul3A_666 = arith.mulf %get3A_662, %get3A_665 : vector<16xf32>
      %add3A_667 = arith.addf %add3A_659, %mul3A_666 : vector<16xf32>
      %eq3A_668 = arith.constant 14 : i32
      %eq3A_669 = vector.broadcast %eq3A_668 : i32 to vector<16xi32>
      %eq3A_670 = arith.cmpi eq, %iota3A, %eq3A_669 : vector<16xi32>
      %reduce_sum3A_671 = arith.constant true
      %reduce_sum3A_672 = vector.broadcast %reduce_sum3A_671 : i1 to vector<16xi1>
      %reduce_sum3A_673 = tpu.scan <sum>, %add3A_667 masked %reduce_sum3A_672 : vector<16xf32>, vector<16xi1> -> vector<16xf32>
      %reduce_sum3A_674 = vector.extract %reduce_sum3A_673[15] : f32 from vector<16xf32>
      %broadcast_in_dim3A_675 = vector.broadcast %reduce_sum3A_674 : f32 to vector<16xf32>
      %select_n3A_676 = arith.select %eq3A_670, %broadcast_in_dim3A_675, %select_n3A_634 : vector<16xi1>, vector<16xf32>
      %add3A_677 = arith.constant 15 : i32
      %add3A_678 = arith.addi %add3A_49, %add3A_677 : i32
      %get3A_679 = arith.index_cast %add3A_678 : i32 to index
      %get3A_680 = arith.constant 0 : index
      %get3A_681 = tpu.vector_load %arg9[%get3A_679, %get3A_680] {strides = array<i32>} : memref<256x64xf32, #tpu.memory_space<vmem>>, vector<16xf32>,
      %get3A_682 = arith.index_cast %add3A_678 : i32 to index
      %get3A_683 = arith.constant 0 : index
      %get3A_684 = tpu.vector_load %arg10[%get3A_682, %get3A_683] {strides = array<i32>} : memref<256x64xf32, #tpu.memory_space<vmem>>, vector<16xf32>,
      %mul3A_685 = arith.mulf %get3A_681, %get3A_684 : vector<16xf32>
      %get3A_686 = arith.index_cast %add3A_678 : i32 to index
      %get3A_687 = arith.constant 16 : index
      %get3A_688 = tpu.vector_load %arg9[%get3A_686, %get3A_687] {strides = array<i32>} : memref<256x64xf32, #tpu.memory_space<vmem>>, vector<16xf32>,
      %get3A_689 = arith.index_cast %add3A_678 : i32 to index
      %get3A_690 = arith.constant 16 : index
      %get3A_691 = tpu.vector_load %arg10[%get3A_689, %get3A_690] {strides = array<i32>} : memref<256x64xf32, #tpu.memory_space<vmem>>, vector<16xf32>,
      %mul3A_692 = arith.mulf %get3A_688, %get3A_691 : vector<16xf32>
      %add3A_693 = arith.addf %mul3A_685, %mul3A_692 : vector<16xf32>
      %get3A_694 = arith.index_cast %add3A_678 : i32 to index
      %get3A_695 = arith.constant 32 : index
      %get3A_696 = tpu.vector_load %arg9[%get3A_694, %get3A_695] {strides = array<i32>} : memref<256x64xf32, #tpu.memory_space<vmem>>, vector<16xf32>,
      %get3A_697 = arith.index_cast %add3A_678 : i32 to index
      %get3A_698 = arith.constant 32 : index
      %get3A_699 = tpu.vector_load %arg10[%get3A_697, %get3A_698] {strides = array<i32>} : memref<256x64xf32, #tpu.memory_space<vmem>>, vector<16xf32>,
      %mul3A_700 = arith.mulf %get3A_696, %get3A_699 : vector<16xf32>
      %add3A_701 = arith.addf %add3A_693, %mul3A_700 : vector<16xf32>
      %get3A_702 = arith.index_cast %add3A_678 : i32 to index
      %get3A_703 = arith.constant 48 : index
      %get3A_704 = tpu.vector_load %arg9[%get3A_702, %get3A_703] {strides = array<i32>} : memref<256x64xf32, #tpu.memory_space<vmem>>, vector<16xf32>,
      %get3A_705 = arith.index_cast %add3A_678 : i32 to index
      %get3A_706 = arith.constant 48 : index
      %get3A_707 = tpu.vector_load %arg10[%get3A_705, %get3A_706] {strides = array<i32>} : memref<256x64xf32, #tpu.memory_space<vmem>>, vector<16xf32>,
      %mul3A_708 = arith.mulf %get3A_704, %get3A_707 : vector<16xf32>
      %add3A_709 = arith.addf %add3A_701, %mul3A_708 : vector<16xf32>
      %eq3A_710 = arith.constant 15 : i32
      %eq3A_711 = vector.broadcast %eq3A_710 : i32 to vector<16xi32>
      %eq3A_712 = arith.cmpi eq, %iota3A, %eq3A_711 : vector<16xi32>
      %reduce_sum3A_713 = arith.constant true
      %reduce_sum3A_714 = vector.broadcast %reduce_sum3A_713 : i1 to vector<16xi1>
      %reduce_sum3A_715 = tpu.scan <sum>, %add3A_709 masked %reduce_sum3A_714 : vector<16xf32>, vector<16xi1> -> vector<16xf32>
      %reduce_sum3A_716 = vector.extract %reduce_sum3A_715[15] : f32 from vector<16xf32>
      %broadcast_in_dim3A_717 = vector.broadcast %reduce_sum3A_716 : f32 to vector<16xf32>
      %select_n3A_718 = arith.select %eq3A_712, %broadcast_in_dim3A_717, %select_n3A_676 : vector<16xi1>, vector<16xf32>
      %neg3A = arith.constant 0.000000e+00 : f32
      %neg3A_719 = vector.broadcast %neg3A : f32 to vector<16xf32>
      %neg3A_720 = arith.subf %neg3A_719, %select_n3A_718 : vector<16xf32>
      %exp3A = math.exp %neg3A_720 : vector<16xf32>
      %add3A_721 = arith.constant 1.000000e+00 : f32
      %add3A_722 = vector.broadcast %add3A_721 : f32 to vector<16xf32>
      %add3A_723 = arith.addf %add3A_722, %exp3A : vector<16xf32>
      %div3A = arith.constant 1.000000e+00 : f32
      %div3A_724 = vector.broadcast %div3A : f32 to vector<16xf32>
      %div3A_725 = arith.divf %div3A_724, %add3A_723 : vector<16xf32>
      %add3A_726 = arith.constant 256 : i32
      %add3A_727 = arith.addi %add3A_726, %add3A_49 : i32
      %swap3A = arith.index_cast %add3A_727 : i32 to index
      %swap3A_728 = tpu.vector_load %arg11[%swap3A] {strides = array<i32>} : memref<512xf32, #tpu.memory_space<vmem>>, vector<16xf32>,
      tpu.vector_store %arg11[%swap3A], %div3A_725 {strides = array<i32>} : memref<512xf32, #tpu.memory_space<vmem>>, vector<16xf32>,
    }
    %scan3A_44 = arith.constant 16 : i32
    "tpu.region"() ({
      %run_scoped3A = tpu.sem_alloc : memref<!tpu.dma_semaphore, #tpu.memory_space<semaphore_mem>>
      %dma_start3A = tpu.memref_slice %arg6[%mul3A_2] : memref<16384xf32, #tpu.memory_space<hbm>> -> memref<512xf32, #tpu.memory_space<hbm>>
      %dma_start3A_45 = tpu.memref_slice %arg6[%mul3A_2] : memref<16384xf32, #tpu.memory_space<hbm>> -> memref<512xf32, #tpu.memory_space<hbm>>
      tpu.enqueue_dma source(%arg11 : memref<512xf32, #tpu.memory_space<vmem>>) target(%dma_start3A_45 : memref<512xf32, #tpu.memory_space<hbm>>) target_semaphore(%run_scoped3A : memref<!tpu.dma_semaphore, #tpu.memory_space<semaphore_mem>>)
      %dma_wait3A_46 = tpu.memref_slice %arg6[%mul3A_2] : memref<16384xf32, #tpu.memory_space<hbm>> -> memref<512xf32, #tpu.memory_space<hbm>>
      %dma_wait3A_47 = tpu.memref_slice %arg6[%mul3A_2] : memref<16384xf32, #tpu.memory_space<hbm>> -> memref<512xf32, #tpu.memory_space<hbm>>
      tpu.wait_dma2 semaphore(%run_scoped3A : memref<!tpu.dma_semaphore, #tpu.memory_space<semaphore_mem>>) src(%arg11 : memref<512xf32, #tpu.memory_space<vmem>>) dst(%dma_wait3A_47 : memref<512xf32, #tpu.memory_space<hbm>>)
      tpu.yield
    }) : () -> ()
    return
  }
}

</mosaic_0001>

<sc_bundles>
// kernel: kernel.3.cloned.1.call-start
scs
__scs_entry_jumppad:
0x0: {  	(pc) =	sbr.rel $0x88, $3  }
0x1: {  	(tag) =	ssettag $0x0;
	lr =	simm.s32 $0x1  }
0x2: {  	[smem:$0x3F9D] =	sst lr;
	_ =	strace $0xD0000000  }
0x3: {  	_ = 	snop  }
0x4: {  	_ = 	snop  }
0x5: {  	_ = 	snop  }
0x6: {  	_ = 	snop  }
0x7: {  	_ = 	snop  }
__scs_overlays_trampoline_lowered:
0x8: {  	[smem:$0x3FAC] =	sst s0  }
0x9: {  	[smem:$0x3FAD] =	sst s1  }
0xa: {  	[smem:$0x3FAE] =	sst s2  }
0xb: {  	[smem:$0x3FAF] =	sst s3  }
0xc: {  	[smem:$0x3FB0] =	sst s4  }
0xd: {  	[smem:$0x3FB1] =	sst s5  }
0xe: {  	[smem:$0x3FB2] =	sst s6  }
0xf: {  	[smem:$0x3FB3] =	sst s7  }
0x10: {  	[smem:$0x3FB4] =	sst s8  }
0x11: {  	[smem:$0x3FB5] =	sst s9;
	s0 =	simm.s32 @!p0 $0x0  }
0x12: {  	s1 =	sld [smem:$0x3F9B];
	s0 =	simm.s32 @p0 $0x1  }
0x13: {  	[smem:$0x3FB6] =	sst s0;
	s0 =	simm.s32 @!p1 $0x0  }
0x14: {  	s2 =	sld [smem:$0x3F9A];
	s0 =	simm.s32 @p1 $0x1  }
0x15: {  	[smem:$0x3FB7] =	sst s0;
	s0 =	simm.s32 @!p2 $0x0  }
0x16: {  	s3 =	sld [smem:$0x3FDB];
	s0 =	simm.s32 @p2 $0x1  }
0x17: {  	s4 =	simm.s32 $0x1BF5;
	[smem:$0x3FB9] =	sst s0  }
0x18: {  	s0 =	sld [smem:$0x3F9C];
	_ =	swait.ge [sflag:s4], $0x0  }
0x19: {  	s7 =	sld [smem:$0x3F9D]  }
0x1a: {  	s8 =	sadd.s32 $0xFFFFE003, lr  }
0x1b: {  	s9 =	sadd.s32 $0xFFFFFEF7, lr;
	s5 =	simm.s32 $0xFFFFFFFF;
	p2 =	slt.u32 s8, $0xFFFFF086  }
0x1c: {  	p1 =	slt.u32 s9, $0xF7A;
	s5 =	simm.s32 @!p2 $0x0  }
0x1d: {  	s5 =	simm.s32 @p1 $0x1;
	p0 =	seq.s32 s7, s2  }
0x1e: {  	s7 =	smul.u32 @!p0 $0xF7A, s2;
	p2 =	seq.s32 @!p0 s5, $0x0  }
0x1f: {  	s9 =	smul.u32 $0xF7A, s1;
	s8 =	simm.s32 @!p0 $0x1BF5;
	p2 =	por !p2, p0  }
0x20: {  	[sflag:s8] =	ssyncset.s32 @!p0 $0xFFFFF086;
	s6 =	sadd.s32 @!p0 s3, s7;
	s7 =	simm.s32 @!p0 $0x108  }
0x21: {  	s3 =	sadd.s32 s3, s9;
	s6 =	sadd.s32 @!p0 $0x88, s6;
	s7 =	simm.s32 @p2 $0x1082  }
0x22: {  	[simem:s7], [sflag:s8] =	dma.local @!p0 [hbm:s6], $0xF7A  }
0x23: {  	s9 =	sor.u32 $0xD0000000, s2;
	s6 =	simm.s32 $0x108;
	_ =	swait.ge @!p0 [sflag:s8], $0x0  }
0x24: {  	s3 =	sadd.s32 $0x88, s3;
	s6 =	simm.s32 @!p1 $0x1082;
	[sflag:s4] =	ssyncset.s32 $0xFFFFF086  }
0x25: {  	[simem:s6], [sflag:s4] =	dma.local [hbm:s3], $0xF7A  }
0x26: {  	[smem:$0x3F9D] =	sst s1;
	(tag) =	ssettag s2;
	_ =	strace s9  }
0x27: {  	s1 =	sld [smem:$0x3FAD]  }
0x28: {  	s2 =	sld [smem:$0x3FAE]  }
0x29: {  	s4 =	sld [smem:$0x3FB0]  }
0x2a: {  	p0 =	seq.s32 s5, $0x0;
	s5 =	sld [smem:$0x3FB1]  }
0x2b: {  	s6 =	sld [smem:$0x3FB2]  }
0x2c: {  	s7 =	sld [smem:$0x3FB3]  }
0x2d: {  	s3 =	simm.s32 $0x108;
	s8 =	sld [smem:$0x3FB4]  }
0x2e: {  	s3 =	simm.s32 @!p0 $0x1082;
	s9 =	sld [smem:$0x3FB5]  }
0x2f: {  	lr =	sadd.s32 s0, s3;
	s0 =	sld [smem:$0x3FAC]  }
0x30: {  	s3 =	sld [smem:$0x3FAF]  }
0x31: {  	[smem:$0x3FB8] =	sst s10  }
0x32: {  	s10 =	sld [smem:$0x3FB6];
	_ =	sdelay $0x3  }
0x33: {  	p0 =	seq.s32 s10, $0x1;
	s10 =	sld [smem:$0x3FB8];
	_ =	sdelay $0x3  }
0x34: {  	[smem:$0x3FB8] =	sst s10  }
0x35: {  	s10 =	sld [smem:$0x3FB7];
	_ =	sdelay $0x3  }
0x36: {  	p1 =	seq.s32 s10, $0x1;
	s10 =	sld [smem:$0x3FB8];
	_ =	sdelay $0x3  }
0x37: {  	[smem:$0x3FB8] =	sst s10  }
0x38: {  	s10 =	sld [smem:$0x3FB9]  }
0x39: {  	_ = 	snop;
	(pc) =	sbr.ind lr, $3  }
0x3a: {  	_ = 	snop  }
0x3b: {  	_ = 	snop  }
0x3c: {  	p2 =	seq.s32 s10, $0x1;
	s10 =	sld [smem:$0x3FB8]  }
0x3d: {  	_ =	shalt  }
0x3e: {  	_ =	shalt  }
0x3f: {  	_ =	shalt  }
0x40: {  	_ =	shalt  }
0x41: {  	_ =	shalt  }
0x42: {  	_ =	shalt  }
0x43: {  	_ =	shalt  }
0x44: {  	_ =	shalt  }
0x45: {  	_ =	shalt  }
0x46: {  	_ =	shalt  }
0x47: {  	_ =	shalt  }
0x48: {  	_ =	shalt  }
0x49: {  	_ =	shalt  }
0x4a: {  	_ =	shalt  }
0x4b: {  	_ =	shalt  }
0x4c: {  	_ =	shalt  }
0x4d: {  	_ =	shalt  }
0x4e: {  	_ =	shalt  }
0x4f: {  	_ =	shalt  }
0x50: {  	_ =	shalt  }
0x51: {  	_ =	shalt  }
0x52: {  	_ =	shalt  }
0x53: {  	_ =	shalt  }
0x54: {  	_ =	shalt  }
0x55: {  	_ =	shalt  }
0x56: {  	_ =	shalt  }
0x57: {  	_ =	shalt  }
0x58: {  	_ =	shalt  }
0x59: {  	_ =	shalt  }
0x5a: {  	_ =	shalt  }
0x5b: {  	_ =	shalt  }
0x5c: {  	_ =	shalt  }
0x5d: {  	_ =	shalt  }
0x5e: {  	_ =	shalt  }
0x5f: {  	_ =	shalt  }
0x60: {  	_ =	shalt  }
0x61: {  	_ =	shalt  }
0x62: {  	_ =	shalt  }
0x63: {  	_ =	shalt  }
0x64: {  	_ =	shalt  }
0x65: {  	_ =	shalt  }
0x66: {  	_ =	shalt  }
0x67: {  	_ =	shalt  }
0x68: {  	_ =	shalt  }
0x69: {  	_ =	shalt  }
0x6a: {  	_ =	shalt  }
0x6b: {  	_ =	shalt  }
0x6c: {  	_ =	shalt  }
0x6d: {  	_ =	shalt  }
0x6e: {  	_ =	shalt  }
0x6f: {  	_ =	shalt  }
0x70: {  	_ =	shalt  }
0x71: {  	_ =	shalt  }
0x72: {  	_ =	shalt  }
0x73: {  	_ =	shalt  }
0x74: {  	_ =	shalt  }
0x75: {  	_ =	shalt  }
0x76: {  	_ =	shalt  }
0x77: {  	_ =	shalt  }
0x78: {  	_ =	shalt  }
0x79: {  	_ =	shalt  }
0x7a: {  	_ =	shalt  }
0x7b: {  	_ =	shalt  }
0x7c: {  	_ =	shalt  }
0x7d: {  	_ =	shalt  }
0x7e: {  	_ =	shalt  }
0x7f: {  	_ =	shalt  }
0x80: {  	_ =	shalt  }
0x81: {  	_ =	shalt  }
0x82: {  	_ =	shalt  }
0x83: {  	_ =	shalt  }
0x84: {  	_ =	shalt  }
0x85: {  	_ =	shalt  }
0x86: {  	_ =	shalt  }
0x87: {  	_ =	shalt  }
.Lfunc_end0:
.L_simem_size_0:
called_computation_lowered:
.L_overlay_start_0:
0x88: {  	s2 =	sld [smem:$0x3FD9]  }
0x89: {  	s3 =	sld [smem:$0x3FFE];
	_ =	sdelay $0x1  }
0x8a: {  	s1 =	srdreg.scid  }
0x8b: {  	s0 =	sand.u32 $0x1, s1  }
0x8c: {  	s17 =	sshll.u32 s0, $0xA;
	s2 =	sadd.s32 s3, s2  }
0x8d: {  	s2 =	sadd.s32 s2, s17  }
0x8e: {  	[smem:$0x3FC4] =	sst s2  }
0x8f: {  	_ = 	snop  }
0x90: {  	s2 =	sld [smem:$0x3FC9]  }
0x91: {  	s18 =	sld [smem:$0x3FC8]  }
0x92: {  	s4 =	sld [smem:$0x3FD0];
	(tm) =	ssettm $0x1  }
0x93: {  	s5 =	sld [smem:$0x3FFB];
	_ =	sdelay $0x3  }
0x94: {  	_ =	strace s5  }
0x95: {  	s5 =	sld [smem:$0x3FFC];
	_ =	sdelay $0x3  }
0x96: {  	_ =	strace s5  }
0x97: {  	s5 =	sld [smem:$0x3FFD];
	_ =	sdelay $0x3  }
0x98: {  	_ =	strace s5  }
0x99: {  	_ =	strace $0x8FFFFFFF  }
0x9a: {  	s19 =	sld [smem:$0x3FDB];
	_ =	sdelay $0x1  }
0x9b: {  	s6 =	simm.s32 $_scs_section_size  }
0x9c: {  	s7 =	simm.s32 $_size__tile_overlayer_lowered;
	s8 =	simm.s32 $_tile_overlayer_lowered  }
0x9d: {  	s22 =	simm.s32 $0x1BFF;
	s21 =	sshll.u32 s8, $0x1;
	s5 =	sadd.s32 s6, s19  }
0x9e: {  	s9 =	simm.s32 $0x0;
	s20 =	sshll.u32 s7, $0x1;
	s7 =	sadd.s32 s21, s5  }
0x9f: {  	[timem:s9], [sflag:s22] =	dma.local [hbm:s7], s20  }
0xa0: {  	_ =	swait.ge [sflag:s22], s20  }
0xa1: {  	s6 =	ssub.s32 $0x0, s20;
	[sflag:s22] =	ssyncset.done $0x0  }
0xa2: {  	[sflag:s22] =	ssyncadd.s32 s6;
	_ =	sdelay $0x1  }
0xa3: {  	s23 =	simm.s32 $0x1B8B  }
0xa4: {  	_ =	swait.ge [sflag:s23], $0x1  }
0xa5: {  	[sflag:s23] =	ssyncset.done $0x0  }
0xa6: {  	s25 =	simm.s32 $0x1B8E;
	s24 =	sld [smem:$0x3FFE];
	[sflag:s23] =	ssyncadd.s32 $0xFFFFFFFF  }
0xa7: {  	s26 =	simm.s32 $execute0_lowered;
	[smem:$0x3FD2] =	sst s25  }
0xa8: {  	s7 =	sshll.u32 s26, $0x1;
	_ =	strace $0x80000046;
	[dreg:$0x1] =	wrdreg $0xFFFFFFFF  }
0xa9: {  	s28 =	simm.s32 $_size_execute0_lowered;
	s5 =	sadd.s32 s5, s7;
	[dreg:$0x0] =	wrdreg $0x0  }
0xaa: {  	s7 =	sshll.u32 s28, $0x1;
	[dreg:$0x2] =	wrdreg s5  }
0xab: {  	[dreg:$0x3] =	wrdreg s7  }
0xac: {  	[dreg:$0x4] =	wrdreg $0xC0  }
0xad: {  	_ =	task [dreg:s9], $0x5FFFF  }
0xae: {  	[dreg:$0x1] =	wrdreg $0xFFFFFFFF  }
0xaf: {  	[dreg:$0x0] =	wrdreg $0x60  }
0xb0: {  	[dreg:$0x2] =	wrdreg s2  }
0xb1: {  	[dreg:$0x3] =	wrdreg s18  }
0xb2: {  	[dreg:$0x4] =	wrdreg s24  }
0xb3: {  	[dreg:$0x5] =	wrdreg s4  }
0xb4: {  	[dreg:$0x6] =	wrdreg $0x9  }
0xb5: {  	_ =	task.clear_ibuf [dreg:s9], $0x7FFFF;
	_ =	strace $0x90000046  }
0xb6: {  	s29 =	simm.s32 $0x9;
	_ =	strace $0x80000048  }
0xb7: {  	_ =	swait.ge [sflag:s29], $0x1  }
0xb8: {  	[sflag:s29] =	ssyncadd.s32 $0xFFFFFFFF  }
0xb9: {  	_ =	strace $0x90000048  }
0xba: {  	_ =	sfence  }
0xbb: {  	s30 =	sld [smem:$0x0];
	_ =	sdelay $0x2  }
0xbc: {  	s31 =	sshll.u32 s1, $0xD;
	s1 =	sshrl.u32 s1, $0x2  }
0xbd: {  	s3 =	sand.u32 $0x4000, s31;
	s1 =	sadd.s32 s1, s30  }
0xbe: {  	s0 =	sor.u32 s3, s0;
	s1 =	sshll.u32 s1, $0x11  }
0xbf: {  	s0 =	sor.u32 s1, s0  }
0xc0: {  	s0 =	sadd.s32 $0x8F2B, s0  }
0xc1: {  	[sflag:s0] =	ssyncadd.remote.s32 $0x1  }
0xc2: {  	_ =	sfence.sel $0xFFFF  }
0xc3: {  	[dreg:$0x0] =	wrdreg $0xFFFFFFFF;
	(pc) =	sbr.abs _section_cstart, $3  }
0xc4: {  	[dreg:$0x1] =	wrdreg $0xFFFFFFFF  }
0xc5: {  	_ =	task.clear_ibuf [dreg:s9], $0x2FFFF;
	_ =	strace $0x9FFFFFFF  }
0xc6: {  	(tm) =	ssettm $0x7FFFFFFF  }
0xc7: {  	_ =	shalt  }
tec
execute0_lowered:
.L_overlay_start_1:
0x0: {  	(tag) =	ssettag $0x1  }
0x1: {  	s0 =	rddreg [dreg:$0x0]  }
0x2: {  	s1 =	rddreg [dreg:$0x1]  }
0x3: {  	s2 =	rddreg [dreg:$0x2]  }
0x4: {  	s5 =	rddreg [dreg:$0x3]  }
0x5: {  	s12 =	simm.s32 $0x0;
	s4 =	srdreg.scid;
	s3 =	stileid.u32  }
0x6: {  	[smem:$0x7FF] =	sst s12;
	s23 =	sadd.s32 $0x400, s2;
	s4 =	sand.u32 $0x1, s4  }
0x7: {  	s7 =	sshll.u32 s3, $0x7;
	s24 =	sadd.s32 $0xF42800, s2;
	s8 =	sshll.u32 s4, $0x6  }
0x8: {  	_ =	strace $0x80000047;
	[dreg:$0x5] =	wrdreg s23;
	s7 =	sor.u32 s8, s7  }
0x9: {  	vm0 =	vmmov $0x1;
	vm1 =	vmmov $0x3;
	vm2 =	vmmov $0x7;
	s6 =	ssub.s32 $0x2, s4;
	[dreg:$0x6] =	wrdreg s24;
	s0 =	sadd.s32 s0, s7  }
0xa: {  	vm3 =	vmmov $0xf;
	vm4 =	vmmov $0x1f;
	vm5 =	vmmov $0x3f;
	s28 =	sshrl.u32 s6, $0x1;
	s29 =	sadd.s32 s1, s7;
	[dreg:$0x15] =	wrdreg s0  }
0xb: {  	vm6 =	vmmov $0x7f;
	vm7 =	vmmov $0xff;
	vm8 =	vmmov $0x1ff;
	s2 =	ssub.s32 s6, s28;
	s30 =	sadd.s32 s5, s7;
	[dreg:$0x16] =	wrdreg s29  }
0xc: {  	vm9 =	vmmov $0x3ff;
	vm10 =	vmmov $0x7ff;
	vm11 =	vmmov $0xfff;
	[dreg:$0x17] =	wrdreg s30;
	s31 =	smax.u32 s2, $0x1  }
0xd: {  	vm12 =	vmmov $0x1fff;
	vm13 =	vmmov $0x3fff;
	vm14 =	vmmov $0x7fff;
	s1 =	simm.s32 $0x0;
	s2 =	simm.s32 $0x2;
	[dreg:$0x18] =	wrdreg s31  }
.LBB2_1:
0xe: {  	[dreg:$0x19] =	wrdreg s1  }
0xf: {  	s0 =	rddreg [dreg:$0x15]  }
0x10: {  	[tilespmem:s12], [sflag:$0x2] =	stream.linear.gather [hbm4b:s0+s12], $0x200, $0x38;
	[tilespmem:$0x10600] =	vst v63  }
0x11: {  	_ =	swait.ge [sflag:s2], $0x200  }
0x12: {  	[sflag:s2] =	ssyncset.done $0x0  }
0x13: {  	s15 =	simm.s32 $0x200;
	s16 =	rddreg [dreg:$0x16];
	[sflag:s2] =	ssyncadd.s32 $0xFFFFFE00  }
0x14: {  	[tilespmem:s15], [sflag:$0x2] =	stream.linear.gather [hbm4b:s16+s12], $0x200, $0x38;
	[tilespmem:$0x10600] =	vst v63  }
0x15: {  	_ =	swait.ge [sflag:s2], $0x200  }
0x16: {  	[sflag:s2] =	ssyncset.done $0x0  }
0x17: {  	[sflag:s2] =	ssyncadd.s32 $0xFFFFFE00  }
0x18: {  	v0 =	vld [tilespmem:s12+$0x0];
	_ =	sdelay $0x1  }
0x19: {  	v2 =	vld [tilespmem:s15+$0x0];
	_ =	sdelay $0x2  }
0x1a: {  	v1 =	vshll.u32 v0, $0x4  }
0x1b: {  	(v2sf) =	vpush v1, $0x0  }
0x1c: {  	v63 =	vshll.u32 v2, $0x4  }
0x1d: {  	(v2sf) =	vpush v63, $0x0;
	_ =	sdelay $0x1  }
0x1e: {  	(v2sf) =	vpush v1, $0x1  }
0x1f: {  	(v2sf) =	vpush v63, $0x1;
	_ =	sdelay $0x1  }
0x20: {  	(v2sf) =	vpush v1, $0x2;
	_ =	sdelay $0x1  }
0x21: {  	(v2sf) =	vpush v63, $0x2;
	_ =	sdelay $0x1  }
0x22: {  	s14 =	simm.s32 $0x2000;
	(v2sf) =	vpush v1, $0x3  }
0x23: {  	s13 =	simm.s32 $0x0;
	s5 =	simm.s32 $0x8400;
	s1 =	simm.s32 $0x680  }
0x24: {  	s6 =	simm.s32 $0x400;
	s8 =	simm.s32 $0x600;
	s9 =	simm.s32 $0x580  }
0x25: {  	s19 =	simm.s32 $0x480;
	s22 =	simm.s32 $0x8480;
	s26 =	simm.s32 $0x500  }
0x26: {  	s31 =	simm.s32 $0x8500;
	s30 =	simm.s32 $0x8A80;
	s7 =	spop (v2sf);
	(v2sf) =	vpush v63, $0x3  }
0x27: {  	s0 =	simm.s32 $0x8900;
	s16 =	simm.s32 $0x8600;
	s7 =	sand.u32 $0x1FFFFFF0, s7  }
0x28: {  	s2 =	simm.s32 $0x880;
	s10 =	spop (v2sf);
	(v2sf) =	vpush v1, $0x4;
	s7 =	sadd.s32 s23, s7  }
0x29: {  	[tilespmem:s6], [sflag:$0x1] =	stream.linear.gather [hbm4b:s7+s12], $0x80, $0x38;
	[tilespmem:$0x10600] =	vst v63  }
0x2a: {  	s17 =	sand.u32 $0x1FFFFFF0, s10;
	s18 =	spop (v2sf);
	s6 =	simm.s32 $0x8580  }
0x2b: {  	(v2sf) =	vpush v63, $0x4;
	s7 =	sadd.s32 s24, s17;
	s10 =	sand.u32 $0x1FFFFFF0, s18;
	s11 =	spop (v2sf)  }
0x2c: {  	(v2sf) =	vpush v1, $0x5;
	[tilespmem:s5], [sflag:$0x1] =	stream.linear.gather [hbm4b:s7+s12], $0x80, $0x38;
	[tilespmem:$0x10600] =	vst v63  }
0x2d: {  	s20 =	sadd.s32 s23, s10;
	s21 =	sand.u32 $0x1FFFFFF0, s11;
	s25 =	spop (v2sf)  }
0x2e: {  	(v2sf) =	vpush v63, $0x5;
	[tilespmem:s19], [sflag:$0x1] =	stream.linear.gather [hbm4b:s20+s12], $0x80, $0x38;
	[tilespmem:$0x10600] =	vst v63  }
0x2f: {  	s10 =	sadd.s32 s24, s21;
	s7 =	sand.u32 $0x1FFFFFF0, s25;
	s28 =	spop (v2sf)  }
0x30: {  	(v2sf) =	vpush v1, $0x6;
	[tilespmem:s22], [sflag:$0x1] =	stream.linear.gather [hbm4b:s10+s12], $0x80, $0x38;
	[tilespmem:$0x10600] =	vst v63  }
0x31: {  	s7 =	sadd.s32 s23, s7;
	s29 =	spop (v2sf);
	s10 =	sand.u32 $0x1FFFFFF0, s28  }
0x32: {  	(v2sf) =	vpush v63, $0x6;
	[tilespmem:s26], [sflag:$0x1] =	stream.linear.gather [hbm4b:s7+s12], $0x80, $0x38;
	[tilespmem:$0x10600] =	vst v63  }
0x33: {  	s21 =	simm.s32 $0x8680;
	s4 =	sand.u32 $0x1FFFFFF0, s29;
	s3 =	sadd.s32 s24, s10  }
0x34: {  	[tilespmem:s31], [sflag:$0x1] =	stream.linear.gather [hbm4b:s3+s12], $0x80, $0x38;
	[tilespmem:$0x10600] =	vst v63  }
0x35: {  	s25 =	simm.s32 $0x700;
	s15 =	sadd.s32 s23, s4;
	s11 =	spop (v2sf)  }
0x36: {  	(v2sf) =	vpush v1, $0x7;
	[tilespmem:s9], [sflag:$0x1] =	stream.linear.gather [hbm4b:s15+s12], $0x80, $0x38;
	[tilespmem:$0x10600] =	vst v63  }
0x37: {  	s3 =	simm.s32 $0x8A00;
	s5 =	sand.u32 $0x1FFFFFF0, s11;
	s17 =	spop (v2sf)  }
0x38: {  	(v2sf) =	vpush v63, $0x7;
	s11 =	simm.s32 $0x8700;
	s5 =	sadd.s32 s24, s5;
	s9 =	sand.u32 $0x1FFFFFF0, s17  }
0x39: {  	(v2sf) =	vpush v1, $0x8;
	[tilespmem:s6], [sflag:$0x1] =	stream.linear.gather [hbm4b:s5+s12], $0x80, $0x38;
	[tilespmem:$0x10600] =	vst v63  }
0x3a: {  	s18 =	spop (v2sf);
	s17 =	simm.s32 $0xA80;
	s19 =	sadd.s32 s23, s9  }
0x3b: {  	s20 =	sand.u32 $0x1FFFFFF0, s18;
	s22 =	spop (v2sf);
	(v2sf) =	vpush v63, $0x8;
	s18 =	simm.s32 $0x780  }
0x3c: {  	(v2sf) =	vpush v1, $0x9;
	[tilespmem:s8], [sflag:$0x1] =	stream.linear.gather [hbm4b:s19+s12], $0x80, $0x38;
	[tilespmem:$0x10600] =	vst v63  }
0x3d: {  	s6 =	sadd.s32 s24, s20;
	s26 =	sand.u32 $0x1FFFFFF0, s22;
	s28 =	spop (v2sf)  }
0x3e: {  	(v2sf) =	vpush v63, $0x9;
	[tilespmem:s16], [sflag:$0x1] =	stream.linear.gather [hbm4b:s6+s12], $0x80, $0x38;
	[tilespmem:$0x10600] =	vst v63  }
0x3f: {  	s7 =	sadd.s32 s23, s26;
	s8 =	sand.u32 $0x1FFFFFF0, s28;
	s29 =	spop (v2sf);
	(v2sf) =	vpush v1, $0xA  }
0x40: {  	[tilespmem:s1], [sflag:$0x1] =	stream.linear.gather [hbm4b:s7+s12], $0x80, $0x38;
	[tilespmem:$0x10600] =	vst v63  }
0x41: {  	s31 =	sadd.s32 s24, s8;
	s4 =	sand.u32 $0x1FFFFFF0, s29;
	s9 =	spop (v2sf);
	(v2sf) =	vpush v63, $0xA  }
0x42: {  	[tilespmem:s21], [sflag:$0x1] =	stream.linear.gather [hbm4b:s31+s12], $0x80, $0x38;
	[tilespmem:$0x10600] =	vst v63  }
0x43: {  	s29 =	simm.s32 $0x8800;
	s10 =	sadd.s32 s23, s4;
	s5 =	sand.u32 $0x1FFFFFF0, s9  }
0x44: {  	[tilespmem:s25], [sflag:$0x1] =	stream.linear.gather [hbm4b:s10+s12], $0x80, $0x38;
	[tilespmem:$0x10600] =	vst v63  }
0x45: {  	s8 =	simm.s32 $0x8880;
	s5 =	sadd.s32 s24, s5;
	s15 =	spop (v2sf)  }
0x46: {  	[tilespmem:s11], [sflag:$0x1] =	stream.linear.gather [hbm4b:s5+s12], $0x80, $0x38;
	[tilespmem:$0x10600] =	vst v63  }
0x47: {  	s1 =	simm.s32 $0x8980;
	(v2sf) =	vpush v1, $0xB;
	s7 =	sand.u32 $0x1FFFFFF0, s15;
	s16 =	spop (v2sf)  }
0x48: {  	s21 =	simm.s32 $0x8780;
	s19 =	sadd.s32 s23, s7;
	s22 =	spop (v2sf)  }
0x49: {  	(v2sf) =	vpush v63, $0xB;
	[tilespmem:s18], [sflag:$0x1] =	stream.linear.gather [hbm4b:s19+s12], $0x80, $0x38;
	[tilespmem:$0x10600] =	vst v63  }
0x4a: {  	s25 =	simm.s32 $0x800;
	s20 =	sand.u32 $0x1FFFFFF0, s16;
	s26 =	spop (v2sf)  }
0x4b: {  	s7 =	sadd.s32 s24, s20;
	s6 =	sand.u32 $0x1FFFFFF0, s22;
	s28 =	spop (v2sf)  }
0x4c: {  	[tilespmem:s21], [sflag:$0x1] =	stream.linear.gather [hbm4b:s7+s12], $0x80, $0x38;
	[tilespmem:$0x10600] =	vst v63  }
0x4d: {  	s10 =	simm.s32 $0x900;
	(v2sf) =	vpush v1, $0xC;
	s6 =	sadd.s32 s23, s6;
	s9 =	spop (v2sf)  }
0x4e: {  	s7 =	sand.u32 $0x1FFFFFF0, s26;
	s4 =	sand.u32 $0x1FFFFFF0, s28;
	s11 =	spop (v2sf)  }
0x4f: {  	(v2sf) =	vpush v63, $0xC;
	[tilespmem:s25], [sflag:$0x1] =	stream.linear.gather [hbm4b:s6+s12], $0x80, $0x38;
	[tilespmem:$0x10600] =	vst v63  }
0x50: {  	s31 =	sadd.s32 s24, s7;
	s7 =	sadd.s32 s23, s4;
	s15 =	spop (v2sf)  }
0x51: {  	[tilespmem:s29], [sflag:$0x1] =	stream.linear.gather [hbm4b:s31+s12], $0x80, $0x38;
	[tilespmem:$0x10600] =	vst v63  }
0x52: {  	s6 =	sand.u32 $0x1FFFFFF0, s9;
	s25 =	simm.s32 $0x980;
	s18 =	sand.u32 $0x1FFFFFF0, s15  }
0x53: {  	[tilespmem:s2], [sflag:$0x1] =	stream.linear.gather [hbm4b:s7+s12], $0x80, $0x38;
	[tilespmem:$0x10600] =	vst v63  }
0x54: {  	s6 =	sadd.s32 s24, s6;
	s20 =	sadd.s32 s24, s18;
	s7 =	sand.u32 $0x1FFFFFF0, s11  }
0x55: {  	[tilespmem:s8], [sflag:$0x1] =	stream.linear.gather [hbm4b:s6+s12], $0x80, $0x38;
	[tilespmem:$0x10600] =	vst v63  }
0x56: {  	s18 =	simm.s32 $0x10;
	s16 =	sadd.s32 s23, s7;
	s19 =	spop (v2sf)  }
0x57: {  	[tilespmem:s10], [sflag:$0x1] =	stream.linear.gather [hbm4b:s16+s12], $0x80, $0x38;
	[tilespmem:$0x10600] =	vst v63  }
0x58: {  	s21 =	sand.u32 $0x1FFFFFF0, s19;
	s22 =	spop (v2sf);
	s19 =	simm.s32 $0x210  }
0x59: {  	(v2sf) =	vpush v1, $0xD;
	[tilespmem:s0], [sflag:$0x1] =	stream.linear.gather [hbm4b:s20+s12], $0x80, $0x38;
	[tilespmem:$0x10600] =	vst v63  }
0x5a: {  	(v2sf) =	vpush v63, $0xD;
	s26 =	sadd.s32 s23, s21;
	s28 =	sand.u32 $0x1FFFFFF0, s22;
	s22 =	simm.s32 $0xA00  }
0x5b: {  	(v2sf) =	vpush v1, $0xE;
	[tilespmem:s25], [sflag:$0x1] =	stream.linear.gather [hbm4b:s26+s12], $0x80, $0x38;
	[tilespmem:$0x10600] =	vst v63  }
0x5c: {  	s21 =	simm.s32 $0xB00;
	s29 =	sadd.s32 s24, s28;
	(v2sf) =	vpush v63, $0xE;
	s31 =	spop (v2sf)  }
0x5d: {  	(v2sf) =	vpush v1, $0xF;
	[tilespmem:s1], [sflag:$0x1] =	stream.linear.gather [hbm4b:s29+s12], $0x80, $0x38;
	[tilespmem:$0x10600] =	vst v63  }
0x5e: {  	s20 =	simm.s32 $0x8B00;
	s0 =	sand.u32 $0x1FFFFFF0, s31;
	(v2sf) =	vpush v63, $0xF;
	s1 =	spop (v2sf)  }
.LBB2_2:
0x5f: {  	_ =	sdelay $0x4  }
0x60: {  	s0 =	sadd.s32 s23, s0;
	s1 =	sand.u32 $0x1FFFFFF0, s1  }
0x61: {  	[tilespmem:s22], [sflag:$0x1] =	stream.linear.gather [hbm4b:s0+s12], $0x80, $0x38;
	[tilespmem:$0x10600] =	vst v63  }
0x62: {  	s28 =	sadd.s32 s24, s1  }
0x63: {  	[tilespmem:s3], [sflag:$0x1] =	stream.linear.gather [hbm4b:s28+s12], $0x80, $0x38;
	[tilespmem:$0x10600] =	vst v63  }
0x64: {  	s2 =	spop (v2sf)  }
0x65: {  	s29 =	sand.u32 $0x1FFFFFF0, s2;
	s31 =	spop (v2sf)  }
0x66: {  	s1 =	sadd.s32 s23, s29;
	s2 =	sand.u32 $0x1FFFFFF0, s31;
	s3 =	spop (v2sf)  }
0x67: {  	[tilespmem:s17], [sflag:$0x1] =	stream.linear.gather [hbm4b:s1+s12], $0x80, $0x38;
	[tilespmem:$0x10600] =	vst v63  }
0x68: {  	s4 =	sadd.s32 s24, s2;
	s5 =	sand.u32 $0x1FFFFFF0, s3;
	s6 =	spop (v2sf)  }
0x69: {  	[tilespmem:s30], [sflag:$0x1] =	stream.linear.gather [hbm4b:s4+s12], $0x80, $0x38;
	[tilespmem:$0x10600] =	vst v63  }
0x6a: {  	s7 =	sadd.s32 s23, s5;
	s8 =	sand.u32 $0x1FFFFFF0, s6;
	s9 =	spop (v2sf)  }
0x6b: {  	[tilespmem:s21], [sflag:$0x1] =	stream.linear.gather [hbm4b:s7+s12], $0x80, $0x38;
	[tilespmem:$0x10600] =	vst v63  }
0x6c: {  	s10 =	sadd.s32 s24, s8;
	s11 =	sand.u32 $0x1FFFFFF0, s9;
	s15 =	spop (v2sf)  }
0x6d: {  	[tilespmem:s20], [sflag:$0x1] =	stream.linear.gather [hbm4b:s10+s12], $0x80, $0x38;
	[tilespmem:$0x10600] =	vst v63  }
0x6e: {  	s16 =	sadd.s32 $0xB80, s13;
	s1 =	sadd.s32 s23, s11;
	s2 =	sand.u32 $0x1FFFFFF0, s15  }
0x6f: {  	[tilespmem:s16], [sflag:$0x1] =	stream.linear.gather [hbm4b:s1+s12], $0x80, $0x38;
	[tilespmem:$0x10600] =	vst v63  }
0x70: {  	s17 =	sadd.s32 $0x8B80, s13;
	s20 =	sadd.s32 s24, s2  }
0x71: {  	[tilespmem:s17], [sflag:$0x1] =	stream.linear.gather [hbm4b:s20+s12], $0x80, $0x38;
	[tilespmem:$0x10600] =	vst v63  }
0x72: {  	v0 =	vld [tilespmem:s18+$0x0];
	_ =	sdelay $0x1  }
0x73: {  	v2 =	vld [tilespmem:s19+$0x0];
	_ =	sdelay $0x2  }
0x74: {  	v1 =	vshll.u32 v0, $0x4  }
0x75: {  	(v2sf) =	vpush v1, $0x0  }
0x76: {  	v63 =	vshll.u32 v2, $0x4  }
0x77: {  	s21 =	smov.u32 s14;
	(v2sf) =	vpush v63, $0x0  }
0x78: {  	p0 =	sne.s32 s14, $0x1E000;
	s13 =	sshra.s32 s21, $0x2  }
0x79: {  	s14 =	sadd.s32 $0x2000, s14;
	s25 =	sadd.s32 $0x8400, s13;
	s0 =	sadd.s32 $0x680, s13;
	(v2sf) =	vpush v1, $0x1  }
0x7a: {  	s22 =	sadd.s32 $0x880, s13;
	s3 =	sadd.s32 $0x400, s13;
	s8 =	sadd.s32 $0x600, s13  }
0x7b: {  	s23 =	sadd.s32 $0x8900, s13;
	s10 =	sadd.s32 $0x8580, s13;
	s24 =	sadd.s32 $0x8A00, s13  }
0x7c: {  	s9 =	sadd.s32 $0x8600, s13;
	s28 =	sadd.s32 $0x8480, s13;
	[dreg:$0xc] =	wrdreg s22;
	(v2sf) =	vpush v63, $0x1  }
0x7d: {  	s7 =	sadd.s32 $0x8680, s13;
	s6 =	sadd.s32 $0x700, s13;
	[dreg:$0x8] =	wrdreg s23;
	(v2sf) =	vpush v1, $0x2  }
0x7e: {  	s26 =	sadd.s32 $0x8980, s13;
	s30 =	sadd.s32 $0x8A80, s13;
	[dreg:$0x7] =	wrdreg s24  }
0x7f: {  	s5 =	sadd.s32 $0x8700, s13;
	s29 =	sadd.s32 $0x8880, s13;
	[dreg:$0xa] =	wrdreg s26;
	(v2sf) =	vpush v63, $0x2  }
0x80: {  	s31 =	sadd.s32 $0x900, s13;
	s11 =	sadd.s32 $0x780, s13;
	[dreg:$0x10] =	wrdreg s29  }
0x81: {  	s4 =	sadd.s32 $0x8800, s13;
	s2 =	sadd.s32 $0x8780, s13;
	[dreg:$0xe] =	wrdreg s31  }
0x82: {  	s21 =	sadd.s32 $0xB00, s13;
	s23 =	sadd.s32 $0x500, s13;
	[dreg:$0x12] =	wrdreg s4;
	(v2sf) =	vpush v1, $0x3  }
0x83: {  	s22 =	sadd.s32 $0xA00, s13;
	s4 =	sadd.s32 $0x480, s13;
	s31 =	sadd.s32 $0x800, s13  }
0x84: {  	s26 =	rddreg [dreg:$0x5];
	s16 =	simm.s32 $0x0;
	(v2sf) =	vpush v63, $0x3;
	s29 =	spop (v2sf)  }
0x85: {  	s1 =	sadd.s32 $0x8500, s13;
	s12 =	sadd.s32 $0x580, s13;
	s15 =	sand.u32 $0x1FFFFFF0, s29  }
0x86: {  	s17 =	sadd.s32 $0xA80, s13;
	s24 =	spop (v2sf);
	s15 =	sadd.s32 s26, s15  }
0x87: {  	(v2sf) =	vpush v1, $0x4;
	[tilespmem:s3], [sflag:$0x1] =	stream.linear.gather [hbm4b:s15+s16], $0x80, $0x38;
	[tilespmem:$0x10600] =	vst v63  }
0x88: {  	s24 =	sand.u32 $0x1FFFFFF0, s24;
	s26 =	spop (v2sf);
	s15 =	rddreg [dreg:$0x6]  }
0x89: {  	(v2sf) =	vpush v63, $0x4;
	s3 =	sadd.s32 s15, s24;
	s15 =	sand.u32 $0x1FFFFFF0, s26;
	s26 =	rddreg [dreg:$0x5]  }
0x8a: {  	[tilespmem:s25], [sflag:$0x1] =	stream.linear.gather [hbm4b:s3+s16], $0x80, $0x38;
	[tilespmem:$0x10600] =	vst v63  }
0x8b: {  	s20 =	sadd.s32 $0x8B00, s13;
	(v2sf) =	vpush v1, $0x5;
	s24 =	spop (v2sf);
	s3 =	sadd.s32 s26, s15  }
0x8c: {  	s25 =	sand.u32 $0x1FFFFFF0, s24;
	s26 =	spop (v2sf);
	s24 =	rddreg [dreg:$0x6]  }
0x8d: {  	(v2sf) =	vpush v63, $0x5;
	[tilespmem:s4], [sflag:$0x1] =	stream.linear.gather [hbm4b:s3+s16], $0x80, $0x38;
	[tilespmem:$0x10600] =	vst v63  }
0x8e: {  	(v2sf) =	vpush v1, $0x6;
	s15 =	sand.u32 $0x1FFFFFF0, s26;
	s26 =	spop (v2sf);
	s4 =	rddreg [dreg:$0x6]  }
0x8f: {  	s26 =	sand.u32 $0x1FFFFFF0, s26;
	s3 =	sadd.s32 s4, s25;
	s25 =	rddreg [dreg:$0x5]  }
0x90: {  	(v2sf) =	vpush v63, $0x6;
	[tilespmem:s28], [sflag:$0x1] =	stream.linear.gather [hbm4b:s3+s16], $0x80, $0x38;
	[tilespmem:$0x10600] =	vst v63  }
0x91: {  	s3 =	sadd.s32 s25, s15;
	s28 =	spop (v2sf);
	s25 =	sadd.s32 s24, s26  }
0x92: {  	(v2sf) =	vpush v1, $0x7;
	[tilespmem:s23], [sflag:$0x1] =	stream.linear.gather [hbm4b:s3+s16], $0x80, $0x38;
	[tilespmem:$0x10600] =	vst v63  }
0x93: {  	s26 =	sand.u32 $0x1FFFFFF0, s28;
	s28 =	spop (v2sf);
	s23 =	rddreg [dreg:$0x5]  }
0x94: {  	[tilespmem:s1], [sflag:$0x1] =	stream.linear.gather [hbm4b:s25+s16], $0x80, $0x38;
	[tilespmem:$0x10600] =	vst v63  }
0x95: {  	s18 =	sadd.s32 $0x10, s18;
	s25 =	sadd.s32 s23, s26;
	s26 =	sand.u32 $0x1FFFFFF0, s28  }
0x96: {  	s19 =	sadd.s32 $0x10, s19;
	(v2sf) =	vpush v63, $0x7;
	s28 =	spop (v2sf);
	s3 =	sadd.s32 s24, s26  }
0x97: {  	[tilespmem:s12], [sflag:$0x1] =	stream.linear.gather [hbm4b:s25+s16], $0x80, $0x38;
	[tilespmem:$0x10600] =	vst v63  }
0x98: {  	(v2sf) =	vpush v1, $0x8;
	s15 =	sand.u32 $0x1FFFFFF0, s28;
	s12 =	simm.s32 $0x0;
	s16 =	spop (v2sf)  }
0x99: {  	[tilespmem:s10], [sflag:$0x1] =	stream.linear.gather [hbm4b:s3+s12], $0x80, $0x38;
	[tilespmem:$0x10600] =	vst v63  }
0x9a: {  	s25 =	sadd.s32 s23, s15;
	(v2sf) =	vpush v63, $0x8;
	s26 =	sand.u32 $0x1FFFFFF0, s16;
	s28 =	spop (v2sf)  }
0x9b: {  	(v2sf) =	vpush v1, $0x9;
	[tilespmem:s8], [sflag:$0x1] =	stream.linear.gather [hbm4b:s25+s12], $0x80, $0x38;
	[tilespmem:$0x10600] =	vst v63  }
0x9c: {  	s29 =	sadd.s32 $0x980, s13;
	s10 =	sadd.s32 s24, s26;
	s16 =	spop (v2sf)  }
0x9d: {  	s15 =	sand.u32 $0x1FFFFFF0, s28;
	s26 =	sand.u32 $0x1FFFFFF0, s16;
	s28 =	spop (v2sf)  }
0x9e: {  	[tilespmem:s9], [sflag:$0x1] =	stream.linear.gather [hbm4b:s10+s12], $0x80, $0x38;
	[tilespmem:$0x10600] =	vst v63  }
0x9f: {  	(v2sf) =	vpush v63, $0x9;
	s25 =	sadd.s32 s23, s15;
	s1 =	sadd.s32 s24, s26;
	s4 =	spop (v2sf)  }
0xa0: {  	[tilespmem:s0], [sflag:$0x1] =	stream.linear.gather [hbm4b:s25+s12], $0x80, $0x38;
	[tilespmem:$0x10600] =	vst v63  }
0xa1: {  	(v2sf) =	vpush v1, $0xA;
	s3 =	sand.u32 $0x1FFFFFF0, s28;
	s8 =	sand.u32 $0x1FFFFFF0, s4;
	s9 =	spop (v2sf)  }
0xa2: {  	[tilespmem:s7], [sflag:$0x1] =	stream.linear.gather [hbm4b:s1+s12], $0x80, $0x38;
	[tilespmem:$0x10600] =	vst v63  }
0xa3: {  	(v2sf) =	vpush v63, $0xA;
	s10 =	sadd.s32 s24, s8;
	s7 =	sadd.s32 s23, s3;
	s15 =	sand.u32 $0x1FFFFFF0, s9  }
0xa4: {  	[tilespmem:s6], [sflag:$0x1] =	stream.linear.gather [hbm4b:s7+s12], $0x80, $0x38;
	[tilespmem:$0x10600] =	vst v63  }
0xa5: {  	s16 =	spop (v2sf);
	s3 =	rddreg [dreg:$0x7];
	s25 =	sadd.s32 s23, s15  }
0xa6: {  	[tilespmem:s5], [sflag:$0x1] =	stream.linear.gather [hbm4b:s10+s12], $0x80, $0x38;
	[tilespmem:$0x10600] =	vst v63  }
0xa7: {  	(v2sf) =	vpush v1, $0xB;
	s26 =	sand.u32 $0x1FFFFFF0, s16;
	s16 =	rddreg [dreg:$0x12];
	s28 =	spop (v2sf)  }
0xa8: {  	[tilespmem:s11], [sflag:$0x1] =	stream.linear.gather [hbm4b:s25+s12], $0x80, $0x38;
	[tilespmem:$0x10600] =	vst v63  }
0xa9: {  	(v2sf) =	vpush v63, $0xB;
	s4 =	sadd.s32 s24, s26;
	s5 =	sand.u32 $0x1FFFFFF0, s28;
	s6 =	spop (v2sf)  }
0xaa: {  	(v2sf) =	vpush v1, $0xC;
	s7 =	sadd.s32 s23, s5;
	s8 =	sand.u32 $0x1FFFFFF0, s6;
	s9 =	spop (v2sf)  }
0xab: {  	[tilespmem:s2], [sflag:$0x1] =	stream.linear.gather [hbm4b:s4+s12], $0x80, $0x38;
	[tilespmem:$0x10600] =	vst v63  }
0xac: {  	s5 =	rddreg [dreg:$0x10];
	(v2sf) =	vpush v63, $0xC;
	s10 =	sadd.s32 s24, s8;
	s11 =	sand.u32 $0x1FFFFFF0, s9  }
0xad: {  	[tilespmem:s31], [sflag:$0x1] =	stream.linear.gather [hbm4b:s7+s12], $0x80, $0x38;
	[tilespmem:$0x10600] =	vst v63  }
0xae: {  	s9 =	rddreg [dreg:$0xe];
	s15 =	spop (v2sf);
	s25 =	sadd.s32 s23, s11  }
0xaf: {  	[tilespmem:s16], [sflag:$0x1] =	stream.linear.gather [hbm4b:s10+s12], $0x80, $0x38;
	[tilespmem:$0x10600] =	vst v63  }
0xb0: {  	s26 =	sand.u32 $0x1FFFFFF0, s15;
	s28 =	spop (v2sf);
	s31 =	rddreg [dreg:$0xc]  }
0xb1: {  	[tilespmem:s31], [sflag:$0x1] =	stream.linear.gather [hbm4b:s25+s12], $0x80, $0x38;
	[tilespmem:$0x10600] =	vst v63  }
0xb2: {  	s1 =	sadd.s32 s24, s26;
	s2 =	sand.u32 $0x1FFFFFF0, s28;
	s4 =	spop (v2sf)  }
0xb3: {  	[tilespmem:s5], [sflag:$0x1] =	stream.linear.gather [hbm4b:s1+s12], $0x80, $0x38;
	[tilespmem:$0x10600] =	vst v63  }
0xb4: {  	s6 =	sadd.s32 s23, s2;
	s7 =	sand.u32 $0x1FFFFFF0, s4;
	s16 =	rddreg [dreg:$0x8]  }
0xb5: {  	[tilespmem:s9], [sflag:$0x1] =	stream.linear.gather [hbm4b:s6+s12], $0x80, $0x38;
	[tilespmem:$0x10600] =	vst v63  }
0xb6: {  	s10 =	sadd.s32 s24, s7;
	s8 =	spop (v2sf);
	s31 =	rddreg [dreg:$0xa]  }
0xb7: {  	(v2sf) =	vpush v1, $0xD;
	[tilespmem:s16], [sflag:$0x1] =	stream.linear.gather [hbm4b:s10+s12], $0x80, $0x38;
	[tilespmem:$0x10600] =	vst v63  }
.Ltmp0:
0xb8: {  	(v2sf) =	vpush v63, $0xD;
	s11 =	sand.u32 $0x1FFFFFF0, s8;
	s15 =	spop (v2sf);
	(pc) =	sbr.rel @p0 .LBB2_2-.Ltmp0, $4  }
0xb9: {  	(v2sf) =	vpush v1, $0xE;
	s25 =	sadd.s32 s23, s11;
	s26 =	sand.u32 $0x1FFFFFF0, s15;
	s28 =	spop (v2sf)  }
0xba: {  	(v2sf) =	vpush v63, $0xE;
	[tilespmem:s29], [sflag:$0x1] =	stream.linear.gather [hbm4b:s25+s12], $0x80, $0x38;
	[tilespmem:$0x10600] =	vst v63  }
0xbb: {  	(v2sf) =	vpush v1, $0xF;
	s0 =	sand.u32 $0x1FFFFFF0, s28;
	s1 =	spop (v2sf);
	s29 =	sadd.s32 s24, s26  }
0xbc: {  	(v2sf) =	vpush v63, $0xF;
	[tilespmem:s31], [sflag:$0x1] =	stream.linear.gather [hbm4b:s29+s12], $0x80, $0x38;
	[tilespmem:$0x10600] =	vst v63  }
0xbd: {  	_ =	sdelay $0x4  }
0xbe: {  	s0 =	sadd.s32 s23, s0;
	s1 =	sand.u32 $0x1FFFFFF0, s1  }
0xbf: {  	[tilespmem:s22], [sflag:$0x1] =	stream.linear.gather [hbm4b:s0+s12], $0x80, $0x38;
	[tilespmem:$0x10600] =	vst v63  }
0xc0: {  	s6 =	sadd.s32 s24, s1  }
0xc1: {  	[tilespmem:s3], [sflag:$0x1] =	stream.linear.gather [hbm4b:s6+s12], $0x80, $0x38;
	[tilespmem:$0x10600] =	vst v63  }
0xc2: {  	s2 =	spop (v2sf)  }
0xc3: {  	s7 =	sand.u32 $0x1FFFFFF0, s2;
	s8 =	spop (v2sf)  }
0xc4: {  	s9 =	sadd.s32 s23, s7;
	s10 =	sand.u32 $0x1FFFFFF0, s8;
	s11 =	spop (v2sf)  }
0xc5: {  	[tilespmem:s17], [sflag:$0x1] =	stream.linear.gather [hbm4b:s9+s12], $0x80, $0x38;
	[tilespmem:$0x10600] =	vst v63  }
0xc6: {  	s14 =	sadd.s32 s24, s10;
	s15 =	sand.u32 $0x1FFFFFF0, s11;
	s16 =	spop (v2sf)  }
0xc7: {  	[tilespmem:s30], [sflag:$0x1] =	stream.linear.gather [hbm4b:s14+s12], $0x80, $0x38;
	[tilespmem:$0x10600] =	vst v63  }
0xc8: {  	s17 =	sadd.s32 s23, s15;
	s18 =	sand.u32 $0x1FFFFFF0, s16;
	s19 =	spop (v2sf)  }
0xc9: {  	[tilespmem:s21], [sflag:$0x1] =	stream.linear.gather [hbm4b:s17+s12], $0x80, $0x38;
	[tilespmem:$0x10600] =	vst v63  }
0xca: {  	s22 =	sand.u32 $0x1FFFFFF0, s19;
	s25 =	spop (v2sf);
	s21 =	sadd.s32 s24, s18  }
0xcb: {  	[tilespmem:s20], [sflag:$0x1] =	stream.linear.gather [hbm4b:s21+s12], $0x80, $0x38;
	[tilespmem:$0x10600] =	vst v63  }
0xcc: {  	s26 =	sadd.s32 $0xB80, s13;
	s1 =	sadd.s32 s23, s22;
	s2 =	sand.u32 $0x1FFFFFF0, s25  }
0xcd: {  	[tilespmem:s26], [sflag:$0x1] =	stream.linear.gather [hbm4b:s1+s12], $0x80, $0x38;
	[tilespmem:$0x10600] =	vst v63  }
0xce: {  	s28 =	sadd.s32 $0x8B80, s13;
	s30 =	simm.s32 $0x1;
	s29 =	sadd.s32 s24, s2  }
0xcf: {  	[tilespmem:s28], [sflag:$0x1] =	stream.linear.gather [hbm4b:s29+s12], $0x80, $0x38;
	[tilespmem:$0x10600] =	vst v63  }
0xd0: {  	_ =	swait.ge [sflag:s30], $0x8000  }
0xd1: {  	[sflag:s30] =	ssyncset.done $0x0  }
0xd2: {  	[sflag:s30] =	ssyncadd.s32 $0xFFFF8000  }
0xd3: {  	_ =	swait.ge [sflag:s30], $0x8000  }
0xd4: {  	[sflag:s30] =	ssyncset.done $0x0  }
0xd5: {  	s31 =	simm.s32 $0x0;
	[sflag:s30] =	ssyncadd.s32 $0xFFFF8000  }
0xd6: {  	v20 =	vld [tilespmem:s31+$0xB30]  }
0xd7: {  	v21 =	vld [tilespmem:s31+$0x8B30]  }
0xd8: {  	v0 =	vld [tilespmem:s31+$0xB80]  }
0xd9: {  	v51 =	vld [tilespmem:s31+$0x8B80]  }
0xda: {  	v52 =	vld [tilespmem:s31+$0xB90]  }
0xdb: {  	v53 =	vld [tilespmem:s31+$0x8B90]  }
0xdc: {  	v22 =	vld [tilespmem:s31+$0xB20]  }
0xdd: {  	v23 =	vld [tilespmem:s31+$0x8B20]  }
0xde: {  	v24 =	vld [tilespmem:s31+$0xA30]  }
0xdf: {  	v25 =	vld [tilespmem:s31+$0x8A30]  }
0xe0: {  	v54 =	vld [tilespmem:s31+$0xAA0]  }
0xe1: {  	v26 =	vld [tilespmem:s31+$0xB00]  }
0xe2: {  	v27 =	vld [tilespmem:s31+$0x8B00]  }
0xe3: {  	v28 =	vld [tilespmem:s31+$0xB10]  }
0xe4: {  	v29 =	vld [tilespmem:s31+$0x8B10]  }
0xe5: {  	v55 =	vld [tilespmem:s31+$0x9B0]  }
0xe6: {  	v56 =	vld [tilespmem:s31+$0x89B0]  }
0xe7: {  	v32 =	vld [tilespmem:s31+$0xA20]  }
0xe8: {  	v33 =	vld [tilespmem:s31+$0x8A20]  }
0xe9: {  	v57 =	vld [tilespmem:s31+$0xA80]  }
0xea: {  	v58 =	vld [tilespmem:s31+$0x8A80]  }
0xeb: {  	v59 =	vld [tilespmem:s31+$0xA90]  }
0xec: {  	v60 =	vld [tilespmem:s31+$0x8A90]  }
0xed: {  	v34 =	vld [tilespmem:s31+$0x9A0]  }
0xee: {  	v35 =	vld [tilespmem:s31+$0x89A0]  }
0xef: {  	v36 =	vld [tilespmem:s31+$0xA00]  }
0xf0: {  	v37 =	vld [tilespmem:s31+$0x8A00]  }
0xf1: {  	v38 =	vld [tilespmem:s31+$0xA10]  }
0xf2: {  	v39 =	vld [tilespmem:s31+$0x8A10]  }
0xf3: {  	v40 =	vld [tilespmem:s31+$0x8B0]  }
0xf4: {  	v41 =	vld [tilespmem:s31+$0x88B0]  }
0xf5: {  	v61 =	vld [tilespmem:s31+$0x920]  }
0xf6: {  	v42 =	vld [tilespmem:s31+$0x980]  }
0xf7: {  	v43 =	vld [tilespmem:s31+$0x8980]  }
0xf8: {  	v44 =	vld [tilespmem:s31+$0x990]  }
0xf9: {  	v45 =	vld [tilespmem:s31+$0x8990]  }
0xfa: {  	v46 =	vld [tilespmem:s31+$0x830]  }
0xfb: {  	v47 =	vld [tilespmem:s31+$0x8830]  }
0xfc: {  	v48 =	vld [tilespmem:s31+$0x8A0]  }
0xfd: {  	v49 =	vld [tilespmem:s31+$0x88A0]  }
0xfe: {  	v62 =	vld [tilespmem:s31+$0x900]  }
0xff: {  	v63 =	vld [tilespmem:s31+$0x8900]  }
0x100: {  	v4 =	vld [tilespmem:s31+$0x910]  }
0x101: {  	v5 =	vld [tilespmem:s31+$0x8910]  }
0x102: {  	v50 =	vld [tilespmem:s31+$0x820]  }
0x103: {  	v6 =	vld [tilespmem:s31+$0x7A0]  }
0x104: {  	v13 =	vld [tilespmem:s31+$0x720]  }
0x105: {  	v10 =	vld [tilespmem:s31+$0x8720]  }
0x106: {  	v7 =	vld [tilespmem:s31+$0x780]  }
0x107: {  	v8 =	vld [tilespmem:s31+$0x8780]  }
0x108: {  	v9 =	vld [tilespmem:s31+$0x790]  }
0x109: {  	v11 =	vld [tilespmem:s31+$0x8790]  }
0x10a: {  	v15 =	vld [tilespmem:s31+$0x6A0]  }
0x10b: {  	v14 =	vld [tilespmem:s31+$0x86A0]  }
0x10c: {  	v3 =	vld [tilespmem:s31+$0x700]  }
0x10d: {  	v2 =	vld [tilespmem:s31+$0x8700]  }
0x10e: {  	v1 =	vld [tilespmem:s31+$0x710]  }
0x10f: {  	v17 =	vld [tilespmem:s31+$0x5B0]  }
0x110: {  	v16 =	vld [tilespmem:s31+$0x85B0]  }
0x111: {  	v31 =	vld [tilespmem:s31+$0x530]  }
0x112: {  	v30 =	vld [tilespmem:s31+$0x8530]  }
0x113: {  	v19 =	vld [tilespmem:s31+$0x430]  }
0x114: {  	v18 =	vld [tilespmem:s31+$0x8430]  }
0x115: {  	v12 =	vld [tilespmem:s31+$0x520]  }
0x116: {  	[tilespmem:$0x1FE70] =	vst v51;
	v51 =	vld [tilespmem:s31+$0x8820]  }
0x117: {  	[tilespmem:$0x1FE80] =	vst v52;
	v52 =	vld [tilespmem:s31+$0x880]  }
0x118: {  	[tilespmem:$0x1FE90] =	vst v53;
	v53 =	vld [tilespmem:s31+$0x8880]  }
0x119: {  	[tilespmem:$0x1FE50] =	vst v54;
	v54 =	vld [tilespmem:s31+$0x890]  }
0x11a: {  	[tilespmem:$0x1FD00] =	vst v55;
	v55 =	vld [tilespmem:s31+$0x8890]  }
0x11b: {  	[tilespmem:$0x1FD10] =	vst v56;
	v56 =	vld [tilespmem:s31+$0x730]  }
0x11c: {  	[tilespmem:$0x1FE10] =	vst v57;
	v57 =	vld [tilespmem:s31+$0x8730]  }
0x11d: {  	[tilespmem:$0x1FE20] =	vst v58;
	v58 =	vld [tilespmem:s31+$0x800]  }
0x11e: {  	[tilespmem:$0x1FE30] =	vst v59;
	v59 =	vld [tilespmem:s31+$0x8800]  }
0x11f: {  	[tilespmem:$0x1FE40] =	vst v60;
	v60 =	vld [tilespmem:s31+$0x810]  }
0x120: {  	[tilespmem:$0x1FE00] =	vst v61;
	v61 =	vld [tilespmem:s31+$0x8810]  }
0x121: {  	[tilespmem:$0x1FDC0] =	vst v62;
	v62 =	vld [tilespmem:s31+$0x6B0]  }
0x122: {  	[tilespmem:$0x1FDD0] =	vst v63;
	v63 =	vld [tilespmem:s31+$0x86B0]  }
0x123: {  	[tilespmem:$0x1FE60] =	vst v0;
	v0 =	vld [tilespmem:s31+$0x8710]  }
0x124: {  	[tilespmem:$0x1FDE0] =	vst v4;
	v4 =	vld [tilespmem:s31+$0x620]  }
0x125: {  	[tilespmem:$0x1FD70] =	vst v7;
	v7 =	vld [tilespmem:s31+$0x680]  }
0x126: {  	[tilespmem:$0x1FDB0] =	vst v6;
	v6 =	vld [tilespmem:s31+$0x8680]  }
0x127: {  	[tilespmem:$0x1FDF0] =	vst v5;
	v5 =	vld [tilespmem:s31+$0x690]  }
0x128: {  	[tilespmem:$0x1FD90] =	vst v9;
	v9 =	vld [tilespmem:s31+$0x5A0]  }
0x129: {  	[tilespmem:$0x1FD80] =	vst v8;
	v8 =	vld [tilespmem:s31+$0x85A0]  }
0x12a: {  	[tilespmem:$0x1FDA0] =	vst v11;
	v11 =	vld [tilespmem:s31+$0x600]  }
0x12b: {  	v26 =	vmul.f32 v27, v26;
	v27 =	vmul.f32 v29, v28;
	v28 =	vld [tilespmem:s31+$0x580]  }
0x12c: {  	v29 =	vmul.f32 v37, v36;
	v37 =	vld [tilespmem:s31+$0x8580]  }
0x12d: {  	v22 =	vmul.f32 v23, v22;
	v23 =	vld [tilespmem:s31+$0x590]  }
0x12e: {  	v24 =	vmul.f32 v25, v24;
	v25 =	vld [tilespmem:s31+$0x8420]  }
0x12f: {  	v36 =	vmul.f32 v39, v38;
	v39 =	vld [tilespmem:$0x1FD70]  }
0x130: {  	v20 =	vmul.f32 v21, v20;
	v40 =	vmul.f32 v41, v40;
	v41 =	vld [tilespmem:$0x1FD90]  }
0x131: {  	v26 =	vadd.f32 v27, v26;
	v21 =	vadd.f32 v36, v29;
	v27 =	vmul.f32 v33, v32;
	v29 =	vld [tilespmem:s31+$0x8590]  }
0x132: {  	v33 =	vld [tilespmem:s31+$0x420]  }
0x133: {  	v21 =	vadd.f32 v27, v21;
	v27 =	vld [tilespmem:s31+$0x500]  }
0x134: {  	[tilespmem:$0x1FD60] =	vst v4;
	v4 =	vld [tilespmem:s31+$0x8690]  }
0x135: {  	[tilespmem:$0x1FD20] =	vst v11;
	v11 =	vld [tilespmem:s31+$0x8600]  }
0x136: {  	v22 =	vadd.f32 v22, v26;
	v26 =	vmul.f32 v43, v42;
	v43 =	vmul.f32 v53, v52;
	v52 =	vld [tilespmem:s31+$0x510]  }
0x137: {  	v53 =	vld [tilespmem:$0x1FD00]  }
0x138: {  	v42 =	vmul.f32 v45, v44;
	v44 =	vmul.f32 v55, v54;
	v54 =	vld [tilespmem:$0x1FD10]  }
0x139: {  	v45 =	vmul.f32 v61, v60;
	v60 =	vld [tilespmem:s31+$0x8400]  }
0x13a: {  	v61 =	vld [tilespmem:s31+$0x400]  }
0x13b: {  	v55 =	vmul.f32 v49, v48;
	v48 =	vmul.f32 v14, v15;
	v14 =	vld [tilespmem:s31+$0x490]  }
0x13c: {  	v49 =	vld [tilespmem:s31+$0x8490]  }
0x13d: {  	v21 =	vadd.f32 v24, v21;
	v24 =	vld [tilespmem:s31+$0x8500]  }
0x13e: {  	v20 =	vadd.f32 v20, v22;
	v22 =	vadd.f32 v42, v26;
	v42 =	vld [tilespmem:s31+$0x410]  }
0x13f: {  	v15 =	vmul.f32 v63, v62;
	v62 =	vld [tilespmem:$0x1FD20]  }
0x140: {  	v26 =	vmul.f32 v35, v34;
	v35 =	vld [tilespmem:s31+$0x7B0]  }
0x141: {  	v36 =	vld [tilespmem:$0x1FD60]  }
0x142: {  	v32 =	vadd.f32 v44, v43;
	v43 =	vmul.f32 v10, v13;
	v44 =	vld [tilespmem:s31+$0x8410]  }
0x143: {  	v13 =	vmul.f32 v29, v23;
	v23 =	vmul.f32 v57, v56;
	v56 =	vld [tilespmem:s31+$0x8620]  }
0x144: {  	[tilespmem:$0x1FD30] =	vst v11;
	v11 =	vld [tilespmem:s31+$0x610]  }
0x145: {  	v22 =	vadd.f32 v26, v22;
	v26 =	vmul.f32 v59, v58;
	v58 =	vld [tilespmem:s31+$0x8510]  }
0x146: {  	v59 =	vmul.f32 v51, v50;
	v51 =	vmul.f32 v16, v17;
	v16 =	vld [tilespmem:s31+$0x84A0]  }
0x147: {  	v32 =	vadd.f32 v55, v32;
	v55 =	vmul.f32 v49, v14;
	v14 =	vld [tilespmem:s31+$0x8630]  }
0x148: {  	v38 =	vmul.f32 v54, v53;
	v26 =	vadd.f32 v45, v26;
	v50 =	vmul.f32 v24, v27;
	v24 =	vld [tilespmem:s31+$0x4A0]  }
0x149: {  	v6 =	vmul.f32 v6, v7;
	v4 =	vmul.f32 v4, v5;
	v32 =	vadd.f32 v40, v32;
	[tilespmem:$0x1FD40] =	vst v11;
	v11 =	vld [tilespmem:s31+$0x8610]  }
0x14a: {  	(xrf2) =	vadd.scan.msk.f32 $0xffff, v20;
	v40 =	vld [tilespmem:$0x1FD80];
	v38 =	vadd.f32 v38, v22;
	v22 =	vadd.f32 v59, v26;
	v26 =	vmul.f32 v47, v46  }
0x14b: {  	(xrf2) =	vadd.scan.msk.f32 $0xffff, v21;
	v46 =	vld [tilespmem:s31+$0x480];
	v4 =	vadd.f32 v4, v6  }
0x14c: {  	v2 =	vmul.f32 v2, v3;
	v0 =	vmul.f32 v0, v1;
	v45 =	vadd.f32 v26, v22;
	v22 =	vld [tilespmem:s31+$0x8480];
	(xrf2) =	vadd.scan.msk.f32 $0xffff, v38  }
0x14d: {  	v4 =	vadd.f32 v48, v4;
	(xrf2) =	vadd.scan.msk.f32 $0xffff, v32;
	v32 =	vld [tilespmem:$0x1FD40]  }
0x14e: {  	v0 =	vadd.f32 v0, v2;
	[tilespmem:$0x1FD50] =	vst v11;
	v11 =	vld [tilespmem:s31+$0x8520]  }
0x14f: {  	v47 =	vmul.f32 v37, v28;
	v4 =	vadd.f32 v15, v4;
	v15 =	vld [tilespmem:$0x1FD50]  }
0x150: {  	v0 =	vadd.f32 v43, v0;
	v37 =	vld [tilespmem:s31+$0x87B0]  }
0x151: {  	v10 =	vmul.f32 v44, v42;
	v42 =	vld [tilespmem:$0x1FDA0];
	v2 =	vadd.f32 v13, v47;
	v13 =	vmul.f32 v58, v52  }
0x152: {  	v1 =	vmul.f32 v60, v61;
	v0 =	vadd.f32 v23, v0;
	v47 =	vld [tilespmem:$0x1FDB0]  }
0x153: {  	v6 =	vadd.f32 v13, v50;
	v13 =	vld [tilespmem:s31+$0x630];
	v54 =	vmul.f32 v22, v46;
	v11 =	vmul.f32 v11, v12  }
0x154: {  	v1 =	vadd.f32 v10, v1;
	v58 =	vmul.f32 v25, v33;
	v10 =	vmul.f32 v15, v32;
	v15 =	vld [tilespmem:s31+$0x87A0]  }
0x155: {  	v52 =	vld [tilespmem:s31+$0x84B0];
	(xrf2) =	vadd.scan.msk.f32 $0xffff, v45;
	v60 =	vmul.f32 v16, v24;
	v53 =	vadd.f32 v11, v6;
	v6 =	vadd.f32 v55, v54  }
0x156: {  	v61 =	vadd.f32 v58, v1;
	(xrf2) =	vadd.scan.msk.f32 $0xffff, v0;
	v12 =	vld [tilespmem:s31+$0x4B0]  }
0x157: {  	v58 =	vld [tilespmem:$0x1FE10];
	(xrf2) =	vadd.scan.msk.f32 $0xffff, v4;
	v4 =	vmul.f32 v40, v39;
	v33 =	vadd.f32 v60, v6;
	v6 =	vmul.f32 v42, v41  }
0x158: {  	v45 =	vmul.f32 v14, v13;
	v14 =	vld [tilespmem:$0x1FE20]  }
0x159: {  	v17 =	vld [tilespmem:$0x1FE70];
	v4 =	vadd.f32 v6, v4;
	v6 =	vmul.f32 v15, v47  }
0x15a: {  	v63 =	vld [tilespmem:$0x1FD30]  }
0x15b: {  	v5 =	vmul.f32 v37, v35;
	v34 =	vmul.f32 v52, v12;
	v52 =	vld [tilespmem:$0x1FDE0];
	v4 =	vadd.f32 v6, v4  }
0x15c: {  	v15 =	vld [tilespmem:$0x1FE40]  }
0x15d: {  	v4 =	vadd.f32 v5, v4;
	v5 =	vmul.f32 v14, v58;
	v14 =	vld [tilespmem:$0x1FE30]  }
0x15e: {  	v8 =	vmul.f32 v8, v9;
	v12 =	vld [tilespmem:$0x1FDF0]  }
0x15f: {  	v43 =	vld [tilespmem:s31+$0x8920]  }
0x160: {  	v48 =	vld [tilespmem:s31+$0x8930];
	v2 =	vadd.f32 v8, v2  }
0x161: {  	v57 =	vmul.f32 v30, v31;
	v50 =	vld [tilespmem:$0x1FDC0]  }
0x162: {  	v59 =	vmul.f32 v18, v19;
	v2 =	vadd.f32 v51, v2;
	v51 =	vld [tilespmem:$0x1FDD0];
	v14 =	vmul.f32 v15, v14  }
0x163: {  	v1 =	vmul.f32 v63, v62;
	v11 =	vmul.f32 v12, v52;
	v12 =	vld [tilespmem:s31+$0x8AA0]  }
0x164: {  	v3 =	vadd.f32 v57, v53;
	v5 =	vadd.f32 v14, v5;
	v14 =	vld [tilespmem:$0x1FE50]  }
0x165: {  	v0 =	vadd.f32 v59, v61;
	(xrf2) =	vadd.scan.msk.f32 $0xffff, v2;
	v2 =	vmul.f32 v56, v36;
	v55 =	vld [tilespmem:$0x1FE00];
	v1 =	vadd.f32 v10, v1  }
0x166: {  	v62 =	vld [tilespmem:$0x1FE60];
	(xrf2) =	vadd.scan.msk.f32 $0xffff, v3;
	v38 =	vadd.f32 v34, v33  }
0x167: {  	v46 =	vld [tilespmem:s31+$0x930];
	v44 =	vadd.f32 v2, v1;
	(xrf2) =	vadd.scan.msk.f32 $0xffff, v0  }
0x168: {  	v63 =	vld [tilespmem:$0x1FE80];
	v9, _, _ =	vpop (xrf2);
	v1 =	vmul.f32 v51, v50;
	(xrf2) =	vadd.scan.msk.f32 $0xffff, v38  }
0x169: {  	v49, _, _ =	vpop (xrf2);
	v56 =	vld [tilespmem:s31+$0x8AB0];
	v0 =	vadd.f32 v45, v44;
	v12 =	vmul.f32 v12, v14  }
0x16a: {  	v13, _, _ =	vpop (xrf2);
	v53 =	vld [tilespmem:s31+$0xAB0];
	v8 =	vmul.f32 v43, v55;
	v1 =	vadd.f32 v11, v1  }
0x16b: {  	v54, _, _ =	vpop (xrf2);
	(xrf2) =	vadd.scan.msk.f32 $0xffff, v0;
	v5 =	vadd.f32 v12, v5;
	v12 =	vld [tilespmem:$0x1FE90]  }
0x16c: {  	v59 =	vld [tilespmem:s31+$0x8BA0];
	v57, _, _ =	vpop (xrf2);
	v2 =	vmul.f32 v48, v46;
	v1 =	vadd.f32 v8, v1  }
0x16d: {  	v16, _, _ =	vpop (xrf2);
	v15 =	vld [tilespmem:s31+$0xBA0]  }
0x16e: {  	v60, _, _ =	vpop (xrf2);
	(xrf2) =	vadd.scan.msk.f32 $0xffff, v4;
	v1 =	vadd.f32 v2, v1;
	v2 =	vmul.f32 v17, v62;
	v17 =	vld [tilespmem:s31+$0x8BB0]  }
0x16f: {  	v61, _, _ =	vpop (xrf2);
	v14 =	vld [tilespmem:s31+$0xBB0]  }
0x170: {  	v6 =	vmul.f32 v56, v53;
	v18, _, _ =	vpop (xrf2);
	v11 =	vmul.f32 v12, v63  }
0x171: {  	(xrf2) =	vadd.scan.msk.f32 $0xffff, v1;
	v12, _, _ =	vpop (xrf2)  }
0x172: {  	v33 =	vmul.f32 v59, v15;
	v32 =	vadd.f32 v6, v5;
	v34, _, _ =	vpop (xrf2);
	v2 =	vadd.f32 v11, v2  }
0x173: {  	v35 =	vbroadcast v12, $0xF;
	v6 =	vbroadcast v34, $0xF  }
0x174: {  	v36 =	vbroadcast v18, $0xF;
	v37 =	vmul.f32 v17, v14;
	(xrf2) =	vadd.scan.msk.f32 $0xffff, v32;
	v2 =	vadd.f32 v33, v2  }
0x175: {  	v4 =	vbroadcast v61, $0xF;
	v39, _, _ =	vpop (xrf2);
	v38 =	vsel vm0, v35, v6  }
0x176: {  	v6 =	vbroadcast v39, $0xF;
	v1 =	vsel vm1, v38, v36;
	v2 =	vadd.f32 v37, v2  }
0x177: {  	v40 =	vbroadcast v60, $0xF;
	v1 =	vsel vm2, v1, v4  }
0x178: {  	v41 =	vbroadcast v16, $0xF;
	v42, _, _ =	vpop (xrf2);
	v1 =	vsel vm3, v1, v6;
	(xrf2) =	vadd.scan.msk.f32 $0xffff, v2  }
0x179: {  	v43 =	vbroadcast v42, $0xF;
	v1 =	vsel vm4, v1, v40  }
0x17a: {  	v0 =	vbroadcast v57, $0xF;
	v1 =	vsel vm5, v1, v41  }
0x17b: {  	v44 =	vbroadcast v54, $0xF;
	v45, _, _ =	vpop (xrf2);
	v1 =	vsel vm6, v1, v43  }
0x17c: {  	v46 =	vbroadcast v45, $0xF;
	v0 =	vsel vm7, v1, v0  }
0x17d: {  	v47 =	vbroadcast v13, $0xF;
	v0 =	vsel vm8, v0, v44  }
0x17e: {  	v48 =	vbroadcast v49, $0xF;
	v49, _, _ =	vpop (xrf2);
	v0 =	vsel vm9, v0, v46  }
0x17f: {  	v50 =	vbroadcast v49, $0xF;
	v0 =	vsel vm10, v0, v47  }
0x180: {  	v51 =	vbroadcast v9, $0xF;
	v0 =	vsel vm11, v0, v48  }
0x181: {  	v0 =	vsel vm12, v0, v50  }
0x182: {  	v0 =	vsel vm13, v0, v51;
	v52, _, _ =	vpop (xrf2)  }
0x183: {  	v0 =	vsel vm14, v0, v52  }
0x184: {  	v0 =	vsub.f32 $0.0e+00, v0;
	_ =	sdelay $0x1  }
0x185: {  	v0 =	vmul.f32 $1.442695020e+00, v0;
	_ =	sdelay $0x1  }
0x186: {  	(erf) = vpow2.f32 v0;
	_ =	sdelay $0x8  }
0x187: {  	v0 =	vpop (erf)  }
0x188: {  	v0 =	vadd.f32 $1.000000000e+00, v0;
	_ =	sdelay $0x1  }
0x189: {  	(erf) = vrcp.f32 v0;
	_ =	sdelay $0x8  }
0x18a: {  	s14 =	simm.s32 $0x10400;
	v0 =	vpop (erf)  }
0x18b: {  	s15 =	simm.s32 $0x800;
	[tilespmem:s14+$0x0] =	vst v0  }
0x18c: {  	v6 =	vld [tilespmem:s15+$0xB30]  }
0x18d: {  	v9 =	vld [tilespmem:s15+$0x8B30]  }
0x18e: {  	v0 =	vld [tilespmem:s15+$0xB80]  }
0x18f: {  	v53 =	vld [tilespmem:s15+$0x8B80]  }
0x190: {  	v54 =	vld [tilespmem:s15+$0xB90]  }
0x191: {  	v55 =	vld [tilespmem:s15+$0x8B90]  }
0x192: {  	v56 =	vld [tilespmem:s15+$0xB20]  }
0x193: {  	v31 =	vld [tilespmem:s15+$0x8B20]  }
0x194: {  	v11 =	vld [tilespmem:s15+$0xA30]  }
0x195: {  	v12 =	vld [tilespmem:s15+$0x8A30]  }
0x196: {  	v57 =	vld [tilespmem:s15+$0xAA0]  }
0x197: {  	v26 =	vld [tilespmem:s15+$0xB00]  }
0x198: {  	v32 =	vld [tilespmem:s15+$0x8B00]  }
0x199: {  	v33 =	vld [tilespmem:s15+$0xB10]  }
0x19a: {  	v35 =	vld [tilespmem:s15+$0x8B10]  }
0x19b: {  	v14 =	vld [tilespmem:s15+$0x9B0]  }
0x19c: {  	v23 =	vld [tilespmem:s15+$0x89B0]  }
0x19d: {  	v58 =	vld [tilespmem:s15+$0xA20]  }
0x19e: {  	v63 =	vld [tilespmem:s15+$0x8A20]  }
0x19f: {  	v59 =	vld [tilespmem:s15+$0xA80]  }
0x1a0: {  	v60 =	vld [tilespmem:s15+$0x8A80]  }
0x1a1: {  	v61 =	vld [tilespmem:s15+$0xA90]  }
0x1a2: {  	v62 =	vld [tilespmem:s15+$0x8A90]  }
0x1a3: {  	v36 =	vld [tilespmem:s15+$0x9A0]  }
0x1a4: {  	v34 =	vld [tilespmem:s15+$0x89A0]  }
0x1a5: {  	v43 =	vld [tilespmem:s15+$0xA00]  }
0x1a6: {  	v44 =	vld [tilespmem:s15+$0x8A00]  }
0x1a7: {  	v45 =	vld [tilespmem:s15+$0xA10]  }
0x1a8: {  	v46 =	vld [tilespmem:s15+$0x8A10]  }
0x1a9: {  	v5 =	vld [tilespmem:s15+$0x8B0]  }
0x1aa: {  	v7 =	vld [tilespmem:s15+$0x88B0]  }
0x1ab: {  	v4 =	vld [tilespmem:s15+$0x920]  }
0x1ac: {  	v49 =	vld [tilespmem:s15+$0x980]  }
0x1ad: {  	v1 =	vld [tilespmem:s15+$0x8980]  }
0x1ae: {  	v2 =	vld [tilespmem:s15+$0x990]  }
0x1af: {  	v52 =	vld [tilespmem:s15+$0x8990]  }
0x1b0: {  	v3 =	vld [tilespmem:s15+$0x830]  }
0x1b1: {  	v8 =	vld [tilespmem:s15+$0x900]  }
0x1b2: {  	v10 =	vld [tilespmem:s15+$0x8900]  }
0x1b3: {  	v37 =	vld [tilespmem:s15+$0x910]  }
0x1b4: {  	v38 =	vld [tilespmem:s15+$0x8910]  }
0x1b5: {  	v50 =	vld [tilespmem:s15+$0x820]  }
0x1b6: {  	v39 =	vld [tilespmem:s15+$0x8820]  }
0x1b7: {  	v13 =	vld [tilespmem:s15+$0x730]  }
0x1b8: {  	v20 =	vld [tilespmem:s15+$0x8730]  }
0x1b9: {  	v40 =	vld [tilespmem:s15+$0x7A0]  }
0x1ba: {  	v48 =	vld [tilespmem:s15+$0x8800]  }
0x1bb: {  	v47 =	vld [tilespmem:s15+$0x8810]  }
0x1bc: {  	v15 =	vld [tilespmem:s15+$0x780]  }
0x1bd: {  	v16 =	vld [tilespmem:s15+$0x8780]  }
0x1be: {  	v17 =	vld [tilespmem:s15+$0x790]  }
0x1bf: {  	v18 =	vld [tilespmem:s15+$0x8790]  }
0x1c0: {  	v41 =	vld [tilespmem:s15+$0x6A0]  }
0x1c1: {  	v42 =	vld [tilespmem:s15+$0x86A0]  }
0x1c2: {  	v22 =	vld [tilespmem:s15+$0x8700]  }
0x1c3: {  	v21 =	vld [tilespmem:s15+$0x8710]  }
0x1c4: {  	v29 =	vld [tilespmem:s15+$0x5B0]  }
0x1c5: {  	v30 =	vld [tilespmem:s15+$0x85B0]  }
0x1c6: {  	v19 =	vld [tilespmem:s15+$0x620]  }
0x1c7: {  	v27 =	vld [tilespmem:s15+$0x530]  }
0x1c8: {  	v28 =	vld [tilespmem:s15+$0x8530]  }
0x1c9: {  	v51 =	vld [tilespmem:s15+$0x5A0]  }
0x1ca: {  	v24 =	vld [tilespmem:s15+$0x8600]  }
0x1cb: {  	v25 =	vld [tilespmem:s15+$0x610]  }
0x1cc: {  	[tilespmem:$0x1FF30] =	vst v4;
	v4 =	vld [tilespmem:s15+$0x8830]  }
0x1cd: {  	[tilespmem:$0x1FFA0] =	vst v58;
	v58 =	vld [tilespmem:s15+$0x8A0]  }
0x1ce: {  	[tilespmem:$0x1FEE0] =	vst v57;
	v57 =	vld [tilespmem:s15+$0x88A0]  }
0x1cf: {  	[tilespmem:$0x1FEF0] =	vst v59;
	v59 =	vld [tilespmem:s15+$0x880]  }
0x1d0: {  	[tilespmem:$0x1FF00] =	vst v60;
	v60 =	vld [tilespmem:s15+$0x8880]  }
0x1d1: {  	[tilespmem:$0x1FF10] =	vst v61;
	v61 =	vld [tilespmem:s15+$0x890]  }
0x1d2: {  	[tilespmem:$0x1FF20] =	vst v62;
	v62 =	vld [tilespmem:s15+$0x8890]  }
0x1d3: {  	[tilespmem:$0x1FEC0] =	vst v54;
	v54 =	vld [tilespmem:s15+$0x800]  }
0x1d4: {  	[tilespmem:$0x1FEB0] =	vst v53;
	v53 =	vld [tilespmem:s15+$0x810]  }
0x1d5: {  	[tilespmem:$0x1FF40] =	vst v8;
	v8 =	vld [tilespmem:s15+$0x6B0]  }
0x1d6: {  	[tilespmem:$0x1FF50] =	vst v10;
	v10 =	vld [tilespmem:s15+$0x86B0]  }
0x1d7: {  	[tilespmem:$0x1FF90] =	vst v56;
	v56 =	vld [tilespmem:s15+$0x720]  }
0x1d8: {  	[tilespmem:$0x1FED0] =	vst v55;
	v55 =	vld [tilespmem:s15+$0x8720]  }
0x1d9: {  	[tilespmem:$0x1FF70] =	vst v38;
	v38 =	vld [tilespmem:s15+$0x700]  }
0x1da: {  	[tilespmem:$0x1FF60] =	vst v37;
	v37 =	vld [tilespmem:s15+$0x710]  }
0x1db: {  	[tilespmem:$0x1FFD0] =	vst v42;
	v42 =	vld [tilespmem:s15+$0x680]  }
0x1dc: {  	[tilespmem:$0x1FF80] =	vst v40;
	v40 =	vld [tilespmem:s15+$0x8680]  }
0x1dd: {  	[tilespmem:$0x1FFC0] =	vst v41;
	v41 =	vld [tilespmem:s15+$0x690]  }
0x1de: {  	[tilespmem:$0x1FFB0] =	vst v39;
	v39 =	vld [tilespmem:s15+$0x8690]  }
0x1df: {  	[tilespmem:$0x1FFE0] =	vst v51;
	v51 =	vld [tilespmem:s15+$0x85A0]  }
0x1e0: {  	v32 =	vmul.f32 v32, v26;
	v26 =	vld [tilespmem:s15+$0x8610];
	v43 =	vmul.f32 v44, v43  }
0x1e1: {  	v44 =	vmul.f32 v46, v45;
	v45 =	vmul.f32 v1, v49;
	v49 =	vld [tilespmem:s15+$0x590]  }
0x1e2: {  	v1 =	vld [tilespmem:s15+$0x500]  }
0x1e3: {  	v33 =	vmul.f32 v35, v33;
	v35 =	vld [tilespmem:$0x1FF90]  }
0x1e4: {  	v46 =	vmul.f32 v52, v2;
	v52 =	vld [tilespmem:$0x1FFA0]  }
0x1e5: {  	v5 =	vmul.f32 v7, v5;
	v7 =	vld [tilespmem:$0x1FFB0]  }
0x1e6: {  	[tilespmem:$0x1FEA0] =	vst v0;
	v0 =	vadd.f32 v33, v32;
	v32 =	vld [tilespmem:s15+$0x8430]  }
0x1e7: {  	v33 =	vld [tilespmem:s15+$0x520]  }
0x1e8: {  	v45 =	vadd.f32 v46, v45;
	v46 =	vld [tilespmem:s15+$0x580]  }
0x1e9: {  	v43 =	vadd.f32 v44, v43;
	v44 =	vld [tilespmem:s15+$0x8580]  }
0x1ea: {  	v6 =	vmul.f32 v9, v6;
	v34 =	vmul.f32 v34, v36;
	[tilespmem:$0x1FFF0] =	vst v51;
	v51 =	vld [tilespmem:s15+$0x600]  }
0x1eb: {  	v21 =	vmul.f32 v21, v37;
	v37 =	vld [tilespmem:s15+$0x8400];
	v35 =	vmul.f32 v31, v35  }
0x1ec: {  	v22 =	vmul.f32 v22, v38;
	v38 =	vld [tilespmem:s15+$0x400];
	v2 =	vmul.f32 v63, v52  }
0x1ed: {  	v11 =	vmul.f32 v12, v11;
	v39 =	vmul.f32 v39, v41;
	v41 =	vld [tilespmem:s15+$0x8410];
	v0 =	vadd.f32 v35, v0  }
0x1ee: {  	v34 =	vadd.f32 v34, v45;
	v40 =	vmul.f32 v40, v42;
	v31 =	vld [tilespmem:s15+$0x430];
	v9 =	vadd.f32 v2, v43  }
0x1ef: {  	v52 =	vmul.f32 v23, v14;
	v63 =	vmul.f32 v57, v58;
	v57 =	vld [tilespmem:$0x1FFC0];
	v0 =	vadd.f32 v6, v0  }
0x1f0: {  	v58 =	vld [tilespmem:$0x1FFD0];
	v36 =	vadd.f32 v11, v9  }
0x1f1: {  	v40 =	vadd.f32 v39, v40;
	v39 =	vld [tilespmem:s15+$0x410];
	v45 =	vadd.f32 v52, v34;
	(xrf2) =	vadd.scan.msk.f32 $0xffff, v0  }
0x1f2: {  	v60 =	vmul.f32 v60, v59;
	v62 =	vmul.f32 v62, v61;
	v35 =	vld [tilespmem:s15+$0x8520];
	(xrf2) =	vadd.scan.msk.f32 $0xffff, v36  }
0x1f3: {  	v48 =	vmul.f32 v48, v54;
	v47 =	vmul.f32 v47, v53;
	v43 =	vld [tilespmem:s15+$0x8590];
	(xrf2) =	vadd.scan.msk.f32 $0xffff, v45  }
0x1f4: {  	v21 =	vadd.f32 v21, v22;
	v52 =	vld [tilespmem:s15+$0x8500]  }
0x1f5: {  	v22 =	vmul.f32 v55, v56;
	v6 =	vadd.f32 v47, v48;
	v48 =	vld [tilespmem:s15+$0x510];
	v0 =	vadd.f32 v62, v60  }
0x1f6: {  	v9 =	vmul.f32 v7, v50;
	v11 =	vld [tilespmem:s15+$0x8510]  }
0x1f7: {  	v21 =	vadd.f32 v22, v21;
	v22 =	vmul.f32 v20, v13;
	v62 =	vld [tilespmem:$0x1FFE0];
	v0 =	vadd.f32 v63, v0  }
0x1f8: {  	v56 =	vmul.f32 v4, v3;
	v55 =	vadd.f32 v9, v6;
	v63 =	vld [tilespmem:$0x1FFF0]  }
0x1f9: {  	v34 =	vld [tilespmem:s15+$0x420];
	v59 =	vmul.f32 v58, v57;
	v22 =	vadd.f32 v22, v21;
	v0 =	vadd.f32 v5, v0  }
0x1fa: {  	v44 =	vmul.f32 v44, v46;
	v36 =	vld [tilespmem:s15+$0x8420];
	v43 =	vmul.f32 v43, v49;
	v42 =	vadd.f32 v56, v55  }
0x1fb: {  	v61 =	vmul.f32 v10, v8;
	v60 =	vadd.f32 v59, v40;
	v40 =	vld [tilespmem:s15+$0x480];
	(xrf2) =	vadd.scan.msk.f32 $0xffff, v0;
	v54, _, _ =	vpop (xrf2)  }
0x1fc: {  	v47 =	vmul.f32 v52, v1;
	v45 =	vadd.f32 v43, v44;
	v43 =	vld [tilespmem:s15+$0x490];
	(xrf2) =	vadd.scan.msk.f32 $0xffff, v42;
	v21, _, _ =	vpop (xrf2)  }
0x1fd: {  	s16 =	simm.s32 $0x4000;
	s17 =	simm.s32 $0x2000;
	v48 =	vmul.f32 v11, v48;
	v44 =	vadd.f32 v61, v60;
	v46 =	vmul.f32 v63, v62;
	v42 =	vld [tilespmem:s15+$0x8480];
	(xrf2) =	vadd.scan.msk.f32 $0xffff, v22;
	v22, _, _ =	vpop (xrf2)  }
.LBB2_4:
0x1fe: {  	v49 =	vld [tilespmem:s15+$0x8490]  }
0x1ff: {  	v10 =	vld [tilespmem:s15+$0x84A0]  }
0x200: {  	v11 =	vld [tilespmem:s15+$0x4B0]  }
0x201: {  	v50 =	vld [tilespmem:s15+$0x8630]  }
0x202: {  	v15 =	vmul.f32 v16, v15;
	v16 =	vmul.f32 v18, v17;
	v17 =	vld [tilespmem:s15+$0x8920]  }
0x203: {  	v52 =	vld [tilespmem:$0x1FF40]  }
0x204: {  	v1 =	vld [tilespmem:$0x1FF50]  }
0x205: {  	v53 =	vld [tilespmem:$0x1FF60]  }
0x206: {  	v55 =	vld [tilespmem:$0x1FF70]  }
0x207: {  	v12 =	vld [tilespmem:s15+$0x8AA0]  }
0x208: {  	v56 =	vld [tilespmem:$0x1FF30]  }
0x209: {  	v57 =	vld [tilespmem:s15+$0x8AB0]  }
0x20a: {  	v58 =	vld [tilespmem:$0x1FEF0]  }
0x20b: {  	v59 =	vld [tilespmem:$0x1FF00]  }
0x20c: {  	v60 =	vld [tilespmem:$0x1FF10]  }
0x20d: {  	v61 =	vld [tilespmem:$0x1FF20]  }
0x20e: {  	v62 =	vld [tilespmem:$0x1FEE0];
	v45 =	vadd.f32 v46, v45;
	v0 =	vmul.f32 v30, v29;
	v33 =	vmul.f32 v35, v33  }
0x20f: {  	v7 =	vadd.f32 v48, v47;
	v30 =	vld [tilespmem:s15+$0x4A0];
	v8 =	vmul.f32 v37, v38;
	v9 =	vmul.f32 v41, v39  }
0x210: {  	(xrf2) =	vadd.scan.msk.f32 $0xffff, v44;
	v47 =	vld [tilespmem:s15+$0x8620];
	v15 =	vadd.f32 v16, v15;
	v27 =	vmul.f32 v28, v27;
	v34 =	vmul.f32 v36, v34  }
0x211: {  	v44 =	vld [tilespmem:s15+$0x84B0];
	v31 =	vmul.f32 v32, v31;
	v0 =	vadd.f32 v0, v45;
	v33 =	vadd.f32 v33, v7  }
0x212: {  	v48 =	vld [tilespmem:s15+$0x630];
	v46 =	vmul.f32 v49, v43;
	v28 =	vadd.f32 v9, v8;
	v45 =	vmul.f32 v42, v40  }
0x213: {  	v16 =	vld [tilespmem:s15+$0x8930];
	v23 =	vmul.f32 v24, v51;
	v24 =	vmul.f32 v26, v25;
	v29, _, _ =	vpop (xrf2);
	(xrf2) =	vadd.scan.msk.f32 $0xffff, v0;
	v27 =	vadd.f32 v27, v33  }
0x214: {  	v25 =	vld [tilespmem:s15+$0x87A0];
	v28 =	vadd.f32 v34, v28;
	v49 =	vadd.f32 v46, v45;
	v30 =	vmul.f32 v10, v30  }
0x215: {  	v51 =	vld [tilespmem:$0x1FF80];
	v23 =	vadd.f32 v24, v23;
	v20 =	vmul.f32 v47, v19  }
0x216: {  	v24 =	vld [tilespmem:s15+$0x87B0];
	v39, _, _ =	vpop (xrf2);
	(xrf2) =	vadd.scan.msk.f32 $0xffff, v27;
	v27 =	vadd.f32 v31, v28;
	v28 =	vadd.f32 v30, v49;
	v30 =	vmul.f32 v44, v11  }
0x217: {  	v31 =	vld [tilespmem:s15+$0x7B0]  }
0x218: {  	v32 =	vld [tilespmem:$0x1FEB0];
	v20 =	vadd.f32 v20, v23;
	v23 =	vmul.f32 v50, v48;
	v26, _, _ =	vpop (xrf2);
	(xrf2) =	vadd.scan.msk.f32 $0xffff, v27;
	v27 =	vadd.f32 v30, v28  }
0x219: {  	v35 =	vld [tilespmem:$0x1FEC0];
	v10 =	vmul.f32 v1, v52;
	v11 =	vmul.f32 v55, v53  }
0x21a: {  	v14 =	vmul.f32 v25, v51;
	v18, _, _ =	vpop (xrf2);
	v28 =	vld [tilespmem:s15+$0x930];
	(xrf2) =	vadd.scan.msk.f32 $0xffff, v27  }
0x21b: {  	v36 =	vld [tilespmem:$0x1FED0];
	v9 =	vmul.f32 v17, v56;
	v20 =	vadd.f32 v23, v20;
	v10 =	vadd.f32 v11, v10  }
0x21c: {  	v23 =	vld [tilespmem:s15+$0xAB0];
	v14 =	vadd.f32 v14, v15;
	v15 =	vmul.f32 v24, v31  }
0x21d: {  	v9 =	vadd.f32 v9, v10;
	v10 =	vld [tilespmem:$0x1FEA0];
	v13, _, _ =	vpop (xrf2);
	(xrf2) =	vadd.scan.msk.f32 $0xffff, v20  }
0x21e: {  	v5 =	vmul.f32 v59, v58;
	v6 =	vmul.f32 v61, v60;
	v7 =	vld [tilespmem:s15+$0xBA0];
	v14 =	vadd.f32 v15, v14  }
0x21f: {  	v15 =	vld [tilespmem:s15+$0x8BA0];
	v16 =	vmul.f32 v16, v28  }
0x220: {  	v63 =	vld [tilespmem:s15+$0xBB0];
	v4 =	vmul.f32 v12, v62;
	v5 =	vadd.f32 v6, v5;
	v8, _, _ =	vpop (xrf2);
	(xrf2) =	vadd.scan.msk.f32 $0xffff, v14  }
0x221: {  	v3 =	vld [tilespmem:s15+$0x8BB0];
	v0 =	vmul.f32 v36, v35;
	v9 =	vadd.f32 v16, v9  }
0x222: {  	v12 =	vadd.f32 v4, v5;
	v34 =	vmul.f32 v57, v23;
	v2 =	vmul.f32 v32, v10  }
0x223: {  	v33, _, _ =	vpop (xrf2);
	(xrf2) =	vadd.scan.msk.f32 $0xffff, v9  }
0x224: {  	v37 =	vadd.f32 v34, v12;
	v0 =	vadd.f32 v0, v2;
	v38 =	vmul.f32 v15, v7;
	v40, _, _ =	vpop (xrf2)  }
0x225: {  	v41 =	vbroadcast v33, $0xF;
	v42 =	vbroadcast v40, $0xF  }
0x226: {  	v44 =	vmul.f32 v3, v63;
	v43 =	vbroadcast v8, $0xF;
	v0 =	vadd.f32 v38, v0;
	(xrf2) =	vadd.scan.msk.f32 $0xffff, v37  }
0x227: {  	v46 =	vbroadcast v13, $0xF;
	v45 =	vsel vm0, v41, v42;
	v47, _, _ =	vpop (xrf2)  }
0x228: {  	v0 =	vadd.f32 v44, v0;
	v1 =	vsel vm1, v45, v43;
	v48 =	vbroadcast v47, $0xF  }
0x229: {  	v49 =	vbroadcast v18, $0xF;
	v1 =	vsel vm2, v1, v46  }
0x22a: {  	v50 =	vbroadcast v26, $0xF;
	v51, _, _ =	vpop (xrf2);
	(xrf2) =	vadd.scan.msk.f32 $0xffff, v0;
	v1 =	vsel vm3, v1, v48  }
0x22b: {  	v53 =	vbroadcast v51, $0xF;
	v52 =	vsel vm4, v1, v49  }
0x22c: {  	v55 =	vbroadcast v39, $0xF;
	v0 =	vsel vm5, v52, v50  }
0x22d: {  	v56 =	vbroadcast v29, $0xF;
	v57, _, _ =	vpop (xrf2);
	v0 =	vsel vm6, v0, v53  }
0x22e: {  	v58 =	vbroadcast v57, $0xF;
	v0 =	vsel vm7, v0, v55  }
0x22f: {  	v59 =	vbroadcast v22, $0xF;
	v0 =	vsel vm8, v0, v56  }
0x230: {  	v60 =	vbroadcast v21, $0xF;
	v61, _, _ =	vpop (xrf2);
	v0 =	vsel vm9, v0, v58  }
0x231: {  	v3 =	vbroadcast v61, $0xF;
	v0 =	vsel vm10, v0, v59  }
0x232: {  	v62 =	vbroadcast v54, $0xF;
	v0 =	vsel vm11, v0, v60  }
0x233: {  	v0 =	vsel vm12, v0, v3  }
0x234: {  	v63, _, _ =	vpop (xrf2);
	v0 =	vsel vm13, v0, v62  }
0x235: {  	v0 =	vsel vm14, v0, v63  }
0x236: {  	v0 =	vsub.f32 $0.0e+00, v0;
	_ =	sdelay $0x1  }
0x237: {  	v0 =	vmul.f32 $1.442695020e+00, v0;
	_ =	sdelay $0x1  }
0x238: {  	(erf) = vpow2.f32 v0;
	_ =	sdelay $0x8  }
0x239: {  	v0 =	vpop (erf)  }
0x23a: {  	v0 =	vadd.f32 $1.000000000e+00, v0;
	_ =	sdelay $0x1  }
0x23b: {  	(erf) = vrcp.f32 v0;
	_ =	sdelay $0x8  }
0x23c: {  	s14 =	sadd.s32 $0x10, s14;
	v0 =	vpop (erf)  }
0x23d: {  	s15 =	sshra.s32 s16, $0x2;
	[tilespmem:s14+$0x0] =	vst v0  }
0x23e: {  	v0 =	vld [tilespmem:s15+$0xB30]  }
0x23f: {  	v21 =	vld [tilespmem:s15+$0x8B30]  }
0x240: {  	v4 =	vld [tilespmem:s15+$0xB80]  }
0x241: {  	v5 =	vld [tilespmem:s15+$0x8B80]  }
0x242: {  	v6 =	vld [tilespmem:s15+$0xB90]  }
0x243: {  	v7 =	vld [tilespmem:s15+$0x8B90]  }
0x244: {  	v26 =	vld [tilespmem:s15+$0xB20]  }
0x245: {  	v31 =	vld [tilespmem:s15+$0x8B20]  }
0x246: {  	v34 =	vld [tilespmem:s15+$0xA30]  }
0x247: {  	v37 =	vld [tilespmem:s15+$0x8A30]  }
0x248: {  	v8 =	vld [tilespmem:s15+$0xAA0]  }
0x249: {  	v24 =	vld [tilespmem:s15+$0xB00]  }
0x24a: {  	v25 =	vld [tilespmem:s15+$0x8B00]  }
0x24b: {  	v32 =	vld [tilespmem:s15+$0xB10]  }
0x24c: {  	v48 =	vld [tilespmem:s15+$0x8B10]  }
0x24d: {  	v9 =	vld [tilespmem:s15+$0x9B0]  }
0x24e: {  	v22 =	vld [tilespmem:s15+$0x89B0]  }
0x24f: {  	v33 =	vld [tilespmem:s15+$0xA20]  }
0x250: {  	v35 =	vld [tilespmem:s15+$0x8A20]  }
0x251: {  	v10 =	vld [tilespmem:s15+$0xA80]  }
0x252: {  	v11 =	vld [tilespmem:s15+$0x8A80]  }
0x253: {  	v36 =	vld [tilespmem:s15+$0xA90]  }
0x254: {  	v38 =	vld [tilespmem:s15+$0x8A90]  }
0x255: {  	v43 =	vld [tilespmem:s15+$0x9A0]  }
0x256: {  	v46 =	vld [tilespmem:s15+$0x89A0]  }
0x257: {  	v53 =	vld [tilespmem:s15+$0xA00]  }
0x258: {  	v54 =	vld [tilespmem:s15+$0x8A00]  }
0x259: {  	v55 =	vld [tilespmem:s15+$0xA10]  }
0x25a: {  	v56 =	vld [tilespmem:s15+$0x8A10]  }
0x25b: {  	v39 =	vld [tilespmem:s15+$0x8B0]  }
0x25c: {  	v41 =	vld [tilespmem:s15+$0x88B0]  }
0x25d: {  	v40 =	vld [tilespmem:s15+$0x920]  }
0x25e: {  	v57 =	vld [tilespmem:s15+$0x980]  }
0x25f: {  	v58 =	vld [tilespmem:s15+$0x8980]  }
0x260: {  	v59 =	vld [tilespmem:s15+$0x990]  }
0x261: {  	v60 =	vld [tilespmem:s15+$0x8990]  }
0x262: {  	v42 =	vld [tilespmem:s15+$0x830]  }
0x263: {  	v44 =	vld [tilespmem:s15+$0x8830]  }
0x264: {  	v52 =	vld [tilespmem:s15+$0x88A0]  }
0x265: {  	v45 =	vld [tilespmem:s15+$0x900]  }
0x266: {  	v47 =	vld [tilespmem:s15+$0x8900]  }
0x267: {  	v49 =	vld [tilespmem:s15+$0x910]  }
0x268: {  	v50 =	vld [tilespmem:s15+$0x8910]  }
0x269: {  	v61 =	vld [tilespmem:s15+$0x880]  }
0x26a: {  	v62 =	vld [tilespmem:s15+$0x8880]  }
0x26b: {  	v63 =	vld [tilespmem:s15+$0x890]  }
0x26c: {  	v51 =	vld [tilespmem:s15+$0x7A0]  }
0x26d: {  	v1 =	vld [tilespmem:s15+$0x800]  }
0x26e: {  	v2 =	vld [tilespmem:s15+$0x8800]  }
0x26f: {  	v3 =	vld [tilespmem:s15+$0x810]  }
0x270: {  	v23 =	vld [tilespmem:s15+$0x8780]  }
0x271: {  	v12 =	vld [tilespmem:s15+$0x8710]  }
0x272: {  	v29 =	vld [tilespmem:s15+$0x5B0]  }
0x273: {  	v30 =	vld [tilespmem:s15+$0x85B0]  }
0x274: {  	v19 =	vld [tilespmem:s15+$0x620]  }
0x275: {  	v13 =	vld [tilespmem:s15+$0x680]  }
0x276: {  	v14 =	vld [tilespmem:s15+$0x8680]  }
0x277: {  	v15 =	vld [tilespmem:s15+$0x690]  }
0x278: {  	v16 =	vld [tilespmem:s15+$0x8690]  }
0x279: {  	v27 =	vld [tilespmem:s15+$0x530]  }
0x27a: {  	v28 =	vld [tilespmem:s15+$0x8530]  }
0x27b: {  	v17 =	vld [tilespmem:s15+$0x5A0]  }
0x27c: {  	v18 =	vld [tilespmem:s15+$0x85A0]  }
0x27d: {  	[tilespmem:$0x1FF10] =	vst v36;
	v36 =	vld [tilespmem:s15+$0x8A0]  }
0x27e: {  	[tilespmem:$0x1FF60] =	vst v49;
	v49 =	vld [tilespmem:s15+$0x820]  }
0x27f: {  	[tilespmem:$0x1FF20] =	vst v38;
	v38 =	vld [tilespmem:s15+$0x8820]  }
0x280: {  	[tilespmem:$0x1FCB0] =	vst v0;
	v0 =	vld [tilespmem:s15+$0x8890]  }
0x281: {  	[tilespmem:$0x1FF30] =	vst v40;
	v40 =	vld [tilespmem:s15+$0x730]  }
0x282: {  	[tilespmem:$0x1FCD0] =	vst v39;
	v39 =	vld [tilespmem:s15+$0x8730]  }
0x283: {  	[tilespmem:$0x1FEA0] =	vst v4;
	v4 =	vld [tilespmem:s15+$0x8810]  }
0x284: {  	[tilespmem:$0x1FCE0] =	vst v42;
	v42 =	vld [tilespmem:s15+$0x6B0]  }
0x285: {  	[tilespmem:$0x1FF40] =	vst v45;
	v45 =	vld [tilespmem:s15+$0x86B0]  }
0x286: {  	[tilespmem:$0x1FEB0] =	vst v5;
	v5 =	vld [tilespmem:s15+$0x720]  }
0x287: {  	[tilespmem:$0x1FEC0] =	vst v6;
	v6 =	vld [tilespmem:s15+$0x8720]  }
0x288: {  	[tilespmem:$0x1FF70] =	vst v50;
	v50 =	vld [tilespmem:s15+$0x780]  }
0x289: {  	[tilespmem:$0x1FF50] =	vst v47;
	v47 =	vld [tilespmem:s15+$0x790]  }
0x28a: {  	[tilespmem:$0x1FCF0] =	vst v44;
	v44 =	vld [tilespmem:s15+$0x8790]  }
0x28b: {  	[tilespmem:$0x1FED0] =	vst v7;
	v7 =	vld [tilespmem:s15+$0x6A0]  }
0x28c: {  	[tilespmem:$0x1FEE0] =	vst v8;
	v8 =	vld [tilespmem:s15+$0x86A0]  }
0x28d: {  	[tilespmem:$0x1FCC0] =	vst v9;
	v9 =	vld [tilespmem:s15+$0x700]  }
0x28e: {  	[tilespmem:$0x1FEF0] =	vst v10;
	v10 =	vld [tilespmem:s15+$0x8700]  }
0x28f: {  	[tilespmem:$0x1FF00] =	vst v11;
	v11 =	vld [tilespmem:s15+$0x710]  }
0x290: {  	[tilespmem:$0x1FF80] =	vst v51;
	v51 =	vld [tilespmem:s15+$0x600]  }
0x291: {  	v20 =	vmul.f32 v25, v24;
	v24 =	vld [tilespmem:s15+$0x8600]  }
0x292: {  	v32 =	vmul.f32 v48, v32;
	v25 =	vld [tilespmem:s15+$0x610]  }
0x293: {  	v48 =	vmul.f32 v54, v53;
	v53 =	vmul.f32 v56, v55;
	v56 =	vld [tilespmem:$0x1FCB0]  }
0x294: {  	v60 =	vmul.f32 v60, v59;
	v59 =	vld [tilespmem:$0x1FCC0]  }
0x295: {  	v43 =	vmul.f32 v46, v43;
	v46 =	vld [tilespmem:$0x1FCF0]  }
0x296: {  	v20 =	vadd.f32 v32, v20;
	v32 =	vmul.f32 v31, v26;
	v26 =	vld [tilespmem:s15+$0x8610]  }
0x297: {  	v58 =	vmul.f32 v58, v57;
	v31 =	vld [tilespmem:s15+$0x430]  }
0x298: {  	v48 =	vadd.f32 v53, v48;
	v53 =	vmul.f32 v35, v33;
	v33 =	vld [tilespmem:s15+$0x520]  }
0x299: {  	v35 =	vld [tilespmem:s15+$0x8520];
	v57 =	vadd.f32 v60, v58  }
0x29a: {  	v20 =	vadd.f32 v32, v20;
	v32 =	vld [tilespmem:s15+$0x8430]  }
0x29b: {  	v34 =	vmul.f32 v37, v34;
	v37 =	vadd.f32 v43, v57;
	v43 =	vld [tilespmem:s15+$0x8590]  }
0x29c: {  	v60 =	vmul.f32 v52, v36;
	v36 =	vld [tilespmem:s15+$0x8420];
	v21 =	vmul.f32 v21, v56  }
0x29d: {  	v58 =	vmul.f32 v62, v61;
	v0 =	vmul.f32 v0, v63;
	v63 =	vld [tilespmem:$0x1FCD0]  }
0x29e: {  	v61 =	vmul.f32 v4, v3;
	v3 =	vld [tilespmem:s15+$0x8500];
	v20 =	vadd.f32 v21, v20;
	v21 =	vadd.f32 v53, v48  }
0x29f: {  	v22 =	vmul.f32 v22, v59;
	v59 =	vmul.f32 v39, v40;
	v39 =	vld [tilespmem:s15+$0x410]  }
0x2a0: {  	v40 =	vld [tilespmem:s15+$0x480];
	v21 =	vadd.f32 v34, v21  }
0x2a1: {  	v48 =	vld [tilespmem:s15+$0x580];
	v62 =	vadd.f32 v22, v37;
	(xrf2) =	vadd.scan.msk.f32 $0xffff, v20  }
0x2a2: {  	v53 =	vld [tilespmem:s15+$0x590];
	(xrf2) =	vadd.scan.msk.f32 $0xffff, v21  }
0x2a3: {  	v0 =	vadd.f32 v0, v58;
	v4 =	vmul.f32 v41, v63;
	v41 =	vld [tilespmem:$0x1FCE0];
	(xrf2) =	vadd.scan.msk.f32 $0xffff, v62  }
0x2a4: {  	v1 =	vmul.f32 v2, v1;
	v9 =	vmul.f32 v10, v9;
	v22 =	vld [tilespmem:s15+$0x500]  }
0x2a5: {  	v37 =	vmul.f32 v38, v49;
	v38 =	vmul.f32 v12, v11;
	v0 =	vadd.f32 v60, v0;
	v20 =	vld [tilespmem:s15+$0x8580]  }
0x2a6: {  	v57 =	vmul.f32 v16, v15;
	v5 =	vmul.f32 v6, v5;
	v1 =	vadd.f32 v61, v1;
	v11 =	vld [tilespmem:s15+$0x8510]  }
0x2a7: {  	v49 =	vmul.f32 v14, v13;
	v34 =	vld [tilespmem:s15+$0x420];
	v9 =	vadd.f32 v38, v9;
	v0 =	vadd.f32 v4, v0  }
0x2a8: {  	p0 =	sne.s32 s16, $0x1E000;
	v16 =	vmovc v23;
	v60 =	vmul.f32 v8, v7;
	v1 =	vadd.f32 v37, v1;
	v4 =	vld [tilespmem:s15+$0x510];
	v2 =	vmul.f32 v46, v41  }
.Ltmp1:
0x2a9: {  	v37 =	vld [tilespmem:s15+$0x8400];
	v63 =	vmul.f32 v45, v42;
	v58 =	vadd.f32 v5, v9;
	(xrf2) =	vadd.scan.msk.f32 $0xffff, v0;
	v0 =	vadd.f32 v57, v49;
	(pc) =	sbr.rel @p0 .LBB2_4-.Ltmp1, $4  }
0x2aa: {  	v15 =	vmovc v50;
	v38 =	vld [tilespmem:s15+$0x400];
	v62 =	vmul.f32 v43, v53;
	v61 =	vmul.f32 v20, v48;
	v1 =	vadd.f32 v2, v1  }
0x2ab: {  	v42 =	vld [tilespmem:s15+$0x8480];
	v46 =	vmul.f32 v18, v17;
	v0 =	vadd.f32 v60, v0;
	v2 =	vadd.f32 v59, v58;
	v54, _, _ =	vpop (xrf2)  }
0x2ac: {  	v43 =	vld [tilespmem:s15+$0x490];
	v18 =	vmov v44;
	v17 =	vmov v47;
	v47 =	vmul.f32 v3, v22;
	(xrf2) =	vadd.scan.msk.f32 $0xffff, v1;
	v21, _, _ =	vpop (xrf2)  }
0x2ad: {  	s16 =	sadd.s32 $0x2000, s16;
	v41 =	vld [tilespmem:s15+$0x8410];
	v45 =	vadd.f32 v62, v61;
	v48 =	vmul.f32 v11, v4;
	v44 =	vadd.f32 v63, v0;
	(xrf2) =	vadd.scan.msk.f32 $0xffff, v2;
	v22, _, _ =	vpop (xrf2)  }
0x2ae: {  	v0 =	vld [tilespmem:s15+$0x8490]  }
0x2af: {  	v1 =	vld [tilespmem:s15+$0x4A0]  }
0x2b0: {  	v4 =	vld [tilespmem:s15+$0x84A0]  }
0x2b1: {  	v7 =	vld [tilespmem:s15+$0x4B0]  }
0x2b2: {  	v3 =	vmul.f32 v30, v29;
	v30 =	vld [tilespmem:s15+$0x84B0]  }
0x2b3: {  	v10 =	vld [tilespmem:s15+$0x8620]  }
0x2b4: {  	v12 =	vld [tilespmem:s15+$0x630]  }
0x2b5: {  	v6 =	vmul.f32 v35, v33;
	v35 =	vld [tilespmem:s15+$0x8630]  }
0x2b6: {  	v14 =	vld [tilespmem:s15+$0x87A0]  }
0x2b7: {  	v49 =	vld [tilespmem:s15+$0x930]  }
0x2b8: {  	v50 =	vld [tilespmem:$0x1FF80]  }
0x2b9: {  	v53 =	vld [tilespmem:$0x1FF40]  }
0x2ba: {  	v55 =	vld [tilespmem:$0x1FF50]  }
0x2bb: {  	v56 =	vld [tilespmem:$0x1FF60]  }
0x2bc: {  	v57 =	vld [tilespmem:$0x1FF70]  }
0x2bd: {  	v58 =	vld [tilespmem:s15+$0x8AA0]  }
0x2be: {  	v59 =	vld [tilespmem:s15+$0xAB0]  }
0x2bf: {  	v11 =	vmul.f32 v28, v27;
	v61 =	vld [tilespmem:$0x1FF30]  }
0x2c0: {  	v34 =	vmul.f32 v36, v34;
	v13 =	vmul.f32 v32, v31;
	v62 =	vld [tilespmem:s15+$0x8AB0]  }
0x2c1: {  	v20 =	vld [tilespmem:$0x1FF20];
	v2 =	vadd.f32 v46, v45;
	v8 =	vmul.f32 v37, v38;
	v9 =	vmul.f32 v41, v39  }
0x2c2: {  	v28 =	vld [tilespmem:$0x1FEE0];
	v5 =	vadd.f32 v48, v47;
	v33 =	vmul.f32 v42, v40;
	v0 =	vmul.f32 v0, v43  }
0x2c3: {  	v31 =	vld [tilespmem:$0x1FEA0];
	v37 =	vmul.f32 v24, v51;
	v38 =	vmul.f32 v26, v25;
	v8 =	vadd.f32 v9, v8  }
0x2c4: {  	(xrf2) =	vadd.scan.msk.f32 $0xffff, v44;
	v44 =	vld [tilespmem:s15+$0x87B0];
	v5 =	vadd.f32 v6, v5;
	v1 =	vmul.f32 v4, v1;
	v0 =	vadd.f32 v0, v33  }
0x2c5: {  	v46 =	vmul.f32 v18, v17;
	v47 =	vld [tilespmem:s15+$0x8920];
	v2 =	vadd.f32 v3, v2;
	v36 =	vadd.f32 v34, v8  }
0x2c6: {  	v17 =	vld [tilespmem:$0x1FEF0];
	v5 =	vadd.f32 v11, v5;
	v39 =	vmul.f32 v30, v7;
	v0 =	vadd.f32 v1, v0  }
0x2c7: {  	v40 =	vld [tilespmem:s15+$0x7B0];
	v42 =	vadd.f32 v38, v37;
	(xrf2) =	vadd.scan.msk.f32 $0xffff, v2;
	v43 =	vmul.f32 v10, v19;
	v41 =	vadd.f32 v13, v36  }
0x2c8: {  	v45 =	vmul.f32 v16, v15;
	v18 =	vld [tilespmem:$0x1FF00];
	(xrf2) =	vadd.scan.msk.f32 $0xffff, v5;
	v0 =	vadd.f32 v39, v0  }
0x2c9: {  	v4 =	vmul.f32 v35, v12;
	v19 =	vld [tilespmem:$0x1FF10];
	v48 =	vadd.f32 v43, v42;
	(xrf2) =	vadd.scan.msk.f32 $0xffff, v41  }
0x2ca: {  	v51 =	vld [tilespmem:s15+$0x8930];
	v5 =	vmul.f32 v14, v50;
	v1 =	vadd.f32 v46, v45;
	(xrf2) =	vadd.scan.msk.f32 $0xffff, v0  }
0x2cb: {  	v32 =	vld [tilespmem:$0x1FEB0];
	v2 =	vmul.f32 v55, v53;
	v52 =	vadd.f32 v4, v48;
	v4 =	vmul.f32 v57, v56  }
0x2cc: {  	v35 =	vld [tilespmem:$0x1FEC0];
	v3 =	vmul.f32 v44, v40;
	v1 =	vadd.f32 v5, v1  }
0x2cd: {  	v60, _, _ =	vpop (xrf2);
	v36 =	vld [tilespmem:$0x1FED0];
	v2 =	vadd.f32 v4, v2;
	v4 =	vmul.f32 v47, v61;
	(xrf2) =	vadd.scan.msk.f32 $0xffff, v52  }
0x2ce: {  	v23 =	vld [tilespmem:s15+$0xBA0];
	v63, _, _ =	vpop (xrf2);
	v11 =	vmul.f32 v20, v19;
	v1 =	vadd.f32 v3, v1;
	v3 =	vmul.f32 v18, v17  }
0x2cf: {  	v26 =	vld [tilespmem:s15+$0x8BA0];
	v25 =	vmul.f32 v51, v49;
	v24, _, _ =	vpop (xrf2);
	v2 =	vadd.f32 v4, v2  }
0x2d0: {  	v29 =	vld [tilespmem:s15+$0xBB0];
	v10 =	vmul.f32 v58, v28;
	v27, _, _ =	vpop (xrf2);
	v3 =	vadd.f32 v11, v3;
	(xrf2) =	vadd.scan.msk.f32 $0xffff, v1  }
0x2d1: {  	v33 =	vld [tilespmem:s15+$0x8BB0];
	v5 =	vmul.f32 v62, v59;
	v30, _, _ =	vpop (xrf2);
	v2 =	vadd.f32 v25, v2  }
0x2d2: {  	v4 =	vmul.f32 v32, v31;
	v9 =	vmul.f32 v36, v35;
	v34, _, _ =	vpop (xrf2);
	v3 =	vadd.f32 v10, v3  }
0x2d3: {  	(xrf2) =	vadd.scan.msk.f32 $0xffff, v2;
	v37, _, _ =	vpop (xrf2)  }
0x2d4: {  	v40 =	vmul.f32 v26, v23;
	v39 =	vadd.f32 v9, v4;
	v38 =	vadd.f32 v5, v3;
	v41, _, _ =	vpop (xrf2)  }
0x2d5: {  	v42 =	vbroadcast v37, $0xF;
	v5 =	vbroadcast v41, $0xF  }
0x2d6: {  	v44 =	vmul.f32 v33, v29;
	v43 =	vbroadcast v34, $0xF;
	v3 =	vadd.f32 v40, v39;
	(xrf2) =	vadd.scan.msk.f32 $0xffff, v38  }
0x2d7: {  	v1 =	vbroadcast v30, $0xF;
	v46, _, _ =	vpop (xrf2);
	v45 =	vsel vm0, v42, v5  }
0x2d8: {  	v3 =	vadd.f32 v44, v3;
	v5 =	vbroadcast v46, $0xF;
	v2 =	vsel vm1, v45, v43  }
0x2d9: {  	v47 =	vbroadcast v27, $0xF;
	v1 =	vsel vm2, v2, v1  }
0x2da: {  	v48 =	vbroadcast v24, $0xF;
	(xrf2) =	vadd.scan.msk.f32 $0xffff, v3;
	v49, _, _ =	vpop (xrf2);
	v1 =	vsel vm3, v1, v5  }
0x2db: {  	v50 =	vbroadcast v49, $0xF;
	v1 =	vsel vm4, v1, v47  }
0x2dc: {  	v0 =	vbroadcast v63, $0xF;
	v1 =	vsel vm5, v1, v48  }
0x2dd: {  	v51 =	vbroadcast v60, $0xF;
	v52, _, _ =	vpop (xrf2);
	v1 =	vsel vm6, v1, v50  }
0x2de: {  	v53 =	vbroadcast v52, $0xF;
	v0 =	vsel vm7, v1, v0  }
0x2df: {  	v55 =	vbroadcast v22, $0xF;
	v0 =	vsel vm8, v0, v51  }
0x2e0: {  	v56 =	vbroadcast v21, $0xF;
	v57, _, _ =	vpop (xrf2);
	v0 =	vsel vm9, v0, v53  }
0x2e1: {  	v58 =	vbroadcast v57, $0xF;
	v0 =	vsel vm10, v0, v55  }
0x2e2: {  	v59 =	vbroadcast v54, $0xF;
	v0 =	vsel vm11, v0, v56  }
0x2e3: {  	v0 =	vsel vm12, v0, v58  }
0x2e4: {  	v60, _, _ =	vpop (xrf2);
	v0 =	vsel vm13, v0, v59  }
0x2e5: {  	v0 =	vsel vm14, v0, v60  }
0x2e6: {  	v0 =	vsub.f32 $0.0e+00, v0;
	_ =	sdelay $0x1  }
0x2e7: {  	v0 =	vmul.f32 $1.442695020e+00, v0;
	_ =	sdelay $0x1  }
0x2e8: {  	(erf) = vpow2.f32 v0;
	_ =	sdelay $0x8  }
0x2e9: {  	v0 =	vpop (erf)  }
0x2ea: {  	v0 =	vadd.f32 $1.000000000e+00, v0;
	_ =	sdelay $0x1  }
0x2eb: {  	(erf) = vrcp.f32 v0;
	_ =	sdelay $0x8  }
0x2ec: {  	s0 =	sadd.s32 $0x10, s14;
	v0 =	vpop (erf)  }
0x2ed: {  	s19 =	simm.s32 $0x100;
	[tilespmem:s0+$0x0] =	vst v0  }
0x2ee: {  	s20 =	simm.s32 $0x300;
	v0 =	vld [tilespmem:s19+$0x0]  }
0x2ef: {  	v61 =	vld [tilespmem:s20+$0x0];
	_ =	sdelay $0x3  }
0x2f0: {  	v62 =	vshll.u32 v0, $0x4  }
0x2f1: {  	v63 =	vshll.u32 v61, $0x4;
	(v2sf) =	vpush v62, $0x0  }
0x2f2: {  	(v2sf) =	vpush v63, $0x0  }
0x2f3: {  	(v2sf) =	vpush v62, $0x1;
	_ =	sdelay $0x2  }
0x2f4: {  	(v2sf) =	vpush v63, $0x1;
	_ =	sdelay $0x1  }
0x2f5: {  	(v2sf) =	vpush v62, $0x2;
	_ =	sdelay $0x1  }
0x2f6: {  	(v2sf) =	vpush v63, $0x2;
	_ =	sdelay $0x1  }
0x2f7: {  	(v2sf) =	vpush v62, $0x3  }
0x2f8: {  	s14 =	simm.s32 $0x0;
	s3 =	simm.s32 $0x8400;
	s1 =	simm.s32 $0x680  }
0x2f9: {  	s2 =	simm.s32 $0x880;
	s4 =	simm.s32 $0x400;
	s6 =	simm.s32 $0x600  }
0x2fa: {  	s7 =	simm.s32 $0x580;
	s25 =	simm.s32 $0x480;
	s29 =	simm.s32 $0x8480  }
0x2fb: {  	s13 =	simm.s32 $0x8500;
	s30 =	simm.s32 $0x8A00;
	s5 =	spop (v2sf);
	(v2sf) =	vpush v63, $0x3  }
0x2fc: {  	s0 =	simm.s32 $0x8900;
	s5 =	sand.u32 $0x1FFFFFF0, s5;
	s8 =	spop (v2sf)  }
0x2fd: {  	s20 =	simm.s32 $0x8600;
	(v2sf) =	vpush v62, $0x4;
	s5 =	sadd.s32 s23, s5;
	s22 =	spop (v2sf)  }
0x2fe: {  	(v2sf) =	vpush v63, $0x4;
	[tilespmem:s4], [sflag:$0x1] =	stream.linear.gather [hbm4b:s5+s12], $0x80, $0x38;
	[tilespmem:$0x10600] =	vst v63  }
0x2ff: {  	s21 =	sand.u32 $0x1FFFFFF0, s8;
	s4 =	simm.s32 $0x8580;
	s8 =	sand.u32 $0x1FFFFFF0, s22  }
0x300: {  	s5 =	sadd.s32 s24, s21;
	s9 =	spop (v2sf);
	(v2sf) =	vpush v62, $0x5;
	s26 =	sadd.s32 s23, s8  }
0x301: {  	(v2sf) =	vpush v63, $0x5;
	[tilespmem:s3], [sflag:$0x1] =	stream.linear.gather [hbm4b:s5+s12], $0x80, $0x38;
	[tilespmem:$0x10600] =	vst v63  }
0x302: {  	s28 =	sand.u32 $0x1FFFFFF0, s9;
	s31 =	spop (v2sf);
	s9 =	simm.s32 $0x500  }
0x303: {  	(v2sf) =	vpush v62, $0x6;
	[tilespmem:s25], [sflag:$0x1] =	stream.linear.gather [hbm4b:s26+s12], $0x80, $0x38;
	[tilespmem:$0x10600] =	vst v63  }
0x304: {  	s8 =	sadd.s32 s24, s28;
	s5 =	sand.u32 $0x1FFFFFF0, s31;
	s10 =	spop (v2sf)  }
0x305: {  	[tilespmem:s29], [sflag:$0x1] =	stream.linear.gather [hbm4b:s8+s12], $0x80, $0x38;
	[tilespmem:$0x10600] =	vst v63  }
0x306: {  	s5 =	sadd.s32 s23, s5;
	s11 =	spop (v2sf);
	s8 =	sand.u32 $0x1FFFFFF0, s10  }
0x307: {  	(v2sf) =	vpush v63, $0x6;
	[tilespmem:s9], [sflag:$0x1] =	stream.linear.gather [hbm4b:s5+s12], $0x80, $0x38;
	[tilespmem:$0x10600] =	vst v63  }
0x308: {  	s28 =	simm.s32 $0x8680;
	s16 =	sand.u32 $0x1FFFFFF0, s11;
	s15 =	sadd.s32 s24, s8  }
0x309: {  	[tilespmem:s13], [sflag:$0x1] =	stream.linear.gather [hbm4b:s15+s12], $0x80, $0x38;
	[tilespmem:$0x10600] =	vst v63  }
0x30a: {  	s31 =	simm.s32 $0x700;
	s19 =	sadd.s32 s23, s16;
	s18 =	spop (v2sf)  }
0x30b: {  	(v2sf) =	vpush v62, $0x7;
	[tilespmem:s7], [sflag:$0x1] =	stream.linear.gather [hbm4b:s19+s12], $0x80, $0x38;
	[tilespmem:$0x10600] =	vst v63  }
0x30c: {  	s11 =	simm.s32 $0xA80;
	s3 =	sand.u32 $0x1FFFFFF0, s18;
	s21 =	spop (v2sf)  }
0x30d: {  	s16 =	simm.s32 $0x8700;
	(v2sf) =	vpush v63, $0x7;
	s3 =	sadd.s32 s24, s3;
	s22 =	spop (v2sf)  }
0x30e: {  	(v2sf) =	vpush v62, $0x8;
	[tilespmem:s4], [sflag:$0x1] =	stream.linear.gather [hbm4b:s3+s12], $0x80, $0x38;
	[tilespmem:$0x10600] =	vst v63  }
0x30f: {  	s7 =	sand.u32 $0x1FFFFFF0, s21;
	s26 =	sand.u32 $0x1FFFFFF0, s22;
	s29 =	spop (v2sf)  }
0x310: {  	s25 =	sadd.s32 s23, s7;
	(v2sf) =	vpush v63, $0x8;
	s4 =	sadd.s32 s24, s26;
	s7 =	spop (v2sf)  }
0x311: {  	(v2sf) =	vpush v62, $0x9;
	[tilespmem:s6], [sflag:$0x1] =	stream.linear.gather [hbm4b:s25+s12], $0x80, $0x38;
	[tilespmem:$0x10600] =	vst v63  }
0x312: {  	s6 =	sand.u32 $0x1FFFFFF0, s29;
	s8 =	spop (v2sf);
	s25 =	simm.s32 $0x8780  }
0x313: {  	(v2sf) =	vpush v63, $0x9;
	[tilespmem:s20], [sflag:$0x1] =	stream.linear.gather [hbm4b:s4+s12], $0x80, $0x38;
	[tilespmem:$0x10600] =	vst v63  }
0x314: {  	s5 =	sadd.s32 s23, s6;
	s6 =	sand.u32 $0x1FFFFFF0, s7;
	s10 =	sand.u32 $0x1FFFFFF0, s8;
	(v2sf) =	vpush v62, $0xA  }
0x315: {  	[tilespmem:s1], [sflag:$0x1] =	stream.linear.gather [hbm4b:s5+s12], $0x80, $0x38;
	[tilespmem:$0x10600] =	vst v63  }
0x316: {  	s7 =	simm.s32 $0x8A80;
	s13 =	spop (v2sf);
	s9 =	sadd.s32 s24, s6;
	(v2sf) =	vpush v63, $0xA  }
0x317: {  	[tilespmem:s28], [sflag:$0x1] =	stream.linear.gather [hbm4b:s9+s12], $0x80, $0x38;
	[tilespmem:$0x10600] =	vst v63  }
0x318: {  	s8 =	simm.s32 $0x8880;
	s15 =	sadd.s32 s23, s10;
	s3 =	sand.u32 $0x1FFFFFF0, s13  }
0x319: {  	[tilespmem:s31], [sflag:$0x1] =	stream.linear.gather [hbm4b:s15+s12], $0x80, $0x38;
	[tilespmem:$0x10600] =	vst v63  }
0x31a: {  	s20 =	simm.s32 $0x780;
	s3 =	sadd.s32 s24, s3;
	s18 =	spop (v2sf)  }
0x31b: {  	[tilespmem:s16], [sflag:$0x1] =	stream.linear.gather [hbm4b:s3+s12], $0x80, $0x38;
	[tilespmem:$0x10600] =	vst v63  }
0x31c: {  	s10 =	simm.s32 $0x900;
	(v2sf) =	vpush v62, $0xB;
	s5 =	sand.u32 $0x1FFFFFF0, s18;
	s19 =	spop (v2sf)  }
0x31d: {  	s1 =	simm.s32 $0x8980;
	s21 =	sadd.s32 s23, s5;
	s26 =	spop (v2sf)  }
0x31e: {  	(v2sf) =	vpush v63, $0xB;
	[tilespmem:s20], [sflag:$0x1] =	stream.linear.gather [hbm4b:s21+s12], $0x80, $0x38;
	[tilespmem:$0x10600] =	vst v63  }
0x31f: {  	s28 =	simm.s32 $0x800;
	s22 =	sand.u32 $0x1FFFFFF0, s19;
	s29 =	spop (v2sf)  }
0x320: {  	s5 =	sadd.s32 s24, s22;
	s4 =	sand.u32 $0x1FFFFFF0, s26;
	s31 =	spop (v2sf)  }
0x321: {  	[tilespmem:s25], [sflag:$0x1] =	stream.linear.gather [hbm4b:s5+s12], $0x80, $0x38;
	[tilespmem:$0x10600] =	vst v63  }
0x322: {  	(v2sf) =	vpush v62, $0xC;
	s4 =	sadd.s32 s23, s4;
	s5 =	sand.u32 $0x1FFFFFF0, s29;
	s9 =	spop (v2sf)  }
0x323: {  	s6 =	sand.u32 $0x1FFFFFF0, s31;
	s25 =	simm.s32 $0x980;
	s13 =	spop (v2sf)  }
0x324: {  	(v2sf) =	vpush v63, $0xC;
	[tilespmem:s28], [sflag:$0x1] =	stream.linear.gather [hbm4b:s4+s12], $0x80, $0x38;
	[tilespmem:$0x10600] =	vst v63  }
0x325: {  	s5 =	sadd.s32 s24, s5;
	s4 =	simm.s32 $0x8800;
	s15 =	spop (v2sf)  }
0x326: {  	[tilespmem:s4], [sflag:$0x1] =	stream.linear.gather [hbm4b:s5+s12], $0x80, $0x38;
	[tilespmem:$0x10600] =	vst v63  }
0x327: {  	s18 =	sand.u32 $0x1FFFFFF0, s15;
	s5 =	sadd.s32 s23, s6;
	s4 =	sand.u32 $0x1FFFFFF0, s9  }
0x328: {  	[tilespmem:s2], [sflag:$0x1] =	stream.linear.gather [hbm4b:s5+s12], $0x80, $0x38;
	[tilespmem:$0x10600] =	vst v63  }
0x329: {  	s20 =	sadd.s32 s24, s18;
	s4 =	sadd.s32 s24, s4;
	s5 =	sand.u32 $0x1FFFFFF0, s13  }
0x32a: {  	[tilespmem:s8], [sflag:$0x1] =	stream.linear.gather [hbm4b:s4+s12], $0x80, $0x38;
	[tilespmem:$0x10600] =	vst v63  }
0x32b: {  	s18 =	simm.s32 $0x110;
	s16 =	sadd.s32 s23, s5;
	s19 =	spop (v2sf)  }
0x32c: {  	[tilespmem:s10], [sflag:$0x1] =	stream.linear.gather [hbm4b:s16+s12], $0x80, $0x38;
	[tilespmem:$0x10600] =	vst v63  }
0x32d: {  	s21 =	sand.u32 $0x1FFFFFF0, s19;
	s22 =	spop (v2sf);
	s19 =	simm.s32 $0x310  }
0x32e: {  	(v2sf) =	vpush v62, $0xD;
	[tilespmem:s0], [sflag:$0x1] =	stream.linear.gather [hbm4b:s20+s12], $0x80, $0x38;
	[tilespmem:$0x10600] =	vst v63  }
0x32f: {  	(v2sf) =	vpush v63, $0xD;
	s26 =	sadd.s32 s23, s21;
	s28 =	sand.u32 $0x1FFFFFF0, s22;
	s22 =	simm.s32 $0xA00  }
0x330: {  	(v2sf) =	vpush v62, $0xE;
	[tilespmem:s25], [sflag:$0x1] =	stream.linear.gather [hbm4b:s26+s12], $0x80, $0x38;
	[tilespmem:$0x10600] =	vst v63  }
0x331: {  	s21 =	simm.s32 $0xB00;
	s29 =	sadd.s32 s24, s28;
	(v2sf) =	vpush v63, $0xE;
	s31 =	spop (v2sf)  }
0x332: {  	(v2sf) =	vpush v62, $0xF;
	[tilespmem:s1], [sflag:$0x1] =	stream.linear.gather [hbm4b:s29+s12], $0x80, $0x38;
	[tilespmem:$0x10600] =	vst v63  }
0x333: {  	s20 =	simm.s32 $0x8B00;
	s0 =	sand.u32 $0x1FFFFFF0, s31;
	(v2sf) =	vpush v63, $0xF;
	s1 =	spop (v2sf)  }
.LBB2_6:
0x334: {  	_ =	sdelay $0x4  }
0x335: {  	s0 =	sadd.s32 s23, s0;
	s1 =	sand.u32 $0x1FFFFFF0, s1  }
0x336: {  	[tilespmem:s22], [sflag:$0x1] =	stream.linear.gather [hbm4b:s0+s12], $0x80, $0x38;
	[tilespmem:$0x10600] =	vst v63  }
0x337: {  	s22 =	sadd.s32 s24, s1  }
0x338: {  	[tilespmem:s30], [sflag:$0x1] =	stream.linear.gather [hbm4b:s22+s12], $0x80, $0x38;
	[tilespmem:$0x10600] =	vst v63  }
0x339: {  	s2 =	spop (v2sf)  }
0x33a: {  	s25 =	sand.u32 $0x1FFFFFF0, s2;
	s26 =	spop (v2sf)  }
0x33b: {  	s28 =	sadd.s32 s23, s25;
	s29 =	sand.u32 $0x1FFFFFF0, s26;
	s31 =	spop (v2sf)  }
0x33c: {  	[tilespmem:s11], [sflag:$0x1] =	stream.linear.gather [hbm4b:s28+s12], $0x80, $0x38;
	[tilespmem:$0x10600] =	vst v63  }
0x33d: {  	s3 =	sadd.s32 s24, s29;
	s4 =	sand.u32 $0x1FFFFFF0, s31;
	s5 =	spop (v2sf)  }
0x33e: {  	[tilespmem:s7], [sflag:$0x1] =	stream.linear.gather [hbm4b:s3+s12], $0x80, $0x38;
	[tilespmem:$0x10600] =	vst v63  }
0x33f: {  	s6 =	sadd.s32 s23, s4;
	s8 =	spop (v2sf);
	s7 =	sand.u32 $0x1FFFFFF0, s5  }
0x340: {  	[tilespmem:s21], [sflag:$0x1] =	stream.linear.gather [hbm4b:s6+s12], $0x80, $0x38;
	[tilespmem:$0x10600] =	vst v63  }
0x341: {  	s10 =	sand.u32 $0x1FFFFFF0, s8;
	s11 =	spop (v2sf);
	s9 =	sadd.s32 s24, s7  }
0x342: {  	[tilespmem:s20], [sflag:$0x1] =	stream.linear.gather [hbm4b:s9+s12], $0x80, $0x38;
	[tilespmem:$0x10600] =	vst v63  }
0x343: {  	s13 =	sadd.s32 $0xB80, s14;
	s1 =	sadd.s32 s23, s10;
	s2 =	sand.u32 $0x1FFFFFF0, s11  }
0x344: {  	[tilespmem:s13], [sflag:$0x1] =	stream.linear.gather [hbm4b:s1+s12], $0x80, $0x38;
	[tilespmem:$0x10600] =	vst v63  }
0x345: {  	s15 =	sadd.s32 $0x8B80, s14;
	s16 =	sadd.s32 s24, s2  }
0x346: {  	[tilespmem:s15], [sflag:$0x1] =	stream.linear.gather [hbm4b:s16+s12], $0x80, $0x38;
	[tilespmem:$0x10600] =	vst v63  }
0x347: {  	v0 =	vld [tilespmem:s18+$0x0];
	_ =	sdelay $0x1  }
0x348: {  	v2 =	vld [tilespmem:s19+$0x0];
	_ =	sdelay $0x2  }
0x349: {  	v1 =	vshll.u32 v0, $0x4  }
0x34a: {  	(v2sf) =	vpush v1, $0x0  }
0x34b: {  	v63 =	vshll.u32 v2, $0x4  }
0x34c: {  	(v2sf) =	vpush v63, $0x0  }
0x34d: {  	s20 =	smov.u32 s17  }
0x34e: {  	s14 =	sshra.s32 s20, $0x2  }
0x34f: {  	p0 =	sne.s32 s17, $0x1E000;
	s17 =	sadd.s32 $0x2000, s17;
	s26 =	sadd.s32 $0x8400, s14;
	(v2sf) =	vpush v1, $0x1  }
0x350: {  	s0 =	sadd.s32 $0x680, s14;
	s21 =	sadd.s32 $0x880, s14;
	s3 =	sadd.s32 $0x400, s14  }
0x351: {  	s8 =	sadd.s32 $0x600, s14;
	s22 =	sadd.s32 $0x8900, s14;
	s10 =	sadd.s32 $0x8580, s14  }
0x352: {  	s30 =	sadd.s32 $0x8A00, s14;
	s24 =	sadd.s32 $0x500, s14;
	s9 =	sadd.s32 $0x8600, s14;
	(v2sf) =	vpush v63, $0x1  }
0x353: {  	s23 =	sadd.s32 $0xA80, s14;
	s28 =	sadd.s32 $0x8480, s14;
	[dreg:$0xd] =	wrdreg s21  }
0x354: {  	s13 =	sadd.s32 $0x8500, s14;
	s1 =	sadd.s32 $0x8680, s14;
	[dreg:$0x9] =	wrdreg s22;
	(v2sf) =	vpush v1, $0x2  }
0x355: {  	s6 =	sadd.s32 $0x700, s14;
	s25 =	sadd.s32 $0x8980, s14;
	[dreg:$0x14] =	wrdreg s23  }
0x356: {  	s7 =	sadd.s32 $0x8A80, s14;
	s29 =	sadd.s32 $0x8880, s14;
	[dreg:$0xb] =	wrdreg s25  }
0x357: {  	s5 =	sadd.s32 $0x8700, s14;
	s31 =	sadd.s32 $0x900, s14;
	[dreg:$0x11] =	wrdreg s29;
	(v2sf) =	vpush v63, $0x2  }
0x358: {  	s11 =	sadd.s32 $0x780, s14;
	s4 =	sadd.s32 $0x8800, s14;
	[dreg:$0xf] =	wrdreg s31  }
0x359: {  	s2 =	sadd.s32 $0x8780, s14;
	[dreg:$0x13] =	wrdreg s4;
	(v2sf) =	vpush v1, $0x3;
	s29 =	spop (v2sf)  }
0x35a: {  	s20 =	sadd.s32 $0x8B00, s14;
	s25 =	rddreg [dreg:$0x5];
	(v2sf) =	vpush v63, $0x3;
	s15 =	sand.u32 $0x1FFFFFF0, s29  }
0x35b: {  	s16 =	simm.s32 $0x0;
	s23 =	spop (v2sf);
	s15 =	sadd.s32 s25, s15  }
0x35c: {  	(v2sf) =	vpush v1, $0x4;
	[tilespmem:s3], [sflag:$0x1] =	stream.linear.gather [hbm4b:s15+s16], $0x80, $0x38;
	[tilespmem:$0x10600] =	vst v63  }
0x35d: {  	s22 =	sadd.s32 $0xA00, s14;
	s23 =	sand.u32 $0x1FFFFFF0, s23;
	s15 =	rddreg [dreg:$0x6]  }
0x35e: {  	s4 =	sadd.s32 $0x480, s14;
	s25 =	spop (v2sf);
	s3 =	sadd.s32 s15, s23  }
0x35f: {  	(v2sf) =	vpush v63, $0x4;
	[tilespmem:s26], [sflag:$0x1] =	stream.linear.gather [hbm4b:s3+s16], $0x80, $0x38;
	[tilespmem:$0x10600] =	vst v63  }
0x360: {  	s31 =	sadd.s32 $0x800, s14;
	s23 =	sand.u32 $0x1FFFFFF0, s25;
	s26 =	rddreg [dreg:$0x5]  }
0x361: {  	s21 =	sadd.s32 $0xB00, s14;
	(v2sf) =	vpush v1, $0x5;
	s25 =	spop (v2sf);
	s3 =	sadd.s32 s26, s23  }
0x362: {  	[tilespmem:s4], [sflag:$0x1] =	stream.linear.gather [hbm4b:s3+s16], $0x80, $0x38;
	[tilespmem:$0x10600] =	vst v63  }
0x363: {  	(v2sf) =	vpush v63, $0x5;
	s25 =	sand.u32 $0x1FFFFFF0, s25;
	s26 =	spop (v2sf);
	s4 =	rddreg [dreg:$0x6]  }
0x364: {  	s23 =	rddreg [dreg:$0x5];
	s3 =	sadd.s32 s4, s25;
	s25 =	sand.u32 $0x1FFFFFF0, s26  }
0x365: {  	(v2sf) =	vpush v1, $0x6;
	[tilespmem:s28], [sflag:$0x1] =	stream.linear.gather [hbm4b:s3+s16], $0x80, $0x38;
	[tilespmem:$0x10600] =	vst v63  }
0x366: {  	s12 =	sadd.s32 $0x580, s14;
	s26 =	spop (v2sf);
	s25 =	sadd.s32 s23, s25  }
0x367: {  	(v2sf) =	vpush v63, $0x6;
	[tilespmem:s24], [sflag:$0x1] =	stream.linear.gather [hbm4b:s25+s16], $0x80, $0x38;
	[tilespmem:$0x10600] =	vst v63  }
0x368: {  	s26 =	sand.u32 $0x1FFFFFF0, s26;
	s28 =	spop (v2sf);
	s24 =	rddreg [dreg:$0x6]  }
0x369: {  	(v2sf) =	vpush v1, $0x7;
	s25 =	sadd.s32 s24, s26;
	s26 =	sand.u32 $0x1FFFFFF0, s28;
	s28 =	spop (v2sf)  }
0x36a: {  	[tilespmem:s13], [sflag:$0x1] =	stream.linear.gather [hbm4b:s25+s16], $0x80, $0x38;
	[tilespmem:$0x10600] =	vst v63  }
0x36b: {  	(v2sf) =	vpush v63, $0x7;
	s25 =	sadd.s32 s23, s26;
	s26 =	sand.u32 $0x1FFFFFF0, s28;
	s28 =	spop (v2sf)  }
0x36c: {  	s18 =	sadd.s32 $0x10, s18;
	s19 =	sadd.s32 $0x10, s19;
	s13 =	sand.u32 $0x1FFFFFF0, s28  }
0x36d: {  	[tilespmem:s12], [sflag:$0x1] =	stream.linear.gather [hbm4b:s25+s16], $0x80, $0x38;
	[tilespmem:$0x10600] =	vst v63  }
0x36e: {  	(v2sf) =	vpush v1, $0x8;
	s12 =	sadd.s32 s24, s26;
	s25 =	sadd.s32 s23, s13;
	s15 =	spop (v2sf)  }
0x36f: {  	[tilespmem:s10], [sflag:$0x1] =	stream.linear.gather [hbm4b:s12+s16], $0x80, $0x38;
	[tilespmem:$0x10600] =	vst v63  }
0x370: {  	(v2sf) =	vpush v63, $0x8;
	s26 =	sand.u32 $0x1FFFFFF0, s15;
	s12 =	simm.s32 $0x0;
	s28 =	spop (v2sf)  }
0x371: {  	(v2sf) =	vpush v1, $0x9;
	[tilespmem:s8], [sflag:$0x1] =	stream.linear.gather [hbm4b:s25+s12], $0x80, $0x38;
	[tilespmem:$0x10600] =	vst v63  }
0x372: {  	s4 =	sadd.s32 s24, s26;
	s8 =	sand.u32 $0x1FFFFFF0, s28;
	s10 =	spop (v2sf)  }
0x373: {  	[tilespmem:s9], [sflag:$0x1] =	stream.linear.gather [hbm4b:s4+s12], $0x80, $0x38;
	[tilespmem:$0x10600] =	vst v63  }
0x374: {  	s13 =	sadd.s32 s23, s8;
	s15 =	sand.u32 $0x1FFFFFF0, s10;
	s16 =	spop (v2sf)  }
0x375: {  	(v2sf) =	vpush v63, $0x9;
	[tilespmem:s0], [sflag:$0x1] =	stream.linear.gather [hbm4b:s13+s12], $0x80, $0x38;
	[tilespmem:$0x10600] =	vst v63  }
0x376: {  	s25 =	sadd.s32 s24, s15;
	s26 =	sand.u32 $0x1FFFFFF0, s16;
	s28 =	spop (v2sf)  }
0x377: {  	(v2sf) =	vpush v1, $0xA;
	[tilespmem:s1], [sflag:$0x1] =	stream.linear.gather [hbm4b:s25+s12], $0x80, $0x38;
	[tilespmem:$0x10600] =	vst v63  }
0x378: {  	s29 =	sadd.s32 $0x980, s14;
	s3 =	sadd.s32 s23, s26;
	s8 =	spop (v2sf)  }
0x379: {  	(v2sf) =	vpush v63, $0xA;
	[tilespmem:s6], [sflag:$0x1] =	stream.linear.gather [hbm4b:s3+s12], $0x80, $0x38;
	[tilespmem:$0x10600] =	vst v63  }
0x37a: {  	s4 =	sand.u32 $0x1FFFFFF0, s28;
	s10 =	sand.u32 $0x1FFFFFF0, s8;
	s13 =	spop (v2sf)  }
0x37b: {  	s9 =	sadd.s32 s24, s4;
	s15 =	sadd.s32 s23, s10;
	s16 =	sand.u32 $0x1FFFFFF0, s13  }
0x37c: {  	[tilespmem:s5], [sflag:$0x1] =	stream.linear.gather [hbm4b:s9+s12], $0x80, $0x38;
	[tilespmem:$0x10600] =	vst v63  }
0x37d: {  	(v2sf) =	vpush v1, $0xB;
	s10 =	rddreg [dreg:$0x13];
	s25 =	spop (v2sf);
	s26 =	sadd.s32 s24, s16  }
0x37e: {  	[tilespmem:s11], [sflag:$0x1] =	stream.linear.gather [hbm4b:s15+s12], $0x80, $0x38;
	[tilespmem:$0x10600] =	vst v63  }
0x37f: {  	(v2sf) =	vpush v63, $0xB;
	s28 =	sand.u32 $0x1FFFFFF0, s25;
	s25 =	rddreg [dreg:$0xd];
	s1 =	spop (v2sf)  }
0x380: {  	(v2sf) =	vpush v1, $0xC;
	s3 =	sadd.s32 s23, s28;
	s4 =	sand.u32 $0x1FFFFFF0, s1;
	s5 =	spop (v2sf)  }
0x381: {  	[tilespmem:s2], [sflag:$0x1] =	stream.linear.gather [hbm4b:s26+s12], $0x80, $0x38;
	[tilespmem:$0x10600] =	vst v63  }
0x382: {  	s11 =	rddreg [dreg:$0x14];
	(v2sf) =	vpush v63, $0xC;
	s6 =	sadd.s32 s24, s4;
	s8 =	sand.u32 $0x1FFFFFF0, s5  }
0x383: {  	[tilespmem:s31], [sflag:$0x1] =	stream.linear.gather [hbm4b:s3+s12], $0x80, $0x38;
	[tilespmem:$0x10600] =	vst v63  }
0x384: {  	s4 =	rddreg [dreg:$0x11];
	s9 =	spop (v2sf);
	s13 =	sadd.s32 s23, s8  }
0x385: {  	[tilespmem:s10], [sflag:$0x1] =	stream.linear.gather [hbm4b:s6+s12], $0x80, $0x38;
	[tilespmem:$0x10600] =	vst v63  }
0x386: {  	s15 =	sand.u32 $0x1FFFFFF0, s9;
	s9 =	rddreg [dreg:$0xf];
	s16 =	spop (v2sf)  }
0x387: {  	[tilespmem:s25], [sflag:$0x1] =	stream.linear.gather [hbm4b:s13+s12], $0x80, $0x38;
	[tilespmem:$0x10600] =	vst v63  }
0x388: {  	s26 =	sadd.s32 s24, s15;
	s28 =	sand.u32 $0x1FFFFFF0, s16;
	s31 =	spop (v2sf)  }
0x389: {  	[tilespmem:s4], [sflag:$0x1] =	stream.linear.gather [hbm4b:s26+s12], $0x80, $0x38;
	[tilespmem:$0x10600] =	vst v63  }
0x38a: {  	s16 =	rddreg [dreg:$0x9];
	s5 =	sadd.s32 s23, s28;
	s6 =	sand.u32 $0x1FFFFFF0, s31  }
0x38b: {  	[tilespmem:s9], [sflag:$0x1] =	stream.linear.gather [hbm4b:s5+s12], $0x80, $0x38;
	[tilespmem:$0x10600] =	vst v63  }
0x38c: {  	s8 =	spop (v2sf);
	s31 =	rddreg [dreg:$0xb];
	s10 =	sadd.s32 s24, s6  }
0x38d: {  	(v2sf) =	vpush v1, $0xD;
	[tilespmem:s16], [sflag:$0x1] =	stream.linear.gather [hbm4b:s10+s12], $0x80, $0x38;
	[tilespmem:$0x10600] =	vst v63  }
.Ltmp2:
0x38e: {  	(v2sf) =	vpush v63, $0xD;
	s13 =	sand.u32 $0x1FFFFFF0, s8;
	s15 =	spop (v2sf);
	(pc) =	sbr.rel @p0 .LBB2_6-.Ltmp2, $4  }
0x38f: {  	(v2sf) =	vpush v1, $0xE;
	s25 =	sadd.s32 s23, s13;
	s26 =	sand.u32 $0x1FFFFFF0, s15;
	s28 =	spop (v2sf)  }
0x390: {  	(v2sf) =	vpush v63, $0xE;
	[tilespmem:s29], [sflag:$0x1] =	stream.linear.gather [hbm4b:s25+s12], $0x80, $0x38;
	[tilespmem:$0x10600] =	vst v63  }
0x391: {  	(v2sf) =	vpush v1, $0xF;
	s0 =	sand.u32 $0x1FFFFFF0, s28;
	s1 =	spop (v2sf);
	s29 =	sadd.s32 s24, s26  }
0x392: {  	(v2sf) =	vpush v63, $0xF;
	[tilespmem:s31], [sflag:$0x1] =	stream.linear.gather [hbm4b:s29+s12], $0x80, $0x38;
	[tilespmem:$0x10600] =	vst v63  }
0x393: {  	_ =	sdelay $0x4  }
0x394: {  	s0 =	sadd.s32 s23, s0;
	s1 =	sand.u32 $0x1FFFFFF0, s1  }
0x395: {  	[tilespmem:s22], [sflag:$0x1] =	stream.linear.gather [hbm4b:s0+s12], $0x80, $0x38;
	[tilespmem:$0x10600] =	vst v63  }
0x396: {  	s4 =	sadd.s32 s24, s1  }
0x397: {  	[tilespmem:s30], [sflag:$0x1] =	stream.linear.gather [hbm4b:s4+s12], $0x80, $0x38;
	[tilespmem:$0x10600] =	vst v63  }
0x398: {  	s2 =	spop (v2sf)  }
0x399: {  	s5 =	sand.u32 $0x1FFFFFF0, s2;
	s6 =	spop (v2sf)  }
0x39a: {  	s8 =	sadd.s32 s23, s5;
	s9 =	sand.u32 $0x1FFFFFF0, s6;
	s10 =	spop (v2sf)  }
0x39b: {  	[tilespmem:s11], [sflag:$0x1] =	stream.linear.gather [hbm4b:s8+s12], $0x80, $0x38;
	[tilespmem:$0x10600] =	vst v63  }
0x39c: {  	s13 =	sadd.s32 s24, s9;
	s15 =	sand.u32 $0x1FFFFFF0, s10;
	s16 =	spop (v2sf)  }
0x39d: {  	[tilespmem:s7], [sflag:$0x1] =	stream.linear.gather [hbm4b:s13+s12], $0x80, $0x38;
	[tilespmem:$0x10600] =	vst v63  }
0x39e: {  	s17 =	sadd.s32 s23, s15;
	s18 =	sand.u32 $0x1FFFFFF0, s16;
	s19 =	spop (v2sf)  }
0x39f: {  	[tilespmem:s21], [sflag:$0x1] =	stream.linear.gather [hbm4b:s17+s12], $0x80, $0x38;
	[tilespmem:$0x10600] =	vst v63  }
0x3a0: {  	s22 =	sadd.s32 s24, s18;
	s25 =	sand.u32 $0x1FFFFFF0, s19;
	s26 =	spop (v2sf)  }
0x3a1: {  	[tilespmem:s20], [sflag:$0x1] =	stream.linear.gather [hbm4b:s22+s12], $0x80, $0x38;
	[tilespmem:$0x10600] =	vst v63  }
0x3a2: {  	s28 =	sadd.s32 $0xB80, s14;
	s1 =	sadd.s32 s23, s25;
	s2 =	sand.u32 $0x1FFFFFF0, s26  }
0x3a3: {  	[tilespmem:s28], [sflag:$0x1] =	stream.linear.gather [hbm4b:s1+s12], $0x80, $0x38;
	[tilespmem:$0x10600] =	vst v63  }
0x3a4: {  	s29 =	sadd.s32 $0x8B80, s14;
	s31 =	simm.s32 $0x1;
	s30 =	sadd.s32 s24, s2  }
0x3a5: {  	[tilespmem:s29], [sflag:$0x1] =	stream.linear.gather [hbm4b:s30+s12], $0x80, $0x38;
	[tilespmem:$0x10600] =	vst v63  }
0x3a6: {  	_ =	swait.ge [sflag:s31], $0x8000  }
0x3a7: {  	[sflag:s31] =	ssyncset.done $0x0  }
0x3a8: {  	[sflag:s31] =	ssyncadd.s32 $0xFFFF8000  }
0x3a9: {  	_ =	swait.ge [sflag:s31], $0x8000  }
0x3aa: {  	[sflag:s31] =	ssyncset.done $0x0  }
0x3ab: {  	s14 =	simm.s32 $0x800;
	[sflag:s31] =	ssyncadd.s32 $0xFFFF8000  }
0x3ac: {  	s13 =	simm.s32 $0x8800;
	v5 =	vld [tilespmem:s14+$0x330]  }
0x3ad: {  	v8 =	vld [tilespmem:s13+$0x330]  }
0x3ae: {  	v0 =	vld [tilespmem:s14+$0x380]  }
0x3af: {  	v49 =	vld [tilespmem:s13+$0x380]  }
0x3b0: {  	v50 =	vld [tilespmem:s14+$0x390]  }
0x3b1: {  	v51 =	vld [tilespmem:s13+$0x390]  }
0x3b2: {  	v52 =	vld [tilespmem:s14+$0x320]  }
0x3b3: {  	v63 =	vld [tilespmem:s13+$0x320]  }
0x3b4: {  	v13 =	vld [tilespmem:s14+$0x230]  }
0x3b5: {  	v14 =	vld [tilespmem:s13+$0x230]  }
0x3b6: {  	v53 =	vld [tilespmem:s14+$0x2A0]  }
0x3b7: {  	v30 =	vld [tilespmem:s14+$0x300]  }
0x3b8: {  	v31 =	vld [tilespmem:s13+$0x300]  }
0x3b9: {  	v32 =	vld [tilespmem:s14+$0x310]  }
0x3ba: {  	v29 =	vld [tilespmem:s13+$0x310]  }
0x3bb: {  	v20 =	vld [tilespmem:s14+$0x1B0]  }
0x3bc: {  	v54 =	vld [tilespmem:s14+$0x220]  }
0x3bd: {  	v55 =	vld [tilespmem:s13+$0x220]  }
0x3be: {  	v56 =	vld [tilespmem:s14+$0x280]  }
0x3bf: {  	v57 =	vld [tilespmem:s13+$0x280]  }
0x3c0: {  	v58 =	vld [tilespmem:s14+$0x290]  }
0x3c1: {  	v59 =	vld [tilespmem:s13+$0x290]  }
0x3c2: {  	v62 =	vld [tilespmem:s14+$0x1A0]  }
0x3c3: {  	v33 =	vld [tilespmem:s13+$0x1A0]  }
0x3c4: {  	v42 =	vld [tilespmem:s14+$0x200]  }
0x3c5: {  	v43 =	vld [tilespmem:s13+$0x200]  }
0x3c6: {  	v44 =	vld [tilespmem:s14+$0x210]  }
0x3c7: {  	v45 =	vld [tilespmem:s13+$0x210]  }
0x3c8: {  	v6 =	vld [tilespmem:s14+$0xB0]  }
0x3c9: {  	v9 =	vld [tilespmem:s13+$0xB0]  }
0x3ca: {  	v60 =	vld [tilespmem:s14+$0x120]  }
0x3cb: {  	v48 =	vld [tilespmem:s14+$0x180]  }
0x3cc: {  	v1 =	vld [tilespmem:s13+$0x180]  }
0x3cd: {  	v2 =	vld [tilespmem:s14+$0x190]  }
0x3ce: {  	v3 =	vld [tilespmem:s14+$0x30]  }
0x3cf: {  	v4 =	vld [tilespmem:s13+$0x30]  }
0x3d0: {  	v34 =	vld [tilespmem:s14+$0xA0]  }
0x3d1: {  	v61 =	vld [tilespmem:s14+$0x100]  }
0x3d2: {  	v7 =	vld [tilespmem:s13+$0x100]  }
0x3d3: {  	v10 =	vld [tilespmem:s14+$0x110]  }
0x3d4: {  	v11 =	vld [tilespmem:s13+$0x110]  }
0x3d5: {  	v35 =	vld [tilespmem:s14+$0x20]  }
0x3d6: {  	v36 =	vld [tilespmem:s13+$0x20]  }
0x3d7: {  	v23 =	vld [tilespmem:s14+$0xFFFFFF30]  }
0x3d8: {  	v37 =	vld [tilespmem:s13+$0xFFFFFF30]  }
0x3d9: {  	v38 =	vld [tilespmem:s14+$0xFFFFFFA0]  }
0x3da: {  	v46 =	vld [tilespmem:s13+$0x0]  }
0x3db: {  	v47 =	vld [tilespmem:s14+$0x10]  }
0x3dc: {  	v41 =	vld [tilespmem:s13+$0x10]  }
0x3dd: {  	v12 =	vld [tilespmem:s13+$0xFFFFFEB0]  }
0x3de: {  	v15 =	vld [tilespmem:s14+$0xFFFFFF80]  }
0x3df: {  	v16 =	vld [tilespmem:s13+$0xFFFFFF80]  }
0x3e0: {  	v17 =	vld [tilespmem:s14+$0xFFFFFF90]  }
0x3e1: {  	v18 =	vld [tilespmem:s13+$0xFFFFFF90]  }
0x3e2: {  	v39 =	vld [tilespmem:s14+$0xFFFFFEA0]  }
0x3e3: {  	v40 =	vld [tilespmem:s13+$0xFFFFFEA0]  }
0x3e4: {  	v22 =	vld [tilespmem:s13+$0xFFFFFF00]  }
0x3e5: {  	v21 =	vld [tilespmem:s13+$0xFFFFFF10]  }
0x3e6: {  	v19 =	vld [tilespmem:s14+$0xFFFFFE20]  }
0x3e7: {  	v27 =	vld [tilespmem:s14+$0xFFFFFD30]  }
0x3e8: {  	v28 =	vld [tilespmem:s13+$0xFFFFFD30]  }
0x3e9: {  	v24 =	vld [tilespmem:s13+$0xFFFFFE00]  }
0x3ea: {  	v25 =	vld [tilespmem:s14+$0xFFFFFE10]  }
0x3eb: {  	v26 =	vld [tilespmem:s13+$0xFFFFFE10]  }
0x3ec: {  	[tilespmem:$0x1FB50] =	vst v49;
	v49 =	vld [tilespmem:s13+$0x1B0]  }
0x3ed: {  	[tilespmem:$0x1FB70] =	vst v51;
	v51 =	vld [tilespmem:s13+$0x190]  }
0x3ee: {  	[tilespmem:$0x1FC50] =	vst v55;
	v55 =	vld [tilespmem:s13+$0xA0]  }
0x3ef: {  	[tilespmem:$0x1FBB0] =	vst v58;
	v58 =	vld [tilespmem:s14+$0x80]  }
0x3f0: {  	[tilespmem:$0x1FBC0] =	vst v59;
	v59 =	vld [tilespmem:s13+$0x80]  }
0x3f1: {  	[tilespmem:$0x1FBD0] =	vst v60;
	v60 =	vld [tilespmem:s14+$0x90]  }
0x3f2: {  	[tilespmem:$0x1FBE0] =	vst v61;
	v61 =	vld [tilespmem:s13+$0x90]  }
0x3f3: {  	[tilespmem:$0x1FC30] =	vst v52;
	v52 =	vld [tilespmem:s14+$0x0]  }
0x3f4: {  	[tilespmem:$0x1FC00] =	vst v10;
	v10 =	vld [tilespmem:s14+$0xFFFFFEB0]  }
0x3f5: {  	[tilespmem:$0x1FC40] =	vst v54;
	v54 =	vld [tilespmem:s14+$0xFFFFFF20]  }
0x3f6: {  	[tilespmem:$0x1FB80] =	vst v53;
	v53 =	vld [tilespmem:s13+$0xFFFFFF20]  }
0x3f7: {  	[tilespmem:$0x1FC70] =	vst v36;
	v36 =	vld [tilespmem:s14+$0xFFFFFF00]  }
0x3f8: {  	[tilespmem:$0x1FC60] =	vst v35;
	v35 =	vld [tilespmem:s14+$0xFFFFFF10]  }
0x3f9: {  	[tilespmem:$0x1FBF0] =	vst v7;
	v7 =	vld [tilespmem:s14+$0xFFFFFDB0]  }
0x3fa: {  	[tilespmem:$0x1FC10] =	vst v11;
	v11 =	vld [tilespmem:s13+$0xFFFFFDB0]  }
0x3fb: {  	[tilespmem:$0x1FCA0] =	vst v40;
	v40 =	vld [tilespmem:s14+$0xFFFFFE80]  }
0x3fc: {  	[tilespmem:$0x1FC20] =	vst v38;
	v38 =	vld [tilespmem:s13+$0xFFFFFE80]  }
0x3fd: {  	[tilespmem:$0x1FC90] =	vst v39;
	v39 =	vld [tilespmem:s14+$0xFFFFFE90]  }
0x3fe: {  	[tilespmem:$0x1FC80] =	vst v37;
	v37 =	vld [tilespmem:s13+$0xFFFFFE90]  }
0x3ff: {  	[tilespmem:$0x1FBA0] =	vst v57;
	v57 =	vld [tilespmem:s14+$0xFFFFFDA0]  }
0x400: {  	[tilespmem:$0x1FB90] =	vst v56;
	v56 =	vld [tilespmem:s13+$0xFFFFFDA0]  }
0x401: {  	[tilespmem:$0x1FB60] =	vst v50;
	v50 =	vld [tilespmem:s14+$0xFFFFFE00]  }
0x402: {  	v32 =	vmul.f32 v29, v32;
	v29 =	vld [tilespmem:s14+$0xFFFFFC30]  }
0x403: {  	v31 =	vmul.f32 v31, v30;
	v30 =	vld [tilespmem:s13+$0xFFFFFC30]  }
0x404: {  	[tilespmem:$0x1FB40] =	vst v0;
	v42 =	vmul.f32 v43, v42;
	v0 =	vld [tilespmem:$0x1FC30]  }
0x405: {  	v43 =	vmul.f32 v45, v44;
	v44 =	vmul.f32 v1, v48;
	v48 =	vld [tilespmem:$0x1FC40]  }
0x406: {  	v33 =	vmul.f32 v33, v62;
	v62 =	vld [tilespmem:$0x1FC60]  }
0x407: {  	v42 =	vadd.f32 v43, v42;
	v43 =	vld [tilespmem:s13+$0xFFFFFD00]  }
0x408: {  	v45 =	vmul.f32 v51, v2;
	v51 =	vld [tilespmem:$0x1FC50]  }
0x409: {  	v2 =	vld [tilespmem:s14+$0xFFFFFD90]  }
0x40a: {  	v58 =	vmul.f32 v59, v58;
	v59 =	vmul.f32 v46, v52;
	v46 =	vld [tilespmem:s14+$0xFFFFFD00]  }
0x40b: {  	v21 =	vmul.f32 v21, v35;
	v35 =	vld [tilespmem:s13+$0xFFFFFC00]  }
0x40c: {  	v22 =	vmul.f32 v22, v36;
	v36 =	vld [tilespmem:s14+$0xFFFFFC00];
	v63 =	vmul.f32 v63, v0;
	v0 =	vadd.f32 v32, v31  }
0x40d: {  	v37 =	vmul.f32 v37, v39;
	v39 =	vld [tilespmem:s13+$0xFFFFFC10]  }
0x40e: {  	v38 =	vmul.f32 v38, v40;
	v40 =	vld [tilespmem:s13+$0xFFFFFC80];
	v0 =	vadd.f32 v63, v0;
	v63 =	vmul.f32 v51, v48  }
0x40f: {  	v31 =	vld [tilespmem:s14+$0xFFFFFD20];
	v44 =	vadd.f32 v45, v44;
	v21 =	vadd.f32 v21, v22;
	v51 =	vmul.f32 v8, v5  }
0x410: {  	v45 =	vld [tilespmem:s13+$0xFFFFFD80];
	v22 =	vmul.f32 v53, v54;
	v42 =	vadd.f32 v63, v42;
	v63 =	vmul.f32 v14, v13  }
0x411: {  	v53 =	vld [tilespmem:$0x1FC80];
	v44 =	vadd.f32 v33, v44;
	v5 =	vmul.f32 v49, v20;
	v0 =	vadd.f32 v51, v0  }
0x412: {  	v42 =	vadd.f32 v63, v42;
	v63 =	vld [tilespmem:$0x1FC70]  }
0x413: {  	v54 =	vld [tilespmem:$0x1FC90];
	v49 =	vmul.f32 v55, v34;
	v55 =	vadd.f32 v5, v44;
	(xrf2) =	vadd.scan.msk.f32 $0xffff, v0  }
0x414: {  	v48 =	vld [tilespmem:s14+$0xFFFFFD80];
	v8 =	vmul.f32 v61, v60;
	(xrf2) =	vadd.scan.msk.f32 $0xffff, v42  }
0x415: {  	v41 =	vmul.f32 v41, v47;
	v51 =	vld [tilespmem:s13+$0xFFFFFD90];
	(xrf2) =	vadd.scan.msk.f32 $0xffff, v55  }
0x416: {  	v58 =	vadd.f32 v8, v58;
	v55 =	vld [tilespmem:$0x1FCA0]  }
0x417: {  	v32 =	vld [tilespmem:s13+$0xFFFFFD20];
	v61 =	vadd.f32 v41, v59;
	v8 =	vmul.f32 v63, v62  }
0x418: {  	v52 =	vmul.f32 v4, v3;
	v60 =	vmul.f32 v9, v6;
	v41 =	vld [tilespmem:s14+$0xFFFFFD10];
	v0 =	vadd.f32 v49, v58  }
0x419: {  	v21 =	vadd.f32 v22, v21;
	v9 =	vld [tilespmem:s13+$0xFFFFFD10];
	v22 =	vmul.f32 v53, v23;
	v49 =	vadd.f32 v8, v61  }
0x41a: {  	v38 =	vadd.f32 v37, v38;
	v37 =	vld [tilespmem:s14+$0xFFFFFC10];
	v0 =	vadd.f32 v60, v0;
	v60 =	vmul.f32 v45, v48  }
0x41b: {  	v33 =	vld [tilespmem:s14+$0xFFFFFC20];
	v22 =	vadd.f32 v22, v21;
	v61 =	vmul.f32 v51, v2;
	v58 =	vmul.f32 v55, v54  }
0x41c: {  	v34 =	vld [tilespmem:s13+$0xFFFFFC20];
	v44 =	vmul.f32 v43, v46;
	v62 =	vmul.f32 v12, v10;
	v59 =	vadd.f32 v52, v49  }
0x41d: {  	v43 =	vld [tilespmem:s13+$0xFFFFFC90];
	(xrf2) =	vadd.scan.msk.f32 $0xffff, v0;
	v63 =	vmul.f32 v56, v57;
	v45 =	vadd.f32 v61, v60;
	v42 =	vadd.f32 v58, v38;
	v49, _, _ =	vpop (xrf2)  }
0x41e: {  	v47 =	vmul.f32 v9, v41;
	v41 =	vld [tilespmem:s14+$0xFFFFFC90];
	(xrf2) =	vadd.scan.msk.f32 $0xffff, v59;
	v21, _, _ =	vpop (xrf2)  }
0x41f: {  	s15 =	simm.s32 $0x0;
	s16 =	simm.s32 $0x10;
	v46 =	vmul.f32 v11, v7;
	v38 =	vld [tilespmem:s14+$0xFFFFFC80];
	v45 =	vadd.f32 v63, v45;
	(xrf2) =	vadd.scan.msk.f32 $0xffff, v22;
	v42 =	vadd.f32 v62, v42;
	v22, _, _ =	vpop (xrf2)  }
.LBB2_8:
0x420: {  	v48 =	vld [tilespmem:s14+$0xFFFFFCA0]  }
0x421: {  	v11 =	vld [tilespmem:s13+$0xFFFFFCA0]  }
0x422: {  	v51 =	vld [tilespmem:s13+$0xFFFFFCB0]  }
0x423: {  	v54 =	vld [tilespmem:s13+$0xFFFFFE20]  }
0x424: {  	v57 =	vld [tilespmem:s13+$0xFFFFFE30]  }
0x425: {  	v58 =	vld [tilespmem:s14+$0xFFFFFFB0]  }
0x426: {  	v15 =	vmul.f32 v16, v15;
	v16 =	vmul.f32 v18, v17;
	v17 =	vld [tilespmem:s13+$0x120]  }
0x427: {  	v0 =	vld [tilespmem:$0x1FC20]  }
0x428: {  	v59 =	vld [tilespmem:$0x1FBE0]  }
0x429: {  	v1 =	vld [tilespmem:$0x1FBF0]  }
0x42a: {  	v60 =	vld [tilespmem:$0x1FC00]  }
0x42b: {  	v61 =	vld [tilespmem:$0x1FC10]  }
0x42c: {  	v12 =	vld [tilespmem:s13+$0x2A0]  }
0x42d: {  	v62 =	vld [tilespmem:$0x1FBD0]  }
0x42e: {  	v63 =	vld [tilespmem:s13+$0x2B0]  }
0x42f: {  	v5 =	vld [tilespmem:$0x1FB90]  }
0x430: {  	v6 =	vld [tilespmem:$0x1FBA0];
	v44 =	vadd.f32 v47, v44;
	v32 =	vmul.f32 v32, v31;
	v35 =	vmul.f32 v35, v36  }
0x431: {  	v7 =	vld [tilespmem:$0x1FBB0];
	(xrf2) =	vadd.scan.msk.f32 $0xffff, v42;
	v46 =	vadd.f32 v46, v45;
	v10 =	vmul.f32 v39, v37;
	v27 =	vmul.f32 v28, v27  }
0x432: {  	v47 =	vld [tilespmem:s14+$0xFFFFFCB0];
	v15 =	vadd.f32 v16, v15;
	v52 =	vmul.f32 v40, v38;
	v53 =	vmul.f32 v43, v41  }
0x433: {  	v8 =	vld [tilespmem:$0x1FBC0];
	v33 =	vmul.f32 v34, v33;
	v32 =	vadd.f32 v32, v44;
	v28 =	vadd.f32 v10, v35  }
0x434: {  	v16 =	vld [tilespmem:s13+$0x130];
	v29 =	vmul.f32 v30, v29;
	v23 =	vmul.f32 v24, v50;
	v31, _, _ =	vpop (xrf2);
	(xrf2) =	vadd.scan.msk.f32 $0xffff, v46;
	v55 =	vadd.f32 v53, v52  }
0x435: {  	v30 =	vld [tilespmem:s14+$0xFFFFFE30];
	v56 =	vmul.f32 v11, v48;
	v27 =	vadd.f32 v27, v32;
	v28 =	vadd.f32 v33, v28  }
0x436: {  	v24 =	vmul.f32 v26, v25;
	v25 =	vld [tilespmem:s13+$0xFFFFFFA0];
	v20 =	vmul.f32 v54, v19  }
0x437: {  	v34 =	vld [tilespmem:$0x1FB50];
	v38, _, _ =	vpop (xrf2);
	(xrf2) =	vadd.scan.msk.f32 $0xffff, v27;
	v27 =	vadd.f32 v29, v28;
	v28 =	vadd.f32 v56, v55;
	v29 =	vmul.f32 v51, v47  }
0x438: {  	v11 =	vmul.f32 v61, v60;
	v23 =	vadd.f32 v24, v23;
	v24 =	vld [tilespmem:s13+$0xFFFFFFB0];
	v10 =	vmul.f32 v1, v59  }
0x439: {  	v37 =	vld [tilespmem:$0x1FB60];
	v9 =	vmul.f32 v17, v62;
	v26, _, _ =	vpop (xrf2);
	(xrf2) =	vadd.scan.msk.f32 $0xffff, v27;
	v27 =	vadd.f32 v29, v28  }
0x43a: {  	v39 =	vld [tilespmem:$0x1FB70];
	v20 =	vadd.f32 v20, v23;
	v10 =	vadd.f32 v11, v10;
	v23 =	vmul.f32 v57, v30  }
0x43b: {  	v14 =	vmul.f32 v25, v0;
	v18, _, _ =	vpop (xrf2);
	v28 =	vld [tilespmem:s14+$0x130];
	(xrf2) =	vadd.scan.msk.f32 $0xffff, v27  }
0x43c: {  	v9 =	vadd.f32 v9, v10;
	v10 =	vld [tilespmem:$0x1FB80];
	v20 =	vadd.f32 v23, v20  }
0x43d: {  	v33 =	vld [tilespmem:$0x1FB40];
	v14 =	vadd.f32 v14, v15;
	v15 =	vmul.f32 v24, v58  }
0x43e: {  	v23 =	vld [tilespmem:s14+$0x2B0];
	v13, _, _ =	vpop (xrf2);
	(xrf2) =	vadd.scan.msk.f32 $0xffff, v20  }
0x43f: {  	v5 =	vmul.f32 v6, v5;
	v6 =	vmul.f32 v8, v7;
	v7 =	vld [tilespmem:s14+$0x3A0];
	v14 =	vadd.f32 v15, v14  }
0x440: {  	v15 =	vld [tilespmem:s13+$0x3A0];
	v16 =	vmul.f32 v16, v28  }
0x441: {  	v3 =	vld [tilespmem:s13+$0x3B0];
	v5 =	vadd.f32 v6, v5;
	v4 =	vmul.f32 v12, v10;
	v8, _, _ =	vpop (xrf2);
	(xrf2) =	vadd.scan.msk.f32 $0xffff, v14  }
0x442: {  	v32 =	vld [tilespmem:s14+$0x3B0];
	v0 =	vmul.f32 v39, v37;
	v9 =	vadd.f32 v16, v9  }
0x443: {  	v2 =	vmul.f32 v34, v33;
	v36 =	vmul.f32 v63, v23;
	v12 =	vadd.f32 v4, v5  }
0x444: {  	v35, _, _ =	vpop (xrf2);
	(xrf2) =	vadd.scan.msk.f32 $0xffff, v9  }
0x445: {  	v0 =	vadd.f32 v0, v2;
	v41 =	vmul.f32 v15, v7;
	v40 =	vadd.f32 v36, v12;
	v42, _, _ =	vpop (xrf2)  }
0x446: {  	v43 =	vbroadcast v35, $0xF;
	v44 =	vbroadcast v42, $0xF  }
0x447: {  	v46 =	vmul.f32 v3, v32;
	v0 =	vadd.f32 v41, v0;
	v45 =	vbroadcast v8, $0xF;
	(xrf2) =	vadd.scan.msk.f32 $0xffff, v40  }
0x448: {  	v48 =	vbroadcast v13, $0xF;
	v50, _, _ =	vpop (xrf2);
	v47 =	vsel vm0, v43, v44  }
0x449: {  	v0 =	vadd.f32 v46, v0;
	v51 =	vbroadcast v50, $0xF;
	v1 =	vsel vm1, v47, v45  }
0x44a: {  	v52 =	vbroadcast v18, $0xF;
	v1 =	vsel vm2, v1, v48  }
0x44b: {  	v53 =	vbroadcast v26, $0xF;
	v1 =	vsel vm3, v1, v51;
	v54, _, _ =	vpop (xrf2);
	(xrf2) =	vadd.scan.msk.f32 $0xffff, v0  }
0x44c: {  	v55 =	vsel vm4, v1, v52;
	v56 =	vbroadcast v54, $0xF  }
0x44d: {  	v57 =	vbroadcast v38, $0xF;
	v0 =	vsel vm5, v55, v53  }
0x44e: {  	v58 =	vbroadcast v31, $0xF;
	v59, _, _ =	vpop (xrf2);
	v0 =	vsel vm6, v0, v56  }
0x44f: {  	v60 =	vbroadcast v59, $0xF;
	v0 =	vsel vm7, v0, v57  }
0x450: {  	v61 =	vbroadcast v22, $0xF;
	v0 =	vsel vm8, v0, v58  }
0x451: {  	v62 =	vbroadcast v21, $0xF;
	v63, _, _ =	vpop (xrf2);
	v0 =	vsel vm9, v0, v60  }
0x452: {  	v3 =	vbroadcast v63, $0xF;
	v0 =	vsel vm10, v0, v61  }
0x453: {  	v4 =	vbroadcast v49, $0xF;
	v0 =	vsel vm11, v0, v62  }
0x454: {  	v0 =	vsel vm12, v0, v3  }
0x455: {  	v0 =	vsel vm13, v0, v4;
	v5, _, _ =	vpop (xrf2)  }
0x456: {  	v0 =	vsel vm14, v0, v5  }
0x457: {  	v0 =	vsub.f32 $0.0e+00, v0;
	_ =	sdelay $0x1  }
0x458: {  	v0 =	vmul.f32 $1.442695020e+00, v0;
	_ =	sdelay $0x1  }
0x459: {  	(erf) = vpow2.f32 v0;
	_ =	sdelay $0x8  }
0x45a: {  	v0 =	vpop (erf)  }
0x45b: {  	v0 =	vadd.f32 $1.000000000e+00, v0;
	_ =	sdelay $0x1  }
0x45c: {  	(erf) = vrcp.f32 v0;
	_ =	sdelay $0x8  }
0x45d: {  	s0 =	sand.u32 $0xF0, s15;
	v0 =	vpop (erf)  }
0x45e: {  	s14 =	sadd.s32 $0x800, s14;
	[tilespmem:s0+$0x10500] =	vst v0  }
0x45f: {  	s13 =	sadd.s32 $0x800, s13;
	v0 =	vld [tilespmem:s14+$0x330]  }
0x460: {  	v21 =	vld [tilespmem:s13+$0x330]  }
0x461: {  	v6 =	vld [tilespmem:s14+$0x380]  }
0x462: {  	v7 =	vld [tilespmem:s13+$0x380]  }
0x463: {  	v8 =	vld [tilespmem:s14+$0x390]  }
0x464: {  	v9 =	vld [tilespmem:s13+$0x390]  }
0x465: {  	v26 =	vld [tilespmem:s14+$0x320]  }
0x466: {  	v29 =	vld [tilespmem:s13+$0x320]  }
0x467: {  	v33 =	vld [tilespmem:s14+$0x230]  }
0x468: {  	v35 =	vld [tilespmem:s13+$0x230]  }
0x469: {  	v10 =	vld [tilespmem:s14+$0x2A0]  }
0x46a: {  	v24 =	vld [tilespmem:s14+$0x300]  }
0x46b: {  	v25 =	vld [tilespmem:s13+$0x300]  }
0x46c: {  	v30 =	vld [tilespmem:s14+$0x310]  }
0x46d: {  	v47 =	vld [tilespmem:s13+$0x310]  }
0x46e: {  	v22 =	vld [tilespmem:s14+$0x1B0]  }
0x46f: {  	v34 =	vld [tilespmem:s13+$0x1B0]  }
0x470: {  	v31 =	vld [tilespmem:s14+$0x220]  }
0x471: {  	v32 =	vld [tilespmem:s13+$0x220]  }
0x472: {  	v11 =	vld [tilespmem:s14+$0x280]  }
0x473: {  	v36 =	vld [tilespmem:s13+$0x280]  }
0x474: {  	v37 =	vld [tilespmem:s14+$0x290]  }
0x475: {  	v38 =	vld [tilespmem:s13+$0x290]  }
0x476: {  	v41 =	vld [tilespmem:s14+$0x1A0]  }
0x477: {  	v44 =	vld [tilespmem:s13+$0x1A0]  }
0x478: {  	v53 =	vld [tilespmem:s14+$0x200]  }
0x479: {  	v54 =	vld [tilespmem:s13+$0x200]  }
0x47a: {  	v55 =	vld [tilespmem:s14+$0x210]  }
0x47b: {  	v56 =	vld [tilespmem:s13+$0x210]  }
0x47c: {  	v39 =	vld [tilespmem:s14+$0xB0]  }
0x47d: {  	v40 =	vld [tilespmem:s14+$0x120]  }
0x47e: {  	v57 =	vld [tilespmem:s14+$0x180]  }
0x47f: {  	v58 =	vld [tilespmem:s13+$0x180]  }
0x480: {  	v59 =	vld [tilespmem:s14+$0x190]  }
0x481: {  	v60 =	vld [tilespmem:s13+$0x190]  }
0x482: {  	v42 =	vld [tilespmem:s14+$0x30]  }
0x483: {  	v51 =	vld [tilespmem:s14+$0xA0]  }
0x484: {  	v52 =	vld [tilespmem:s13+$0xA0]  }
0x485: {  	v43 =	vld [tilespmem:s14+$0x100]  }
0x486: {  	v45 =	vld [tilespmem:s13+$0x100]  }
0x487: {  	v46 =	vld [tilespmem:s14+$0x110]  }
0x488: {  	v48 =	vld [tilespmem:s13+$0x110]  }
0x489: {  	v61 =	vld [tilespmem:s14+$0x80]  }
0x48a: {  	v62 =	vld [tilespmem:s13+$0x80]  }
0x48b: {  	v63 =	vld [tilespmem:s14+$0x90]  }
0x48c: {  	v49 =	vld [tilespmem:s14+$0xFFFFFFA0]  }
0x48d: {  	v1 =	vld [tilespmem:s14+$0x0]  }
0x48e: {  	v2 =	vld [tilespmem:s13+$0x0]  }
0x48f: {  	v3 =	vld [tilespmem:s14+$0x10]  }
0x490: {  	v4 =	vld [tilespmem:s13+$0x10]  }
0x491: {  	v50 =	vld [tilespmem:s14+$0xFFFFFEB0]  }
0x492: {  	v5 =	vld [tilespmem:s14+$0xFFFFFF20]  }
0x493: {  	v23 =	vld [tilespmem:s13+$0xFFFFFF80]  }
0x494: {  	v12 =	vld [tilespmem:s13+$0xFFFFFF10]  }
0x495: {  	v13 =	vld [tilespmem:s14+$0xFFFFFDB0]  }
0x496: {  	v19 =	vld [tilespmem:s14+$0xFFFFFE20]  }
0x497: {  	v14 =	vld [tilespmem:s13+$0xFFFFFE80]  }
0x498: {  	v15 =	vld [tilespmem:s14+$0xFFFFFE90]  }
0x499: {  	v16 =	vld [tilespmem:s13+$0xFFFFFE90]  }
0x49a: {  	v27 =	vld [tilespmem:s14+$0xFFFFFD30]  }
0x49b: {  	v28 =	vld [tilespmem:s13+$0xFFFFFD30]  }
0x49c: {  	v17 =	vld [tilespmem:s14+$0xFFFFFDA0]  }
0x49d: {  	v18 =	vld [tilespmem:s13+$0xFFFFFDA0]  }
0x49e: {  	[tilespmem:$0x1FB00] =	vst v39;
	v39 =	vld [tilespmem:s13+$0xB0]  }
0x49f: {  	[tilespmem:$0x1FBC0] =	vst v38;
	v38 =	vld [tilespmem:s13+$0x30]  }
0x4a0: {  	[tilespmem:$0x1FC10] =	vst v48;
	v48 =	vld [tilespmem:s14+$0x20]  }
0x4a1: {  	[tilespmem:$0x1FBA0] =	vst v36;
	v36 =	vld [tilespmem:s13+$0x20]  }
0x4a2: {  	[tilespmem:$0x1FAF0] =	vst v0;
	v0 =	vld [tilespmem:s13+$0x90]  }
0x4a3: {  	[tilespmem:$0x1FBB0] =	vst v37;
	v37 =	vld [tilespmem:s14+$0xFFFFFF30]  }
0x4a4: {  	[tilespmem:$0x1FBF0] =	vst v45;
	v45 =	vld [tilespmem:s13+$0xFFFFFF30]  }
0x4a5: {  	[tilespmem:$0x1FBD0] =	vst v40;
	v40 =	vld [tilespmem:s13+$0xFFFFFEB0]  }
0x4a6: {  	[tilespmem:$0x1FB40] =	vst v6;
	v6 =	vld [tilespmem:s13+$0xFFFFFF20]  }
0x4a7: {  	[tilespmem:$0x1FC20] =	vst v49;
	v49 =	vld [tilespmem:s14+$0xFFFFFF80]  }
0x4a8: {  	[tilespmem:$0x1FBE0] =	vst v43;
	v43 =	vld [tilespmem:s14+$0xFFFFFF90]  }
0x4a9: {  	[tilespmem:$0x1FB10] =	vst v42;
	v42 =	vld [tilespmem:s13+$0xFFFFFF90]  }
0x4aa: {  	[tilespmem:$0x1FB50] =	vst v7;
	v7 =	vld [tilespmem:s14+$0xFFFFFEA0]  }
0x4ab: {  	[tilespmem:$0x1FB60] =	vst v8;
	v8 =	vld [tilespmem:s13+$0xFFFFFEA0]  }
0x4ac: {  	[tilespmem:$0x1FB70] =	vst v9;
	v9 =	vld [tilespmem:s14+$0xFFFFFF00]  }
0x4ad: {  	[tilespmem:$0x1FB80] =	vst v10;
	v10 =	vld [tilespmem:s13+$0xFFFFFF00]  }
0x4ae: {  	[tilespmem:$0x1FB90] =	vst v11;
	v11 =	vld [tilespmem:s14+$0xFFFFFF10]  }
0x4af: {  	[tilespmem:$0x1FC00] =	vst v46;
	v46 =	vld [tilespmem:s13+$0xFFFFFDB0]  }
0x4b0: {  	[tilespmem:$0x1FB30] =	vst v13;
	v13 =	vld [tilespmem:s14+$0xFFFFFE80]  }
0x4b1: {  	[tilespmem:$0x1FB20] =	vst v50;
	v50 =	vld [tilespmem:s14+$0xFFFFFE00]  }
0x4b2: {  	v20 =	vmul.f32 v25, v24;
	v24 =	vld [tilespmem:s13+$0xFFFFFE00]  }
0x4b3: {  	v30 =	vmul.f32 v47, v30;
	v25 =	vld [tilespmem:s14+$0xFFFFFE10]  }
0x4b4: {  	v47 =	vmul.f32 v54, v53;
	v53 =	vmul.f32 v32, v31;
	v31 =	vld [tilespmem:s14+$0xFFFFFD20]  }
0x4b5: {  	v32 =	vld [tilespmem:s13+$0xFFFFFD20]  }
0x4b6: {  	v58 =	vmul.f32 v58, v57;
	v57 =	vmul.f32 v60, v59;
	v60 =	vld [tilespmem:s13+$0xFFFFFD90]  }
0x4b7: {  	v22 =	vmul.f32 v34, v22;
	v34 =	vld [tilespmem:s13+$0xFFFFFC20];
	v20 =	vadd.f32 v30, v20;
	v30 =	vmul.f32 v29, v26  }
0x4b8: {  	v41 =	vmul.f32 v44, v41;
	v44 =	vld [tilespmem:s13+$0xFFFFFD00]  }
0x4b9: {  	v20 =	vadd.f32 v30, v20;
	v30 =	vld [tilespmem:$0x1FAF0]  }
0x4ba: {  	v59 =	vmul.f32 v62, v61;
	v61 =	vmul.f32 v52, v51;
	v52 =	vld [tilespmem:s13+$0xFFFFFD10]  }
0x4bb: {  	v51 =	vld [tilespmem:$0x1FB10];
	v58 =	vadd.f32 v57, v58  }
0x4bc: {  	v56 =	vmul.f32 v56, v55;
	v26 =	vld [tilespmem:s13+$0xFFFFFE10]  }
0x4bd: {  	v33 =	vmul.f32 v35, v33;
	v29 =	vld [tilespmem:s14+$0xFFFFFC30];
	v35 =	vadd.f32 v41, v58  }
0x4be: {  	v47 =	vadd.f32 v56, v47;
	v41 =	vld [tilespmem:s14+$0xFFFFFC90];
	v21 =	vmul.f32 v21, v30  }
0x4bf: {  	v0 =	vmul.f32 v0, v63;
	v57 =	vmul.f32 v45, v37;
	v37 =	vld [tilespmem:s14+$0xFFFFFC10];
	v63 =	vadd.f32 v22, v35  }
0x4c0: {  	v35 =	vld [tilespmem:$0x1FB00];
	v20 =	vadd.f32 v21, v20;
	v21 =	vadd.f32 v53, v47  }
0x4c1: {  	v1 =	vmul.f32 v2, v1;
	v22 =	vld [tilespmem:s14+$0xFFFFFD00]  }
0x4c2: {  	v62 =	vmul.f32 v4, v3;
	v2 =	vmul.f32 v38, v51;
	v38 =	vld [tilespmem:s14+$0xFFFFFC80];
	v21 =	vadd.f32 v33, v21  }
0x4c3: {  	v47 =	vld [tilespmem:s14+$0xFFFFFD80];
	(xrf2) =	vadd.scan.msk.f32 $0xffff, v20  }
0x4c4: {  	v1 =	vadd.f32 v62, v1;
	v9 =	vmul.f32 v10, v9;
	v62 =	vmul.f32 v12, v11;
	v20 =	vld [tilespmem:s13+$0xFFFFFD80];
	(xrf2) =	vadd.scan.msk.f32 $0xffff, v21  }
0x4c5: {  	v0 =	vadd.f32 v0, v59;
	(xrf2) =	vadd.scan.msk.f32 $0xffff, v63;
	v63 =	vld [tilespmem:s14+$0xFFFFFD10]  }
0x4c6: {  	v55 =	vmul.f32 v16, v15;
	v9 =	vadd.f32 v62, v9;
	v62 =	vmul.f32 v18, v17;
	v53 =	vld [tilespmem:s14+$0xFFFFFD90]  }
0x4c7: {  	v17 =	vmovc v43;
	v43 =	vld [tilespmem:s13+$0xFFFFFC90];
	v0 =	vadd.f32 v61, v0;
	v4 =	vmul.f32 v39, v35;
	v39 =	vmul.f32 v36, v48  }
0x4c8: {  	v5 =	vmul.f32 v6, v5;
	v54 =	vmul.f32 v14, v13;
	v61 =	vld [tilespmem:$0x1FB20]  }
0x4c9: {  	v58 =	vmul.f32 v8, v7;
	v30 =	vld [tilespmem:s13+$0xFFFFFC30];
	v0 =	vadd.f32 v4, v0;
	v1 =	vadd.f32 v39, v1  }
0x4ca: {  	p0 =	sne.s32 s16, $0xF0;
	v56 =	vadd.f32 v5, v9;
	v59 =	vmul.f32 v20, v47;
	v47 =	vmul.f32 v52, v63;
	v63 =	vld [tilespmem:$0x1FB30]  }
.Ltmp3:
0x4cb: {  	v35 =	vld [tilespmem:s13+$0xFFFFFC00];
	v1 =	vadd.f32 v2, v1;
	v60 =	vmul.f32 v60, v53;
	(xrf2) =	vadd.scan.msk.f32 $0xffff, v0;
	v0 =	vadd.f32 v55, v54;
	(pc) =	sbr.rel @p0 .LBB2_8-.Ltmp3, $4  }
0x4cc: {  	v15 =	vmov v49;
	v36 =	vld [tilespmem:s14+$0xFFFFFC00];
	v2 =	vadd.f32 v57, v56  }
0x4cd: {  	v33 =	vld [tilespmem:s14+$0xFFFFFC20];
	v5 =	vmul.f32 v40, v61;
	v0 =	vadd.f32 v58, v0;
	v49, _, _ =	vpop (xrf2);
	(xrf2) =	vadd.scan.msk.f32 $0xffff, v1;
	v1 =	vadd.f32 v60, v59  }
0x4ce: {  	v16 =	vmov v23;
	v18 =	vmov v42;
	v44 =	vmul.f32 v44, v22;
	v39 =	vld [tilespmem:s13+$0xFFFFFC10];
	v21, _, _ =	vpop (xrf2)  }
0x4cf: {  	s15 =	smov.u32 s16;
	s16 =	sadd.s32 $0x10, s16;
	v40 =	vld [tilespmem:s13+$0xFFFFFC80];
	v42 =	vadd.f32 v5, v0;
	(xrf2) =	vadd.scan.msk.f32 $0xffff, v2;
	v45 =	vadd.f32 v62, v1;
	v22, _, _ =	vpop (xrf2);
	v46 =	vmul.f32 v46, v63  }
0x4d0: {  	v0 =	vld [tilespmem:s14+$0xFFFFFCA0]  }
0x4d1: {  	v1 =	vld [tilespmem:s13+$0xFFFFFCA0]  }
0x4d2: {  	v4 =	vld [tilespmem:s14+$0xFFFFFCB0]  }
0x4d3: {  	v8 =	vld [tilespmem:s13+$0xFFFFFCB0]  }
0x4d4: {  	v10 =	vld [tilespmem:s13+$0xFFFFFE20]  }
0x4d5: {  	v12 =	vld [tilespmem:s14+$0xFFFFFE30]  }
0x4d6: {  	v14 =	vld [tilespmem:s13+$0xFFFFFFA0]  }
0x4d7: {  	v2 =	vadd.f32 v47, v44;
	v44 =	vld [tilespmem:s14+$0xFFFFFFB0]  }
0x4d8: {  	v52 =	vld [tilespmem:s14+$0x130]  }
0x4d9: {  	v53 =	vld [tilespmem:$0x1FC20]  }
0x4da: {  	v54 =	vld [tilespmem:s13+$0x130]  }
0x4db: {  	v56 =	vld [tilespmem:$0x1FBE0]  }
0x4dc: {  	v57 =	vld [tilespmem:$0x1FBF0]  }
0x4dd: {  	v58 =	vld [tilespmem:$0x1FC00]  }
0x4de: {  	v59 =	vld [tilespmem:$0x1FC10]  }
0x4df: {  	v60 =	vld [tilespmem:s13+$0x2A0]  }
0x4e0: {  	v3 =	vmul.f32 v32, v31;
	v9 =	vmul.f32 v43, v41;
	v62 =	vld [tilespmem:s14+$0x2B0]  }
0x4e1: {  	v11 =	vmul.f32 v28, v27;
	v48 =	vmul.f32 v18, v17;
	v17 =	vld [tilespmem:$0x1FBD0]  }
0x4e2: {  	v18 =	vld [tilespmem:s13+$0x2B0];
	v5 =	vmul.f32 v35, v36;
	v6 =	vmul.f32 v39, v37  }
0x4e3: {  	v13 =	vmul.f32 v30, v29;
	v20 =	vld [tilespmem:$0x1FB90];
	v37 =	vmul.f32 v40, v38  }
0x4e4: {  	v41 =	vmul.f32 v26, v25;
	v23 =	vld [tilespmem:$0x1FBA0];
	v38 =	vmul.f32 v34, v33;
	v5 =	vadd.f32 v6, v5  }
0x4e5: {  	v2 =	vadd.f32 v3, v2;
	v39 =	vld [tilespmem:s13+$0xFFFFFE30];
	v0 =	vmul.f32 v1, v0;
	v3 =	vadd.f32 v9, v37  }
0x4e6: {  	v25 =	vld [tilespmem:$0x1FBC0];
	v7 =	vadd.f32 v46, v45;
	v40 =	vmul.f32 v24, v50;
	v5 =	vadd.f32 v38, v5  }
0x4e7: {  	v31 =	vld [tilespmem:$0x1FB80];
	(xrf2) =	vadd.scan.msk.f32 $0xffff, v42;
	v2 =	vadd.f32 v11, v2;
	v43 =	vmul.f32 v8, v4;
	v0 =	vadd.f32 v0, v3  }
0x4e8: {  	v46 =	vld [tilespmem:s13+$0xFFFFFFB0];
	(xrf2) =	vadd.scan.msk.f32 $0xffff, v7;
	v45 =	vmul.f32 v10, v19;
	v6 =	vadd.f32 v41, v40;
	v5 =	vadd.f32 v13, v5  }
0x4e9: {  	v47 =	vmul.f32 v16, v15;
	v50 =	vld [tilespmem:s13+$0x120];
	(xrf2) =	vadd.scan.msk.f32 $0xffff, v2;
	v0 =	vadd.f32 v43, v0  }
0x4ea: {  	v24 =	vld [tilespmem:$0x1FBB0];
	v51 =	vadd.f32 v45, v6;
	v1 =	vmul.f32 v39, v12;
	(xrf2) =	vadd.scan.msk.f32 $0xffff, v5  }
0x4eb: {  	v35 =	vld [tilespmem:$0x1FB50];
	v2 =	vadd.f32 v48, v47;
	v3 =	vmul.f32 v14, v53;
	(xrf2) =	vadd.scan.msk.f32 $0xffff, v0  }
0x4ec: {  	v34 =	vld [tilespmem:$0x1FB40];
	v55 =	vadd.f32 v1, v51;
	v1 =	vmul.f32 v57, v56;
	v5 =	vmul.f32 v59, v58  }
0x4ed: {  	v61 =	vmul.f32 v46, v44;
	v38 =	vld [tilespmem:$0x1FB60];
	v2 =	vadd.f32 v3, v2  }
0x4ee: {  	v63, _, _ =	vpop (xrf2);
	v39 =	vld [tilespmem:$0x1FB70];
	v1 =	vadd.f32 v5, v1;
	v5 =	vmul.f32 v50, v17;
	(xrf2) =	vadd.scan.msk.f32 $0xffff, v55  }
0x4ef: {  	v26 =	vld [tilespmem:s14+$0x3A0];
	v19, _, _ =	vpop (xrf2);
	v11 =	vmul.f32 v25, v24;
	v3 =	vmul.f32 v23, v20;
	v2 =	vadd.f32 v61, v2  }
0x4f0: {  	v29 =	vld [tilespmem:s13+$0x3A0];
	v28 =	vmul.f32 v54, v52;
	v27, _, _ =	vpop (xrf2);
	v1 =	vadd.f32 v5, v1  }
0x4f1: {  	v32 =	vld [tilespmem:s14+$0x3B0];
	v10 =	vmul.f32 v60, v31;
	v30, _, _ =	vpop (xrf2);
	v3 =	vadd.f32 v11, v3;
	(xrf2) =	vadd.scan.msk.f32 $0xffff, v2  }
0x4f2: {  	v36 =	vld [tilespmem:s13+$0x3B0];
	v4 =	vmul.f32 v18, v62;
	v33, _, _ =	vpop (xrf2);
	v1 =	vadd.f32 v28, v1  }
0x4f3: {  	v9 =	vmul.f32 v39, v38;
	v3 =	vadd.f32 v10, v3;
	v5 =	vmul.f32 v35, v34;
	v37, _, _ =	vpop (xrf2)  }
0x4f4: {  	(xrf2) =	vadd.scan.msk.f32 $0xffff, v1;
	v40, _, _ =	vpop (xrf2)  }
0x4f5: {  	v43 =	vmul.f32 v29, v26;
	v41 =	vadd.f32 v4, v3;
	v42 =	vadd.f32 v9, v5;
	v44, _, _ =	vpop (xrf2)  }
0x4f6: {  	v45 =	vbroadcast v40, $0xF;
	v5 =	vbroadcast v44, $0xF  }
0x4f7: {  	v47 =	vmul.f32 v36, v32;
	v46 =	vbroadcast v37, $0xF;
	v3 =	vadd.f32 v43, v42;
	(xrf2) =	vadd.scan.msk.f32 $0xffff, v41  }
0x4f8: {  	v2 =	vbroadcast v33, $0xF;
	v50, _, _ =	vpop (xrf2);
	v48 =	vsel vm0, v45, v5  }
0x4f9: {  	v3 =	vadd.f32 v47, v3;
	v5 =	vbroadcast v50, $0xF;
	v1 =	vsel vm1, v48, v46  }
0x4fa: {  	v51 =	vbroadcast v30, $0xF;
	v1 =	vsel vm2, v1, v2  }
0x4fb: {  	v52 =	vbroadcast v27, $0xF;
	(xrf2) =	vadd.scan.msk.f32 $0xffff, v3;
	v53, _, _ =	vpop (xrf2);
	v1 =	vsel vm3, v1, v5  }
0x4fc: {  	v54 =	vbroadcast v53, $0xF;
	v1 =	vsel vm4, v1, v51  }
0x4fd: {  	v0 =	vbroadcast v19, $0xF;
	v1 =	vsel vm5, v1, v52  }
0x4fe: {  	v55 =	vbroadcast v63, $0xF;
	v56, _, _ =	vpop (xrf2);
	v1 =	vsel vm6, v1, v54  }
0x4ff: {  	v57 =	vbroadcast v56, $0xF;
	v0 =	vsel vm7, v1, v0  }
0x500: {  	v58 =	vbroadcast v22, $0xF;
	v0 =	vsel vm8, v0, v55  }
0x501: {  	v59 =	vbroadcast v21, $0xF;
	v60, _, _ =	vpop (xrf2);
	v0 =	vsel vm9, v0, v57  }
0x502: {  	v61 =	vbroadcast v60, $0xF;
	v0 =	vsel vm10, v0, v58  }
0x503: {  	v62 =	vbroadcast v49, $0xF;
	v0 =	vsel vm11, v0, v59  }
0x504: {  	v0 =	vsel vm12, v0, v61  }
0x505: {  	v63, _, _ =	vpop (xrf2);
	v0 =	vsel vm13, v0, v62  }
0x506: {  	v0 =	vsel vm14, v0, v63  }
0x507: {  	v0 =	vsub.f32 $0.0e+00, v0;
	_ =	sdelay $0x1  }
0x508: {  	v0 =	vmul.f32 $1.442695020e+00, v0;
	_ =	sdelay $0x1  }
0x509: {  	(erf) = vpow2.f32 v0;
	_ =	sdelay $0x8  }
0x50a: {  	v0 =	vpop (erf)  }
0x50b: {  	v0 =	vadd.f32 $1.000000000e+00, v0;
	_ =	sdelay $0x1  }
0x50c: {  	(erf) = vrcp.f32 v0;
	_ =	sdelay $0x8  }
0x50d: {  	s0 =	sand.u32 $0xF0, s15;
	v0 =	vpop (erf)  }
0x50e: {  	s29 =	rddreg [dreg:$0x17];
	s1 =	simm.s32 $0x10400;
	s2 =	simm.s32 $0x2;
	[tilespmem:s0+$0x10500] =	vst v0  }
0x50f: {  	[hbm4b:s29+s12] =	stream.linear.scatter [tilespmem:s1], [sflag:$0x2], $0x200, $0x38;
	[tilespmem:$0x10600] =	vst v63  }
0x510: {  	_ =	swait.ge [sflag:s2], $0x200  }
0x511: {  	s30 =	rddreg [dreg:$0x19]  }
0x512: {  	s31 =	rddreg [dreg:$0x18];
	s1 =	sadd.s32 $0x1, s30  }
0x513: {  	p0 =	sne.s32 s1, s31  }
.Ltmp4:
0x514: {  	_ = 	snop;
	(pc) =	sbr.rel @p0 .LBB2_1-.Ltmp4, $3  }
0x515: {  	_ =	sdelay $0x1  }
0x516: {  	[sflag:s2] =	ssyncset.done $0x0  }
0x517: {  	[sflag:s2] =	ssyncadd.s32 $0xFFFFFE00  }
0x518: {  	_ =	sfence.sel $0x180000  }
0x519: {  	[bflag:$0x0] =	sbarrier.arrive $0xFFFF  }
0x51a: {  	_ =	strace $0x90000047  }
0x51b: {  	s0 =	stileid.u32;
	[bflag:$0x2] =	sbarrier.arrive $0xFFFF  }
0x51c: {  	p0 =	sne.s32 s0, $0x0;
	s0 =	rddreg [dreg:$0x4]  }
0x51d: {  	s0 =	sadd.s32 @!p0 $0x100000, s0  }
0x51e: {  	[sflag:s0] =	ssyncadd.tile.s32 @!p0 $0x1;
	_ =	shalt  }
.Lfunc_end2:
_tile_overlayer_lowered:
.L_overlay_start_2:
0x51f: {  	(tag) =	ssettag $0x2  }
0x520: {  	s0 =	rddreg [dreg:$0x0];
	s2 =	stileid.u32  }
0x521: {  	s1 =	rddreg [dreg:$0x1];
	p0 =	sne.s32 s2, $0x0  }
0x522: {  	s3 =	rddreg [dreg:$0x2];
	[bflag:$0x3] =	sbarrier.arrive $0xFFFF;
	s2 =	simm.s32 @!p0 $0x1C02  }
0x523: {  	[timem:s3], [sflag:s2] =	dma.local @!p0 [hbm:s0], s1  }
0x524: {  	s0 =	simm.s32 @!p0 $0x2  }
0x525: {  	_ =	swait.ge @!p0 [sflag:s0], s1  }
0x526: {  	s1 =	ssub.s32 @!p0 $0x0, s1;
	[sflag:s0] =	ssyncset.done @!p0 $0x0  }
0x527: {  	[sflag:s0] =	ssyncadd.s32 @!p0 s1  }
0x528: {  	[bflag:$0x3] =	sbarrier.arrive $0xFFFF  }
0x529: {  	_ =	shalt  }

</sc_bundles>
